<compile_context>
chip_gen: v7x
topology: tpu7x:2x2x1
jax: 0.10.2.dev20260603
libtpu: 0.0.44.dev20260713+nightly
codegen_flags: <defaults>
</compile_context>

<pallas_src>
import functools

import jax
import jax.numpy as jnp
from jax import lax
from jax.experimental import pallas as pl
from jax.experimental.pallas import tpu as pltpu
from jax.experimental.pallas import tpu_sc as plsc

N = 10000
E = 160000
D = 256

NC = 2
NS = 16
NW = NC * NS


_BN = 2000
_BE = 2000


def _full(shape):
    return pl.BlockSpec(shape, lambda i: (0,) * len(shape))


def _rows(shape):
    return pl.BlockSpec(shape, lambda i: (i,) + (0,) * (len(shape) - 1))


def _proj_body(x_ref, w_ref, out_ref):
    d = jnp.dot(x_ref[...], w_ref[...], preferred_element_type=jnp.float32)
    out_ref[0] = d[:, :D]
    out_ref[1] = d[:, D:2 * D]
    out_ref[2] = d[:, 2 * D:]


def _proj(x, w):
    return pl.pallas_call(
        _proj_body,
        grid=(N // _BN,),
        in_specs=[_rows((_BN, D)), _full((D, 3 * D))],
        out_specs=pl.BlockSpec((3, _BN, D), lambda i: (0, i, 0)),
        out_shape=jax.ShapeDtypeStruct((3, N, D), jnp.float32),
    )(x, w)


def _edge2_body(gs_ref, gd_ref, e_ref, w1e_ref, b1_ref, w2_ref, b2_ref,
                out_ref):
    h = jnp.maximum((gs_ref[...] + gd_ref[...]
                     + jnp.dot(e_ref[...], w1e_ref[...],
                               preferred_element_type=jnp.float32))
                    + b1_ref[...],
                    0.0)
    out_ref[...] = (jnp.dot(h, w2_ref[...],
                            preferred_element_type=jnp.float32)
                    + b2_ref[...] + e_ref[...])


def _edge2(g_all, e, w1e, b1, w2, b2):
    nblk = E // _BE
    return pl.pallas_call(
        _edge2_body,
        grid=(nblk,),
        in_specs=[pl.BlockSpec((_BE, D), lambda i: (i, 0)),
                  pl.BlockSpec((_BE, D), lambda i: (i + nblk, 0)),
                  _rows((_BE, D)),
                  _full((D, D)), _full((1, D)), _full((D, D)),
                  _full((1, D))],
        out_specs=_rows((_BE, D)),
        out_shape=jax.ShapeDtypeStruct((E, D), jnp.float32),
    )(g_all, g_all, e, w1e, b1, w2, b2)


def _node2_body(p_ref, agg_ref, x_ref, w1a_ref, b1_ref, w2_ref, b2_ref,
                out_ref):
    t = (p_ref[0]
         + jnp.dot(agg_ref[...], w1a_ref[...],
                   preferred_element_type=jnp.float32)) + b1_ref[...]
    h = jnp.maximum(t, 0.0)
    out_ref[...] = (jnp.dot(h, w2_ref[...],
                            preferred_element_type=jnp.float32)
                    + b2_ref[...] + x_ref[...])


def _node2(p, agg, x, w1a, b1, w2, b2):
    return pl.pallas_call(
        _node2_body,
        grid=(N // _BN,),
        in_specs=[pl.BlockSpec((1, _BN, D), lambda i: (2, i, 0)),
                  _rows((_BN, D)), _rows((_BN, D)),
                  _full((D, D)), _full((1, D)), _full((D, D)), _full((1, D))],
        out_specs=_rows((_BN, D)),
        out_shape=jax.ShapeDtypeStruct((N, D), jnp.float32),
    )(p, agg, x, w1a, b1, w2, b2)


def _out_mlp_body(x_ref, w1_ref, b1_ref, w2_ref, b2_ref, w3_ref, b3_ref,
                  out_ref):
    h = jnp.maximum(jnp.dot(x_ref[...], w1_ref[...],
                            preferred_element_type=jnp.float32) + b1_ref[...],
                    0.0)
    h = jnp.maximum(jnp.dot(h, w2_ref[...],
                            preferred_element_type=jnp.float32) + b2_ref[...],
                    0.0)
    out_ref[...] = jnp.dot(h, w3_ref[...],
                           preferred_element_type=jnp.float32) + b3_ref[...]


def _out_mlp(x, w1, b1, w2, b2, w3p, b3p):
    return pl.pallas_call(
        _out_mlp_body,
        grid=(N // _BN,),
        in_specs=[_rows((_BN, D)),
                  _full((D, D)), _full((1, D)),
                  _full((D, D)), _full((1, D)),
                  _full((D, 128)), _full((1, 128))],
        out_specs=_rows((_BN, 128)),
        out_shape=jax.ShapeDtypeStruct((N, 128), jnp.float32),
    )(x, w1, b1, w2, b2, w3p, b3p)



_GC = 200
_GPW = 2 * E // NW
_NCK = _GPW // _GC


@functools.lru_cache(maxsize=None)
def _make_sc_gather():
    mesh = plsc.VectorSubcoreMesh(core_axis_name="c", subcore_axis_name="s")

    @functools.partial(
        pl.kernel,
        out_type=jax.ShapeDtypeStruct((2 * E, D), jnp.float32),
        mesh=mesh,
        scratch_types=[
            pltpu.VMEM((_GC,), jnp.int32),
            pltpu.VMEM((_GC,), jnp.int32),
            pltpu.VMEM((_GC, D), jnp.float32),
            pltpu.VMEM((_GC, D), jnp.float32),
            pltpu.SemaphoreType.DMA,
            pltpu.SemaphoreType.DMA,
            pltpu.SemaphoreType.DMA,
            pltpu.SemaphoreType.DMA,
        ],
    )
    def sc_gather(p_hbm, idx_hbm, g_hbm,
                  i0, i1, r0, r1, sg0, sg1, so0, so1):
        wid = lax.axis_index("s") * NC + lax.axis_index("c")
        base = wid * _GPW

        b0 = (i0, r0, sg0, so0)
        b1 = (i1, r1, sg1, so1)

        def idx_load(c, buf):
            pltpu.sync_copy(idx_hbm.at[pl.ds(base + c * _GC, _GC)], buf[0])

        def gather(buf):
            pltpu.async_copy(p_hbm.at[buf[0]], buf[1], buf[2])

        def step(c, bP, bQ, wait_out_q):
            idx_load(c + 1, bQ)
            if wait_out_q:
                pltpu.make_async_copy(bQ[1], g_hbm.at[pl.ds(0, _GC)],
                                      bQ[3]).wait()
            gather(bQ)
            pltpu.make_async_copy(p_hbm.at[bP[0]], bP[1], bP[2]).wait()
            pltpu.async_copy(bP[1], g_hbm.at[pl.ds(base + c * _GC, _GC)],
                             bP[3])

        idx_load(0, b0)
        gather(b0)
        step(0, b0, b1, wait_out_q=False)

        def pair(i, carry):
            c = 1 + 2 * i
            step(c, b1, b0, wait_out_q=True)
            step(c + 1, b0, b1, wait_out_q=True)
            return carry

        lax.fori_loop(0, (_NCK - 2) // 2, pair, 0)

        c_last = _NCK - 1
        pltpu.make_async_copy(p_hbm.at[i1], r1, sg1).wait()
        pltpu.async_copy(r1, g_hbm.at[pl.ds(base + c_last * _GC, _GC)], so1)
        pltpu.make_async_copy(r0, g_hbm.at[pl.ds(0, _GC)], so0).wait()
        pltpu.make_async_copy(r1, g_hbm.at[pl.ds(0, _GC)], so1).wait()

    return sc_gather


def _sc_gather(p, idx_all):
    return _make_sc_gather()(p, idx_all)



_NP = 10240
_SC_NPC = _NP // NS
_SCC = 80
_EPS = E // NS
_SNCK = _EPS // _SCC
_HD = D // NC


@functools.lru_cache(maxsize=None)
def _make_sc_scatter_add():
    mesh = plsc.VectorSubcoreMesh(core_axis_name="c", subcore_axis_name="s")

    @functools.partial(
        pl.kernel,
        out_type=jax.ShapeDtypeStruct((_NP, D), jnp.float32),
        mesh=mesh,
        scratch_types=[
            pltpu.VMEM((_SCC,), jnp.int32),
            pltpu.VMEM((_SCC,), jnp.int32),
            pltpu.VMEM((_SCC, _HD), jnp.float32),
            pltpu.VMEM((_SCC, _HD), jnp.float32),
            pltpu.VMEM_SHARED((_NP, _HD), jnp.float32),
            pltpu.SemaphoreType.DMA,
            pltpu.SemaphoreType.DMA,
            pltpu.SemaphoreType.DMA,
            pltpu.SemaphoreType.DMA,
        ],
    )
    def sc_scatter_add(enew_hbm, dst_hbm, zero_hbm, agg_hbm,
                       di0, di1, rw0, rw1, acc_sh, sr0, sr1, sa0, sa1):
        c = lax.axis_index("c")
        s = lax.axis_index("s")
        pltpu.sync_copy(zero_hbm, acc_sh.at[pl.ds(s * _SC_NPC, _SC_NPC)])
        plsc.subcore_barrier()

        col = c * _HD
        base = s * _EPS
        b0 = (di0, rw0, sr0, sa0)
        b1 = (di1, rw1, sr1, sa1)

        def load(ck, buf):
            off = base + ck * _SCC
            pltpu.sync_copy(dst_hbm.at[pl.ds(off, _SCC)], buf[0])
            pltpu.async_copy(enew_hbm.at[pl.ds(off, _SCC), pl.ds(col, _HD)],
                             buf[1], buf[2])

        def add(buf):
            di, rw, sr, sa = buf
            pltpu.make_async_copy(
                enew_hbm.at[pl.ds(0, _SCC), pl.ds(col, _HD)], rw, sr).wait()
            pltpu.async_copy(rw, acc_sh.at[di], sa, add=True)

        def wait_add(buf):
            pltpu.make_async_copy(buf[1], acc_sh.at[buf[0]], buf[3]).wait()

        def step(ck, bP, bQ, wait_p):
            if wait_p:
                wait_add(bP)
            load(ck, bP)
            add(bQ)

        load(0, b0)
        step(1, b1, b0, wait_p=False)

        def pair(i, carry):
            ck = 2 + 2 * i
            step(ck, b0, b1, wait_p=True)
            step(ck + 1, b1, b0, wait_p=True)
            return carry

        lax.fori_loop(0, (_SNCK - 2) // 2, pair, 0)

        if _SNCK % 2 == 1:
            step(_SNCK - 1, b0, b1, wait_p=True)
            add(b0)
            wait_add(b1)
            wait_add(b0)
        else:
            add(b1)
            wait_add(b0)
            wait_add(b1)

        plsc.subcore_barrier()
        pltpu.sync_copy(
            acc_sh.at[pl.ds(s * _SC_NPC, _SC_NPC)],
            agg_hbm.at[pl.ds(s * _SC_NPC, _SC_NPC), pl.ds(col, _HD)])

    return sc_scatter_add


def _sc_scatter_add(e_new, dst, zero):
    return _make_sc_scatter_add()(e_new, dst, zero)[:N]



def kernel(x, edge_index, edge_attr, params):
    src = edge_index[0].astype(jnp.int32)
    dst = edge_index[1].astype(jnp.int32)
    idx_all = jnp.concatenate([src, dst + N])
    zero = jnp.zeros((_SC_NPC, _HD), jnp.float32)

    for c in range(len(params['convs'])):
        ep = params['convs'][c]['edge_mlp']
        npar = params['convs'][c]['node_mlp']
        (w1, b1), (w2, b2) = ep
        (wn1, bn1), (wn2, bn2) = npar
        w_all = jnp.concatenate([w1[:D], w1[D:2 * D], wn1[:D]], axis=1)
        p = _proj(x, w_all)
        g = _sc_gather(p.reshape(3 * N, D), idx_all)
        e_new = _edge2(g, edge_attr, w1[2 * D:], b1.reshape(1, D), w2,
                       b2.reshape(1, D))
        agg = _sc_scatter_add(e_new, dst, zero)
        x = _node2(p, agg, x, wn1[D:], bn1.reshape(1, D), wn2,
                   bn2.reshape(1, D))
        edge_attr = e_new

    (wo1, bo1), (wo2, bo2), (wo3, bo3) = params['out']
    out_dim = wo3.shape[1]
    w3p = jnp.pad(wo3, ((0, 0), (0, 128 - out_dim)))
    b3p = jnp.pad(bo3, ((0, 128 - out_dim),))
    o = _out_mlp(x, wo1, bo1.reshape(1, D), wo2, bo2.reshape(1, D),
                 w3p, b3p.reshape(1, 128))
    return o[:, :out_dim]

# --- scband reference (transcript-rebuilt; emitter-appended) ---
"""Pipeline reference for scband-mesh-graph-net-6133213298852 (READ-ONLY COPY).

The authoritative reference and input builder live on the scoring server;
editing this copy changes nothing except your own understanding.
"""

import jax, jax.numpy as jnp
import numpy as np

N = 10000
E = 160000
D = 256
OUT = 3
NUM_CONVS = 3


def _mlp_params(key, dims):
    ps = []
    for i in range(len(dims) - 1):
        key, k1 = jax.random.split(key)
        W = jax.random.normal(k1, (dims[i], dims[i + 1]), jnp.float32) * (1.0 / np.sqrt(dims[i]))
        b = jnp.zeros((dims[i + 1],), jnp.float32)
        ps.append((W, b))
    return ps


def _mlp(ps, h):
    for i, (W, b) in enumerate(ps):
        h = h @ W + b
        if i < len(ps) - 1:
            h = jax.nn.relu(h)
    return h


def setup_inputs(seed: int = 0) -> dict:
    key = jax.random.key(seed)
    kx, ke, kidx, kp = jax.random.split(key, 4)
    x = jax.random.normal(kx, (N, D), jnp.float32)
    edge_attr = jax.random.normal(ke, (E, D), jnp.float32)
    edge_index = jax.random.randint(kidx, (2, E), 0, N, jnp.int64)
    convs = []
    for c in range(NUM_CONVS):
        kc = jax.random.fold_in(kp, c)
        k1, k2 = jax.random.split(kc)
        convs.append({
            'edge_mlp': _mlp_params(k1, [2 * D + D, D, D]),
            'node_mlp': _mlp_params(k2, [D + D, D, D]),
        })
    out_mlp = _mlp_params(jax.random.fold_in(kp, 1000), [D, D, D, OUT])
    params = {'convs': convs, 'out': out_mlp}
    return {'x': x, 'edge_index': edge_index, 'edge_attr': edge_attr, 'params': params}


def reference(x, edge_index, edge_attr, params):
    src = edge_index[0]
    dst = edge_index[1]
    for c in range(NUM_CONVS):
        ep = params['convs'][c]['edge_mlp']
        npar = params['convs'][c]['node_mlp']
        # edge update: MLP(concat[x_src, x_dst, e]) + residual
        e_in = jnp.concatenate([x[src], x[dst], edge_attr], axis=-1)
        e_new = _mlp(ep, e_in) + edge_attr
        # aggregate messages to destination nodes (scatter-add)
        agg = jax.ops.segment_sum(e_new, dst, num_segments=N)
        # node update: MLP(concat[x, agg]) + residual
        n_in = jnp.concatenate([x, agg], axis=-1)
        x = _mlp(npar, n_in) + x
        edge_attr = e_new
    return _mlp(params['out'], x)

if __name__ == "__main__":
    import jax
    _d = setup_inputs()
    print(jax.jit(kernel)(*tuple(_d.values())))

</pallas_src>

<mosaic_0001>
#map = affine_map<(d0, d1) -> (0, 0)>
#map1 = affine_map<(d0, d1) -> (0)>
module attributes {stable_mosaic.version = 14 : i64} {
  func.func @sc_scatter_add(%arg0: i32, %arg1: i32, %arg2: memref<160000x256xf32, #tpu.memory_space<hbm>>, %arg3: memref<160000xi32, #tpu.memory_space<hbm>>, %arg4: memref<640x128xf32, #tpu.memory_space<hbm>>, %arg5: memref<10240x256xf32, #tpu.memory_space<hbm>>, %arg6: memref<80xi32, #tpu.memory_space<vmem>>, %arg7: memref<80xi32, #tpu.memory_space<vmem>>, %arg8: memref<80x128xf32, #tpu.memory_space<vmem>>, %arg9: memref<80x128xf32, #tpu.memory_space<vmem>>, %arg10: memref<10240x128xf32, #tpu.memory_space<vmem_shared>>, %arg11: memref<!tpu.dma_semaphore, #tpu.memory_space<semaphore_mem>>, %arg12: memref<!tpu.dma_semaphore, #tpu.memory_space<semaphore_mem>>, %arg13: memref<!tpu.dma_semaphore, #tpu.memory_space<semaphore_mem>>, %arg14: memref<!tpu.dma_semaphore, #tpu.memory_space<semaphore_mem>>) attributes {dimension_semantics = [#tpu.dimension_semantics<core_parallel>, #tpu.dimension_semantics<subcore_parallel>], iteration_bounds = array<i64: 2, 16>, scalar_prefetch = 0 : i64, scratch_operands = 9 : i64, tpu.core_type = #tpu.core_type<sc_vector_subcore>, window_params = [{transform_indices = #map}, {transform_indices = #map1}, {transform_indices = #map}, {transform_indices = #map}]} {
    %mul3A = arith.constant 640 : i32
    %mul3A_0 = arith.muli %arg1, %mul3A : i32
    "tpu.region"() ({
      %run_scoped3A = tpu.sem_alloc : memref<!tpu.dma_semaphore, #tpu.memory_space<semaphore_mem>>
      %dma_start3A_54 = arith.constant 0 : i32
      %dma_start3A_55 = tpu.memref_slice %arg10[%mul3A_0, %dma_start3A_54] : memref<10240x128xf32, #tpu.memory_space<vmem_shared>> -> memref<640x128xf32, #tpu.memory_space<vmem_shared>>
      tpu.enqueue_dma source(%arg4 : memref<640x128xf32, #tpu.memory_space<hbm>>) target(%dma_start3A_55 : memref<640x128xf32, #tpu.memory_space<vmem_shared>>) target_semaphore(%run_scoped3A : memref<!tpu.dma_semaphore, #tpu.memory_space<semaphore_mem>>)
      %dma_wait3A_56 = arith.constant 0 : i32
      %dma_wait3A_57 = tpu.memref_slice %arg10[%mul3A_0, %dma_wait3A_56] : memref<10240x128xf32, #tpu.memory_space<vmem_shared>> -> memref<640x128xf32, #tpu.memory_space<vmem_shared>>
      tpu.wait_dma2 semaphore(%run_scoped3A : memref<!tpu.dma_semaphore, #tpu.memory_space<semaphore_mem>>) src(%arg4 : memref<640x128xf32, #tpu.memory_space<hbm>>) dst(%dma_wait3A_57 : memref<640x128xf32, #tpu.memory_space<vmem_shared>>)
      tpu.yield
    }) : () -> ()
    %barrier3A = arith.constant 0 : index
    tpu.barrier barrier_id(%barrier3A)
    %mul3A_1 = arith.constant 128 : i32
    %mul3A_2 = arith.muli %arg0, %mul3A_1 : i32
    %mul3A_3 = arith.constant 10000 : i32
    %mul3A_4 = arith.muli %arg1, %mul3A_3 : i32
    %add3A = arith.constant 0 : i32
    %add3A_5 = arith.addi %mul3A_4, %add3A : i32
    "tpu.region"() ({
      %run_scoped3A = tpu.sem_alloc : memref<!tpu.dma_semaphore, #tpu.memory_space<semaphore_mem>>
      %dma_start3A_54 = tpu.memref_slice %arg3[%add3A_5] : memref<160000xi32, #tpu.memory_space<hbm>> -> memref<80xi32, #tpu.memory_space<hbm>>
      %dma_start3A_55 = tpu.memref_slice %arg3[%add3A_5] : memref<160000xi32, #tpu.memory_space<hbm>> -> memref<80xi32, #tpu.memory_space<hbm>>
      tpu.enqueue_dma source(%dma_start3A_55 : memref<80xi32, #tpu.memory_space<hbm>>) target(%arg6 : memref<80xi32, #tpu.memory_space<vmem>>) target_semaphore(%run_scoped3A : memref<!tpu.dma_semaphore, #tpu.memory_space<semaphore_mem>>)
      %dma_wait3A_56 = tpu.memref_slice %arg3[%add3A_5] : memref<160000xi32, #tpu.memory_space<hbm>> -> memref<80xi32, #tpu.memory_space<hbm>>
      %dma_wait3A_57 = tpu.memref_slice %arg3[%add3A_5] : memref<160000xi32, #tpu.memory_space<hbm>> -> memref<80xi32, #tpu.memory_space<hbm>>
      tpu.wait_dma2 semaphore(%run_scoped3A : memref<!tpu.dma_semaphore, #tpu.memory_space<semaphore_mem>>) src(%dma_wait3A_57 : memref<80xi32, #tpu.memory_space<hbm>>) dst(%arg6 : memref<80xi32, #tpu.memory_space<vmem>>)
      tpu.yield
    }) : () -> ()
    %dma_start3A = tpu.memref_slice %arg2[%add3A_5, %mul3A_2] : memref<160000x256xf32, #tpu.memory_space<hbm>> -> memref<80x128xf32, #tpu.memory_space<hbm>>
    %dma_start3A_6 = tpu.memref_slice %arg2[%add3A_5, %mul3A_2] : memref<160000x256xf32, #tpu.memory_space<hbm>> -> memref<80x128xf32, #tpu.memory_space<hbm>>
    tpu.enqueue_dma source(%dma_start3A_6 : memref<80x128xf32, #tpu.memory_space<hbm>>) target(%arg8 : memref<80x128xf32, #tpu.memory_space<vmem>>) target_semaphore(%arg11 : memref<!tpu.dma_semaphore, #tpu.memory_space<semaphore_mem>>)
    %add3A_7 = arith.constant 80 : i32
    %add3A_8 = arith.addi %mul3A_4, %add3A_7 : i32
    "tpu.region"() ({
      %run_scoped3A = tpu.sem_alloc : memref<!tpu.dma_semaphore, #tpu.memory_space<semaphore_mem>>
      %dma_start3A_54 = tpu.memref_slice %arg3[%add3A_8] : memref<160000xi32, #tpu.memory_space<hbm>> -> memref<80xi32, #tpu.memory_space<hbm>>
      %dma_start3A_55 = tpu.memref_slice %arg3[%add3A_8] : memref<160000xi32, #tpu.memory_space<hbm>> -> memref<80xi32, #tpu.memory_space<hbm>>
      tpu.enqueue_dma source(%dma_start3A_55 : memref<80xi32, #tpu.memory_space<hbm>>) target(%arg7 : memref<80xi32, #tpu.memory_space<vmem>>) target_semaphore(%run_scoped3A : memref<!tpu.dma_semaphore, #tpu.memory_space<semaphore_mem>>)
      %dma_wait3A_56 = tpu.memref_slice %arg3[%add3A_8] : memref<160000xi32, #tpu.memory_space<hbm>> -> memref<80xi32, #tpu.memory_space<hbm>>
      %dma_wait3A_57 = tpu.memref_slice %arg3[%add3A_8] : memref<160000xi32, #tpu.memory_space<hbm>> -> memref<80xi32, #tpu.memory_space<hbm>>
      tpu.wait_dma2 semaphore(%run_scoped3A : memref<!tpu.dma_semaphore, #tpu.memory_space<semaphore_mem>>) src(%dma_wait3A_57 : memref<80xi32, #tpu.memory_space<hbm>>) dst(%arg7 : memref<80xi32, #tpu.memory_space<vmem>>)
      tpu.yield
    }) : () -> ()
    %dma_start3A_9 = tpu.memref_slice %arg2[%add3A_8, %mul3A_2] : memref<160000x256xf32, #tpu.memory_space<hbm>> -> memref<80x128xf32, #tpu.memory_space<hbm>>
    %dma_start3A_10 = tpu.memref_slice %arg2[%add3A_8, %mul3A_2] : memref<160000x256xf32, #tpu.memory_space<hbm>> -> memref<80x128xf32, #tpu.memory_space<hbm>>
    tpu.enqueue_dma source(%dma_start3A_10 : memref<80x128xf32, #tpu.memory_space<hbm>>) target(%arg9 : memref<80x128xf32, #tpu.memory_space<vmem>>) target_semaphore(%arg12 : memref<!tpu.dma_semaphore, #tpu.memory_space<semaphore_mem>>)
    %dma_wait3A = arith.constant 0 : i32
    %dma_wait3A_11 = tpu.memref_slice %arg2[%dma_wait3A, %mul3A_2] : memref<160000x256xf32, #tpu.memory_space<hbm>> -> memref<80x128xf32, #tpu.memory_space<hbm>>
    %dma_wait3A_12 = arith.constant 0 : i32
    %dma_wait3A_13 = tpu.memref_slice %arg2[%dma_wait3A_12, %mul3A_2] : memref<160000x256xf32, #tpu.memory_space<hbm>> -> memref<80x128xf32, #tpu.memory_space<hbm>>
    tpu.wait_dma2 semaphore(%arg11 : memref<!tpu.dma_semaphore, #tpu.memory_space<semaphore_mem>>) src(%dma_wait3A_13 : memref<80x128xf32, #tpu.memory_space<hbm>>) dst(%arg8 : memref<80x128xf32, #tpu.memory_space<vmem>>)
    %dma_start3A_14 = arith.constant 0 : i32
    %dma_start3A_15 = arith.constant 0 : i32
    %dma_start3A_16 = tpu.memref_slice %arg10[%dma_start3A_14, %dma_start3A_15] : memref<10240x128xf32, #tpu.memory_space<vmem_shared>> -> memref<10240x128xf32, #tpu.memory_space<vmem_shared>>
    tpu.enqueue_indirect_dma source(%arg8 : memref<80x128xf32, #tpu.memory_space<vmem>>) target(%dma_start3A_16 : memref<10240x128xf32, #tpu.memory_space<vmem_shared>>) offsets(%arg6 : memref<80xi32, #tpu.memory_space<vmem>>) semaphore(%arg13 : memref<!tpu.dma_semaphore, #tpu.memory_space<semaphore_mem>>) {add = true}
    %scan3A = arith.constant 0 : i32
    %scan3A_17 = arith.constant 0 : i32
    %scan3A_18 = arith.constant 61 : i32
    %scan3A_19 = arith.addi %scan3A_17, %scan3A_18 : i32
    %scan3A_20 = arith.constant 1 : i32
    scf.for %scan3A_54 = %scan3A_17 to %scan3A_19 step %scan3A_20  : i32 {
      %mul3A_55 = arith.constant 2 : i32
      %mul3A_56 = arith.muli %mul3A_55, %scan3A_54 : i32
      %add3A_57 = arith.constant 2 : i32
      %add3A_58 = arith.addi %add3A_57, %mul3A_56 : i32
      %dma_wait3A_59 = arith.constant 0 : i32
      %dma_wait3A_60 = arith.constant 0 : i32
      %dma_wait3A_61 = tpu.memref_slice %arg10[%dma_wait3A_59, %dma_wait3A_60] : memref<10240x128xf32, #tpu.memory_space<vmem_shared>> -> memref<10240x128xf32, #tpu.memory_space<vmem_shared>>
      tpu.wait_indirect_dma semaphore(%arg13 : memref<!tpu.dma_semaphore, #tpu.memory_space<semaphore_mem>>) src(%arg8 : memref<80x128xf32, #tpu.memory_space<vmem>>) dst(%dma_wait3A_61 : memref<10240x128xf32, #tpu.memory_space<vmem_shared>>)
      %mul3A_62 = arith.constant 80 : i32
      %mul3A_63 = arith.muli %add3A_58, %mul3A_62 : i32
      %add3A_64 = arith.addi %mul3A_4, %mul3A_63 : i32
      "tpu.region"() ({
        %run_scoped3A = tpu.sem_alloc : memref<!tpu.dma_semaphore, #tpu.memory_space<semaphore_mem>>
        %dma_start3A_91 = tpu.memref_slice %arg3[%add3A_64] : memref<160000xi32, #tpu.memory_space<hbm>> -> memref<80xi32, #tpu.memory_space<hbm>>
        %dma_start3A_92 = tpu.memref_slice %arg3[%add3A_64] : memref<160000xi32, #tpu.memory_space<hbm>> -> memref<80xi32, #tpu.memory_space<hbm>>
        tpu.enqueue_dma source(%dma_start3A_92 : memref<80xi32, #tpu.memory_space<hbm>>) target(%arg6 : memref<80xi32, #tpu.memory_space<vmem>>) target_semaphore(%run_scoped3A : memref<!tpu.dma_semaphore, #tpu.memory_space<semaphore_mem>>)
        %dma_wait3A_93 = tpu.memref_slice %arg3[%add3A_64] : memref<160000xi32, #tpu.memory_space<hbm>> -> memref<80xi32, #tpu.memory_space<hbm>>
        %dma_wait3A_94 = tpu.memref_slice %arg3[%add3A_64] : memref<160000xi32, #tpu.memory_space<hbm>> -> memref<80xi32, #tpu.memory_space<hbm>>
        tpu.wait_dma2 semaphore(%run_scoped3A : memref<!tpu.dma_semaphore, #tpu.memory_space<semaphore_mem>>) src(%dma_wait3A_94 : memref<80xi32, #tpu.memory_space<hbm>>) dst(%arg6 : memref<80xi32, #tpu.memory_space<vmem>>)
        tpu.yield
      }) : () -> ()
      %dma_start3A_65 = tpu.memref_slice %arg2[%add3A_64, %mul3A_2] : memref<160000x256xf32, #tpu.memory_space<hbm>> -> memref<80x128xf32, #tpu.memory_space<hbm>>
      %dma_start3A_66 = tpu.memref_slice %arg2[%add3A_64, %mul3A_2] : memref<160000x256xf32, #tpu.memory_space<hbm>> -> memref<80x128xf32, #tpu.memory_space<hbm>>
      tpu.enqueue_dma source(%dma_start3A_66 : memref<80x128xf32, #tpu.memory_space<hbm>>) target(%arg8 : memref<80x128xf32, #tpu.memory_space<vmem>>) target_semaphore(%arg11 : memref<!tpu.dma_semaphore, #tpu.memory_space<semaphore_mem>>)
      %dma_wait3A_67 = arith.constant 0 : i32
      %dma_wait3A_68 = tpu.memref_slice %arg2[%dma_wait3A_67, %mul3A_2] : memref<160000x256xf32, #tpu.memory_space<hbm>> -> memref<80x128xf32, #tpu.memory_space<hbm>>
      %dma_wait3A_69 = arith.constant 0 : i32
      %dma_wait3A_70 = tpu.memref_slice %arg2[%dma_wait3A_69, %mul3A_2] : memref<160000x256xf32, #tpu.memory_space<hbm>> -> memref<80x128xf32, #tpu.memory_space<hbm>>
      tpu.wait_dma2 semaphore(%arg12 : memref<!tpu.dma_semaphore, #tpu.memory_space<semaphore_mem>>) src(%dma_wait3A_70 : memref<80x128xf32, #tpu.memory_space<hbm>>) dst(%arg9 : memref<80x128xf32, #tpu.memory_space<vmem>>)
      %dma_start3A_71 = arith.constant 0 : i32
      %dma_start3A_72 = arith.constant 0 : i32
      %dma_start3A_73 = tpu.memref_slice %arg10[%dma_start3A_71, %dma_start3A_72] : memref<10240x128xf32, #tpu.memory_space<vmem_shared>> -> memref<10240x128xf32, #tpu.memory_space<vmem_shared>>
      tpu.enqueue_indirect_dma source(%arg9 : memref<80x128xf32, #tpu.memory_space<vmem>>) target(%dma_start3A_73 : memref<10240x128xf32, #tpu.memory_space<vmem_shared>>) offsets(%arg7 : memref<80xi32, #tpu.memory_space<vmem>>) semaphore(%arg14 : memref<!tpu.dma_semaphore, #tpu.memory_space<semaphore_mem>>) {add = true}
      %add3A_74 = arith.constant 1 : i32
      %add3A_75 = arith.addi %add3A_58, %add3A_74 : i32
      %dma_wait3A_76 = arith.constant 0 : i32
      %dma_wait3A_77 = arith.constant 0 : i32
      %dma_wait3A_78 = tpu.memref_slice %arg10[%dma_wait3A_76, %dma_wait3A_77] : memref<10240x128xf32, #tpu.memory_space<vmem_shared>> -> memref<10240x128xf32, #tpu.memory_space<vmem_shared>>
      tpu.wait_indirect_dma semaphore(%arg14 : memref<!tpu.dma_semaphore, #tpu.memory_space<semaphore_mem>>) src(%arg9 : memref<80x128xf32, #tpu.memory_space<vmem>>) dst(%dma_wait3A_78 : memref<10240x128xf32, #tpu.memory_space<vmem_shared>>)
      %mul3A_79 = arith.constant 80 : i32
      %mul3A_80 = arith.muli %add3A_75, %mul3A_79 : i32
      %add3A_81 = arith.addi %mul3A_4, %mul3A_80 : i32
      "tpu.region"() ({
        %run_scoped3A = tpu.sem_alloc : memref<!tpu.dma_semaphore, #tpu.memory_space<semaphore_mem>>
        %dma_start3A_91 = tpu.memref_slice %arg3[%add3A_81] : memref<160000xi32, #tpu.memory_space<hbm>> -> memref<80xi32, #tpu.memory_space<hbm>>
        %dma_start3A_92 = tpu.memref_slice %arg3[%add3A_81] : memref<160000xi32, #tpu.memory_space<hbm>> -> memref<80xi32, #tpu.memory_space<hbm>>
        tpu.enqueue_dma source(%dma_start3A_92 : memref<80xi32, #tpu.memory_space<hbm>>) target(%arg7 : memref<80xi32, #tpu.memory_space<vmem>>) target_semaphore(%run_scoped3A : memref<!tpu.dma_semaphore, #tpu.memory_space<semaphore_mem>>)
        %dma_wait3A_93 = tpu.memref_slice %arg3[%add3A_81] : memref<160000xi32, #tpu.memory_space<hbm>> -> memref<80xi32, #tpu.memory_space<hbm>>
        %dma_wait3A_94 = tpu.memref_slice %arg3[%add3A_81] : memref<160000xi32, #tpu.memory_space<hbm>> -> memref<80xi32, #tpu.memory_space<hbm>>
        tpu.wait_dma2 semaphore(%run_scoped3A : memref<!tpu.dma_semaphore, #tpu.memory_space<semaphore_mem>>) src(%dma_wait3A_94 : memref<80xi32, #tpu.memory_space<hbm>>) dst(%arg7 : memref<80xi32, #tpu.memory_space<vmem>>)
        tpu.yield
      }) : () -> ()
      %dma_start3A_82 = tpu.memref_slice %arg2[%add3A_81, %mul3A_2] : memref<160000x256xf32, #tpu.memory_space<hbm>> -> memref<80x128xf32, #tpu.memory_space<hbm>>
      %dma_start3A_83 = tpu.memref_slice %arg2[%add3A_81, %mul3A_2] : memref<160000x256xf32, #tpu.memory_space<hbm>> -> memref<80x128xf32, #tpu.memory_space<hbm>>
      tpu.enqueue_dma source(%dma_start3A_83 : memref<80x128xf32, #tpu.memory_space<hbm>>) target(%arg9 : memref<80x128xf32, #tpu.memory_space<vmem>>) target_semaphore(%arg12 : memref<!tpu.dma_semaphore, #tpu.memory_space<semaphore_mem>>)
      %dma_wait3A_84 = arith.constant 0 : i32
      %dma_wait3A_85 = tpu.memref_slice %arg2[%dma_wait3A_84, %mul3A_2] : memref<160000x256xf32, #tpu.memory_space<hbm>> -> memref<80x128xf32, #tpu.memory_space<hbm>>
      %dma_wait3A_86 = arith.constant 0 : i32
      %dma_wait3A_87 = tpu.memref_slice %arg2[%dma_wait3A_86, %mul3A_2] : memref<160000x256xf32, #tpu.memory_space<hbm>> -> memref<80x128xf32, #tpu.memory_space<hbm>>
      tpu.wait_dma2 semaphore(%arg11 : memref<!tpu.dma_semaphore, #tpu.memory_space<semaphore_mem>>) src(%dma_wait3A_87 : memref<80x128xf32, #tpu.memory_space<hbm>>) dst(%arg8 : memref<80x128xf32, #tpu.memory_space<vmem>>)
      %dma_start3A_88 = arith.constant 0 : i32
      %dma_start3A_89 = arith.constant 0 : i32
      %dma_start3A_90 = tpu.memref_slice %arg10[%dma_start3A_88, %dma_start3A_89] : memref<10240x128xf32, #tpu.memory_space<vmem_shared>> -> memref<10240x128xf32, #tpu.memory_space<vmem_shared>>
      tpu.enqueue_indirect_dma source(%arg8 : memref<80x128xf32, #tpu.memory_space<vmem>>) target(%dma_start3A_90 : memref<10240x128xf32, #tpu.memory_space<vmem_shared>>) offsets(%arg6 : memref<80xi32, #tpu.memory_space<vmem>>) semaphore(%arg13 : memref<!tpu.dma_semaphore, #tpu.memory_space<semaphore_mem>>) {add = true}
    }
    %scan3A_21 = arith.constant 61 : i32
    %dma_wait3A_22 = arith.constant 0 : i32
    %dma_wait3A_23 = arith.constant 0 : i32
    %dma_wait3A_24 = tpu.memref_slice %arg10[%dma_wait3A_22, %dma_wait3A_23] : memref<10240x128xf32, #tpu.memory_space<vmem_shared>> -> memref<10240x128xf32, #tpu.memory_space<vmem_shared>>
    tpu.wait_indirect_dma semaphore(%arg13 : memref<!tpu.dma_semaphore, #tpu.memory_space<semaphore_mem>>) src(%arg8 : memref<80x128xf32, #tpu.memory_space<vmem>>) dst(%dma_wait3A_24 : memref<10240x128xf32, #tpu.memory_space<vmem_shared>>)
    %add3A_25 = arith.constant 9920 : i32
    %add3A_26 = arith.addi %mul3A_4, %add3A_25 : i32
    "tpu.region"() ({
      %run_scoped3A = tpu.sem_alloc : memref<!tpu.dma_semaphore, #tpu.memory_space<semaphore_mem>>
      %dma_start3A_54 = tpu.memref_slice %arg3[%add3A_26] : memref<160000xi32, #tpu.memory_space<hbm>> -> memref<80xi32, #tpu.memory_space<hbm>>
      %dma_start3A_55 = tpu.memref_slice %arg3[%add3A_26] : memref<160000xi32, #tpu.memory_space<hbm>> -> memref<80xi32, #tpu.memory_space<hbm>>
      tpu.enqueue_dma source(%dma_start3A_55 : memref<80xi32, #tpu.memory_space<hbm>>) target(%arg6 : memref<80xi32, #tpu.memory_space<vmem>>) target_semaphore(%run_scoped3A : memref<!tpu.dma_semaphore, #tpu.memory_space<semaphore_mem>>)
      %dma_wait3A_56 = tpu.memref_slice %arg3[%add3A_26] : memref<160000xi32, #tpu.memory_space<hbm>> -> memref<80xi32, #tpu.memory_space<hbm>>
      %dma_wait3A_57 = tpu.memref_slice %arg3[%add3A_26] : memref<160000xi32, #tpu.memory_space<hbm>> -> memref<80xi32, #tpu.memory_space<hbm>>
      tpu.wait_dma2 semaphore(%run_scoped3A : memref<!tpu.dma_semaphore, #tpu.memory_space<semaphore_mem>>) src(%dma_wait3A_57 : memref<80xi32, #tpu.memory_space<hbm>>) dst(%arg6 : memref<80xi32, #tpu.memory_space<vmem>>)
      tpu.yield
    }) : () -> ()
    %dma_start3A_27 = tpu.memref_slice %arg2[%add3A_26, %mul3A_2] : memref<160000x256xf32, #tpu.memory_space<hbm>> -> memref<80x128xf32, #tpu.memory_space<hbm>>
    %dma_start3A_28 = tpu.memref_slice %arg2[%add3A_26, %mul3A_2] : memref<160000x256xf32, #tpu.memory_space<hbm>> -> memref<80x128xf32, #tpu.memory_space<hbm>>
    tpu.enqueue_dma source(%dma_start3A_28 : memref<80x128xf32, #tpu.memory_space<hbm>>) target(%arg8 : memref<80x128xf32, #tpu.memory_space<vmem>>) target_semaphore(%arg11 : memref<!tpu.dma_semaphore, #tpu.memory_space<semaphore_mem>>)
    %dma_wait3A_29 = arith.constant 0 : i32
    %dma_wait3A_30 = tpu.memref_slice %arg2[%dma_wait3A_29, %mul3A_2] : memref<160000x256xf32, #tpu.memory_space<hbm>> -> memref<80x128xf32, #tpu.memory_space<hbm>>
    %dma_wait3A_31 = arith.constant 0 : i32
    %dma_wait3A_32 = tpu.memref_slice %arg2[%dma_wait3A_31, %mul3A_2] : memref<160000x256xf32, #tpu.memory_space<hbm>> -> memref<80x128xf32, #tpu.memory_space<hbm>>
    tpu.wait_dma2 semaphore(%arg12 : memref<!tpu.dma_semaphore, #tpu.memory_space<semaphore_mem>>) src(%dma_wait3A_32 : memref<80x128xf32, #tpu.memory_space<hbm>>) dst(%arg9 : memref<80x128xf32, #tpu.memory_space<vmem>>)
    %dma_start3A_33 = arith.constant 0 : i32
    %dma_start3A_34 = arith.constant 0 : i32
    %dma_start3A_35 = tpu.memref_slice %arg10[%dma_start3A_33, %dma_start3A_34] : memref<10240x128xf32, #tpu.memory_space<vmem_shared>> -> memref<10240x128xf32, #tpu.memory_space<vmem_shared>>
    tpu.enqueue_indirect_dma source(%arg9 : memref<80x128xf32, #tpu.memory_space<vmem>>) target(%dma_start3A_35 : memref<10240x128xf32, #tpu.memory_space<vmem_shared>>) offsets(%arg7 : memref<80xi32, #tpu.memory_space<vmem>>) semaphore(%arg14 : memref<!tpu.dma_semaphore, #tpu.memory_space<semaphore_mem>>) {add = true}
    %dma_wait3A_36 = arith.constant 0 : i32
    %dma_wait3A_37 = tpu.memref_slice %arg2[%dma_wait3A_36, %mul3A_2] : memref<160000x256xf32, #tpu.memory_space<hbm>> -> memref<80x128xf32, #tpu.memory_space<hbm>>
    %dma_wait3A_38 = arith.constant 0 : i32
    %dma_wait3A_39 = tpu.memref_slice %arg2[%dma_wait3A_38, %mul3A_2] : memref<160000x256xf32, #tpu.memory_space<hbm>> -> memref<80x128xf32, #tpu.memory_space<hbm>>
    tpu.wait_dma2 semaphore(%arg11 : memref<!tpu.dma_semaphore, #tpu.memory_space<semaphore_mem>>) src(%dma_wait3A_39 : memref<80x128xf32, #tpu.memory_space<hbm>>) dst(%arg8 : memref<80x128xf32, #tpu.memory_space<vmem>>)
    %dma_start3A_40 = arith.constant 0 : i32
    %dma_start3A_41 = arith.constant 0 : i32
    %dma_start3A_42 = tpu.memref_slice %arg10[%dma_start3A_40, %dma_start3A_41] : memref<10240x128xf32, #tpu.memory_space<vmem_shared>> -> memref<10240x128xf32, #tpu.memory_space<vmem_shared>>
    tpu.enqueue_indirect_dma source(%arg8 : memref<80x128xf32, #tpu.memory_space<vmem>>) target(%dma_start3A_42 : memref<10240x128xf32, #tpu.memory_space<vmem_shared>>) offsets(%arg6 : memref<80xi32, #tpu.memory_space<vmem>>) semaphore(%arg13 : memref<!tpu.dma_semaphore, #tpu.memory_space<semaphore_mem>>) {add = true}
    %dma_wait3A_43 = arith.constant 0 : i32
    %dma_wait3A_44 = arith.constant 0 : i32
    %dma_wait3A_45 = tpu.memref_slice %arg10[%dma_wait3A_43, %dma_wait3A_44] : memref<10240x128xf32, #tpu.memory_space<vmem_shared>> -> memref<10240x128xf32, #tpu.memory_space<vmem_shared>>
    tpu.wait_indirect_dma semaphore(%arg14 : memref<!tpu.dma_semaphore, #tpu.memory_space<semaphore_mem>>) src(%arg9 : memref<80x128xf32, #tpu.memory_space<vmem>>) dst(%dma_wait3A_45 : memref<10240x128xf32, #tpu.memory_space<vmem_shared>>)
    %dma_wait3A_46 = arith.constant 0 : i32
    %dma_wait3A_47 = arith.constant 0 : i32
    %dma_wait3A_48 = tpu.memref_slice %arg10[%dma_wait3A_46, %dma_wait3A_47] : memref<10240x128xf32, #tpu.memory_space<vmem_shared>> -> memref<10240x128xf32, #tpu.memory_space<vmem_shared>>
    tpu.wait_indirect_dma semaphore(%arg13 : memref<!tpu.dma_semaphore, #tpu.memory_space<semaphore_mem>>) src(%arg8 : memref<80x128xf32, #tpu.memory_space<vmem>>) dst(%dma_wait3A_48 : memref<10240x128xf32, #tpu.memory_space<vmem_shared>>)
    %barrier3A_49 = arith.constant 0 : index
    tpu.barrier barrier_id(%barrier3A_49)
    %mul3A_50 = arith.constant 640 : i32
    %mul3A_51 = arith.muli %arg1, %mul3A_50 : i32
    %mul3A_52 = arith.constant 640 : i32
    %mul3A_53 = arith.muli %arg1, %mul3A_52 : i32
    "tpu.region"() ({
      %run_scoped3A = tpu.sem_alloc : memref<!tpu.dma_semaphore, #tpu.memory_space<semaphore_mem>>
      %dma_start3A_54 = tpu.memref_slice %arg5[%mul3A_53, %mul3A_2] : memref<10240x256xf32, #tpu.memory_space<hbm>> -> memref<640x128xf32, #tpu.memory_space<hbm>>
      %dma_start3A_55 = arith.constant 0 : i32
      %dma_start3A_56 = tpu.memref_slice %arg10[%mul3A_51, %dma_start3A_55] : memref<10240x128xf32, #tpu.memory_space<vmem_shared>> -> memref<640x128xf32, #tpu.memory_space<vmem_shared>>
      tpu.enqueue_dma source(%dma_start3A_56 : memref<640x128xf32, #tpu.memory_space<vmem_shared>>) target(%dma_start3A_54 : memref<640x128xf32, #tpu.memory_space<hbm>>) target_semaphore(%run_scoped3A : memref<!tpu.dma_semaphore, #tpu.memory_space<semaphore_mem>>)
      %dma_wait3A_57 = tpu.memref_slice %arg5[%mul3A_53, %mul3A_2] : memref<10240x256xf32, #tpu.memory_space<hbm>> -> memref<640x128xf32, #tpu.memory_space<hbm>>
      %dma_wait3A_58 = arith.constant 0 : i32
      %dma_wait3A_59 = tpu.memref_slice %arg10[%mul3A_51, %dma_wait3A_58] : memref<10240x128xf32, #tpu.memory_space<vmem_shared>> -> memref<640x128xf32, #tpu.memory_space<vmem_shared>>
      tpu.wait_dma2 semaphore(%run_scoped3A : memref<!tpu.dma_semaphore, #tpu.memory_space<semaphore_mem>>) src(%dma_wait3A_59 : memref<640x128xf32, #tpu.memory_space<vmem_shared>>) dst(%dma_wait3A_57 : memref<640x128xf32, #tpu.memory_space<hbm>>)
      tpu.yield
    }) : () -> ()
    return
  }
}

#map = affine_map<(d0, d1) -> (0, 0)>
#map1 = affine_map<(d0, d1) -> (0)>
module attributes {stable_mosaic.version = 14 : i64} {
  func.func @sc_gather(%arg0: i32, %arg1: i32, %arg2: memref<30000x256xf32, #tpu.memory_space<hbm>>, %arg3: memref<320000xi32, #tpu.memory_space<hbm>>, %arg4: memref<320000x256xf32, #tpu.memory_space<hbm>>, %arg5: memref<200xi32, #tpu.memory_space<vmem>>, %arg6: memref<200xi32, #tpu.memory_space<vmem>>, %arg7: memref<200x256xf32, #tpu.memory_space<vmem>>, %arg8: memref<200x256xf32, #tpu.memory_space<vmem>>, %arg9: memref<!tpu.dma_semaphore, #tpu.memory_space<semaphore_mem>>, %arg10: memref<!tpu.dma_semaphore, #tpu.memory_space<semaphore_mem>>, %arg11: memref<!tpu.dma_semaphore, #tpu.memory_space<semaphore_mem>>, %arg12: memref<!tpu.dma_semaphore, #tpu.memory_space<semaphore_mem>>) attributes {dimension_semantics = [#tpu.dimension_semantics<core_parallel>, #tpu.dimension_semantics<subcore_parallel>], iteration_bounds = array<i64: 2, 16>, scalar_prefetch = 0 : i64, scratch_operands = 8 : i64, tpu.core_type = #tpu.core_type<sc_vector_subcore>, window_params = [{transform_indices = #map}, {transform_indices = #map1}, {transform_indices = #map}]} {
    %mul3A = arith.constant 2 : i32
    %mul3A_0 = arith.muli %arg1, %mul3A : i32
    %add3A = arith.addi %mul3A_0, %arg0 : i32
    %mul3A_1 = arith.constant 10000 : i32
    %mul3A_2 = arith.muli %add3A, %mul3A_1 : i32
    %add3A_3 = arith.constant 0 : i32
    %add3A_4 = arith.addi %mul3A_2, %add3A_3 : i32
    "tpu.region"() ({
      %run_scoped3A = tpu.sem_alloc : memref<!tpu.dma_semaphore, #tpu.memory_space<semaphore_mem>>
      %dma_start3A_46 = tpu.memref_slice %arg3[%add3A_4] : memref<320000xi32, #tpu.memory_space<hbm>> -> memref<200xi32, #tpu.memory_space<hbm>>
      %dma_start3A_47 = tpu.memref_slice %arg3[%add3A_4] : memref<320000xi32, #tpu.memory_space<hbm>> -> memref<200xi32, #tpu.memory_space<hbm>>
      tpu.enqueue_dma source(%dma_start3A_47 : memref<200xi32, #tpu.memory_space<hbm>>) target(%arg5 : memref<200xi32, #tpu.memory_space<vmem>>) target_semaphore(%run_scoped3A : memref<!tpu.dma_semaphore, #tpu.memory_space<semaphore_mem>>)
      %dma_wait3A_48 = tpu.memref_slice %arg3[%add3A_4] : memref<320000xi32, #tpu.memory_space<hbm>> -> memref<200xi32, #tpu.memory_space<hbm>>
      %dma_wait3A_49 = tpu.memref_slice %arg3[%add3A_4] : memref<320000xi32, #tpu.memory_space<hbm>> -> memref<200xi32, #tpu.memory_space<hbm>>
      tpu.wait_dma2 semaphore(%run_scoped3A : memref<!tpu.dma_semaphore, #tpu.memory_space<semaphore_mem>>) src(%dma_wait3A_49 : memref<200xi32, #tpu.memory_space<hbm>>) dst(%arg5 : memref<200xi32, #tpu.memory_space<vmem>>)
      tpu.yield
    }) : () -> ()
    %dma_start3A = arith.constant 0 : i32
    %dma_start3A_5 = arith.constant 0 : i32
    %dma_start3A_6 = tpu.memref_slice %arg2[%dma_start3A, %dma_start3A_5] : memref<30000x256xf32, #tpu.memory_space<hbm>> -> memref<30000x256xf32, #tpu.memory_space<hbm>>
    tpu.enqueue_indirect_dma source(%dma_start3A_6 : memref<30000x256xf32, #tpu.memory_space<hbm>>) target(%arg7 : memref<200x256xf32, #tpu.memory_space<vmem>>) offsets(%arg5 : memref<200xi32, #tpu.memory_space<vmem>>) semaphore(%arg9 : memref<!tpu.dma_semaphore, #tpu.memory_space<semaphore_mem>>)
    %add3A_7 = arith.constant 200 : i32
    %add3A_8 = arith.addi %mul3A_2, %add3A_7 : i32
    "tpu.region"() ({
      %run_scoped3A = tpu.sem_alloc : memref<!tpu.dma_semaphore, #tpu.memory_space<semaphore_mem>>
      %dma_start3A_46 = tpu.memref_slice %arg3[%add3A_8] : memref<320000xi32, #tpu.memory_space<hbm>> -> memref<200xi32, #tpu.memory_space<hbm>>
      %dma_start3A_47 = tpu.memref_slice %arg3[%add3A_8] : memref<320000xi32, #tpu.memory_space<hbm>> -> memref<200xi32, #tpu.memory_space<hbm>>
      tpu.enqueue_dma source(%dma_start3A_47 : memref<200xi32, #tpu.memory_space<hbm>>) target(%arg6 : memref<200xi32, #tpu.memory_space<vmem>>) target_semaphore(%run_scoped3A : memref<!tpu.dma_semaphore, #tpu.memory_space<semaphore_mem>>)
      %dma_wait3A_48 = tpu.memref_slice %arg3[%add3A_8] : memref<320000xi32, #tpu.memory_space<hbm>> -> memref<200xi32, #tpu.memory_space<hbm>>
      %dma_wait3A_49 = tpu.memref_slice %arg3[%add3A_8] : memref<320000xi32, #tpu.memory_space<hbm>> -> memref<200xi32, #tpu.memory_space<hbm>>
      tpu.wait_dma2 semaphore(%run_scoped3A : memref<!tpu.dma_semaphore, #tpu.memory_space<semaphore_mem>>) src(%dma_wait3A_49 : memref<200xi32, #tpu.memory_space<hbm>>) dst(%arg6 : memref<200xi32, #tpu.memory_space<vmem>>)
      tpu.yield
    }) : () -> ()
    %dma_start3A_9 = arith.constant 0 : i32
    %dma_start3A_10 = arith.constant 0 : i32
    %dma_start3A_11 = tpu.memref_slice %arg2[%dma_start3A_9, %dma_start3A_10] : memref<30000x256xf32, #tpu.memory_space<hbm>> -> memref<30000x256xf32, #tpu.memory_space<hbm>>
    tpu.enqueue_indirect_dma source(%dma_start3A_11 : memref<30000x256xf32, #tpu.memory_space<hbm>>) target(%arg8 : memref<200x256xf32, #tpu.memory_space<vmem>>) offsets(%arg6 : memref<200xi32, #tpu.memory_space<vmem>>) semaphore(%arg10 : memref<!tpu.dma_semaphore, #tpu.memory_space<semaphore_mem>>)
    %dma_wait3A = arith.constant 0 : i32
    %dma_wait3A_12 = arith.constant 0 : i32
    %dma_wait3A_13 = tpu.memref_slice %arg2[%dma_wait3A, %dma_wait3A_12] : memref<30000x256xf32, #tpu.memory_space<hbm>> -> memref<30000x256xf32, #tpu.memory_space<hbm>>
    tpu.wait_indirect_dma semaphore(%arg9 : memref<!tpu.dma_semaphore, #tpu.memory_space<semaphore_mem>>) src(%dma_wait3A_13 : memref<30000x256xf32, #tpu.memory_space<hbm>>) dst(%arg7 : memref<200x256xf32, #tpu.memory_space<vmem>>)
    %add3A_14 = arith.constant 0 : i32
    %add3A_15 = arith.addi %mul3A_2, %add3A_14 : i32
    %dma_start3A_16 = arith.constant 0 : i32
    %dma_start3A_17 = tpu.memref_slice %arg4[%add3A_15, %dma_start3A_16] : memref<320000x256xf32, #tpu.memory_space<hbm>> -> memref<200x256xf32, #tpu.memory_space<hbm>>
    %dma_start3A_18 = arith.constant 0 : i32
    %dma_start3A_19 = tpu.memref_slice %arg4[%add3A_15, %dma_start3A_18] : memref<320000x256xf32, #tpu.memory_space<hbm>> -> memref<200x256xf32, #tpu.memory_space<hbm>>
    tpu.enqueue_dma source(%arg7 : memref<200x256xf32, #tpu.memory_space<vmem>>) target(%dma_start3A_19 : memref<200x256xf32, #tpu.memory_space<hbm>>) target_semaphore(%arg11 : memref<!tpu.dma_semaphore, #tpu.memory_space<semaphore_mem>>)
    %scan3A = arith.constant 0 : i32
    %scan3A_20 = arith.constant 0 : i32
    %scan3A_21 = arith.constant 24 : i32
    %scan3A_22 = arith.addi %scan3A_20, %scan3A_21 : i32
    %scan3A_23 = arith.constant 1 : i32
    scf.for %scan3A_46 = %scan3A_20 to %scan3A_22 step %scan3A_23  : i32 {
      %mul3A_47 = arith.constant 2 : i32
      %mul3A_48 = arith.muli %mul3A_47, %scan3A_46 : i32
      %add3A_49 = arith.constant 1 : i32
      %add3A_50 = arith.addi %add3A_49, %mul3A_48 : i32
      %add3A_51 = arith.constant 1 : i32
      %add3A_52 = arith.addi %add3A_50, %add3A_51 : i32
      %mul3A_53 = arith.constant 200 : i32
      %mul3A_54 = arith.muli %add3A_52, %mul3A_53 : i32
      %add3A_55 = arith.addi %mul3A_2, %mul3A_54 : i32
      "tpu.region"() ({
        %run_scoped3A = tpu.sem_alloc : memref<!tpu.dma_semaphore, #tpu.memory_space<semaphore_mem>>
        %dma_start3A_101 = tpu.memref_slice %arg3[%add3A_55] : memref<320000xi32, #tpu.memory_space<hbm>> -> memref<200xi32, #tpu.memory_space<hbm>>
        %dma_start3A_102 = tpu.memref_slice %arg3[%add3A_55] : memref<320000xi32, #tpu.memory_space<hbm>> -> memref<200xi32, #tpu.memory_space<hbm>>
        tpu.enqueue_dma source(%dma_start3A_102 : memref<200xi32, #tpu.memory_space<hbm>>) target(%arg5 : memref<200xi32, #tpu.memory_space<vmem>>) target_semaphore(%run_scoped3A : memref<!tpu.dma_semaphore, #tpu.memory_space<semaphore_mem>>)
        %dma_wait3A_103 = tpu.memref_slice %arg3[%add3A_55] : memref<320000xi32, #tpu.memory_space<hbm>> -> memref<200xi32, #tpu.memory_space<hbm>>
        %dma_wait3A_104 = tpu.memref_slice %arg3[%add3A_55] : memref<320000xi32, #tpu.memory_space<hbm>> -> memref<200xi32, #tpu.memory_space<hbm>>
        tpu.wait_dma2 semaphore(%run_scoped3A : memref<!tpu.dma_semaphore, #tpu.memory_space<semaphore_mem>>) src(%dma_wait3A_104 : memref<200xi32, #tpu.memory_space<hbm>>) dst(%arg5 : memref<200xi32, #tpu.memory_space<vmem>>)
        tpu.yield
      }) : () -> ()
      %dma_wait3A_56 = arith.constant 0 : i32
      %dma_wait3A_57 = arith.constant 0 : i32
      %dma_wait3A_58 = tpu.memref_slice %arg4[%dma_wait3A_56, %dma_wait3A_57] : memref<320000x256xf32, #tpu.memory_space<hbm>> -> memref<200x256xf32, #tpu.memory_space<hbm>>
      %dma_wait3A_59 = arith.constant 0 : i32
      %dma_wait3A_60 = arith.constant 0 : i32
      %dma_wait3A_61 = tpu.memref_slice %arg4[%dma_wait3A_59, %dma_wait3A_60] : memref<320000x256xf32, #tpu.memory_space<hbm>> -> memref<200x256xf32, #tpu.memory_space<hbm>>
      tpu.wait_dma2 semaphore(%arg11 : memref<!tpu.dma_semaphore, #tpu.memory_space<semaphore_mem>>) src(%arg7 : memref<200x256xf32, #tpu.memory_space<vmem>>) dst(%dma_wait3A_61 : memref<200x256xf32, #tpu.memory_space<hbm>>)
      %dma_start3A_62 = arith.constant 0 : i32
      %dma_start3A_63 = arith.constant 0 : i32
      %dma_start3A_64 = tpu.memref_slice %arg2[%dma_start3A_62, %dma_start3A_63] : memref<30000x256xf32, #tpu.memory_space<hbm>> -> memref<30000x256xf32, #tpu.memory_space<hbm>>
      tpu.enqueue_indirect_dma source(%dma_start3A_64 : memref<30000x256xf32, #tpu.memory_space<hbm>>) target(%arg7 : memref<200x256xf32, #tpu.memory_space<vmem>>) offsets(%arg5 : memref<200xi32, #tpu.memory_space<vmem>>) semaphore(%arg9 : memref<!tpu.dma_semaphore, #tpu.memory_space<semaphore_mem>>)
      %dma_wait3A_65 = arith.constant 0 : i32
      %dma_wait3A_66 = arith.constant 0 : i32
      %dma_wait3A_67 = tpu.memref_slice %arg2[%dma_wait3A_65, %dma_wait3A_66] : memref<30000x256xf32, #tpu.memory_space<hbm>> -> memref<30000x256xf32, #tpu.memory_space<hbm>>
      tpu.wait_indirect_dma semaphore(%arg10 : memref<!tpu.dma_semaphore, #tpu.memory_space<semaphore_mem>>) src(%dma_wait3A_67 : memref<30000x256xf32, #tpu.memory_space<hbm>>) dst(%arg8 : memref<200x256xf32, #tpu.memory_space<vmem>>)
      %mul3A_68 = arith.constant 200 : i32
      %mul3A_69 = arith.muli %add3A_50, %mul3A_68 : i32
      %add3A_70 = arith.addi %mul3A_2, %mul3A_69 : i32
      %dma_start3A_71 = arith.constant 0 : i32
      %dma_start3A_72 = tpu.memref_slice %arg4[%add3A_70, %dma_start3A_71] : memref<320000x256xf32, #tpu.memory_space<hbm>> -> memref<200x256xf32, #tpu.memory_space<hbm>>
      %dma_start3A_73 = arith.constant 0 : i32
      %dma_start3A_74 = tpu.memref_slice %arg4[%add3A_70, %dma_start3A_73] : memref<320000x256xf32, #tpu.memory_space<hbm>> -> memref<200x256xf32, #tpu.memory_space<hbm>>
      tpu.enqueue_dma source(%arg8 : memref<200x256xf32, #tpu.memory_space<vmem>>) target(%dma_start3A_74 : memref<200x256xf32, #tpu.memory_space<hbm>>) target_semaphore(%arg12 : memref<!tpu.dma_semaphore, #tpu.memory_space<semaphore_mem>>)
      %add3A_75 = arith.constant 1 : i32
      %add3A_76 = arith.addi %add3A_50, %add3A_75 : i32
      %add3A_77 = arith.constant 1 : i32
      %add3A_78 = arith.addi %add3A_76, %add3A_77 : i32
      %mul3A_79 = arith.constant 200 : i32
      %mul3A_80 = arith.muli %add3A_78, %mul3A_79 : i32
      %add3A_81 = arith.addi %mul3A_2, %mul3A_80 : i32
      "tpu.region"() ({
        %run_scoped3A = tpu.sem_alloc : memref<!tpu.dma_semaphore, #tpu.memory_space<semaphore_mem>>
        %dma_start3A_101 = tpu.memref_slice %arg3[%add3A_81] : memref<320000xi32, #tpu.memory_space<hbm>> -> memref<200xi32, #tpu.memory_space<hbm>>
        %dma_start3A_102 = tpu.memref_slice %arg3[%add3A_81] : memref<320000xi32, #tpu.memory_space<hbm>> -> memref<200xi32, #tpu.memory_space<hbm>>
        tpu.enqueue_dma source(%dma_start3A_102 : memref<200xi32, #tpu.memory_space<hbm>>) target(%arg6 : memref<200xi32, #tpu.memory_space<vmem>>) target_semaphore(%run_scoped3A : memref<!tpu.dma_semaphore, #tpu.memory_space<semaphore_mem>>)
        %dma_wait3A_103 = tpu.memref_slice %arg3[%add3A_81] : memref<320000xi32, #tpu.memory_space<hbm>> -> memref<200xi32, #tpu.memory_space<hbm>>
        %dma_wait3A_104 = tpu.memref_slice %arg3[%add3A_81] : memref<320000xi32, #tpu.memory_space<hbm>> -> memref<200xi32, #tpu.memory_space<hbm>>
        tpu.wait_dma2 semaphore(%run_scoped3A : memref<!tpu.dma_semaphore, #tpu.memory_space<semaphore_mem>>) src(%dma_wait3A_104 : memref<200xi32, #tpu.memory_space<hbm>>) dst(%arg6 : memref<200xi32, #tpu.memory_space<vmem>>)
        tpu.yield
      }) : () -> ()
      %dma_wait3A_82 = arith.constant 0 : i32
      %dma_wait3A_83 = arith.constant 0 : i32
      %dma_wait3A_84 = tpu.memref_slice %arg4[%dma_wait3A_82, %dma_wait3A_83] : memref<320000x256xf32, #tpu.memory_space<hbm>> -> memref<200x256xf32, #tpu.memory_space<hbm>>
      %dma_wait3A_85 = arith.constant 0 : i32
      %dma_wait3A_86 = arith.constant 0 : i32
      %dma_wait3A_87 = tpu.memref_slice %arg4[%dma_wait3A_85, %dma_wait3A_86] : memref<320000x256xf32, #tpu.memory_space<hbm>> -> memref<200x256xf32, #tpu.memory_space<hbm>>
      tpu.wait_dma2 semaphore(%arg12 : memref<!tpu.dma_semaphore, #tpu.memory_space<semaphore_mem>>) src(%arg8 : memref<200x256xf32, #tpu.memory_space<vmem>>) dst(%dma_wait3A_87 : memref<200x256xf32, #tpu.memory_space<hbm>>)
      %dma_start3A_88 = arith.constant 0 : i32
      %dma_start3A_89 = arith.constant 0 : i32
      %dma_start3A_90 = tpu.memref_slice %arg2[%dma_start3A_88, %dma_start3A_89] : memref<30000x256xf32, #tpu.memory_space<hbm>> -> memref<30000x256xf32, #tpu.memory_space<hbm>>
      tpu.enqueue_indirect_dma source(%dma_start3A_90 : memref<30000x256xf32, #tpu.memory_space<hbm>>) target(%arg8 : memref<200x256xf32, #tpu.memory_space<vmem>>) offsets(%arg6 : memref<200xi32, #tpu.memory_space<vmem>>) semaphore(%arg10 : memref<!tpu.dma_semaphore, #tpu.memory_space<semaphore_mem>>)
      %dma_wait3A_91 = arith.constant 0 : i32
      %dma_wait3A_92 = arith.constant 0 : i32
      %dma_wait3A_93 = tpu.memref_slice %arg2[%dma_wait3A_91, %dma_wait3A_92] : memref<30000x256xf32, #tpu.memory_space<hbm>> -> memref<30000x256xf32, #tpu.memory_space<hbm>>
      tpu.wait_indirect_dma semaphore(%arg9 : memref<!tpu.dma_semaphore, #tpu.memory_space<semaphore_mem>>) src(%dma_wait3A_93 : memref<30000x256xf32, #tpu.memory_space<hbm>>) dst(%arg7 : memref<200x256xf32, #tpu.memory_space<vmem>>)
      %mul3A_94 = arith.constant 200 : i32
      %mul3A_95 = arith.muli %add3A_76, %mul3A_94 : i32
      %add3A_96 = arith.addi %mul3A_2, %mul3A_95 : i32
      %dma_start3A_97 = arith.constant 0 : i32
      %dma_start3A_98 = tpu.memref_slice %arg4[%add3A_96, %dma_start3A_97] : memref<320000x256xf32, #tpu.memory_space<hbm>> -> memref<200x256xf32, #tpu.memory_space<hbm>>
      %dma_start3A_99 = arith.constant 0 : i32
      %dma_start3A_100 = tpu.memref_slice %arg4[%add3A_96, %dma_start3A_99] : memref<320000x256xf32, #tpu.memory_space<hbm>> -> memref<200x256xf32, #tpu.memory_space<hbm>>
      tpu.enqueue_dma source(%arg7 : memref<200x256xf32, #tpu.memory_space<vmem>>) target(%dma_start3A_100 : memref<200x256xf32, #tpu.memory_space<hbm>>) target_semaphore(%arg11 : memref<!tpu.dma_semaphore, #tpu.memory_space<semaphore_mem>>)
    }
    %scan3A_24 = arith.constant 24 : i32
    %dma_wait3A_25 = arith.constant 0 : i32
    %dma_wait3A_26 = arith.constant 0 : i32
    %dma_wait3A_27 = tpu.memref_slice %arg2[%dma_wait3A_25, %dma_wait3A_26] : memref<30000x256xf32, #tpu.memory_space<hbm>> -> memref<30000x256xf32, #tpu.memory_space<hbm>>
    tpu.wait_indirect_dma semaphore(%arg10 : memref<!tpu.dma_semaphore, #tpu.memory_space<semaphore_mem>>) src(%dma_wait3A_27 : memref<30000x256xf32, #tpu.memory_space<hbm>>) dst(%arg8 : memref<200x256xf32, #tpu.memory_space<vmem>>)
    %add3A_28 = arith.constant 9800 : i32
    %add3A_29 = arith.addi %mul3A_2, %add3A_28 : i32
    %dma_start3A_30 = arith.constant 0 : i32
    %dma_start3A_31 = tpu.memref_slice %arg4[%add3A_29, %dma_start3A_30] : memref<320000x256xf32, #tpu.memory_space<hbm>> -> memref<200x256xf32, #tpu.memory_space<hbm>>
    %dma_start3A_32 = arith.constant 0 : i32
    %dma_start3A_33 = tpu.memref_slice %arg4[%add3A_29, %dma_start3A_32] : memref<320000x256xf32, #tpu.memory_space<hbm>> -> memref<200x256xf32, #tpu.memory_space<hbm>>
    tpu.enqueue_dma source(%arg8 : memref<200x256xf32, #tpu.memory_space<vmem>>) target(%dma_start3A_33 : memref<200x256xf32, #tpu.memory_space<hbm>>) target_semaphore(%arg12 : memref<!tpu.dma_semaphore, #tpu.memory_space<semaphore_mem>>)
    %dma_wait3A_34 = arith.constant 0 : i32
    %dma_wait3A_35 = arith.constant 0 : i32
    %dma_wait3A_36 = tpu.memref_slice %arg4[%dma_wait3A_34, %dma_wait3A_35] : memref<320000x256xf32, #tpu.memory_space<hbm>> -> memref<200x256xf32, #tpu.memory_space<hbm>>
    %dma_wait3A_37 = arith.constant 0 : i32
    %dma_wait3A_38 = arith.constant 0 : i32
    %dma_wait3A_39 = tpu.memref_slice %arg4[%dma_wait3A_37, %dma_wait3A_38] : memref<320000x256xf32, #tpu.memory_space<hbm>> -> memref<200x256xf32, #tpu.memory_space<hbm>>
    tpu.wait_dma2 semaphore(%arg11 : memref<!tpu.dma_semaphore, #tpu.memory_space<semaphore_mem>>) src(%arg7 : memref<200x256xf32, #tpu.memory_space<vmem>>) dst(%dma_wait3A_39 : memref<200x256xf32, #tpu.memory_space<hbm>>)
    %dma_wait3A_40 = arith.constant 0 : i32
    %dma_wait3A_41 = arith.constant 0 : i32
    %dma_wait3A_42 = tpu.memref_slice %arg4[%dma_wait3A_40, %dma_wait3A_41] : memref<320000x256xf32, #tpu.memory_space<hbm>> -> memref<200x256xf32, #tpu.memory_space<hbm>>
    %dma_wait3A_43 = arith.constant 0 : i32
    %dma_wait3A_44 = arith.constant 0 : i32
    %dma_wait3A_45 = tpu.memref_slice %arg4[%dma_wait3A_43, %dma_wait3A_44] : memref<320000x256xf32, #tpu.memory_space<hbm>> -> memref<200x256xf32, #tpu.memory_space<hbm>>
    tpu.wait_dma2 semaphore(%arg12 : memref<!tpu.dma_semaphore, #tpu.memory_space<semaphore_mem>>) src(%arg8 : memref<200x256xf32, #tpu.memory_space<vmem>>) dst(%dma_wait3A_45 : memref<200x256xf32, #tpu.memory_space<hbm>>)
    return
  }
}

#map = affine_map<(d0, d1) -> (0, 0)>
#map1 = affine_map<(d0, d1) -> (0)>
module attributes {stable_mosaic.version = 14 : i64} {
  func.func @sc_scatter_add(%arg0: i32, %arg1: i32, %arg2: memref<160000x256xf32, #tpu.memory_space<hbm>>, %arg3: memref<160000xi32, #tpu.memory_space<hbm>>, %arg4: memref<640x128xf32, #tpu.memory_space<hbm>>, %arg5: memref<10240x256xf32, #tpu.memory_space<hbm>>, %arg6: memref<80xi32, #tpu.memory_space<vmem>>, %arg7: memref<80xi32, #tpu.memory_space<vmem>>, %arg8: memref<80x128xf32, #tpu.memory_space<vmem>>, %arg9: memref<80x128xf32, #tpu.memory_space<vmem>>, %arg10: memref<10240x128xf32, #tpu.memory_space<vmem_shared>>, %arg11: memref<!tpu.dma_semaphore, #tpu.memory_space<semaphore_mem>>, %arg12: memref<!tpu.dma_semaphore, #tpu.memory_space<semaphore_mem>>, %arg13: memref<!tpu.dma_semaphore, #tpu.memory_space<semaphore_mem>>, %arg14: memref<!tpu.dma_semaphore, #tpu.memory_space<semaphore_mem>>) attributes {dimension_semantics = [#tpu.dimension_semantics<core_parallel>, #tpu.dimension_semantics<subcore_parallel>], iteration_bounds = array<i64: 2, 16>, scalar_prefetch = 0 : i64, scratch_operands = 9 : i64, tpu.core_type = #tpu.core_type<sc_vector_subcore>, window_params = [{transform_indices = #map}, {transform_indices = #map1}, {transform_indices = #map}, {transform_indices = #map}]} {
    %mul3A = arith.constant 640 : i32
    %mul3A_0 = arith.muli %arg1, %mul3A : i32
    "tpu.region"() ({
      %run_scoped3A = tpu.sem_alloc : memref<!tpu.dma_semaphore, #tpu.memory_space<semaphore_mem>>
      %dma_start3A_54 = arith.constant 0 : i32
      %dma_start3A_55 = tpu.memref_slice %arg10[%mul3A_0, %dma_start3A_54] : memref<10240x128xf32, #tpu.memory_space<vmem_shared>> -> memref<640x128xf32, #tpu.memory_space<vmem_shared>>
      tpu.enqueue_dma source(%arg4 : memref<640x128xf32, #tpu.memory_space<hbm>>) target(%dma_start3A_55 : memref<640x128xf32, #tpu.memory_space<vmem_shared>>) target_semaphore(%run_scoped3A : memref<!tpu.dma_semaphore, #tpu.memory_space<semaphore_mem>>)
      %dma_wait3A_56 = arith.constant 0 : i32
      %dma_wait3A_57 = tpu.memref_slice %arg10[%mul3A_0, %dma_wait3A_56] : memref<10240x128xf32, #tpu.memory_space<vmem_shared>> -> memref<640x128xf32, #tpu.memory_space<vmem_shared>>
      tpu.wait_dma2 semaphore(%run_scoped3A : memref<!tpu.dma_semaphore, #tpu.memory_space<semaphore_mem>>) src(%arg4 : memref<640x128xf32, #tpu.memory_space<hbm>>) dst(%dma_wait3A_57 : memref<640x128xf32, #tpu.memory_space<vmem_shared>>)
      tpu.yield
    }) : () -> ()
    %barrier3A = arith.constant 0 : index
    tpu.barrier barrier_id(%barrier3A)
    %mul3A_1 = arith.constant 128 : i32
    %mul3A_2 = arith.muli %arg0, %mul3A_1 : i32
    %mul3A_3 = arith.constant 10000 : i32
    %mul3A_4 = arith.muli %arg1, %mul3A_3 : i32
    %add3A = arith.constant 0 : i32
    %add3A_5 = arith.addi %mul3A_4, %add3A : i32
    "tpu.region"() ({
      %run_scoped3A = tpu.sem_alloc : memref<!tpu.dma_semaphore, #tpu.memory_space<semaphore_mem>>
      %dma_start3A_54 = tpu.memref_slice %arg3[%add3A_5] : memref<160000xi32, #tpu.memory_space<hbm>> -> memref<80xi32, #tpu.memory_space<hbm>>
      %dma_start3A_55 = tpu.memref_slice %arg3[%add3A_5] : memref<160000xi32, #tpu.memory_space<hbm>> -> memref<80xi32, #tpu.memory_space<hbm>>
      tpu.enqueue_dma source(%dma_start3A_55 : memref<80xi32, #tpu.memory_space<hbm>>) target(%arg6 : memref<80xi32, #tpu.memory_space<vmem>>) target_semaphore(%run_scoped3A : memref<!tpu.dma_semaphore, #tpu.memory_space<semaphore_mem>>)
      %dma_wait3A_56 = tpu.memref_slice %arg3[%add3A_5] : memref<160000xi32, #tpu.memory_space<hbm>> -> memref<80xi32, #tpu.memory_space<hbm>>
      %dma_wait3A_57 = tpu.memref_slice %arg3[%add3A_5] : memref<160000xi32, #tpu.memory_space<hbm>> -> memref<80xi32, #tpu.memory_space<hbm>>
      tpu.wait_dma2 semaphore(%run_scoped3A : memref<!tpu.dma_semaphore, #tpu.memory_space<semaphore_mem>>) src(%dma_wait3A_57 : memref<80xi32, #tpu.memory_space<hbm>>) dst(%arg6 : memref<80xi32, #tpu.memory_space<vmem>>)
      tpu.yield
    }) : () -> ()
    %dma_start3A = tpu.memref_slice %arg2[%add3A_5, %mul3A_2] : memref<160000x256xf32, #tpu.memory_space<hbm>> -> memref<80x128xf32, #tpu.memory_space<hbm>>
    %dma_start3A_6 = tpu.memref_slice %arg2[%add3A_5, %mul3A_2] : memref<160000x256xf32, #tpu.memory_space<hbm>> -> memref<80x128xf32, #tpu.memory_space<hbm>>
    tpu.enqueue_dma source(%dma_start3A_6 : memref<80x128xf32, #tpu.memory_space<hbm>>) target(%arg8 : memref<80x128xf32, #tpu.memory_space<vmem>>) target_semaphore(%arg11 : memref<!tpu.dma_semaphore, #tpu.memory_space<semaphore_mem>>)
    %add3A_7 = arith.constant 80 : i32
    %add3A_8 = arith.addi %mul3A_4, %add3A_7 : i32
    "tpu.region"() ({
      %run_scoped3A = tpu.sem_alloc : memref<!tpu.dma_semaphore, #tpu.memory_space<semaphore_mem>>
      %dma_start3A_54 = tpu.memref_slice %arg3[%add3A_8] : memref<160000xi32, #tpu.memory_space<hbm>> -> memref<80xi32, #tpu.memory_space<hbm>>
      %dma_start3A_55 = tpu.memref_slice %arg3[%add3A_8] : memref<160000xi32, #tpu.memory_space<hbm>> -> memref<80xi32, #tpu.memory_space<hbm>>
      tpu.enqueue_dma source(%dma_start3A_55 : memref<80xi32, #tpu.memory_space<hbm>>) target(%arg7 : memref<80xi32, #tpu.memory_space<vmem>>) target_semaphore(%run_scoped3A : memref<!tpu.dma_semaphore, #tpu.memory_space<semaphore_mem>>)
      %dma_wait3A_56 = tpu.memref_slice %arg3[%add3A_8] : memref<160000xi32, #tpu.memory_space<hbm>> -> memref<80xi32, #tpu.memory_space<hbm>>
      %dma_wait3A_57 = tpu.memref_slice %arg3[%add3A_8] : memref<160000xi32, #tpu.memory_space<hbm>> -> memref<80xi32, #tpu.memory_space<hbm>>
      tpu.wait_dma2 semaphore(%run_scoped3A : memref<!tpu.dma_semaphore, #tpu.memory_space<semaphore_mem>>) src(%dma_wait3A_57 : memref<80xi32, #tpu.memory_space<hbm>>) dst(%arg7 : memref<80xi32, #tpu.memory_space<vmem>>)
      tpu.yield
    }) : () -> ()
    %dma_start3A_9 = tpu.memref_slice %arg2[%add3A_8, %mul3A_2] : memref<160000x256xf32, #tpu.memory_space<hbm>> -> memref<80x128xf32, #tpu.memory_space<hbm>>
    %dma_start3A_10 = tpu.memref_slice %arg2[%add3A_8, %mul3A_2] : memref<160000x256xf32, #tpu.memory_space<hbm>> -> memref<80x128xf32, #tpu.memory_space<hbm>>
    tpu.enqueue_dma source(%dma_start3A_10 : memref<80x128xf32, #tpu.memory_space<hbm>>) target(%arg9 : memref<80x128xf32, #tpu.memory_space<vmem>>) target_semaphore(%arg12 : memref<!tpu.dma_semaphore, #tpu.memory_space<semaphore_mem>>)
    %dma_wait3A = arith.constant 0 : i32
    %dma_wait3A_11 = tpu.memref_slice %arg2[%dma_wait3A, %mul3A_2] : memref<160000x256xf32, #tpu.memory_space<hbm>> -> memref<80x128xf32, #tpu.memory_space<hbm>>
    %dma_wait3A_12 = arith.constant 0 : i32
    %dma_wait3A_13 = tpu.memref_slice %arg2[%dma_wait3A_12, %mul3A_2] : memref<160000x256xf32, #tpu.memory_space<hbm>> -> memref<80x128xf32, #tpu.memory_space<hbm>>
    tpu.wait_dma2 semaphore(%arg11 : memref<!tpu.dma_semaphore, #tpu.memory_space<semaphore_mem>>) src(%dma_wait3A_13 : memref<80x128xf32, #tpu.memory_space<hbm>>) dst(%arg8 : memref<80x128xf32, #tpu.memory_space<vmem>>)
    %dma_start3A_14 = arith.constant 0 : i32
    %dma_start3A_15 = arith.constant 0 : i32
    %dma_start3A_16 = tpu.memref_slice %arg10[%dma_start3A_14, %dma_start3A_15] : memref<10240x128xf32, #tpu.memory_space<vmem_shared>> -> memref<10240x128xf32, #tpu.memory_space<vmem_shared>>
    tpu.enqueue_indirect_dma source(%arg8 : memref<80x128xf32, #tpu.memory_space<vmem>>) target(%dma_start3A_16 : memref<10240x128xf32, #tpu.memory_space<vmem_shared>>) offsets(%arg6 : memref<80xi32, #tpu.memory_space<vmem>>) semaphore(%arg13 : memref<!tpu.dma_semaphore, #tpu.memory_space<semaphore_mem>>) {add = true}
    %scan3A = arith.constant 0 : i32
    %scan3A_17 = arith.constant 0 : i32
    %scan3A_18 = arith.constant 61 : i32
    %scan3A_19 = arith.addi %scan3A_17, %scan3A_18 : i32
    %scan3A_20 = arith.constant 1 : i32
    scf.for %scan3A_54 = %scan3A_17 to %scan3A_19 step %scan3A_20  : i32 {
      %mul3A_55 = arith.constant 2 : i32
      %mul3A_56 = arith.muli %mul3A_55, %scan3A_54 : i32
      %add3A_57 = arith.constant 2 : i32
      %add3A_58 = arith.addi %add3A_57, %mul3A_56 : i32
      %dma_wait3A_59 = arith.constant 0 : i32
      %dma_wait3A_60 = arith.constant 0 : i32
      %dma_wait3A_61 = tpu.memref_slice %arg10[%dma_wait3A_59, %dma_wait3A_60] : memref<10240x128xf32, #tpu.memory_space<vmem_shared>> -> memref<10240x128xf32, #tpu.memory_space<vmem_shared>>
      tpu.wait_indirect_dma semaphore(%arg13 : memref<!tpu.dma_semaphore, #tpu.memory_space<semaphore_mem>>) src(%arg8 : memref<80x128xf32, #tpu.memory_space<vmem>>) dst(%dma_wait3A_61 : memref<10240x128xf32, #tpu.memory_space<vmem_shared>>)
      %mul3A_62 = arith.constant 80 : i32
      %mul3A_63 = arith.muli %add3A_58, %mul3A_62 : i32
      %add3A_64 = arith.addi %mul3A_4, %mul3A_63 : i32
      "tpu.region"() ({
        %run_scoped3A = tpu.sem_alloc : memref<!tpu.dma_semaphore, #tpu.memory_space<semaphore_mem>>
        %dma_start3A_91 = tpu.memref_slice %arg3[%add3A_64] : memref<160000xi32, #tpu.memory_space<hbm>> -> memref<80xi32, #tpu.memory_space<hbm>>
        %dma_start3A_92 = tpu.memref_slice %arg3[%add3A_64] : memref<160000xi32, #tpu.memory_space<hbm>> -> memref<80xi32, #tpu.memory_space<hbm>>
        tpu.enqueue_dma source(%dma_start3A_92 : memref<80xi32, #tpu.memory_space<hbm>>) target(%arg6 : memref<80xi32, #tpu.memory_space<vmem>>) target_semaphore(%run_scoped3A : memref<!tpu.dma_semaphore, #tpu.memory_space<semaphore_mem>>)
        %dma_wait3A_93 = tpu.memref_slice %arg3[%add3A_64] : memref<160000xi32, #tpu.memory_space<hbm>> -> memref<80xi32, #tpu.memory_space<hbm>>
        %dma_wait3A_94 = tpu.memref_slice %arg3[%add3A_64] : memref<160000xi32, #tpu.memory_space<hbm>> -> memref<80xi32, #tpu.memory_space<hbm>>
        tpu.wait_dma2 semaphore(%run_scoped3A : memref<!tpu.dma_semaphore, #tpu.memory_space<semaphore_mem>>) src(%dma_wait3A_94 : memref<80xi32, #tpu.memory_space<hbm>>) dst(%arg6 : memref<80xi32, #tpu.memory_space<vmem>>)
        tpu.yield
      }) : () -> ()
      %dma_start3A_65 = tpu.memref_slice %arg2[%add3A_64, %mul3A_2] : memref<160000x256xf32, #tpu.memory_space<hbm>> -> memref<80x128xf32, #tpu.memory_space<hbm>>
      %dma_start3A_66 = tpu.memref_slice %arg2[%add3A_64, %mul3A_2] : memref<160000x256xf32, #tpu.memory_space<hbm>> -> memref<80x128xf32, #tpu.memory_space<hbm>>
      tpu.enqueue_dma source(%dma_start3A_66 : memref<80x128xf32, #tpu.memory_space<hbm>>) target(%arg8 : memref<80x128xf32, #tpu.memory_space<vmem>>) target_semaphore(%arg11 : memref<!tpu.dma_semaphore, #tpu.memory_space<semaphore_mem>>)
      %dma_wait3A_67 = arith.constant 0 : i32
      %dma_wait3A_68 = tpu.memref_slice %arg2[%dma_wait3A_67, %mul3A_2] : memref<160000x256xf32, #tpu.memory_space<hbm>> -> memref<80x128xf32, #tpu.memory_space<hbm>>
      %dma_wait3A_69 = arith.constant 0 : i32
      %dma_wait3A_70 = tpu.memref_slice %arg2[%dma_wait3A_69, %mul3A_2] : memref<160000x256xf32, #tpu.memory_space<hbm>> -> memref<80x128xf32, #tpu.memory_space<hbm>>
      tpu.wait_dma2 semaphore(%arg12 : memref<!tpu.dma_semaphore, #tpu.memory_space<semaphore_mem>>) src(%dma_wait3A_70 : memref<80x128xf32, #tpu.memory_space<hbm>>) dst(%arg9 : memref<80x128xf32, #tpu.memory_space<vmem>>)
      %dma_start3A_71 = arith.constant 0 : i32
      %dma_start3A_72 = arith.constant 0 : i32
      %dma_start3A_73 = tpu.memref_slice %arg10[%dma_start3A_71, %dma_start3A_72] : memref<10240x128xf32, #tpu.memory_space<vmem_shared>> -> memref<10240x128xf32, #tpu.memory_space<vmem_shared>>
      tpu.enqueue_indirect_dma source(%arg9 : memref<80x128xf32, #tpu.memory_space<vmem>>) target(%dma_start3A_73 : memref<10240x128xf32, #tpu.memory_space<vmem_shared>>) offsets(%arg7 : memref<80xi32, #tpu.memory_space<vmem>>) semaphore(%arg14 : memref<!tpu.dma_semaphore, #tpu.memory_space<semaphore_mem>>) {add = true}
      %add3A_74 = arith.constant 1 : i32
      %add3A_75 = arith.addi %add3A_58, %add3A_74 : i32
      %dma_wait3A_76 = arith.constant 0 : i32
      %dma_wait3A_77 = arith.constant 0 : i32
      %dma_wait3A_78 = tpu.memref_slice %arg10[%dma_wait3A_76, %dma_wait3A_77] : memref<10240x128xf32, #tpu.memory_space<vmem_shared>> -> memref<10240x128xf32, #tpu.memory_space<vmem_shared>>
      tpu.wait_indirect_dma semaphore(%arg14 : memref<!tpu.dma_semaphore, #tpu.memory_space<semaphore_mem>>) src(%arg9 : memref<80x128xf32, #tpu.memory_space<vmem>>) dst(%dma_wait3A_78 : memref<10240x128xf32, #tpu.memory_space<vmem_shared>>)
      %mul3A_79 = arith.constant 80 : i32
      %mul3A_80 = arith.muli %add3A_75, %mul3A_79 : i32
      %add3A_81 = arith.addi %mul3A_4, %mul3A_80 : i32
      "tpu.region"() ({
        %run_scoped3A = tpu.sem_alloc : memref<!tpu.dma_semaphore, #tpu.memory_space<semaphore_mem>>
        %dma_start3A_91 = tpu.memref_slice %arg3[%add3A_81] : memref<160000xi32, #tpu.memory_space<hbm>> -> memref<80xi32, #tpu.memory_space<hbm>>
        %dma_start3A_92 = tpu.memref_slice %arg3[%add3A_81] : memref<160000xi32, #tpu.memory_space<hbm>> -> memref<80xi32, #tpu.memory_space<hbm>>
        tpu.enqueue_dma source(%dma_start3A_92 : memref<80xi32, #tpu.memory_space<hbm>>) target(%arg7 : memref<80xi32, #tpu.memory_space<vmem>>) target_semaphore(%run_scoped3A : memref<!tpu.dma_semaphore, #tpu.memory_space<semaphore_mem>>)
        %dma_wait3A_93 = tpu.memref_slice %arg3[%add3A_81] : memref<160000xi32, #tpu.memory_space<hbm>> -> memref<80xi32, #tpu.memory_space<hbm>>
        %dma_wait3A_94 = tpu.memref_slice %arg3[%add3A_81] : memref<160000xi32, #tpu.memory_space<hbm>> -> memref<80xi32, #tpu.memory_space<hbm>>
        tpu.wait_dma2 semaphore(%run_scoped3A : memref<!tpu.dma_semaphore, #tpu.memory_space<semaphore_mem>>) src(%dma_wait3A_94 : memref<80xi32, #tpu.memory_space<hbm>>) dst(%arg7 : memref<80xi32, #tpu.memory_space<vmem>>)
        tpu.yield
      }) : () -> ()
      %dma_start3A_82 = tpu.memref_slice %arg2[%add3A_81, %mul3A_2] : memref<160000x256xf32, #tpu.memory_space<hbm>> -> memref<80x128xf32, #tpu.memory_space<hbm>>
      %dma_start3A_83 = tpu.memref_slice %arg2[%add3A_81, %mul3A_2] : memref<160000x256xf32, #tpu.memory_space<hbm>> -> memref<80x128xf32, #tpu.memory_space<hbm>>
      tpu.enqueue_dma source(%dma_start3A_83 : memref<80x128xf32, #tpu.memory_space<hbm>>) target(%arg9 : memref<80x128xf32, #tpu.memory_space<vmem>>) target_semaphore(%arg12 : memref<!tpu.dma_semaphore, #tpu.memory_space<semaphore_mem>>)
      %dma_wait3A_84 = arith.constant 0 : i32
      %dma_wait3A_85 = tpu.memref_slice %arg2[%dma_wait3A_84, %mul3A_2] : memref<160000x256xf32, #tpu.memory_space<hbm>> -> memref<80x128xf32, #tpu.memory_space<hbm>>
      %dma_wait3A_86 = arith.constant 0 : i32
      %dma_wait3A_87 = tpu.memref_slice %arg2[%dma_wait3A_86, %mul3A_2] : memref<160000x256xf32, #tpu.memory_space<hbm>> -> memref<80x128xf32, #tpu.memory_space<hbm>>
      tpu.wait_dma2 semaphore(%arg11 : memref<!tpu.dma_semaphore, #tpu.memory_space<semaphore_mem>>) src(%dma_wait3A_87 : memref<80x128xf32, #tpu.memory_space<hbm>>) dst(%arg8 : memref<80x128xf32, #tpu.memory_space<vmem>>)
      %dma_start3A_88 = arith.constant 0 : i32
      %dma_start3A_89 = arith.constant 0 : i32
      %dma_start3A_90 = tpu.memref_slice %arg10[%dma_start3A_88, %dma_start3A_89] : memref<10240x128xf32, #tpu.memory_space<vmem_shared>> -> memref<10240x128xf32, #tpu.memory_space<vmem_shared>>
      tpu.enqueue_indirect_dma source(%arg8 : memref<80x128xf32, #tpu.memory_space<vmem>>) target(%dma_start3A_90 : memref<10240x128xf32, #tpu.memory_space<vmem_shared>>) offsets(%arg6 : memref<80xi32, #tpu.memory_space<vmem>>) semaphore(%arg13 : memref<!tpu.dma_semaphore, #tpu.memory_space<semaphore_mem>>) {add = true}
    }
    %scan3A_21 = arith.constant 61 : i32
    %dma_wait3A_22 = arith.constant 0 : i32
    %dma_wait3A_23 = arith.constant 0 : i32
    %dma_wait3A_24 = tpu.memref_slice %arg10[%dma_wait3A_22, %dma_wait3A_23] : memref<10240x128xf32, #tpu.memory_space<vmem_shared>> -> memref<10240x128xf32, #tpu.memory_space<vmem_shared>>
    tpu.wait_indirect_dma semaphore(%arg13 : memref<!tpu.dma_semaphore, #tpu.memory_space<semaphore_mem>>) src(%arg8 : memref<80x128xf32, #tpu.memory_space<vmem>>) dst(%dma_wait3A_24 : memref<10240x128xf32, #tpu.memory_space<vmem_shared>>)
    %add3A_25 = arith.constant 9920 : i32
    %add3A_26 = arith.addi %mul3A_4, %add3A_25 : i32
    "tpu.region"() ({
      %run_scoped3A = tpu.sem_alloc : memref<!tpu.dma_semaphore, #tpu.memory_space<semaphore_mem>>
      %dma_start3A_54 = tpu.memref_slice %arg3[%add3A_26] : memref<160000xi32, #tpu.memory_space<hbm>> -> memref<80xi32, #tpu.memory_space<hbm>>
      %dma_start3A_55 = tpu.memref_slice %arg3[%add3A_26] : memref<160000xi32, #tpu.memory_space<hbm>> -> memref<80xi32, #tpu.memory_space<hbm>>
      tpu.enqueue_dma source(%dma_start3A_55 : memref<80xi32, #tpu.memory_space<hbm>>) target(%arg6 : memref<80xi32, #tpu.memory_space<vmem>>) target_semaphore(%run_scoped3A : memref<!tpu.dma_semaphore, #tpu.memory_space<semaphore_mem>>)
      %dma_wait3A_56 = tpu.memref_slice %arg3[%add3A_26] : memref<160000xi32, #tpu.memory_space<hbm>> -> memref<80xi32, #tpu.memory_space<hbm>>
      %dma_wait3A_57 = tpu.memref_slice %arg3[%add3A_26] : memref<160000xi32, #tpu.memory_space<hbm>> -> memref<80xi32, #tpu.memory_space<hbm>>
      tpu.wait_dma2 semaphore(%run_scoped3A : memref<!tpu.dma_semaphore, #tpu.memory_space<semaphore_mem>>) src(%dma_wait3A_57 : memref<80xi32, #tpu.memory_space<hbm>>) dst(%arg6 : memref<80xi32, #tpu.memory_space<vmem>>)
      tpu.yield
    }) : () -> ()
    %dma_start3A_27 = tpu.memref_slice %arg2[%add3A_26, %mul3A_2] : memref<160000x256xf32, #tpu.memory_space<hbm>> -> memref<80x128xf32, #tpu.memory_space<hbm>>
    %dma_start3A_28 = tpu.memref_slice %arg2[%add3A_26, %mul3A_2] : memref<160000x256xf32, #tpu.memory_space<hbm>> -> memref<80x128xf32, #tpu.memory_space<hbm>>
    tpu.enqueue_dma source(%dma_start3A_28 : memref<80x128xf32, #tpu.memory_space<hbm>>) target(%arg8 : memref<80x128xf32, #tpu.memory_space<vmem>>) target_semaphore(%arg11 : memref<!tpu.dma_semaphore, #tpu.memory_space<semaphore_mem>>)
    %dma_wait3A_29 = arith.constant 0 : i32
    %dma_wait3A_30 = tpu.memref_slice %arg2[%dma_wait3A_29, %mul3A_2] : memref<160000x256xf32, #tpu.memory_space<hbm>> -> memref<80x128xf32, #tpu.memory_space<hbm>>
    %dma_wait3A_31 = arith.constant 0 : i32
    %dma_wait3A_32 = tpu.memref_slice %arg2[%dma_wait3A_31, %mul3A_2] : memref<160000x256xf32, #tpu.memory_space<hbm>> -> memref<80x128xf32, #tpu.memory_space<hbm>>
    tpu.wait_dma2 semaphore(%arg12 : memref<!tpu.dma_semaphore, #tpu.memory_space<semaphore_mem>>) src(%dma_wait3A_32 : memref<80x128xf32, #tpu.memory_space<hbm>>) dst(%arg9 : memref<80x128xf32, #tpu.memory_space<vmem>>)
    %dma_start3A_33 = arith.constant 0 : i32
    %dma_start3A_34 = arith.constant 0 : i32
    %dma_start3A_35 = tpu.memref_slice %arg10[%dma_start3A_33, %dma_start3A_34] : memref<10240x128xf32, #tpu.memory_space<vmem_shared>> -> memref<10240x128xf32, #tpu.memory_space<vmem_shared>>
    tpu.enqueue_indirect_dma source(%arg9 : memref<80x128xf32, #tpu.memory_space<vmem>>) target(%dma_start3A_35 : memref<10240x128xf32, #tpu.memory_space<vmem_shared>>) offsets(%arg7 : memref<80xi32, #tpu.memory_space<vmem>>) semaphore(%arg14 : memref<!tpu.dma_semaphore, #tpu.memory_space<semaphore_mem>>) {add = true}
    %dma_wait3A_36 = arith.constant 0 : i32
    %dma_wait3A_37 = tpu.memref_slice %arg2[%dma_wait3A_36, %mul3A_2] : memref<160000x256xf32, #tpu.memory_space<hbm>> -> memref<80x128xf32, #tpu.memory_space<hbm>>
    %dma_wait3A_38 = arith.constant 0 : i32
    %dma_wait3A_39 = tpu.memref_slice %arg2[%dma_wait3A_38, %mul3A_2] : memref<160000x256xf32, #tpu.memory_space<hbm>> -> memref<80x128xf32, #tpu.memory_space<hbm>>
    tpu.wait_dma2 semaphore(%arg11 : memref<!tpu.dma_semaphore, #tpu.memory_space<semaphore_mem>>) src(%dma_wait3A_39 : memref<80x128xf32, #tpu.memory_space<hbm>>) dst(%arg8 : memref<80x128xf32, #tpu.memory_space<vmem>>)
    %dma_start3A_40 = arith.constant 0 : i32
    %dma_start3A_41 = arith.constant 0 : i32
    %dma_start3A_42 = tpu.memref_slice %arg10[%dma_start3A_40, %dma_start3A_41] : memref<10240x128xf32, #tpu.memory_space<vmem_shared>> -> memref<10240x128xf32, #tpu.memory_space<vmem_shared>>
    tpu.enqueue_indirect_dma source(%arg8 : memref<80x128xf32, #tpu.memory_space<vmem>>) target(%dma_start3A_42 : memref<10240x128xf32, #tpu.memory_space<vmem_shared>>) offsets(%arg6 : memref<80xi32, #tpu.memory_space<vmem>>) semaphore(%arg13 : memref<!tpu.dma_semaphore, #tpu.memory_space<semaphore_mem>>) {add = true}
    %dma_wait3A_43 = arith.constant 0 : i32
    %dma_wait3A_44 = arith.constant 0 : i32
    %dma_wait3A_45 = tpu.memref_slice %arg10[%dma_wait3A_43, %dma_wait3A_44] : memref<10240x128xf32, #tpu.memory_space<vmem_shared>> -> memref<10240x128xf32, #tpu.memory_space<vmem_shared>>
    tpu.wait_indirect_dma semaphore(%arg14 : memref<!tpu.dma_semaphore, #tpu.memory_space<semaphore_mem>>) src(%arg9 : memref<80x128xf32, #tpu.memory_space<vmem>>) dst(%dma_wait3A_45 : memref<10240x128xf32, #tpu.memory_space<vmem_shared>>)
    %dma_wait3A_46 = arith.constant 0 : i32
    %dma_wait3A_47 = arith.constant 0 : i32
    %dma_wait3A_48 = tpu.memref_slice %arg10[%dma_wait3A_46, %dma_wait3A_47] : memref<10240x128xf32, #tpu.memory_space<vmem_shared>> -> memref<10240x128xf32, #tpu.memory_space<vmem_shared>>
    tpu.wait_indirect_dma semaphore(%arg13 : memref<!tpu.dma_semaphore, #tpu.memory_space<semaphore_mem>>) src(%arg8 : memref<80x128xf32, #tpu.memory_space<vmem>>) dst(%dma_wait3A_48 : memref<10240x128xf32, #tpu.memory_space<vmem_shared>>)
    %barrier3A_49 = arith.constant 0 : index
    tpu.barrier barrier_id(%barrier3A_49)
    %mul3A_50 = arith.constant 640 : i32
    %mul3A_51 = arith.muli %arg1, %mul3A_50 : i32
    %mul3A_52 = arith.constant 640 : i32
    %mul3A_53 = arith.muli %arg1, %mul3A_52 : i32
    "tpu.region"() ({
      %run_scoped3A = tpu.sem_alloc : memref<!tpu.dma_semaphore, #tpu.memory_space<semaphore_mem>>
      %dma_start3A_54 = tpu.memref_slice %arg5[%mul3A_53, %mul3A_2] : memref<10240x256xf32, #tpu.memory_space<hbm>> -> memref<640x128xf32, #tpu.memory_space<hbm>>
      %dma_start3A_55 = arith.constant 0 : i32
      %dma_start3A_56 = tpu.memref_slice %arg10[%mul3A_51, %dma_start3A_55] : memref<10240x128xf32, #tpu.memory_space<vmem_shared>> -> memref<640x128xf32, #tpu.memory_space<vmem_shared>>
      tpu.enqueue_dma source(%dma_start3A_56 : memref<640x128xf32, #tpu.memory_space<vmem_shared>>) target(%dma_start3A_54 : memref<640x128xf32, #tpu.memory_space<hbm>>) target_semaphore(%run_scoped3A : memref<!tpu.dma_semaphore, #tpu.memory_space<semaphore_mem>>)
      %dma_wait3A_57 = tpu.memref_slice %arg5[%mul3A_53, %mul3A_2] : memref<10240x256xf32, #tpu.memory_space<hbm>> -> memref<640x128xf32, #tpu.memory_space<hbm>>
      %dma_wait3A_58 = arith.constant 0 : i32
      %dma_wait3A_59 = tpu.memref_slice %arg10[%mul3A_51, %dma_wait3A_58] : memref<10240x128xf32, #tpu.memory_space<vmem_shared>> -> memref<640x128xf32, #tpu.memory_space<vmem_shared>>
      tpu.wait_dma2 semaphore(%run_scoped3A : memref<!tpu.dma_semaphore, #tpu.memory_space<semaphore_mem>>) src(%dma_wait3A_59 : memref<640x128xf32, #tpu.memory_space<vmem_shared>>) dst(%dma_wait3A_57 : memref<640x128xf32, #tpu.memory_space<hbm>>)
      tpu.yield
    }) : () -> ()
    return
  }
}

#map = affine_map<(d0, d1) -> (0, 0)>
#map1 = affine_map<(d0, d1) -> (0)>
module attributes {stable_mosaic.version = 14 : i64} {
  func.func @sc_gather(%arg0: i32, %arg1: i32, %arg2: memref<30000x256xf32, #tpu.memory_space<hbm>>, %arg3: memref<320000xi32, #tpu.memory_space<hbm>>, %arg4: memref<320000x256xf32, #tpu.memory_space<hbm>>, %arg5: memref<200xi32, #tpu.memory_space<vmem>>, %arg6: memref<200xi32, #tpu.memory_space<vmem>>, %arg7: memref<200x256xf32, #tpu.memory_space<vmem>>, %arg8: memref<200x256xf32, #tpu.memory_space<vmem>>, %arg9: memref<!tpu.dma_semaphore, #tpu.memory_space<semaphore_mem>>, %arg10: memref<!tpu.dma_semaphore, #tpu.memory_space<semaphore_mem>>, %arg11: memref<!tpu.dma_semaphore, #tpu.memory_space<semaphore_mem>>, %arg12: memref<!tpu.dma_semaphore, #tpu.memory_space<semaphore_mem>>) attributes {dimension_semantics = [#tpu.dimension_semantics<core_parallel>, #tpu.dimension_semantics<subcore_parallel>], iteration_bounds = array<i64: 2, 16>, scalar_prefetch = 0 : i64, scratch_operands = 8 : i64, tpu.core_type = #tpu.core_type<sc_vector_subcore>, window_params = [{transform_indices = #map}, {transform_indices = #map1}, {transform_indices = #map}]} {
    %mul3A = arith.constant 2 : i32
    %mul3A_0 = arith.muli %arg1, %mul3A : i32
    %add3A = arith.addi %mul3A_0, %arg0 : i32
    %mul3A_1 = arith.constant 10000 : i32
    %mul3A_2 = arith.muli %add3A, %mul3A_1 : i32
    %add3A_3 = arith.constant 0 : i32
    %add3A_4 = arith.addi %mul3A_2, %add3A_3 : i32
    "tpu.region"() ({
      %run_scoped3A = tpu.sem_alloc : memref<!tpu.dma_semaphore, #tpu.memory_space<semaphore_mem>>
      %dma_start3A_46 = tpu.memref_slice %arg3[%add3A_4] : memref<320000xi32, #tpu.memory_space<hbm>> -> memref<200xi32, #tpu.memory_space<hbm>>
      %dma_start3A_47 = tpu.memref_slice %arg3[%add3A_4] : memref<320000xi32, #tpu.memory_space<hbm>> -> memref<200xi32, #tpu.memory_space<hbm>>
      tpu.enqueue_dma source(%dma_start3A_47 : memref<200xi32, #tpu.memory_space<hbm>>) target(%arg5 : memref<200xi32, #tpu.memory_space<vmem>>) target_semaphore(%run_scoped3A : memref<!tpu.dma_semaphore, #tpu.memory_space<semaphore_mem>>)
      %dma_wait3A_48 = tpu.memref_slice %arg3[%add3A_4] : memref<320000xi32, #tpu.memory_space<hbm>> -> memref<200xi32, #tpu.memory_space<hbm>>
      %dma_wait3A_49 = tpu.memref_slice %arg3[%add3A_4] : memref<320000xi32, #tpu.memory_space<hbm>> -> memref<200xi32, #tpu.memory_space<hbm>>
      tpu.wait_dma2 semaphore(%run_scoped3A : memref<!tpu.dma_semaphore, #tpu.memory_space<semaphore_mem>>) src(%dma_wait3A_49 : memref<200xi32, #tpu.memory_space<hbm>>) dst(%arg5 : memref<200xi32, #tpu.memory_space<vmem>>)
      tpu.yield
    }) : () -> ()
    %dma_start3A = arith.constant 0 : i32
    %dma_start3A_5 = arith.constant 0 : i32
    %dma_start3A_6 = tpu.memref_slice %arg2[%dma_start3A, %dma_start3A_5] : memref<30000x256xf32, #tpu.memory_space<hbm>> -> memref<30000x256xf32, #tpu.memory_space<hbm>>
    tpu.enqueue_indirect_dma source(%dma_start3A_6 : memref<30000x256xf32, #tpu.memory_space<hbm>>) target(%arg7 : memref<200x256xf32, #tpu.memory_space<vmem>>) offsets(%arg5 : memref<200xi32, #tpu.memory_space<vmem>>) semaphore(%arg9 : memref<!tpu.dma_semaphore, #tpu.memory_space<semaphore_mem>>)
    %add3A_7 = arith.constant 200 : i32
    %add3A_8 = arith.addi %mul3A_2, %add3A_7 : i32
    "tpu.region"() ({
      %run_scoped3A = tpu.sem_alloc : memref<!tpu.dma_semaphore, #tpu.memory_space<semaphore_mem>>
      %dma_start3A_46 = tpu.memref_slice %arg3[%add3A_8] : memref<320000xi32, #tpu.memory_space<hbm>> -> memref<200xi32, #tpu.memory_space<hbm>>
      %dma_start3A_47 = tpu.memref_slice %arg3[%add3A_8] : memref<320000xi32, #tpu.memory_space<hbm>> -> memref<200xi32, #tpu.memory_space<hbm>>
      tpu.enqueue_dma source(%dma_start3A_47 : memref<200xi32, #tpu.memory_space<hbm>>) target(%arg6 : memref<200xi32, #tpu.memory_space<vmem>>) target_semaphore(%run_scoped3A : memref<!tpu.dma_semaphore, #tpu.memory_space<semaphore_mem>>)
      %dma_wait3A_48 = tpu.memref_slice %arg3[%add3A_8] : memref<320000xi32, #tpu.memory_space<hbm>> -> memref<200xi32, #tpu.memory_space<hbm>>
      %dma_wait3A_49 = tpu.memref_slice %arg3[%add3A_8] : memref<320000xi32, #tpu.memory_space<hbm>> -> memref<200xi32, #tpu.memory_space<hbm>>
      tpu.wait_dma2 semaphore(%run_scoped3A : memref<!tpu.dma_semaphore, #tpu.memory_space<semaphore_mem>>) src(%dma_wait3A_49 : memref<200xi32, #tpu.memory_space<hbm>>) dst(%arg6 : memref<200xi32, #tpu.memory_space<vmem>>)
      tpu.yield
    }) : () -> ()
    %dma_start3A_9 = arith.constant 0 : i32
    %dma_start3A_10 = arith.constant 0 : i32
    %dma_start3A_11 = tpu.memref_slice %arg2[%dma_start3A_9, %dma_start3A_10] : memref<30000x256xf32, #tpu.memory_space<hbm>> -> memref<30000x256xf32, #tpu.memory_space<hbm>>
    tpu.enqueue_indirect_dma source(%dma_start3A_11 : memref<30000x256xf32, #tpu.memory_space<hbm>>) target(%arg8 : memref<200x256xf32, #tpu.memory_space<vmem>>) offsets(%arg6 : memref<200xi32, #tpu.memory_space<vmem>>) semaphore(%arg10 : memref<!tpu.dma_semaphore, #tpu.memory_space<semaphore_mem>>)
    %dma_wait3A = arith.constant 0 : i32
    %dma_wait3A_12 = arith.constant 0 : i32
    %dma_wait3A_13 = tpu.memref_slice %arg2[%dma_wait3A, %dma_wait3A_12] : memref<30000x256xf32, #tpu.memory_space<hbm>> -> memref<30000x256xf32, #tpu.memory_space<hbm>>
    tpu.wait_indirect_dma semaphore(%arg9 : memref<!tpu.dma_semaphore, #tpu.memory_space<semaphore_mem>>) src(%dma_wait3A_13 : memref<30000x256xf32, #tpu.memory_space<hbm>>) dst(%arg7 : memref<200x256xf32, #tpu.memory_space<vmem>>)
    %add3A_14 = arith.constant 0 : i32
    %add3A_15 = arith.addi %mul3A_2, %add3A_14 : i32
    %dma_start3A_16 = arith.constant 0 : i32
    %dma_start3A_17 = tpu.memref_slice %arg4[%add3A_15, %dma_start3A_16] : memref<320000x256xf32, #tpu.memory_space<hbm>> -> memref<200x256xf32, #tpu.memory_space<hbm>>
    %dma_start3A_18 = arith.constant 0 : i32
    %dma_start3A_19 = tpu.memref_slice %arg4[%add3A_15, %dma_start3A_18] : memref<320000x256xf32, #tpu.memory_space<hbm>> -> memref<200x256xf32, #tpu.memory_space<hbm>>
    tpu.enqueue_dma source(%arg7 : memref<200x256xf32, #tpu.memory_space<vmem>>) target(%dma_start3A_19 : memref<200x256xf32, #tpu.memory_space<hbm>>) target_semaphore(%arg11 : memref<!tpu.dma_semaphore, #tpu.memory_space<semaphore_mem>>)
    %scan3A = arith.constant 0 : i32
    %scan3A_20 = arith.constant 0 : i32
    %scan3A_21 = arith.constant 24 : i32
    %scan3A_22 = arith.addi %scan3A_20, %scan3A_21 : i32
    %scan3A_23 = arith.constant 1 : i32
    scf.for %scan3A_46 = %scan3A_20 to %scan3A_22 step %scan3A_23  : i32 {
      %mul3A_47 = arith.constant 2 : i32
      %mul3A_48 = arith.muli %mul3A_47, %scan3A_46 : i32
      %add3A_49 = arith.constant 1 : i32
      %add3A_50 = arith.addi %add3A_49, %mul3A_48 : i32
      %add3A_51 = arith.constant 1 : i32
      %add3A_52 = arith.addi %add3A_50, %add3A_51 : i32
      %mul3A_53 = arith.constant 200 : i32
      %mul3A_54 = arith.muli %add3A_52, %mul3A_53 : i32
      %add3A_55 = arith.addi %mul3A_2, %mul3A_54 : i32
      "tpu.region"() ({
        %run_scoped3A = tpu.sem_alloc : memref<!tpu.dma_semaphore, #tpu.memory_space<semaphore_mem>>
        %dma_start3A_101 = tpu.memref_slice %arg3[%add3A_55] : memref<320000xi32, #tpu.memory_space<hbm>> -> memref<200xi32, #tpu.memory_space<hbm>>
        %dma_start3A_102 = tpu.memref_slice %arg3[%add3A_55] : memref<320000xi32, #tpu.memory_space<hbm>> -> memref<200xi32, #tpu.memory_space<hbm>>
        tpu.enqueue_dma source(%dma_start3A_102 : memref<200xi32, #tpu.memory_space<hbm>>) target(%arg5 : memref<200xi32, #tpu.memory_space<vmem>>) target_semaphore(%run_scoped3A : memref<!tpu.dma_semaphore, #tpu.memory_space<semaphore_mem>>)
        %dma_wait3A_103 = tpu.memref_slice %arg3[%add3A_55] : memref<320000xi32, #tpu.memory_space<hbm>> -> memref<200xi32, #tpu.memory_space<hbm>>
        %dma_wait3A_104 = tpu.memref_slice %arg3[%add3A_55] : memref<320000xi32, #tpu.memory_space<hbm>> -> memref<200xi32, #tpu.memory_space<hbm>>
        tpu.wait_dma2 semaphore(%run_scoped3A : memref<!tpu.dma_semaphore, #tpu.memory_space<semaphore_mem>>) src(%dma_wait3A_104 : memref<200xi32, #tpu.memory_space<hbm>>) dst(%arg5 : memref<200xi32, #tpu.memory_space<vmem>>)
        tpu.yield
      }) : () -> ()
      %dma_wait3A_56 = arith.constant 0 : i32
      %dma_wait3A_57 = arith.constant 0 : i32
      %dma_wait3A_58 = tpu.memref_slice %arg4[%dma_wait3A_56, %dma_wait3A_57] : memref<320000x256xf32, #tpu.memory_space<hbm>> -> memref<200x256xf32, #tpu.memory_space<hbm>>
      %dma_wait3A_59 = arith.constant 0 : i32
      %dma_wait3A_60 = arith.constant 0 : i32
      %dma_wait3A_61 = tpu.memref_slice %arg4[%dma_wait3A_59, %dma_wait3A_60] : memref<320000x256xf32, #tpu.memory_space<hbm>> -> memref<200x256xf32, #tpu.memory_space<hbm>>
      tpu.wait_dma2 semaphore(%arg11 : memref<!tpu.dma_semaphore, #tpu.memory_space<semaphore_mem>>) src(%arg7 : memref<200x256xf32, #tpu.memory_space<vmem>>) dst(%dma_wait3A_61 : memref<200x256xf32, #tpu.memory_space<hbm>>)
      %dma_start3A_62 = arith.constant 0 : i32
      %dma_start3A_63 = arith.constant 0 : i32
      %dma_start3A_64 = tpu.memref_slice %arg2[%dma_start3A_62, %dma_start3A_63] : memref<30000x256xf32, #tpu.memory_space<hbm>> -> memref<30000x256xf32, #tpu.memory_space<hbm>>
      tpu.enqueue_indirect_dma source(%dma_start3A_64 : memref<30000x256xf32, #tpu.memory_space<hbm>>) target(%arg7 : memref<200x256xf32, #tpu.memory_space<vmem>>) offsets(%arg5 : memref<200xi32, #tpu.memory_space<vmem>>) semaphore(%arg9 : memref<!tpu.dma_semaphore, #tpu.memory_space<semaphore_mem>>)
      %dma_wait3A_65 = arith.constant 0 : i32
      %dma_wait3A_66 = arith.constant 0 : i32
      %dma_wait3A_67 = tpu.memref_slice %arg2[%dma_wait3A_65, %dma_wait3A_66] : memref<30000x256xf32, #tpu.memory_space<hbm>> -> memref<30000x256xf32, #tpu.memory_space<hbm>>
      tpu.wait_indirect_dma semaphore(%arg10 : memref<!tpu.dma_semaphore, #tpu.memory_space<semaphore_mem>>) src(%dma_wait3A_67 : memref<30000x256xf32, #tpu.memory_space<hbm>>) dst(%arg8 : memref<200x256xf32, #tpu.memory_space<vmem>>)
      %mul3A_68 = arith.constant 200 : i32
      %mul3A_69 = arith.muli %add3A_50, %mul3A_68 : i32
      %add3A_70 = arith.addi %mul3A_2, %mul3A_69 : i32
      %dma_start3A_71 = arith.constant 0 : i32
      %dma_start3A_72 = tpu.memref_slice %arg4[%add3A_70, %dma_start3A_71] : memref<320000x256xf32, #tpu.memory_space<hbm>> -> memref<200x256xf32, #tpu.memory_space<hbm>>
      %dma_start3A_73 = arith.constant 0 : i32
      %dma_start3A_74 = tpu.memref_slice %arg4[%add3A_70, %dma_start3A_73] : memref<320000x256xf32, #tpu.memory_space<hbm>> -> memref<200x256xf32, #tpu.memory_space<hbm>>
      tpu.enqueue_dma source(%arg8 : memref<200x256xf32, #tpu.memory_space<vmem>>) target(%dma_start3A_74 : memref<200x256xf32, #tpu.memory_space<hbm>>) target_semaphore(%arg12 : memref<!tpu.dma_semaphore, #tpu.memory_space<semaphore_mem>>)
      %add3A_75 = arith.constant 1 : i32
      %add3A_76 = arith.addi %add3A_50, %add3A_75 : i32
      %add3A_77 = arith.constant 1 : i32
      %add3A_78 = arith.addi %add3A_76, %add3A_77 : i32
      %mul3A_79 = arith.constant 200 : i32
      %mul3A_80 = arith.muli %add3A_78, %mul3A_79 : i32
      %add3A_81 = arith.addi %mul3A_2, %mul3A_80 : i32
      "tpu.region"() ({
        %run_scoped3A = tpu.sem_alloc : memref<!tpu.dma_semaphore, #tpu.memory_space<semaphore_mem>>
        %dma_start3A_101 = tpu.memref_slice %arg3[%add3A_81] : memref<320000xi32, #tpu.memory_space<hbm>> -> memref<200xi32, #tpu.memory_space<hbm>>
        %dma_start3A_102 = tpu.memref_slice %arg3[%add3A_81] : memref<320000xi32, #tpu.memory_space<hbm>> -> memref<200xi32, #tpu.memory_space<hbm>>
        tpu.enqueue_dma source(%dma_start3A_102 : memref<200xi32, #tpu.memory_space<hbm>>) target(%arg6 : memref<200xi32, #tpu.memory_space<vmem>>) target_semaphore(%run_scoped3A : memref<!tpu.dma_semaphore, #tpu.memory_space<semaphore_mem>>)
        %dma_wait3A_103 = tpu.memref_slice %arg3[%add3A_81] : memref<320000xi32, #tpu.memory_space<hbm>> -> memref<200xi32, #tpu.memory_space<hbm>>
        %dma_wait3A_104 = tpu.memref_slice %arg3[%add3A_81] : memref<320000xi32, #tpu.memory_space<hbm>> -> memref<200xi32, #tpu.memory_space<hbm>>
        tpu.wait_dma2 semaphore(%run_scoped3A : memref<!tpu.dma_semaphore, #tpu.memory_space<semaphore_mem>>) src(%dma_wait3A_104 : memref<200xi32, #tpu.memory_space<hbm>>) dst(%arg6 : memref<200xi32, #tpu.memory_space<vmem>>)
        tpu.yield
      }) : () -> ()
      %dma_wait3A_82 = arith.constant 0 : i32
      %dma_wait3A_83 = arith.constant 0 : i32
      %dma_wait3A_84 = tpu.memref_slice %arg4[%dma_wait3A_82, %dma_wait3A_83] : memref<320000x256xf32, #tpu.memory_space<hbm>> -> memref<200x256xf32, #tpu.memory_space<hbm>>
      %dma_wait3A_85 = arith.constant 0 : i32
      %dma_wait3A_86 = arith.constant 0 : i32
      %dma_wait3A_87 = tpu.memref_slice %arg4[%dma_wait3A_85, %dma_wait3A_86] : memref<320000x256xf32, #tpu.memory_space<hbm>> -> memref<200x256xf32, #tpu.memory_space<hbm>>
      tpu.wait_dma2 semaphore(%arg12 : memref<!tpu.dma_semaphore, #tpu.memory_space<semaphore_mem>>) src(%arg8 : memref<200x256xf32, #tpu.memory_space<vmem>>) dst(%dma_wait3A_87 : memref<200x256xf32, #tpu.memory_space<hbm>>)
      %dma_start3A_88 = arith.constant 0 : i32
      %dma_start3A_89 = arith.constant 0 : i32
      %dma_start3A_90 = tpu.memref_slice %arg2[%dma_start3A_88, %dma_start3A_89] : memref<30000x256xf32, #tpu.memory_space<hbm>> -> memref<30000x256xf32, #tpu.memory_space<hbm>>
      tpu.enqueue_indirect_dma source(%dma_start3A_90 : memref<30000x256xf32, #tpu.memory_space<hbm>>) target(%arg8 : memref<200x256xf32, #tpu.memory_space<vmem>>) offsets(%arg6 : memref<200xi32, #tpu.memory_space<vmem>>) semaphore(%arg10 : memref<!tpu.dma_semaphore, #tpu.memory_space<semaphore_mem>>)
      %dma_wait3A_91 = arith.constant 0 : i32
      %dma_wait3A_92 = arith.constant 0 : i32
      %dma_wait3A_93 = tpu.memref_slice %arg2[%dma_wait3A_91, %dma_wait3A_92] : memref<30000x256xf32, #tpu.memory_space<hbm>> -> memref<30000x256xf32, #tpu.memory_space<hbm>>
      tpu.wait_indirect_dma semaphore(%arg9 : memref<!tpu.dma_semaphore, #tpu.memory_space<semaphore_mem>>) src(%dma_wait3A_93 : memref<30000x256xf32, #tpu.memory_space<hbm>>) dst(%arg7 : memref<200x256xf32, #tpu.memory_space<vmem>>)
      %mul3A_94 = arith.constant 200 : i32
      %mul3A_95 = arith.muli %add3A_76, %mul3A_94 : i32
      %add3A_96 = arith.addi %mul3A_2, %mul3A_95 : i32
      %dma_start3A_97 = arith.constant 0 : i32
      %dma_start3A_98 = tpu.memref_slice %arg4[%add3A_96, %dma_start3A_97] : memref<320000x256xf32, #tpu.memory_space<hbm>> -> memref<200x256xf32, #tpu.memory_space<hbm>>
      %dma_start3A_99 = arith.constant 0 : i32
      %dma_start3A_100 = tpu.memref_slice %arg4[%add3A_96, %dma_start3A_99] : memref<320000x256xf32, #tpu.memory_space<hbm>> -> memref<200x256xf32, #tpu.memory_space<hbm>>
      tpu.enqueue_dma source(%arg7 : memref<200x256xf32, #tpu.memory_space<vmem>>) target(%dma_start3A_100 : memref<200x256xf32, #tpu.memory_space<hbm>>) target_semaphore(%arg11 : memref<!tpu.dma_semaphore, #tpu.memory_space<semaphore_mem>>)
    }
    %scan3A_24 = arith.constant 24 : i32
    %dma_wait3A_25 = arith.constant 0 : i32
    %dma_wait3A_26 = arith.constant 0 : i32
    %dma_wait3A_27 = tpu.memref_slice %arg2[%dma_wait3A_25, %dma_wait3A_26] : memref<30000x256xf32, #tpu.memory_space<hbm>> -> memref<30000x256xf32, #tpu.memory_space<hbm>>
    tpu.wait_indirect_dma semaphore(%arg10 : memref<!tpu.dma_semaphore, #tpu.memory_space<semaphore_mem>>) src(%dma_wait3A_27 : memref<30000x256xf32, #tpu.memory_space<hbm>>) dst(%arg8 : memref<200x256xf32, #tpu.memory_space<vmem>>)
    %add3A_28 = arith.constant 9800 : i32
    %add3A_29 = arith.addi %mul3A_2, %add3A_28 : i32
    %dma_start3A_30 = arith.constant 0 : i32
    %dma_start3A_31 = tpu.memref_slice %arg4[%add3A_29, %dma_start3A_30] : memref<320000x256xf32, #tpu.memory_space<hbm>> -> memref<200x256xf32, #tpu.memory_space<hbm>>
    %dma_start3A_32 = arith.constant 0 : i32
    %dma_start3A_33 = tpu.memref_slice %arg4[%add3A_29, %dma_start3A_32] : memref<320000x256xf32, #tpu.memory_space<hbm>> -> memref<200x256xf32, #tpu.memory_space<hbm>>
    tpu.enqueue_dma source(%arg8 : memref<200x256xf32, #tpu.memory_space<vmem>>) target(%dma_start3A_33 : memref<200x256xf32, #tpu.memory_space<hbm>>) target_semaphore(%arg12 : memref<!tpu.dma_semaphore, #tpu.memory_space<semaphore_mem>>)
    %dma_wait3A_34 = arith.constant 0 : i32
    %dma_wait3A_35 = arith.constant 0 : i32
    %dma_wait3A_36 = tpu.memref_slice %arg4[%dma_wait3A_34, %dma_wait3A_35] : memref<320000x256xf32, #tpu.memory_space<hbm>> -> memref<200x256xf32, #tpu.memory_space<hbm>>
    %dma_wait3A_37 = arith.constant 0 : i32
    %dma_wait3A_38 = arith.constant 0 : i32
    %dma_wait3A_39 = tpu.memref_slice %arg4[%dma_wait3A_37, %dma_wait3A_38] : memref<320000x256xf32, #tpu.memory_space<hbm>> -> memref<200x256xf32, #tpu.memory_space<hbm>>
    tpu.wait_dma2 semaphore(%arg11 : memref<!tpu.dma_semaphore, #tpu.memory_space<semaphore_mem>>) src(%arg7 : memref<200x256xf32, #tpu.memory_space<vmem>>) dst(%dma_wait3A_39 : memref<200x256xf32, #tpu.memory_space<hbm>>)
    %dma_wait3A_40 = arith.constant 0 : i32
    %dma_wait3A_41 = arith.constant 0 : i32
    %dma_wait3A_42 = tpu.memref_slice %arg4[%dma_wait3A_40, %dma_wait3A_41] : memref<320000x256xf32, #tpu.memory_space<hbm>> -> memref<200x256xf32, #tpu.memory_space<hbm>>
    %dma_wait3A_43 = arith.constant 0 : i32
    %dma_wait3A_44 = arith.constant 0 : i32
    %dma_wait3A_45 = tpu.memref_slice %arg4[%dma_wait3A_43, %dma_wait3A_44] : memref<320000x256xf32, #tpu.memory_space<hbm>> -> memref<200x256xf32, #tpu.memory_space<hbm>>
    tpu.wait_dma2 semaphore(%arg12 : memref<!tpu.dma_semaphore, #tpu.memory_space<semaphore_mem>>) src(%arg8 : memref<200x256xf32, #tpu.memory_space<vmem>>) dst(%dma_wait3A_45 : memref<200x256xf32, #tpu.memory_space<hbm>>)
    return
  }
}

#map = affine_map<(d0, d1) -> (0, 0)>
#map1 = affine_map<(d0, d1) -> (0)>
module attributes {stable_mosaic.version = 14 : i64} {
  func.func @sc_gather(%arg0: i32, %arg1: i32, %arg2: memref<30000x256xf32, #tpu.memory_space<hbm>>, %arg3: memref<320000xi32, #tpu.memory_space<hbm>>, %arg4: memref<320000x256xf32, #tpu.memory_space<hbm>>, %arg5: memref<200xi32, #tpu.memory_space<vmem>>, %arg6: memref<200xi32, #tpu.memory_space<vmem>>, %arg7: memref<200x256xf32, #tpu.memory_space<vmem>>, %arg8: memref<200x256xf32, #tpu.memory_space<vmem>>, %arg9: memref<!tpu.dma_semaphore, #tpu.memory_space<semaphore_mem>>, %arg10: memref<!tpu.dma_semaphore, #tpu.memory_space<semaphore_mem>>, %arg11: memref<!tpu.dma_semaphore, #tpu.memory_space<semaphore_mem>>, %arg12: memref<!tpu.dma_semaphore, #tpu.memory_space<semaphore_mem>>) attributes {dimension_semantics = [#tpu.dimension_semantics<core_parallel>, #tpu.dimension_semantics<subcore_parallel>], iteration_bounds = array<i64: 2, 16>, scalar_prefetch = 0 : i64, scratch_operands = 8 : i64, tpu.core_type = #tpu.core_type<sc_vector_subcore>, window_params = [{transform_indices = #map}, {transform_indices = #map1}, {transform_indices = #map}]} {
    %mul3A = arith.constant 2 : i32
    %mul3A_0 = arith.muli %arg1, %mul3A : i32
    %add3A = arith.addi %mul3A_0, %arg0 : i32
    %mul3A_1 = arith.constant 10000 : i32
    %mul3A_2 = arith.muli %add3A, %mul3A_1 : i32
    %add3A_3 = arith.constant 0 : i32
    %add3A_4 = arith.addi %mul3A_2, %add3A_3 : i32
    "tpu.region"() ({
      %run_scoped3A = tpu.sem_alloc : memref<!tpu.dma_semaphore, #tpu.memory_space<semaphore_mem>>
      %dma_start3A_46 = tpu.memref_slice %arg3[%add3A_4] : memref<320000xi32, #tpu.memory_space<hbm>> -> memref<200xi32, #tpu.memory_space<hbm>>
      %dma_start3A_47 = tpu.memref_slice %arg3[%add3A_4] : memref<320000xi32, #tpu.memory_space<hbm>> -> memref<200xi32, #tpu.memory_space<hbm>>
      tpu.enqueue_dma source(%dma_start3A_47 : memref<200xi32, #tpu.memory_space<hbm>>) target(%arg5 : memref<200xi32, #tpu.memory_space<vmem>>) target_semaphore(%run_scoped3A : memref<!tpu.dma_semaphore, #tpu.memory_space<semaphore_mem>>)
      %dma_wait3A_48 = tpu.memref_slice %arg3[%add3A_4] : memref<320000xi32, #tpu.memory_space<hbm>> -> memref<200xi32, #tpu.memory_space<hbm>>
      %dma_wait3A_49 = tpu.memref_slice %arg3[%add3A_4] : memref<320000xi32, #tpu.memory_space<hbm>> -> memref<200xi32, #tpu.memory_space<hbm>>
      tpu.wait_dma2 semaphore(%run_scoped3A : memref<!tpu.dma_semaphore, #tpu.memory_space<semaphore_mem>>) src(%dma_wait3A_49 : memref<200xi32, #tpu.memory_space<hbm>>) dst(%arg5 : memref<200xi32, #tpu.memory_space<vmem>>)
      tpu.yield
    }) : () -> ()
    %dma_start3A = arith.constant 0 : i32
    %dma_start3A_5 = arith.constant 0 : i32
    %dma_start3A_6 = tpu.memref_slice %arg2[%dma_start3A, %dma_start3A_5] : memref<30000x256xf32, #tpu.memory_space<hbm>> -> memref<30000x256xf32, #tpu.memory_space<hbm>>
    tpu.enqueue_indirect_dma source(%dma_start3A_6 : memref<30000x256xf32, #tpu.memory_space<hbm>>) target(%arg7 : memref<200x256xf32, #tpu.memory_space<vmem>>) offsets(%arg5 : memref<200xi32, #tpu.memory_space<vmem>>) semaphore(%arg9 : memref<!tpu.dma_semaphore, #tpu.memory_space<semaphore_mem>>)
    %add3A_7 = arith.constant 200 : i32
    %add3A_8 = arith.addi %mul3A_2, %add3A_7 : i32
    "tpu.region"() ({
      %run_scoped3A = tpu.sem_alloc : memref<!tpu.dma_semaphore, #tpu.memory_space<semaphore_mem>>
      %dma_start3A_46 = tpu.memref_slice %arg3[%add3A_8] : memref<320000xi32, #tpu.memory_space<hbm>> -> memref<200xi32, #tpu.memory_space<hbm>>
      %dma_start3A_47 = tpu.memref_slice %arg3[%add3A_8] : memref<320000xi32, #tpu.memory_space<hbm>> -> memref<200xi32, #tpu.memory_space<hbm>>
      tpu.enqueue_dma source(%dma_start3A_47 : memref<200xi32, #tpu.memory_space<hbm>>) target(%arg6 : memref<200xi32, #tpu.memory_space<vmem>>) target_semaphore(%run_scoped3A : memref<!tpu.dma_semaphore, #tpu.memory_space<semaphore_mem>>)
      %dma_wait3A_48 = tpu.memref_slice %arg3[%add3A_8] : memref<320000xi32, #tpu.memory_space<hbm>> -> memref<200xi32, #tpu.memory_space<hbm>>
      %dma_wait3A_49 = tpu.memref_slice %arg3[%add3A_8] : memref<320000xi32, #tpu.memory_space<hbm>> -> memref<200xi32, #tpu.memory_space<hbm>>
      tpu.wait_dma2 semaphore(%run_scoped3A : memref<!tpu.dma_semaphore, #tpu.memory_space<semaphore_mem>>) src(%dma_wait3A_49 : memref<200xi32, #tpu.memory_space<hbm>>) dst(%arg6 : memref<200xi32, #tpu.memory_space<vmem>>)
      tpu.yield
    }) : () -> ()
    %dma_start3A_9 = arith.constant 0 : i32
    %dma_start3A_10 = arith.constant 0 : i32
    %dma_start3A_11 = tpu.memref_slice %arg2[%dma_start3A_9, %dma_start3A_10] : memref<30000x256xf32, #tpu.memory_space<hbm>> -> memref<30000x256xf32, #tpu.memory_space<hbm>>
    tpu.enqueue_indirect_dma source(%dma_start3A_11 : memref<30000x256xf32, #tpu.memory_space<hbm>>) target(%arg8 : memref<200x256xf32, #tpu.memory_space<vmem>>) offsets(%arg6 : memref<200xi32, #tpu.memory_space<vmem>>) semaphore(%arg10 : memref<!tpu.dma_semaphore, #tpu.memory_space<semaphore_mem>>)
    %dma_wait3A = arith.constant 0 : i32
    %dma_wait3A_12 = arith.constant 0 : i32
    %dma_wait3A_13 = tpu.memref_slice %arg2[%dma_wait3A, %dma_wait3A_12] : memref<30000x256xf32, #tpu.memory_space<hbm>> -> memref<30000x256xf32, #tpu.memory_space<hbm>>
    tpu.wait_indirect_dma semaphore(%arg9 : memref<!tpu.dma_semaphore, #tpu.memory_space<semaphore_mem>>) src(%dma_wait3A_13 : memref<30000x256xf32, #tpu.memory_space<hbm>>) dst(%arg7 : memref<200x256xf32, #tpu.memory_space<vmem>>)
    %add3A_14 = arith.constant 0 : i32
    %add3A_15 = arith.addi %mul3A_2, %add3A_14 : i32
    %dma_start3A_16 = arith.constant 0 : i32
    %dma_start3A_17 = tpu.memref_slice %arg4[%add3A_15, %dma_start3A_16] : memref<320000x256xf32, #tpu.memory_space<hbm>> -> memref<200x256xf32, #tpu.memory_space<hbm>>
    %dma_start3A_18 = arith.constant 0 : i32
    %dma_start3A_19 = tpu.memref_slice %arg4[%add3A_15, %dma_start3A_18] : memref<320000x256xf32, #tpu.memory_space<hbm>> -> memref<200x256xf32, #tpu.memory_space<hbm>>
    tpu.enqueue_dma source(%arg7 : memref<200x256xf32, #tpu.memory_space<vmem>>) target(%dma_start3A_19 : memref<200x256xf32, #tpu.memory_space<hbm>>) target_semaphore(%arg11 : memref<!tpu.dma_semaphore, #tpu.memory_space<semaphore_mem>>)
    %scan3A = arith.constant 0 : i32
    %scan3A_20 = arith.constant 0 : i32
    %scan3A_21 = arith.constant 24 : i32
    %scan3A_22 = arith.addi %scan3A_20, %scan3A_21 : i32
    %scan3A_23 = arith.constant 1 : i32
    scf.for %scan3A_46 = %scan3A_20 to %scan3A_22 step %scan3A_23  : i32 {
      %mul3A_47 = arith.constant 2 : i32
      %mul3A_48 = arith.muli %mul3A_47, %scan3A_46 : i32
      %add3A_49 = arith.constant 1 : i32
      %add3A_50 = arith.addi %add3A_49, %mul3A_48 : i32
      %add3A_51 = arith.constant 1 : i32
      %add3A_52 = arith.addi %add3A_50, %add3A_51 : i32
      %mul3A_53 = arith.constant 200 : i32
      %mul3A_54 = arith.muli %add3A_52, %mul3A_53 : i32
      %add3A_55 = arith.addi %mul3A_2, %mul3A_54 : i32
      "tpu.region"() ({
        %run_scoped3A = tpu.sem_alloc : memref<!tpu.dma_semaphore, #tpu.memory_space<semaphore_mem>>
        %dma_start3A_101 = tpu.memref_slice %arg3[%add3A_55] : memref<320000xi32, #tpu.memory_space<hbm>> -> memref<200xi32, #tpu.memory_space<hbm>>
        %dma_start3A_102 = tpu.memref_slice %arg3[%add3A_55] : memref<320000xi32, #tpu.memory_space<hbm>> -> memref<200xi32, #tpu.memory_space<hbm>>
        tpu.enqueue_dma source(%dma_start3A_102 : memref<200xi32, #tpu.memory_space<hbm>>) target(%arg5 : memref<200xi32, #tpu.memory_space<vmem>>) target_semaphore(%run_scoped3A : memref<!tpu.dma_semaphore, #tpu.memory_space<semaphore_mem>>)
        %dma_wait3A_103 = tpu.memref_slice %arg3[%add3A_55] : memref<320000xi32, #tpu.memory_space<hbm>> -> memref<200xi32, #tpu.memory_space<hbm>>
        %dma_wait3A_104 = tpu.memref_slice %arg3[%add3A_55] : memref<320000xi32, #tpu.memory_space<hbm>> -> memref<200xi32, #tpu.memory_space<hbm>>
        tpu.wait_dma2 semaphore(%run_scoped3A : memref<!tpu.dma_semaphore, #tpu.memory_space<semaphore_mem>>) src(%dma_wait3A_104 : memref<200xi32, #tpu.memory_space<hbm>>) dst(%arg5 : memref<200xi32, #tpu.memory_space<vmem>>)
        tpu.yield
      }) : () -> ()
      %dma_wait3A_56 = arith.constant 0 : i32
      %dma_wait3A_57 = arith.constant 0 : i32
      %dma_wait3A_58 = tpu.memref_slice %arg4[%dma_wait3A_56, %dma_wait3A_57] : memref<320000x256xf32, #tpu.memory_space<hbm>> -> memref<200x256xf32, #tpu.memory_space<hbm>>
      %dma_wait3A_59 = arith.constant 0 : i32
      %dma_wait3A_60 = arith.constant 0 : i32
      %dma_wait3A_61 = tpu.memref_slice %arg4[%dma_wait3A_59, %dma_wait3A_60] : memref<320000x256xf32, #tpu.memory_space<hbm>> -> memref<200x256xf32, #tpu.memory_space<hbm>>
      tpu.wait_dma2 semaphore(%arg11 : memref<!tpu.dma_semaphore, #tpu.memory_space<semaphore_mem>>) src(%arg7 : memref<200x256xf32, #tpu.memory_space<vmem>>) dst(%dma_wait3A_61 : memref<200x256xf32, #tpu.memory_space<hbm>>)
      %dma_start3A_62 = arith.constant 0 : i32
      %dma_start3A_63 = arith.constant 0 : i32
      %dma_start3A_64 = tpu.memref_slice %arg2[%dma_start3A_62, %dma_start3A_63] : memref<30000x256xf32, #tpu.memory_space<hbm>> -> memref<30000x256xf32, #tpu.memory_space<hbm>>
      tpu.enqueue_indirect_dma source(%dma_start3A_64 : memref<30000x256xf32, #tpu.memory_space<hbm>>) target(%arg7 : memref<200x256xf32, #tpu.memory_space<vmem>>) offsets(%arg5 : memref<200xi32, #tpu.memory_space<vmem>>) semaphore(%arg9 : memref<!tpu.dma_semaphore, #tpu.memory_space<semaphore_mem>>)
      %dma_wait3A_65 = arith.constant 0 : i32
      %dma_wait3A_66 = arith.constant 0 : i32
      %dma_wait3A_67 = tpu.memref_slice %arg2[%dma_wait3A_65, %dma_wait3A_66] : memref<30000x256xf32, #tpu.memory_space<hbm>> -> memref<30000x256xf32, #tpu.memory_space<hbm>>
      tpu.wait_indirect_dma semaphore(%arg10 : memref<!tpu.dma_semaphore, #tpu.memory_space<semaphore_mem>>) src(%dma_wait3A_67 : memref<30000x256xf32, #tpu.memory_space<hbm>>) dst(%arg8 : memref<200x256xf32, #tpu.memory_space<vmem>>)
      %mul3A_68 = arith.constant 200 : i32
      %mul3A_69 = arith.muli %add3A_50, %mul3A_68 : i32
      %add3A_70 = arith.addi %mul3A_2, %mul3A_69 : i32
      %dma_start3A_71 = arith.constant 0 : i32
      %dma_start3A_72 = tpu.memref_slice %arg4[%add3A_70, %dma_start3A_71] : memref<320000x256xf32, #tpu.memory_space<hbm>> -> memref<200x256xf32, #tpu.memory_space<hbm>>
      %dma_start3A_73 = arith.constant 0 : i32
      %dma_start3A_74 = tpu.memref_slice %arg4[%add3A_70, %dma_start3A_73] : memref<320000x256xf32, #tpu.memory_space<hbm>> -> memref<200x256xf32, #tpu.memory_space<hbm>>
      tpu.enqueue_dma source(%arg8 : memref<200x256xf32, #tpu.memory_space<vmem>>) target(%dma_start3A_74 : memref<200x256xf32, #tpu.memory_space<hbm>>) target_semaphore(%arg12 : memref<!tpu.dma_semaphore, #tpu.memory_space<semaphore_mem>>)
      %add3A_75 = arith.constant 1 : i32
      %add3A_76 = arith.addi %add3A_50, %add3A_75 : i32
      %add3A_77 = arith.constant 1 : i32
      %add3A_78 = arith.addi %add3A_76, %add3A_77 : i32
      %mul3A_79 = arith.constant 200 : i32
      %mul3A_80 = arith.muli %add3A_78, %mul3A_79 : i32
      %add3A_81 = arith.addi %mul3A_2, %mul3A_80 : i32
      "tpu.region"() ({
        %run_scoped3A = tpu.sem_alloc : memref<!tpu.dma_semaphore, #tpu.memory_space<semaphore_mem>>
        %dma_start3A_101 = tpu.memref_slice %arg3[%add3A_81] : memref<320000xi32, #tpu.memory_space<hbm>> -> memref<200xi32, #tpu.memory_space<hbm>>
        %dma_start3A_102 = tpu.memref_slice %arg3[%add3A_81] : memref<320000xi32, #tpu.memory_space<hbm>> -> memref<200xi32, #tpu.memory_space<hbm>>
        tpu.enqueue_dma source(%dma_start3A_102 : memref<200xi32, #tpu.memory_space<hbm>>) target(%arg6 : memref<200xi32, #tpu.memory_space<vmem>>) target_semaphore(%run_scoped3A : memref<!tpu.dma_semaphore, #tpu.memory_space<semaphore_mem>>)
        %dma_wait3A_103 = tpu.memref_slice %arg3[%add3A_81] : memref<320000xi32, #tpu.memory_space<hbm>> -> memref<200xi32, #tpu.memory_space<hbm>>
        %dma_wait3A_104 = tpu.memref_slice %arg3[%add3A_81] : memref<320000xi32, #tpu.memory_space<hbm>> -> memref<200xi32, #tpu.memory_space<hbm>>
        tpu.wait_dma2 semaphore(%run_scoped3A : memref<!tpu.dma_semaphore, #tpu.memory_space<semaphore_mem>>) src(%dma_wait3A_104 : memref<200xi32, #tpu.memory_space<hbm>>) dst(%arg6 : memref<200xi32, #tpu.memory_space<vmem>>)
        tpu.yield
      }) : () -> ()
      %dma_wait3A_82 = arith.constant 0 : i32
      %dma_wait3A_83 = arith.constant 0 : i32
      %dma_wait3A_84 = tpu.memref_slice %arg4[%dma_wait3A_82, %dma_wait3A_83] : memref<320000x256xf32, #tpu.memory_space<hbm>> -> memref<200x256xf32, #tpu.memory_space<hbm>>
      %dma_wait3A_85 = arith.constant 0 : i32
      %dma_wait3A_86 = arith.constant 0 : i32
      %dma_wait3A_87 = tpu.memref_slice %arg4[%dma_wait3A_85, %dma_wait3A_86] : memref<320000x256xf32, #tpu.memory_space<hbm>> -> memref<200x256xf32, #tpu.memory_space<hbm>>
      tpu.wait_dma2 semaphore(%arg12 : memref<!tpu.dma_semaphore, #tpu.memory_space<semaphore_mem>>) src(%arg8 : memref<200x256xf32, #tpu.memory_space<vmem>>) dst(%dma_wait3A_87 : memref<200x256xf32, #tpu.memory_space<hbm>>)
      %dma_start3A_88 = arith.constant 0 : i32
      %dma_start3A_89 = arith.constant 0 : i32
      %dma_start3A_90 = tpu.memref_slice %arg2[%dma_start3A_88, %dma_start3A_89] : memref<30000x256xf32, #tpu.memory_space<hbm>> -> memref<30000x256xf32, #tpu.memory_space<hbm>>
      tpu.enqueue_indirect_dma source(%dma_start3A_90 : memref<30000x256xf32, #tpu.memory_space<hbm>>) target(%arg8 : memref<200x256xf32, #tpu.memory_space<vmem>>) offsets(%arg6 : memref<200xi32, #tpu.memory_space<vmem>>) semaphore(%arg10 : memref<!tpu.dma_semaphore, #tpu.memory_space<semaphore_mem>>)
      %dma_wait3A_91 = arith.constant 0 : i32
      %dma_wait3A_92 = arith.constant 0 : i32
      %dma_wait3A_93 = tpu.memref_slice %arg2[%dma_wait3A_91, %dma_wait3A_92] : memref<30000x256xf32, #tpu.memory_space<hbm>> -> memref<30000x256xf32, #tpu.memory_space<hbm>>
      tpu.wait_indirect_dma semaphore(%arg9 : memref<!tpu.dma_semaphore, #tpu.memory_space<semaphore_mem>>) src(%dma_wait3A_93 : memref<30000x256xf32, #tpu.memory_space<hbm>>) dst(%arg7 : memref<200x256xf32, #tpu.memory_space<vmem>>)
      %mul3A_94 = arith.constant 200 : i32
      %mul3A_95 = arith.muli %add3A_76, %mul3A_94 : i32
      %add3A_96 = arith.addi %mul3A_2, %mul3A_95 : i32
      %dma_start3A_97 = arith.constant 0 : i32
      %dma_start3A_98 = tpu.memref_slice %arg4[%add3A_96, %dma_start3A_97] : memref<320000x256xf32, #tpu.memory_space<hbm>> -> memref<200x256xf32, #tpu.memory_space<hbm>>
      %dma_start3A_99 = arith.constant 0 : i32
      %dma_start3A_100 = tpu.memref_slice %arg4[%add3A_96, %dma_start3A_99] : memref<320000x256xf32, #tpu.memory_space<hbm>> -> memref<200x256xf32, #tpu.memory_space<hbm>>
      tpu.enqueue_dma source(%arg7 : memref<200x256xf32, #tpu.memory_space<vmem>>) target(%dma_start3A_100 : memref<200x256xf32, #tpu.memory_space<hbm>>) target_semaphore(%arg11 : memref<!tpu.dma_semaphore, #tpu.memory_space<semaphore_mem>>)
    }
    %scan3A_24 = arith.constant 24 : i32
    %dma_wait3A_25 = arith.constant 0 : i32
    %dma_wait3A_26 = arith.constant 0 : i32
    %dma_wait3A_27 = tpu.memref_slice %arg2[%dma_wait3A_25, %dma_wait3A_26] : memref<30000x256xf32, #tpu.memory_space<hbm>> -> memref<30000x256xf32, #tpu.memory_space<hbm>>
    tpu.wait_indirect_dma semaphore(%arg10 : memref<!tpu.dma_semaphore, #tpu.memory_space<semaphore_mem>>) src(%dma_wait3A_27 : memref<30000x256xf32, #tpu.memory_space<hbm>>) dst(%arg8 : memref<200x256xf32, #tpu.memory_space<vmem>>)
    %add3A_28 = arith.constant 9800 : i32
    %add3A_29 = arith.addi %mul3A_2, %add3A_28 : i32
    %dma_start3A_30 = arith.constant 0 : i32
    %dma_start3A_31 = tpu.memref_slice %arg4[%add3A_29, %dma_start3A_30] : memref<320000x256xf32, #tpu.memory_space<hbm>> -> memref<200x256xf32, #tpu.memory_space<hbm>>
    %dma_start3A_32 = arith.constant 0 : i32
    %dma_start3A_33 = tpu.memref_slice %arg4[%add3A_29, %dma_start3A_32] : memref<320000x256xf32, #tpu.memory_space<hbm>> -> memref<200x256xf32, #tpu.memory_space<hbm>>
    tpu.enqueue_dma source(%arg8 : memref<200x256xf32, #tpu.memory_space<vmem>>) target(%dma_start3A_33 : memref<200x256xf32, #tpu.memory_space<hbm>>) target_semaphore(%arg12 : memref<!tpu.dma_semaphore, #tpu.memory_space<semaphore_mem>>)
    %dma_wait3A_34 = arith.constant 0 : i32
    %dma_wait3A_35 = arith.constant 0 : i32
    %dma_wait3A_36 = tpu.memref_slice %arg4[%dma_wait3A_34, %dma_wait3A_35] : memref<320000x256xf32, #tpu.memory_space<hbm>> -> memref<200x256xf32, #tpu.memory_space<hbm>>
    %dma_wait3A_37 = arith.constant 0 : i32
    %dma_wait3A_38 = arith.constant 0 : i32
    %dma_wait3A_39 = tpu.memref_slice %arg4[%dma_wait3A_37, %dma_wait3A_38] : memref<320000x256xf32, #tpu.memory_space<hbm>> -> memref<200x256xf32, #tpu.memory_space<hbm>>
    tpu.wait_dma2 semaphore(%arg11 : memref<!tpu.dma_semaphore, #tpu.memory_space<semaphore_mem>>) src(%arg7 : memref<200x256xf32, #tpu.memory_space<vmem>>) dst(%dma_wait3A_39 : memref<200x256xf32, #tpu.memory_space<hbm>>)
    %dma_wait3A_40 = arith.constant 0 : i32
    %dma_wait3A_41 = arith.constant 0 : i32
    %dma_wait3A_42 = tpu.memref_slice %arg4[%dma_wait3A_40, %dma_wait3A_41] : memref<320000x256xf32, #tpu.memory_space<hbm>> -> memref<200x256xf32, #tpu.memory_space<hbm>>
    %dma_wait3A_43 = arith.constant 0 : i32
    %dma_wait3A_44 = arith.constant 0 : i32
    %dma_wait3A_45 = tpu.memref_slice %arg4[%dma_wait3A_43, %dma_wait3A_44] : memref<320000x256xf32, #tpu.memory_space<hbm>> -> memref<200x256xf32, #tpu.memory_space<hbm>>
    tpu.wait_dma2 semaphore(%arg12 : memref<!tpu.dma_semaphore, #tpu.memory_space<semaphore_mem>>) src(%arg8 : memref<200x256xf32, #tpu.memory_space<vmem>>) dst(%dma_wait3A_45 : memref<200x256xf32, #tpu.memory_space<hbm>>)
    return
  }
}

#map = affine_map<(d0, d1) -> (0, 0)>
#map1 = affine_map<(d0, d1) -> (0)>
module attributes {stable_mosaic.version = 14 : i64} {
  func.func @sc_scatter_add(%arg0: i32, %arg1: i32, %arg2: memref<160000x256xf32, #tpu.memory_space<hbm>>, %arg3: memref<160000xi32, #tpu.memory_space<hbm>>, %arg4: memref<640x128xf32, #tpu.memory_space<hbm>>, %arg5: memref<10240x256xf32, #tpu.memory_space<hbm>>, %arg6: memref<80xi32, #tpu.memory_space<vmem>>, %arg7: memref<80xi32, #tpu.memory_space<vmem>>, %arg8: memref<80x128xf32, #tpu.memory_space<vmem>>, %arg9: memref<80x128xf32, #tpu.memory_space<vmem>>, %arg10: memref<10240x128xf32, #tpu.memory_space<vmem_shared>>, %arg11: memref<!tpu.dma_semaphore, #tpu.memory_space<semaphore_mem>>, %arg12: memref<!tpu.dma_semaphore, #tpu.memory_space<semaphore_mem>>, %arg13: memref<!tpu.dma_semaphore, #tpu.memory_space<semaphore_mem>>, %arg14: memref<!tpu.dma_semaphore, #tpu.memory_space<semaphore_mem>>) attributes {dimension_semantics = [#tpu.dimension_semantics<core_parallel>, #tpu.dimension_semantics<subcore_parallel>], iteration_bounds = array<i64: 2, 16>, scalar_prefetch = 0 : i64, scratch_operands = 9 : i64, tpu.core_type = #tpu.core_type<sc_vector_subcore>, window_params = [{transform_indices = #map}, {transform_indices = #map1}, {transform_indices = #map}, {transform_indices = #map}]} {
    %mul3A = arith.constant 640 : i32
    %mul3A_0 = arith.muli %arg1, %mul3A : i32
    "tpu.region"() ({
      %run_scoped3A = tpu.sem_alloc : memref<!tpu.dma_semaphore, #tpu.memory_space<semaphore_mem>>
      %dma_start3A_54 = arith.constant 0 : i32
      %dma_start3A_55 = tpu.memref_slice %arg10[%mul3A_0, %dma_start3A_54] : memref<10240x128xf32, #tpu.memory_space<vmem_shared>> -> memref<640x128xf32, #tpu.memory_space<vmem_shared>>
      tpu.enqueue_dma source(%arg4 : memref<640x128xf32, #tpu.memory_space<hbm>>) target(%dma_start3A_55 : memref<640x128xf32, #tpu.memory_space<vmem_shared>>) target_semaphore(%run_scoped3A : memref<!tpu.dma_semaphore, #tpu.memory_space<semaphore_mem>>)
      %dma_wait3A_56 = arith.constant 0 : i32
      %dma_wait3A_57 = tpu.memref_slice %arg10[%mul3A_0, %dma_wait3A_56] : memref<10240x128xf32, #tpu.memory_space<vmem_shared>> -> memref<640x128xf32, #tpu.memory_space<vmem_shared>>
      tpu.wait_dma2 semaphore(%run_scoped3A : memref<!tpu.dma_semaphore, #tpu.memory_space<semaphore_mem>>) src(%arg4 : memref<640x128xf32, #tpu.memory_space<hbm>>) dst(%dma_wait3A_57 : memref<640x128xf32, #tpu.memory_space<vmem_shared>>)
      tpu.yield
    }) : () -> ()
    %barrier3A = arith.constant 0 : index
    tpu.barrier barrier_id(%barrier3A)
    %mul3A_1 = arith.constant 128 : i32
    %mul3A_2 = arith.muli %arg0, %mul3A_1 : i32
    %mul3A_3 = arith.constant 10000 : i32
    %mul3A_4 = arith.muli %arg1, %mul3A_3 : i32
    %add3A = arith.constant 0 : i32
    %add3A_5 = arith.addi %mul3A_4, %add3A : i32
    "tpu.region"() ({
      %run_scoped3A = tpu.sem_alloc : memref<!tpu.dma_semaphore, #tpu.memory_space<semaphore_mem>>
      %dma_start3A_54 = tpu.memref_slice %arg3[%add3A_5] : memref<160000xi32, #tpu.memory_space<hbm>> -> memref<80xi32, #tpu.memory_space<hbm>>
      %dma_start3A_55 = tpu.memref_slice %arg3[%add3A_5] : memref<160000xi32, #tpu.memory_space<hbm>> -> memref<80xi32, #tpu.memory_space<hbm>>
      tpu.enqueue_dma source(%dma_start3A_55 : memref<80xi32, #tpu.memory_space<hbm>>) target(%arg6 : memref<80xi32, #tpu.memory_space<vmem>>) target_semaphore(%run_scoped3A : memref<!tpu.dma_semaphore, #tpu.memory_space<semaphore_mem>>)
      %dma_wait3A_56 = tpu.memref_slice %arg3[%add3A_5] : memref<160000xi32, #tpu.memory_space<hbm>> -> memref<80xi32, #tpu.memory_space<hbm>>
      %dma_wait3A_57 = tpu.memref_slice %arg3[%add3A_5] : memref<160000xi32, #tpu.memory_space<hbm>> -> memref<80xi32, #tpu.memory_space<hbm>>
      tpu.wait_dma2 semaphore(%run_scoped3A : memref<!tpu.dma_semaphore, #tpu.memory_space<semaphore_mem>>) src(%dma_wait3A_57 : memref<80xi32, #tpu.memory_space<hbm>>) dst(%arg6 : memref<80xi32, #tpu.memory_space<vmem>>)
      tpu.yield
    }) : () -> ()
    %dma_start3A = tpu.memref_slice %arg2[%add3A_5, %mul3A_2] : memref<160000x256xf32, #tpu.memory_space<hbm>> -> memref<80x128xf32, #tpu.memory_space<hbm>>
    %dma_start3A_6 = tpu.memref_slice %arg2[%add3A_5, %mul3A_2] : memref<160000x256xf32, #tpu.memory_space<hbm>> -> memref<80x128xf32, #tpu.memory_space<hbm>>
    tpu.enqueue_dma source(%dma_start3A_6 : memref<80x128xf32, #tpu.memory_space<hbm>>) target(%arg8 : memref<80x128xf32, #tpu.memory_space<vmem>>) target_semaphore(%arg11 : memref<!tpu.dma_semaphore, #tpu.memory_space<semaphore_mem>>)
    %add3A_7 = arith.constant 80 : i32
    %add3A_8 = arith.addi %mul3A_4, %add3A_7 : i32
    "tpu.region"() ({
      %run_scoped3A = tpu.sem_alloc : memref<!tpu.dma_semaphore, #tpu.memory_space<semaphore_mem>>
      %dma_start3A_54 = tpu.memref_slice %arg3[%add3A_8] : memref<160000xi32, #tpu.memory_space<hbm>> -> memref<80xi32, #tpu.memory_space<hbm>>
      %dma_start3A_55 = tpu.memref_slice %arg3[%add3A_8] : memref<160000xi32, #tpu.memory_space<hbm>> -> memref<80xi32, #tpu.memory_space<hbm>>
      tpu.enqueue_dma source(%dma_start3A_55 : memref<80xi32, #tpu.memory_space<hbm>>) target(%arg7 : memref<80xi32, #tpu.memory_space<vmem>>) target_semaphore(%run_scoped3A : memref<!tpu.dma_semaphore, #tpu.memory_space<semaphore_mem>>)
      %dma_wait3A_56 = tpu.memref_slice %arg3[%add3A_8] : memref<160000xi32, #tpu.memory_space<hbm>> -> memref<80xi32, #tpu.memory_space<hbm>>
      %dma_wait3A_57 = tpu.memref_slice %arg3[%add3A_8] : memref<160000xi32, #tpu.memory_space<hbm>> -> memref<80xi32, #tpu.memory_space<hbm>>
      tpu.wait_dma2 semaphore(%run_scoped3A : memref<!tpu.dma_semaphore, #tpu.memory_space<semaphore_mem>>) src(%dma_wait3A_57 : memref<80xi32, #tpu.memory_space<hbm>>) dst(%arg7 : memref<80xi32, #tpu.memory_space<vmem>>)
      tpu.yield
    }) : () -> ()
    %dma_start3A_9 = tpu.memref_slice %arg2[%add3A_8, %mul3A_2] : memref<160000x256xf32, #tpu.memory_space<hbm>> -> memref<80x128xf32, #tpu.memory_space<hbm>>
    %dma_start3A_10 = tpu.memref_slice %arg2[%add3A_8, %mul3A_2] : memref<160000x256xf32, #tpu.memory_space<hbm>> -> memref<80x128xf32, #tpu.memory_space<hbm>>
    tpu.enqueue_dma source(%dma_start3A_10 : memref<80x128xf32, #tpu.memory_space<hbm>>) target(%arg9 : memref<80x128xf32, #tpu.memory_space<vmem>>) target_semaphore(%arg12 : memref<!tpu.dma_semaphore, #tpu.memory_space<semaphore_mem>>)
    %dma_wait3A = arith.constant 0 : i32
    %dma_wait3A_11 = tpu.memref_slice %arg2[%dma_wait3A, %mul3A_2] : memref<160000x256xf32, #tpu.memory_space<hbm>> -> memref<80x128xf32, #tpu.memory_space<hbm>>
    %dma_wait3A_12 = arith.constant 0 : i32
    %dma_wait3A_13 = tpu.memref_slice %arg2[%dma_wait3A_12, %mul3A_2] : memref<160000x256xf32, #tpu.memory_space<hbm>> -> memref<80x128xf32, #tpu.memory_space<hbm>>
    tpu.wait_dma2 semaphore(%arg11 : memref<!tpu.dma_semaphore, #tpu.memory_space<semaphore_mem>>) src(%dma_wait3A_13 : memref<80x128xf32, #tpu.memory_space<hbm>>) dst(%arg8 : memref<80x128xf32, #tpu.memory_space<vmem>>)
    %dma_start3A_14 = arith.constant 0 : i32
    %dma_start3A_15 = arith.constant 0 : i32
    %dma_start3A_16 = tpu.memref_slice %arg10[%dma_start3A_14, %dma_start3A_15] : memref<10240x128xf32, #tpu.memory_space<vmem_shared>> -> memref<10240x128xf32, #tpu.memory_space<vmem_shared>>
    tpu.enqueue_indirect_dma source(%arg8 : memref<80x128xf32, #tpu.memory_space<vmem>>) target(%dma_start3A_16 : memref<10240x128xf32, #tpu.memory_space<vmem_shared>>) offsets(%arg6 : memref<80xi32, #tpu.memory_space<vmem>>) semaphore(%arg13 : memref<!tpu.dma_semaphore, #tpu.memory_space<semaphore_mem>>) {add = true}
    %scan3A = arith.constant 0 : i32
    %scan3A_17 = arith.constant 0 : i32
    %scan3A_18 = arith.constant 61 : i32
    %scan3A_19 = arith.addi %scan3A_17, %scan3A_18 : i32
    %scan3A_20 = arith.constant 1 : i32
    scf.for %scan3A_54 = %scan3A_17 to %scan3A_19 step %scan3A_20  : i32 {
      %mul3A_55 = arith.constant 2 : i32
      %mul3A_56 = arith.muli %mul3A_55, %scan3A_54 : i32
      %add3A_57 = arith.constant 2 : i32
      %add3A_58 = arith.addi %add3A_57, %mul3A_56 : i32
      %dma_wait3A_59 = arith.constant 0 : i32
      %dma_wait3A_60 = arith.constant 0 : i32
      %dma_wait3A_61 = tpu.memref_slice %arg10[%dma_wait3A_59, %dma_wait3A_60] : memref<10240x128xf32, #tpu.memory_space<vmem_shared>> -> memref<10240x128xf32, #tpu.memory_space<vmem_shared>>
      tpu.wait_indirect_dma semaphore(%arg13 : memref<!tpu.dma_semaphore, #tpu.memory_space<semaphore_mem>>) src(%arg8 : memref<80x128xf32, #tpu.memory_space<vmem>>) dst(%dma_wait3A_61 : memref<10240x128xf32, #tpu.memory_space<vmem_shared>>)
      %mul3A_62 = arith.constant 80 : i32
      %mul3A_63 = arith.muli %add3A_58, %mul3A_62 : i32
      %add3A_64 = arith.addi %mul3A_4, %mul3A_63 : i32
      "tpu.region"() ({
        %run_scoped3A = tpu.sem_alloc : memref<!tpu.dma_semaphore, #tpu.memory_space<semaphore_mem>>
        %dma_start3A_91 = tpu.memref_slice %arg3[%add3A_64] : memref<160000xi32, #tpu.memory_space<hbm>> -> memref<80xi32, #tpu.memory_space<hbm>>
        %dma_start3A_92 = tpu.memref_slice %arg3[%add3A_64] : memref<160000xi32, #tpu.memory_space<hbm>> -> memref<80xi32, #tpu.memory_space<hbm>>
        tpu.enqueue_dma source(%dma_start3A_92 : memref<80xi32, #tpu.memory_space<hbm>>) target(%arg6 : memref<80xi32, #tpu.memory_space<vmem>>) target_semaphore(%run_scoped3A : memref<!tpu.dma_semaphore, #tpu.memory_space<semaphore_mem>>)
        %dma_wait3A_93 = tpu.memref_slice %arg3[%add3A_64] : memref<160000xi32, #tpu.memory_space<hbm>> -> memref<80xi32, #tpu.memory_space<hbm>>
        %dma_wait3A_94 = tpu.memref_slice %arg3[%add3A_64] : memref<160000xi32, #tpu.memory_space<hbm>> -> memref<80xi32, #tpu.memory_space<hbm>>
        tpu.wait_dma2 semaphore(%run_scoped3A : memref<!tpu.dma_semaphore, #tpu.memory_space<semaphore_mem>>) src(%dma_wait3A_94 : memref<80xi32, #tpu.memory_space<hbm>>) dst(%arg6 : memref<80xi32, #tpu.memory_space<vmem>>)
        tpu.yield
      }) : () -> ()
      %dma_start3A_65 = tpu.memref_slice %arg2[%add3A_64, %mul3A_2] : memref<160000x256xf32, #tpu.memory_space<hbm>> -> memref<80x128xf32, #tpu.memory_space<hbm>>
      %dma_start3A_66 = tpu.memref_slice %arg2[%add3A_64, %mul3A_2] : memref<160000x256xf32, #tpu.memory_space<hbm>> -> memref<80x128xf32, #tpu.memory_space<hbm>>
      tpu.enqueue_dma source(%dma_start3A_66 : memref<80x128xf32, #tpu.memory_space<hbm>>) target(%arg8 : memref<80x128xf32, #tpu.memory_space<vmem>>) target_semaphore(%arg11 : memref<!tpu.dma_semaphore, #tpu.memory_space<semaphore_mem>>)
      %dma_wait3A_67 = arith.constant 0 : i32
      %dma_wait3A_68 = tpu.memref_slice %arg2[%dma_wait3A_67, %mul3A_2] : memref<160000x256xf32, #tpu.memory_space<hbm>> -> memref<80x128xf32, #tpu.memory_space<hbm>>
      %dma_wait3A_69 = arith.constant 0 : i32
      %dma_wait3A_70 = tpu.memref_slice %arg2[%dma_wait3A_69, %mul3A_2] : memref<160000x256xf32, #tpu.memory_space<hbm>> -> memref<80x128xf32, #tpu.memory_space<hbm>>
      tpu.wait_dma2 semaphore(%arg12 : memref<!tpu.dma_semaphore, #tpu.memory_space<semaphore_mem>>) src(%dma_wait3A_70 : memref<80x128xf32, #tpu.memory_space<hbm>>) dst(%arg9 : memref<80x128xf32, #tpu.memory_space<vmem>>)
      %dma_start3A_71 = arith.constant 0 : i32
      %dma_start3A_72 = arith.constant 0 : i32
      %dma_start3A_73 = tpu.memref_slice %arg10[%dma_start3A_71, %dma_start3A_72] : memref<10240x128xf32, #tpu.memory_space<vmem_shared>> -> memref<10240x128xf32, #tpu.memory_space<vmem_shared>>
      tpu.enqueue_indirect_dma source(%arg9 : memref<80x128xf32, #tpu.memory_space<vmem>>) target(%dma_start3A_73 : memref<10240x128xf32, #tpu.memory_space<vmem_shared>>) offsets(%arg7 : memref<80xi32, #tpu.memory_space<vmem>>) semaphore(%arg14 : memref<!tpu.dma_semaphore, #tpu.memory_space<semaphore_mem>>) {add = true}
      %add3A_74 = arith.constant 1 : i32
      %add3A_75 = arith.addi %add3A_58, %add3A_74 : i32
      %dma_wait3A_76 = arith.constant 0 : i32
      %dma_wait3A_77 = arith.constant 0 : i32
      %dma_wait3A_78 = tpu.memref_slice %arg10[%dma_wait3A_76, %dma_wait3A_77] : memref<10240x128xf32, #tpu.memory_space<vmem_shared>> -> memref<10240x128xf32, #tpu.memory_space<vmem_shared>>
      tpu.wait_indirect_dma semaphore(%arg14 : memref<!tpu.dma_semaphore, #tpu.memory_space<semaphore_mem>>) src(%arg9 : memref<80x128xf32, #tpu.memory_space<vmem>>) dst(%dma_wait3A_78 : memref<10240x128xf32, #tpu.memory_space<vmem_shared>>)
      %mul3A_79 = arith.constant 80 : i32
      %mul3A_80 = arith.muli %add3A_75, %mul3A_79 : i32
      %add3A_81 = arith.addi %mul3A_4, %mul3A_80 : i32
      "tpu.region"() ({
        %run_scoped3A = tpu.sem_alloc : memref<!tpu.dma_semaphore, #tpu.memory_space<semaphore_mem>>
        %dma_start3A_91 = tpu.memref_slice %arg3[%add3A_81] : memref<160000xi32, #tpu.memory_space<hbm>> -> memref<80xi32, #tpu.memory_space<hbm>>
        %dma_start3A_92 = tpu.memref_slice %arg3[%add3A_81] : memref<160000xi32, #tpu.memory_space<hbm>> -> memref<80xi32, #tpu.memory_space<hbm>>
        tpu.enqueue_dma source(%dma_start3A_92 : memref<80xi32, #tpu.memory_space<hbm>>) target(%arg7 : memref<80xi32, #tpu.memory_space<vmem>>) target_semaphore(%run_scoped3A : memref<!tpu.dma_semaphore, #tpu.memory_space<semaphore_mem>>)
        %dma_wait3A_93 = tpu.memref_slice %arg3[%add3A_81] : memref<160000xi32, #tpu.memory_space<hbm>> -> memref<80xi32, #tpu.memory_space<hbm>>
        %dma_wait3A_94 = tpu.memref_slice %arg3[%add3A_81] : memref<160000xi32, #tpu.memory_space<hbm>> -> memref<80xi32, #tpu.memory_space<hbm>>
        tpu.wait_dma2 semaphore(%run_scoped3A : memref<!tpu.dma_semaphore, #tpu.memory_space<semaphore_mem>>) src(%dma_wait3A_94 : memref<80xi32, #tpu.memory_space<hbm>>) dst(%arg7 : memref<80xi32, #tpu.memory_space<vmem>>)
        tpu.yield
      }) : () -> ()
      %dma_start3A_82 = tpu.memref_slice %arg2[%add3A_81, %mul3A_2] : memref<160000x256xf32, #tpu.memory_space<hbm>> -> memref<80x128xf32, #tpu.memory_space<hbm>>
      %dma_start3A_83 = tpu.memref_slice %arg2[%add3A_81, %mul3A_2] : memref<160000x256xf32, #tpu.memory_space<hbm>> -> memref<80x128xf32, #tpu.memory_space<hbm>>
      tpu.enqueue_dma source(%dma_start3A_83 : memref<80x128xf32, #tpu.memory_space<hbm>>) target(%arg9 : memref<80x128xf32, #tpu.memory_space<vmem>>) target_semaphore(%arg12 : memref<!tpu.dma_semaphore, #tpu.memory_space<semaphore_mem>>)
      %dma_wait3A_84 = arith.constant 0 : i32
      %dma_wait3A_85 = tpu.memref_slice %arg2[%dma_wait3A_84, %mul3A_2] : memref<160000x256xf32, #tpu.memory_space<hbm>> -> memref<80x128xf32, #tpu.memory_space<hbm>>
      %dma_wait3A_86 = arith.constant 0 : i32
      %dma_wait3A_87 = tpu.memref_slice %arg2[%dma_wait3A_86, %mul3A_2] : memref<160000x256xf32, #tpu.memory_space<hbm>> -> memref<80x128xf32, #tpu.memory_space<hbm>>
      tpu.wait_dma2 semaphore(%arg11 : memref<!tpu.dma_semaphore, #tpu.memory_space<semaphore_mem>>) src(%dma_wait3A_87 : memref<80x128xf32, #tpu.memory_space<hbm>>) dst(%arg8 : memref<80x128xf32, #tpu.memory_space<vmem>>)
      %dma_start3A_88 = arith.constant 0 : i32
      %dma_start3A_89 = arith.constant 0 : i32
      %dma_start3A_90 = tpu.memref_slice %arg10[%dma_start3A_88, %dma_start3A_89] : memref<10240x128xf32, #tpu.memory_space<vmem_shared>> -> memref<10240x128xf32, #tpu.memory_space<vmem_shared>>
      tpu.enqueue_indirect_dma source(%arg8 : memref<80x128xf32, #tpu.memory_space<vmem>>) target(%dma_start3A_90 : memref<10240x128xf32, #tpu.memory_space<vmem_shared>>) offsets(%arg6 : memref<80xi32, #tpu.memory_space<vmem>>) semaphore(%arg13 : memref<!tpu.dma_semaphore, #tpu.memory_space<semaphore_mem>>) {add = true}
    }
    %scan3A_21 = arith.constant 61 : i32
    %dma_wait3A_22 = arith.constant 0 : i32
    %dma_wait3A_23 = arith.constant 0 : i32
    %dma_wait3A_24 = tpu.memref_slice %arg10[%dma_wait3A_22, %dma_wait3A_23] : memref<10240x128xf32, #tpu.memory_space<vmem_shared>> -> memref<10240x128xf32, #tpu.memory_space<vmem_shared>>
    tpu.wait_indirect_dma semaphore(%arg13 : memref<!tpu.dma_semaphore, #tpu.memory_space<semaphore_mem>>) src(%arg8 : memref<80x128xf32, #tpu.memory_space<vmem>>) dst(%dma_wait3A_24 : memref<10240x128xf32, #tpu.memory_space<vmem_shared>>)
    %add3A_25 = arith.constant 9920 : i32
    %add3A_26 = arith.addi %mul3A_4, %add3A_25 : i32
    "tpu.region"() ({
      %run_scoped3A = tpu.sem_alloc : memref<!tpu.dma_semaphore, #tpu.memory_space<semaphore_mem>>
      %dma_start3A_54 = tpu.memref_slice %arg3[%add3A_26] : memref<160000xi32, #tpu.memory_space<hbm>> -> memref<80xi32, #tpu.memory_space<hbm>>
      %dma_start3A_55 = tpu.memref_slice %arg3[%add3A_26] : memref<160000xi32, #tpu.memory_space<hbm>> -> memref<80xi32, #tpu.memory_space<hbm>>
      tpu.enqueue_dma source(%dma_start3A_55 : memref<80xi32, #tpu.memory_space<hbm>>) target(%arg6 : memref<80xi32, #tpu.memory_space<vmem>>) target_semaphore(%run_scoped3A : memref<!tpu.dma_semaphore, #tpu.memory_space<semaphore_mem>>)
      %dma_wait3A_56 = tpu.memref_slice %arg3[%add3A_26] : memref<160000xi32, #tpu.memory_space<hbm>> -> memref<80xi32, #tpu.memory_space<hbm>>
      %dma_wait3A_57 = tpu.memref_slice %arg3[%add3A_26] : memref<160000xi32, #tpu.memory_space<hbm>> -> memref<80xi32, #tpu.memory_space<hbm>>
      tpu.wait_dma2 semaphore(%run_scoped3A : memref<!tpu.dma_semaphore, #tpu.memory_space<semaphore_mem>>) src(%dma_wait3A_57 : memref<80xi32, #tpu.memory_space<hbm>>) dst(%arg6 : memref<80xi32, #tpu.memory_space<vmem>>)
      tpu.yield
    }) : () -> ()
    %dma_start3A_27 = tpu.memref_slice %arg2[%add3A_26, %mul3A_2] : memref<160000x256xf32, #tpu.memory_space<hbm>> -> memref<80x128xf32, #tpu.memory_space<hbm>>
    %dma_start3A_28 = tpu.memref_slice %arg2[%add3A_26, %mul3A_2] : memref<160000x256xf32, #tpu.memory_space<hbm>> -> memref<80x128xf32, #tpu.memory_space<hbm>>
    tpu.enqueue_dma source(%dma_start3A_28 : memref<80x128xf32, #tpu.memory_space<hbm>>) target(%arg8 : memref<80x128xf32, #tpu.memory_space<vmem>>) target_semaphore(%arg11 : memref<!tpu.dma_semaphore, #tpu.memory_space<semaphore_mem>>)
    %dma_wait3A_29 = arith.constant 0 : i32
    %dma_wait3A_30 = tpu.memref_slice %arg2[%dma_wait3A_29, %mul3A_2] : memref<160000x256xf32, #tpu.memory_space<hbm>> -> memref<80x128xf32, #tpu.memory_space<hbm>>
    %dma_wait3A_31 = arith.constant 0 : i32
    %dma_wait3A_32 = tpu.memref_slice %arg2[%dma_wait3A_31, %mul3A_2] : memref<160000x256xf32, #tpu.memory_space<hbm>> -> memref<80x128xf32, #tpu.memory_space<hbm>>
    tpu.wait_dma2 semaphore(%arg12 : memref<!tpu.dma_semaphore, #tpu.memory_space<semaphore_mem>>) src(%dma_wait3A_32 : memref<80x128xf32, #tpu.memory_space<hbm>>) dst(%arg9 : memref<80x128xf32, #tpu.memory_space<vmem>>)
    %dma_start3A_33 = arith.constant 0 : i32
    %dma_start3A_34 = arith.constant 0 : i32
    %dma_start3A_35 = tpu.memref_slice %arg10[%dma_start3A_33, %dma_start3A_34] : memref<10240x128xf32, #tpu.memory_space<vmem_shared>> -> memref<10240x128xf32, #tpu.memory_space<vmem_shared>>
    tpu.enqueue_indirect_dma source(%arg9 : memref<80x128xf32, #tpu.memory_space<vmem>>) target(%dma_start3A_35 : memref<10240x128xf32, #tpu.memory_space<vmem_shared>>) offsets(%arg7 : memref<80xi32, #tpu.memory_space<vmem>>) semaphore(%arg14 : memref<!tpu.dma_semaphore, #tpu.memory_space<semaphore_mem>>) {add = true}
    %dma_wait3A_36 = arith.constant 0 : i32
    %dma_wait3A_37 = tpu.memref_slice %arg2[%dma_wait3A_36, %mul3A_2] : memref<160000x256xf32, #tpu.memory_space<hbm>> -> memref<80x128xf32, #tpu.memory_space<hbm>>
    %dma_wait3A_38 = arith.constant 0 : i32
    %dma_wait3A_39 = tpu.memref_slice %arg2[%dma_wait3A_38, %mul3A_2] : memref<160000x256xf32, #tpu.memory_space<hbm>> -> memref<80x128xf32, #tpu.memory_space<hbm>>
    tpu.wait_dma2 semaphore(%arg11 : memref<!tpu.dma_semaphore, #tpu.memory_space<semaphore_mem>>) src(%dma_wait3A_39 : memref<80x128xf32, #tpu.memory_space<hbm>>) dst(%arg8 : memref<80x128xf32, #tpu.memory_space<vmem>>)
    %dma_start3A_40 = arith.constant 0 : i32
    %dma_start3A_41 = arith.constant 0 : i32
    %dma_start3A_42 = tpu.memref_slice %arg10[%dma_start3A_40, %dma_start3A_41] : memref<10240x128xf32, #tpu.memory_space<vmem_shared>> -> memref<10240x128xf32, #tpu.memory_space<vmem_shared>>
    tpu.enqueue_indirect_dma source(%arg8 : memref<80x128xf32, #tpu.memory_space<vmem>>) target(%dma_start3A_42 : memref<10240x128xf32, #tpu.memory_space<vmem_shared>>) offsets(%arg6 : memref<80xi32, #tpu.memory_space<vmem>>) semaphore(%arg13 : memref<!tpu.dma_semaphore, #tpu.memory_space<semaphore_mem>>) {add = true}
    %dma_wait3A_43 = arith.constant 0 : i32
    %dma_wait3A_44 = arith.constant 0 : i32
    %dma_wait3A_45 = tpu.memref_slice %arg10[%dma_wait3A_43, %dma_wait3A_44] : memref<10240x128xf32, #tpu.memory_space<vmem_shared>> -> memref<10240x128xf32, #tpu.memory_space<vmem_shared>>
    tpu.wait_indirect_dma semaphore(%arg14 : memref<!tpu.dma_semaphore, #tpu.memory_space<semaphore_mem>>) src(%arg9 : memref<80x128xf32, #tpu.memory_space<vmem>>) dst(%dma_wait3A_45 : memref<10240x128xf32, #tpu.memory_space<vmem_shared>>)
    %dma_wait3A_46 = arith.constant 0 : i32
    %dma_wait3A_47 = arith.constant 0 : i32
    %dma_wait3A_48 = tpu.memref_slice %arg10[%dma_wait3A_46, %dma_wait3A_47] : memref<10240x128xf32, #tpu.memory_space<vmem_shared>> -> memref<10240x128xf32, #tpu.memory_space<vmem_shared>>
    tpu.wait_indirect_dma semaphore(%arg13 : memref<!tpu.dma_semaphore, #tpu.memory_space<semaphore_mem>>) src(%arg8 : memref<80x128xf32, #tpu.memory_space<vmem>>) dst(%dma_wait3A_48 : memref<10240x128xf32, #tpu.memory_space<vmem_shared>>)
    %barrier3A_49 = arith.constant 0 : index
    tpu.barrier barrier_id(%barrier3A_49)
    %mul3A_50 = arith.constant 640 : i32
    %mul3A_51 = arith.muli %arg1, %mul3A_50 : i32
    %mul3A_52 = arith.constant 640 : i32
    %mul3A_53 = arith.muli %arg1, %mul3A_52 : i32
    "tpu.region"() ({
      %run_scoped3A = tpu.sem_alloc : memref<!tpu.dma_semaphore, #tpu.memory_space<semaphore_mem>>
      %dma_start3A_54 = tpu.memref_slice %arg5[%mul3A_53, %mul3A_2] : memref<10240x256xf32, #tpu.memory_space<hbm>> -> memref<640x128xf32, #tpu.memory_space<hbm>>
      %dma_start3A_55 = arith.constant 0 : i32
      %dma_start3A_56 = tpu.memref_slice %arg10[%mul3A_51, %dma_start3A_55] : memref<10240x128xf32, #tpu.memory_space<vmem_shared>> -> memref<640x128xf32, #tpu.memory_space<vmem_shared>>
      tpu.enqueue_dma source(%dma_start3A_56 : memref<640x128xf32, #tpu.memory_space<vmem_shared>>) target(%dma_start3A_54 : memref<640x128xf32, #tpu.memory_space<hbm>>) target_semaphore(%run_scoped3A : memref<!tpu.dma_semaphore, #tpu.memory_space<semaphore_mem>>)
      %dma_wait3A_57 = tpu.memref_slice %arg5[%mul3A_53, %mul3A_2] : memref<10240x256xf32, #tpu.memory_space<hbm>> -> memref<640x128xf32, #tpu.memory_space<hbm>>
      %dma_wait3A_58 = arith.constant 0 : i32
      %dma_wait3A_59 = tpu.memref_slice %arg10[%mul3A_51, %dma_wait3A_58] : memref<10240x128xf32, #tpu.memory_space<vmem_shared>> -> memref<640x128xf32, #tpu.memory_space<vmem_shared>>
      tpu.wait_dma2 semaphore(%run_scoped3A : memref<!tpu.dma_semaphore, #tpu.memory_space<semaphore_mem>>) src(%dma_wait3A_59 : memref<640x128xf32, #tpu.memory_space<vmem_shared>>) dst(%dma_wait3A_57 : memref<640x128xf32, #tpu.memory_space<hbm>>)
      tpu.yield
    }) : () -> ()
    return
  }
}

module attributes {stable_mosaic.version = 14 : i64} {
  func.func @_proj_body(%arg0: i32, %arg1: memref<2000x256xf32, #tpu.memory_space<vmem>>, %arg2: memref<256x768xf32, #tpu.memory_space<vmem>>, %arg3: memref<3x2000x256xf32, #tpu.memory_space<vmem>>) attributes {dimension_semantics = [#tpu.dimension_semantics<arbitrary>], iteration_bounds = array<i64: 5>, scalar_prefetch = 0 : i64, scratch_operands = 0 : i64, tpu.core_type = #tpu.core_type<tc>, window_params = [{transform_indices = @transform_0, window_bounds = array<i64: 2000, 256>}, {pipeline_mode = #tpu.pipeline_mode<synchronous>, transform_indices = @transform_1, window_bounds = array<i64: 256, 768>}, {transform_indices = @transform_2, window_bounds = array<i64: 3, 2000, 256>}]} {
    %get3A = arith.constant 0 : index
    %get3A_0 = arith.constant 0 : index
    %get3A_1 = vector.load %arg1[%get3A, %get3A_0] : memref<2000x256xf32, #tpu.memory_space<vmem>>, vector<2000x256xf32>
    %get3A_2 = arith.constant 0 : index
    %get3A_3 = arith.constant 0 : index
    %get3A_4 = vector.load %arg2[%get3A_2, %get3A_3] : memref<256x768xf32, #tpu.memory_space<vmem>>, vector<256x768xf32>
    %dot_general3A = arith.constant dense<0.000000e+00> : vector<2000x768xf32>
    %dot_general3A_5 = tpu.matmul %get3A_1, %get3A_4, %dot_general3A {dimension_numbers = #tpu.dot_dimension_numbers<[1], [0], [0], [1], [0, 0, 1, 1], [], []>, transpose_lhs_hint = false} : vector<2000x256xf32>, vector<256x768xf32>, vector<2000x768xf32> -> vector<2000x768xf32>
    %slice3A = vector.extract_strided_slice %dot_general3A_5 {offsets = [0, 0], sizes = [2000, 256], strides = [1, 1]} : vector<2000x768xf32> to vector<2000x256xf32>
    %swap3A = arith.constant 0 : index
    %swap3A_6 = arith.constant 0 : index
    %swap3A_7 = arith.constant 0 : index
    %swap3A_8 = vector.load %arg3[%swap3A, %swap3A_6, %swap3A_7] : memref<3x2000x256xf32, #tpu.memory_space<vmem>>, vector<1x2000x256xf32>
    %swap3A_9 = vector.shape_cast %swap3A_8 : vector<1x2000x256xf32> to vector<2000x256xf32>
    %swap3A_10 = vector.shape_cast %slice3A : vector<2000x256xf32> to vector<1x2000x256xf32>
    tpu.vector_store %arg3[%swap3A, %swap3A_6, %swap3A_7], %swap3A_10 {strides = array<i32>} : memref<3x2000x256xf32, #tpu.memory_space<vmem>>, vector<1x2000x256xf32>,
    %slice3A_11 = vector.extract_strided_slice %dot_general3A_5 {offsets = [0, 256], sizes = [2000, 256], strides = [1, 1]} : vector<2000x768xf32> to vector<2000x256xf32>
    %swap3A_12 = arith.constant 1 : index
    %swap3A_13 = arith.constant 0 : index
    %swap3A_14 = arith.constant 0 : index
    %swap3A_15 = vector.load %arg3[%swap3A_12, %swap3A_13, %swap3A_14] : memref<3x2000x256xf32, #tpu.memory_space<vmem>>, vector<1x2000x256xf32>
    %swap3A_16 = vector.shape_cast %swap3A_15 : vector<1x2000x256xf32> to vector<2000x256xf32>
    %swap3A_17 = vector.shape_cast %slice3A_11 : vector<2000x256xf32> to vector<1x2000x256xf32>
    tpu.vector_store %arg3[%swap3A_12, %swap3A_13, %swap3A_14], %swap3A_17 {strides = array<i32>} : memref<3x2000x256xf32, #tpu.memory_space<vmem>>, vector<1x2000x256xf32>,
    %slice3A_18 = vector.extract_strided_slice %dot_general3A_5 {offsets = [0, 512], sizes = [2000, 256], strides = [1, 1]} : vector<2000x768xf32> to vector<2000x256xf32>
    %swap3A_19 = arith.constant 2 : index
    %swap3A_20 = arith.constant 0 : index
    %swap3A_21 = arith.constant 0 : index
    %swap3A_22 = vector.load %arg3[%swap3A_19, %swap3A_20, %swap3A_21] : memref<3x2000x256xf32, #tpu.memory_space<vmem>>, vector<1x2000x256xf32>
    %swap3A_23 = vector.shape_cast %swap3A_22 : vector<1x2000x256xf32> to vector<2000x256xf32>
    %swap3A_24 = vector.shape_cast %slice3A_18 : vector<2000x256xf32> to vector<1x2000x256xf32>
    tpu.vector_store %arg3[%swap3A_19, %swap3A_20, %swap3A_21], %swap3A_24 {strides = array<i32>} : memref<3x2000x256xf32, #tpu.memory_space<vmem>>, vector<1x2000x256xf32>,
    return
  }
  func.func @transform_0(%arg0: i32) -> (i32, i32) {
    %c0_i32 = arith.constant 0 : i32
    %c0_i32_0 = arith.constant 0 : i32
    return %arg0, %c0_i32 : i32, i32
  }
  func.func @transform_1(%arg0: i32) -> (i32, i32) {
    %c0_i32 = arith.constant 0 : i32
    %c0_i32_0 = arith.constant 0 : i32
    %c0_i32_1 = arith.constant 0 : i32
    return %c0_i32, %c0_i32_0 : i32, i32
  }
  func.func @transform_2(%arg0: i32) -> (i32, i32, i32) {
    %c0_i32 = arith.constant 0 : i32
    %c0_i32_0 = arith.constant 0 : i32
    %c0_i32_1 = arith.constant 0 : i32
    return %c0_i32, %arg0, %c0_i32_0 : i32, i32, i32
  }
}

module attributes {stable_mosaic.version = 14 : i64} {
  func.func @_edge2_body(%arg0: i32, %arg1: memref<2000x256xf32, #tpu.memory_space<vmem>>, %arg2: memref<2000x256xf32, #tpu.memory_space<vmem>>, %arg3: memref<2000x256xf32, #tpu.memory_space<vmem>>, %arg4: memref<256x256xf32, #tpu.memory_space<vmem>>, %arg5: memref<1x256xf32, #tpu.memory_space<vmem>>, %arg6: memref<256x256xf32, #tpu.memory_space<vmem>>, %arg7: memref<1x256xf32, #tpu.memory_space<vmem>>, %arg8: memref<2000x256xf32, #tpu.memory_space<vmem>>) attributes {dimension_semantics = [#tpu.dimension_semantics<arbitrary>], iteration_bounds = array<i64: 80>, scalar_prefetch = 0 : i64, scratch_operands = 0 : i64, tpu.core_type = #tpu.core_type<tc>, window_params = [{transform_indices = @transform_0, window_bounds = array<i64: 2000, 256>}, {transform_indices = @transform_1, window_bounds = array<i64: 2000, 256>}, {transform_indices = @transform_2, window_bounds = array<i64: 2000, 256>}, {pipeline_mode = #tpu.pipeline_mode<synchronous>, transform_indices = @transform_3, window_bounds = array<i64: 256, 256>}, {pipeline_mode = #tpu.pipeline_mode<synchronous>, transform_indices = @transform_4, window_bounds = array<i64: 1, 256>}, {pipeline_mode = #tpu.pipeline_mode<synchronous>, transform_indices = @transform_5, window_bounds = array<i64: 256, 256>}, {pipeline_mode = #tpu.pipeline_mode<synchronous>, transform_indices = @transform_6, window_bounds = array<i64: 1, 256>}, {transform_indices = @transform_7, window_bounds = array<i64: 2000, 256>}]} {
    %get3A = arith.constant 0 : index
    %get3A_0 = arith.constant 0 : index
    %get3A_1 = vector.load %arg1[%get3A, %get3A_0] : memref<2000x256xf32, #tpu.memory_space<vmem>>, vector<2000x256xf32>
    %get3A_2 = arith.constant 0 : index
    %get3A_3 = arith.constant 0 : index
    %get3A_4 = vector.load %arg2[%get3A_2, %get3A_3] : memref<2000x256xf32, #tpu.memory_space<vmem>>, vector<2000x256xf32>
    %add3A = arith.addf %get3A_1, %get3A_4 : vector<2000x256xf32>
    %get3A_5 = arith.constant 0 : index
    %get3A_6 = arith.constant 0 : index
    %get3A_7 = vector.load %arg3[%get3A_5, %get3A_6] : memref<2000x256xf32, #tpu.memory_space<vmem>>, vector<2000x256xf32>
    %get3A_8 = arith.constant 0 : index
    %get3A_9 = arith.constant 0 : index
    %get3A_10 = vector.load %arg4[%get3A_8, %get3A_9] : memref<256x256xf32, #tpu.memory_space<vmem>>, vector<256x256xf32>
    %dot_general3A = arith.constant dense<0.000000e+00> : vector<2000x256xf32>
    %dot_general3A_11 = tpu.matmul %get3A_7, %get3A_10, %dot_general3A {dimension_numbers = #tpu.dot_dimension_numbers<[1], [0], [0], [1], [0, 0, 1, 1], [], []>, transpose_lhs_hint = false} : vector<2000x256xf32>, vector<256x256xf32>, vector<2000x256xf32> -> vector<2000x256xf32>
    %add3A_12 = arith.addf %add3A, %dot_general3A_11 : vector<2000x256xf32>
    %get3A_13 = arith.constant 0 : index
    %get3A_14 = arith.constant 0 : index
    %get3A_15 = vector.load %arg5[%get3A_13, %get3A_14] : memref<1x256xf32, #tpu.memory_space<vmem>>, vector<1x256xf32>
    %add3A_16 = vector.broadcast %get3A_15 : vector<1x256xf32> to vector<2000x256xf32>
    %add3A_17 = arith.addf %add3A_12, %add3A_16 : vector<2000x256xf32>
    %max3A = arith.constant 0.000000e+00 : f32
    %max3A_18 = vector.broadcast %max3A : f32 to vector<2000x256xf32>
    %max3A_19 = arith.maximumf %add3A_17, %max3A_18 : vector<2000x256xf32>
    %get3A_20 = arith.constant 0 : index
    %get3A_21 = arith.constant 0 : index
    %get3A_22 = vector.load %arg6[%get3A_20, %get3A_21] : memref<256x256xf32, #tpu.memory_space<vmem>>, vector<256x256xf32>
    %dot_general3A_23 = arith.constant dense<0.000000e+00> : vector<2000x256xf32>
    %dot_general3A_24 = tpu.matmul %max3A_19, %get3A_22, %dot_general3A_23 {dimension_numbers = #tpu.dot_dimension_numbers<[1], [0], [0], [1], [0, 0, 1, 1], [], []>, transpose_lhs_hint = false} : vector<2000x256xf32>, vector<256x256xf32>, vector<2000x256xf32> -> vector<2000x256xf32>
    %get3A_25 = arith.constant 0 : index
    %get3A_26 = arith.constant 0 : index
    %get3A_27 = vector.load %arg7[%get3A_25, %get3A_26] : memref<1x256xf32, #tpu.memory_space<vmem>>, vector<1x256xf32>
    %add3A_28 = vector.broadcast %get3A_27 : vector<1x256xf32> to vector<2000x256xf32>
    %add3A_29 = arith.addf %dot_general3A_24, %add3A_28 : vector<2000x256xf32>
    %get3A_30 = arith.constant 0 : index
    %get3A_31 = arith.constant 0 : index
    %get3A_32 = vector.load %arg3[%get3A_30, %get3A_31] : memref<2000x256xf32, #tpu.memory_space<vmem>>, vector<2000x256xf32>
    %add3A_33 = arith.addf %add3A_29, %get3A_32 : vector<2000x256xf32>
    %swap3A = arith.constant 0 : index
    %swap3A_34 = arith.constant 0 : index
    %swap3A_35 = vector.load %arg8[%swap3A, %swap3A_34] : memref<2000x256xf32, #tpu.memory_space<vmem>>, vector<2000x256xf32>
    tpu.vector_store %arg8[%swap3A, %swap3A_34], %add3A_33 {strides = array<i32>} : memref<2000x256xf32, #tpu.memory_space<vmem>>, vector<2000x256xf32>,
    return
  }
  func.func @transform_0(%arg0: i32) -> (i32, i32) {
    %c0_i32 = arith.constant 0 : i32
    %c0_i32_0 = arith.constant 0 : i32
    return %arg0, %c0_i32 : i32, i32
  }
  func.func @transform_1(%arg0: i32) -> (i32, i32) {
    %add3A = arith.constant 80 : i32
    %add3A_0 = arith.addi %arg0, %add3A : i32
    %c0_i32 = arith.constant 0 : i32
    %c0_i32_1 = arith.constant 0 : i32
    return %add3A_0, %c0_i32 : i32, i32
  }
  func.func @transform_2(%arg0: i32) -> (i32, i32) {
    %c0_i32 = arith.constant 0 : i32
    %c0_i32_0 = arith.constant 0 : i32
    return %arg0, %c0_i32 : i32, i32
  }
  func.func @transform_3(%arg0: i32) -> (i32, i32) {
    %c0_i32 = arith.constant 0 : i32
    %c0_i32_0 = arith.constant 0 : i32
    %c0_i32_1 = arith.constant 0 : i32
    return %c0_i32, %c0_i32_0 : i32, i32
  }
  func.func @transform_4(%arg0: i32) -> (i32, i32) {
    %c0_i32 = arith.constant 0 : i32
    %c0_i32_0 = arith.constant 0 : i32
    %c0_i32_1 = arith.constant 0 : i32
    return %c0_i32, %c0_i32_0 : i32, i32
  }
  func.func @transform_5(%arg0: i32) -> (i32, i32) {
    %c0_i32 = arith.constant 0 : i32
    %c0_i32_0 = arith.constant 0 : i32
    %c0_i32_1 = arith.constant 0 : i32
    return %c0_i32, %c0_i32_0 : i32, i32
  }
  func.func @transform_6(%arg0: i32) -> (i32, i32) {
    %c0_i32 = arith.constant 0 : i32
    %c0_i32_0 = arith.constant 0 : i32
    %c0_i32_1 = arith.constant 0 : i32
    return %c0_i32, %c0_i32_0 : i32, i32
  }
  func.func @transform_7(%arg0: i32) -> (i32, i32) {
    %c0_i32 = arith.constant 0 : i32
    %c0_i32_0 = arith.constant 0 : i32
    return %arg0, %c0_i32 : i32, i32
  }
}

module attributes {stable_mosaic.version = 14 : i64} {
  func.func @_node2_body(%arg0: i32, %arg1: memref<1x2000x256xf32, #tpu.memory_space<vmem>>, %arg2: memref<2000x256xf32, #tpu.memory_space<vmem>>, %arg3: memref<2000x256xf32, #tpu.memory_space<vmem>>, %arg4: memref<256x256xf32, #tpu.memory_space<vmem>>, %arg5: memref<1x256xf32, #tpu.memory_space<vmem>>, %arg6: memref<256x256xf32, #tpu.memory_space<vmem>>, %arg7: memref<1x256xf32, #tpu.memory_space<vmem>>, %arg8: memref<2000x256xf32, #tpu.memory_space<vmem>>) attributes {dimension_semantics = [#tpu.dimension_semantics<arbitrary>], iteration_bounds = array<i64: 5>, scalar_prefetch = 0 : i64, scratch_operands = 0 : i64, tpu.core_type = #tpu.core_type<tc>, window_params = [{transform_indices = @transform_0, window_bounds = array<i64: 1, 2000, 256>}, {transform_indices = @transform_1, window_bounds = array<i64: 2000, 256>}, {transform_indices = @transform_2, window_bounds = array<i64: 2000, 256>}, {pipeline_mode = #tpu.pipeline_mode<synchronous>, transform_indices = @transform_3, window_bounds = array<i64: 256, 256>}, {pipeline_mode = #tpu.pipeline_mode<synchronous>, transform_indices = @transform_4, window_bounds = array<i64: 1, 256>}, {pipeline_mode = #tpu.pipeline_mode<synchronous>, transform_indices = @transform_5, window_bounds = array<i64: 256, 256>}, {pipeline_mode = #tpu.pipeline_mode<synchronous>, transform_indices = @transform_6, window_bounds = array<i64: 1, 256>}, {transform_indices = @transform_7, window_bounds = array<i64: 2000, 256>}]} {
    %get3A = arith.constant 0 : index
    %get3A_0 = arith.constant 0 : index
    %get3A_1 = arith.constant 0 : index
    %get3A_2 = vector.load %arg1[%get3A, %get3A_0, %get3A_1] : memref<1x2000x256xf32, #tpu.memory_space<vmem>>, vector<1x2000x256xf32>
    %get3A_3 = vector.shape_cast %get3A_2 : vector<1x2000x256xf32> to vector<2000x256xf32>
    %get3A_4 = arith.constant 0 : index
    %get3A_5 = arith.constant 0 : index
    %get3A_6 = vector.load %arg2[%get3A_4, %get3A_5] : memref<2000x256xf32, #tpu.memory_space<vmem>>, vector<2000x256xf32>
    %get3A_7 = arith.constant 0 : index
    %get3A_8 = arith.constant 0 : index
    %get3A_9 = vector.load %arg4[%get3A_7, %get3A_8] : memref<256x256xf32, #tpu.memory_space<vmem>>, vector<256x256xf32>
    %dot_general3A = arith.constant dense<0.000000e+00> : vector<2000x256xf32>
    %dot_general3A_10 = tpu.matmul %get3A_6, %get3A_9, %dot_general3A {dimension_numbers = #tpu.dot_dimension_numbers<[1], [0], [0], [1], [0, 0, 1, 1], [], []>, transpose_lhs_hint = false} : vector<2000x256xf32>, vector<256x256xf32>, vector<2000x256xf32> -> vector<2000x256xf32>
    %add3A = arith.addf %get3A_3, %dot_general3A_10 : vector<2000x256xf32>
    %get3A_11 = arith.constant 0 : index
    %get3A_12 = arith.constant 0 : index
    %get3A_13 = vector.load %arg5[%get3A_11, %get3A_12] : memref<1x256xf32, #tpu.memory_space<vmem>>, vector<1x256xf32>
    %add3A_14 = vector.broadcast %get3A_13 : vector<1x256xf32> to vector<2000x256xf32>
    %add3A_15 = arith.addf %add3A, %add3A_14 : vector<2000x256xf32>
    %max3A = arith.constant 0.000000e+00 : f32
    %max3A_16 = vector.broadcast %max3A : f32 to vector<2000x256xf32>
    %max3A_17 = arith.maximumf %add3A_15, %max3A_16 : vector<2000x256xf32>
    %get3A_18 = arith.constant 0 : index
    %get3A_19 = arith.constant 0 : index
    %get3A_20 = vector.load %arg6[%get3A_18, %get3A_19] : memref<256x256xf32, #tpu.memory_space<vmem>>, vector<256x256xf32>
    %dot_general3A_21 = arith.constant dense<0.000000e+00> : vector<2000x256xf32>
    %dot_general3A_22 = tpu.matmul %max3A_17, %get3A_20, %dot_general3A_21 {dimension_numbers = #tpu.dot_dimension_numbers<[1], [0], [0], [1], [0, 0, 1, 1], [], []>, transpose_lhs_hint = false} : vector<2000x256xf32>, vector<256x256xf32>, vector<2000x256xf32> -> vector<2000x256xf32>
    %get3A_23 = arith.constant 0 : index
    %get3A_24 = arith.constant 0 : index
    %get3A_25 = vector.load %arg7[%get3A_23, %get3A_24] : memref<1x256xf32, #tpu.memory_space<vmem>>, vector<1x256xf32>
    %add3A_26 = vector.broadcast %get3A_25 : vector<1x256xf32> to vector<2000x256xf32>
    %add3A_27 = arith.addf %dot_general3A_22, %add3A_26 : vector<2000x256xf32>
    %get3A_28 = arith.constant 0 : index
    %get3A_29 = arith.constant 0 : index
    %get3A_30 = vector.load %arg3[%get3A_28, %get3A_29] : memref<2000x256xf32, #tpu.memory_space<vmem>>, vector<2000x256xf32>
    %add3A_31 = arith.addf %add3A_27, %get3A_30 : vector<2000x256xf32>
    %swap3A = arith.constant 0 : index
    %swap3A_32 = arith.constant 0 : index
    %swap3A_33 = vector.load %arg8[%swap3A, %swap3A_32] : memref<2000x256xf32, #tpu.memory_space<vmem>>, vector<2000x256xf32>
    tpu.vector_store %arg8[%swap3A, %swap3A_32], %add3A_31 {strides = array<i32>} : memref<2000x256xf32, #tpu.memory_space<vmem>>, vector<2000x256xf32>,
    return
  }
  func.func @transform_0(%arg0: i32) -> (i32, i32, i32) {
    %c2_i32 = arith.constant 2 : i32
    %c0_i32 = arith.constant 0 : i32
    %c0_i32_0 = arith.constant 0 : i32
    return %c2_i32, %arg0, %c0_i32 : i32, i32, i32
  }
  func.func @transform_1(%arg0: i32) -> (i32, i32) {
    %c0_i32 = arith.constant 0 : i32
    %c0_i32_0 = arith.constant 0 : i32
    return %arg0, %c0_i32 : i32, i32
  }
  func.func @transform_2(%arg0: i32) -> (i32, i32) {
    %c0_i32 = arith.constant 0 : i32
    %c0_i32_0 = arith.constant 0 : i32
    return %arg0, %c0_i32 : i32, i32
  }
  func.func @transform_3(%arg0: i32) -> (i32, i32) {
    %c0_i32 = arith.constant 0 : i32
    %c0_i32_0 = arith.constant 0 : i32
    %c0_i32_1 = arith.constant 0 : i32
    return %c0_i32, %c0_i32_0 : i32, i32
  }
  func.func @transform_4(%arg0: i32) -> (i32, i32) {
    %c0_i32 = arith.constant 0 : i32
    %c0_i32_0 = arith.constant 0 : i32
    %c0_i32_1 = arith.constant 0 : i32
    return %c0_i32, %c0_i32_0 : i32, i32
  }
  func.func @transform_5(%arg0: i32) -> (i32, i32) {
    %c0_i32 = arith.constant 0 : i32
    %c0_i32_0 = arith.constant 0 : i32
    %c0_i32_1 = arith.constant 0 : i32
    return %c0_i32, %c0_i32_0 : i32, i32
  }
  func.func @transform_6(%arg0: i32) -> (i32, i32) {
    %c0_i32 = arith.constant 0 : i32
    %c0_i32_0 = arith.constant 0 : i32
    %c0_i32_1 = arith.constant 0 : i32
    return %c0_i32, %c0_i32_0 : i32, i32
  }
  func.func @transform_7(%arg0: i32) -> (i32, i32) {
    %c0_i32 = arith.constant 0 : i32
    %c0_i32_0 = arith.constant 0 : i32
    return %arg0, %c0_i32 : i32, i32
  }
}

module attributes {stable_mosaic.version = 14 : i64} {
  func.func @_out_mlp_body(%arg0: i32, %arg1: memref<2000x256xf32, #tpu.memory_space<vmem>>, %arg2: memref<256x256xf32, #tpu.memory_space<vmem>>, %arg3: memref<1x256xf32, #tpu.memory_space<vmem>>, %arg4: memref<256x256xf32, #tpu.memory_space<vmem>>, %arg5: memref<1x256xf32, #tpu.memory_space<vmem>>, %arg6: memref<256x128xf32, #tpu.memory_space<vmem>>, %arg7: memref<1x128xf32, #tpu.memory_space<vmem>>, %arg8: memref<2000x128xf32, #tpu.memory_space<vmem>>) attributes {dimension_semantics = [#tpu.dimension_semantics<arbitrary>], iteration_bounds = array<i64: 5>, scalar_prefetch = 0 : i64, scratch_operands = 0 : i64, tpu.core_type = #tpu.core_type<tc>, window_params = [{transform_indices = @transform_0, window_bounds = array<i64: 2000, 256>}, {pipeline_mode = #tpu.pipeline_mode<synchronous>, transform_indices = @transform_1, window_bounds = array<i64: 256, 256>}, {pipeline_mode = #tpu.pipeline_mode<synchronous>, transform_indices = @transform_2, window_bounds = array<i64: 1, 256>}, {pipeline_mode = #tpu.pipeline_mode<synchronous>, transform_indices = @transform_3, window_bounds = array<i64: 256, 256>}, {pipeline_mode = #tpu.pipeline_mode<synchronous>, transform_indices = @transform_4, window_bounds = array<i64: 1, 256>}, {pipeline_mode = #tpu.pipeline_mode<synchronous>, transform_indices = @transform_5, window_bounds = array<i64: 256, 128>}, {pipeline_mode = #tpu.pipeline_mode<synchronous>, transform_indices = @transform_6, window_bounds = array<i64: 1, 128>}, {transform_indices = @transform_7, window_bounds = array<i64: 2000, 128>}]} {
    %get3A = arith.constant 0 : index
    %get3A_0 = arith.constant 0 : index
    %get3A_1 = vector.load %arg1[%get3A, %get3A_0] : memref<2000x256xf32, #tpu.memory_space<vmem>>, vector<2000x256xf32>
    %get3A_2 = arith.constant 0 : index
    %get3A_3 = arith.constant 0 : index
    %get3A_4 = vector.load %arg2[%get3A_2, %get3A_3] : memref<256x256xf32, #tpu.memory_space<vmem>>, vector<256x256xf32>
    %dot_general3A = arith.constant dense<0.000000e+00> : vector<2000x256xf32>
    %dot_general3A_5 = tpu.matmul %get3A_1, %get3A_4, %dot_general3A {dimension_numbers = #tpu.dot_dimension_numbers<[1], [0], [0], [1], [0, 0, 1, 1], [], []>, transpose_lhs_hint = false} : vector<2000x256xf32>, vector<256x256xf32>, vector<2000x256xf32> -> vector<2000x256xf32>
    %get3A_6 = arith.constant 0 : index
    %get3A_7 = arith.constant 0 : index
    %get3A_8 = vector.load %arg3[%get3A_6, %get3A_7] : memref<1x256xf32, #tpu.memory_space<vmem>>, vector<1x256xf32>
    %add3A = vector.broadcast %get3A_8 : vector<1x256xf32> to vector<2000x256xf32>
    %add3A_9 = arith.addf %dot_general3A_5, %add3A : vector<2000x256xf32>
    %max3A = arith.constant 0.000000e+00 : f32
    %max3A_10 = vector.broadcast %max3A : f32 to vector<2000x256xf32>
    %max3A_11 = arith.maximumf %add3A_9, %max3A_10 : vector<2000x256xf32>
    %get3A_12 = arith.constant 0 : index
    %get3A_13 = arith.constant 0 : index
    %get3A_14 = vector.load %arg4[%get3A_12, %get3A_13] : memref<256x256xf32, #tpu.memory_space<vmem>>, vector<256x256xf32>
    %dot_general3A_15 = arith.constant dense<0.000000e+00> : vector<2000x256xf32>
    %dot_general3A_16 = tpu.matmul %max3A_11, %get3A_14, %dot_general3A_15 {dimension_numbers = #tpu.dot_dimension_numbers<[1], [0], [0], [1], [0, 0, 1, 1], [], []>, transpose_lhs_hint = false} : vector<2000x256xf32>, vector<256x256xf32>, vector<2000x256xf32> -> vector<2000x256xf32>
    %get3A_17 = arith.constant 0 : index
    %get3A_18 = arith.constant 0 : index
    %get3A_19 = vector.load %arg5[%get3A_17, %get3A_18] : memref<1x256xf32, #tpu.memory_space<vmem>>, vector<1x256xf32>
    %add3A_20 = vector.broadcast %get3A_19 : vector<1x256xf32> to vector<2000x256xf32>
    %add3A_21 = arith.addf %dot_general3A_16, %add3A_20 : vector<2000x256xf32>
    %max3A_22 = arith.constant 0.000000e+00 : f32
    %max3A_23 = vector.broadcast %max3A_22 : f32 to vector<2000x256xf32>
    %max3A_24 = arith.maximumf %add3A_21, %max3A_23 : vector<2000x256xf32>
    %get3A_25 = arith.constant 0 : index
    %get3A_26 = arith.constant 0 : index
    %get3A_27 = vector.load %arg6[%get3A_25, %get3A_26] : memref<256x128xf32, #tpu.memory_space<vmem>>, vector<256x128xf32>
    %dot_general3A_28 = arith.constant dense<0.000000e+00> : vector<2000x128xf32>
    %dot_general3A_29 = tpu.matmul %max3A_24, %get3A_27, %dot_general3A_28 {dimension_numbers = #tpu.dot_dimension_numbers<[1], [0], [0], [1], [0, 0, 1, 1], [], []>, transpose_lhs_hint = false} : vector<2000x256xf32>, vector<256x128xf32>, vector<2000x128xf32> -> vector<2000x128xf32>
    %get3A_30 = arith.constant 0 : index
    %get3A_31 = arith.constant 0 : index
    %get3A_32 = vector.load %arg7[%get3A_30, %get3A_31] : memref<1x128xf32, #tpu.memory_space<vmem>>, vector<1x128xf32>
    %add3A_33 = vector.broadcast %get3A_32 : vector<1x128xf32> to vector<2000x128xf32>
    %add3A_34 = arith.addf %dot_general3A_29, %add3A_33 : vector<2000x128xf32>
    %swap3A = arith.constant 0 : index
    %swap3A_35 = arith.constant 0 : index
    %swap3A_36 = vector.load %arg8[%swap3A, %swap3A_35] : memref<2000x128xf32, #tpu.memory_space<vmem>>, vector<2000x128xf32>
    tpu.vector_store %arg8[%swap3A, %swap3A_35], %add3A_34 {strides = array<i32>} : memref<2000x128xf32, #tpu.memory_space<vmem>>, vector<2000x128xf32>,
    return
  }
  func.func @transform_0(%arg0: i32) -> (i32, i32) {
    %c0_i32 = arith.constant 0 : i32
    %c0_i32_0 = arith.constant 0 : i32
    return %arg0, %c0_i32 : i32, i32
  }
  func.func @transform_1(%arg0: i32) -> (i32, i32) {
    %c0_i32 = arith.constant 0 : i32
    %c0_i32_0 = arith.constant 0 : i32
    %c0_i32_1 = arith.constant 0 : i32
    return %c0_i32, %c0_i32_0 : i32, i32
  }
  func.func @transform_2(%arg0: i32) -> (i32, i32) {
    %c0_i32 = arith.constant 0 : i32
    %c0_i32_0 = arith.constant 0 : i32
    %c0_i32_1 = arith.constant 0 : i32
    return %c0_i32, %c0_i32_0 : i32, i32
  }
  func.func @transform_3(%arg0: i32) -> (i32, i32) {
    %c0_i32 = arith.constant 0 : i32
    %c0_i32_0 = arith.constant 0 : i32
    %c0_i32_1 = arith.constant 0 : i32
    return %c0_i32, %c0_i32_0 : i32, i32
  }
  func.func @transform_4(%arg0: i32) -> (i32, i32) {
    %c0_i32 = arith.constant 0 : i32
    %c0_i32_0 = arith.constant 0 : i32
    %c0_i32_1 = arith.constant 0 : i32
    return %c0_i32, %c0_i32_0 : i32, i32
  }
  func.func @transform_5(%arg0: i32) -> (i32, i32) {
    %c0_i32 = arith.constant 0 : i32
    %c0_i32_0 = arith.constant 0 : i32
    %c0_i32_1 = arith.constant 0 : i32
    return %c0_i32, %c0_i32_0 : i32, i32
  }
  func.func @transform_6(%arg0: i32) -> (i32, i32) {
    %c0_i32 = arith.constant 0 : i32
    %c0_i32_0 = arith.constant 0 : i32
    %c0_i32_1 = arith.constant 0 : i32
    return %c0_i32, %c0_i32_0 : i32, i32
  }
  func.func @transform_7(%arg0: i32) -> (i32, i32) {
    %c0_i32 = arith.constant 0 : i32
    %c0_i32_0 = arith.constant 0 : i32
    return %arg0, %c0_i32 : i32, i32
  }
}

</mosaic_0001>

<sc_bundles>
// kernel: kernel.18.cloned.1.call-start
scs
__scs_entry_jumppad:
0x0: {  	(pc) =	sbr.rel $0x88, $3  }
0x1: {  	(tag) =	ssettag $0x0;
	lr =	simm.s32 $0x1  }
0x2: {  	[smem:$0x3F80] =	sst lr;
	_ =	strace $0xD0000000  }
0x3: {  	_ = 	snop  }
0x4: {  	_ = 	snop  }
0x5: {  	_ = 	snop  }
0x6: {  	_ = 	snop  }
0x7: {  	_ = 	snop  }
__scs_overlays_trampoline_lowered:
0x8: {  	[smem:$0x3F8F] =	sst s0  }
0x9: {  	[smem:$0x3F90] =	sst s1  }
0xa: {  	[smem:$0x3F91] =	sst s2  }
0xb: {  	[smem:$0x3F92] =	sst s3  }
0xc: {  	[smem:$0x3F93] =	sst s4  }
0xd: {  	[smem:$0x3F94] =	sst s5  }
0xe: {  	[smem:$0x3F95] =	sst s6  }
0xf: {  	[smem:$0x3F96] =	sst s7  }
0x10: {  	[smem:$0x3F97] =	sst s8  }
0x11: {  	[smem:$0x3F98] =	sst s9;
	s0 =	simm.s32 @!p0 $0x0  }
0x12: {  	s1 =	sld [smem:$0x3F7E];
	s0 =	simm.s32 @p0 $0x1  }
0x13: {  	[smem:$0x3F99] =	sst s0;
	s0 =	simm.s32 @!p1 $0x0  }
0x14: {  	s2 =	sld [smem:$0x3F7D];
	s0 =	simm.s32 @p1 $0x1  }
0x15: {  	[smem:$0x3F9A] =	sst s0;
	s0 =	simm.s32 @!p2 $0x0  }
0x16: {  	s3 =	sld [smem:$0x3FDB];
	s0 =	simm.s32 @p2 $0x1  }
0x17: {  	s4 =	simm.s32 $0x1BF5;
	[smem:$0x3F9C] =	sst s0  }
0x18: {  	s0 =	sld [smem:$0x3F7F];
	_ =	swait.ge [sflag:s4], $0x0  }
0x19: {  	s7 =	sld [smem:$0x3F80]  }
0x1a: {  	s8 =	sadd.s32 $0xFFFFE003, lr  }
0x1b: {  	s9 =	sadd.s32 $0xFFFFFEF7, lr;
	s5 =	simm.s32 $0xFFFFFFFF;
	p2 =	slt.u32 s8, $0xFFFFF086  }
0x1c: {  	p1 =	slt.u32 s9, $0xF7A;
	s5 =	simm.s32 @!p2 $0x0  }
0x1d: {  	s5 =	simm.s32 @p1 $0x1;
	p0 =	seq.s32 s7, s2  }
0x1e: {  	s7 =	smul.u32 @!p0 $0xF7A, s2;
	p2 =	seq.s32 @!p0 s5, $0x0  }
0x1f: {  	s9 =	smul.u32 $0xF7A, s1;
	s8 =	simm.s32 @!p0 $0x1BF5;
	p2 =	por !p2, p0  }
0x20: {  	[sflag:s8] =	ssyncset.s32 @!p0 $0xFFFFF086;
	s6 =	sadd.s32 @!p0 s3, s7;
	s7 =	simm.s32 @!p0 $0x108  }
0x21: {  	s3 =	sadd.s32 s3, s9;
	s6 =	sadd.s32 @!p0 $0x88, s6;
	s7 =	simm.s32 @p2 $0x1082  }
0x22: {  	[simem:s7], [sflag:s8] =	dma.local @!p0 [hbm:s6], $0xF7A  }
0x23: {  	s9 =	sor.u32 $0xD0000000, s2;
	s6 =	simm.s32 $0x108;
	_ =	swait.ge @!p0 [sflag:s8], $0x0  }
0x24: {  	s3 =	sadd.s32 $0x88, s3;
	s6 =	simm.s32 @!p1 $0x1082;
	[sflag:s4] =	ssyncset.s32 $0xFFFFF086  }
0x25: {  	[simem:s6], [sflag:s4] =	dma.local [hbm:s3], $0xF7A  }
0x26: {  	[smem:$0x3F80] =	sst s1;
	(tag) =	ssettag s2;
	_ =	strace s9  }
0x27: {  	s1 =	sld [smem:$0x3F90]  }
0x28: {  	s2 =	sld [smem:$0x3F91]  }
0x29: {  	s4 =	sld [smem:$0x3F93]  }
0x2a: {  	p0 =	seq.s32 s5, $0x0;
	s5 =	sld [smem:$0x3F94]  }
0x2b: {  	s6 =	sld [smem:$0x3F95]  }
0x2c: {  	s7 =	sld [smem:$0x3F96]  }
0x2d: {  	s3 =	simm.s32 $0x108;
	s8 =	sld [smem:$0x3F97]  }
0x2e: {  	s3 =	simm.s32 @!p0 $0x1082;
	s9 =	sld [smem:$0x3F98]  }
0x2f: {  	lr =	sadd.s32 s0, s3;
	s0 =	sld [smem:$0x3F8F]  }
0x30: {  	s3 =	sld [smem:$0x3F92]  }
0x31: {  	[smem:$0x3F9B] =	sst s10  }
0x32: {  	s10 =	sld [smem:$0x3F99];
	_ =	sdelay $0x3  }
0x33: {  	p0 =	seq.s32 s10, $0x1;
	s10 =	sld [smem:$0x3F9B];
	_ =	sdelay $0x3  }
0x34: {  	[smem:$0x3F9B] =	sst s10  }
0x35: {  	s10 =	sld [smem:$0x3F9A];
	_ =	sdelay $0x3  }
0x36: {  	p1 =	seq.s32 s10, $0x1;
	s10 =	sld [smem:$0x3F9B];
	_ =	sdelay $0x3  }
0x37: {  	[smem:$0x3F9B] =	sst s10  }
0x38: {  	s10 =	sld [smem:$0x3F9C]  }
0x39: {  	_ = 	snop;
	(pc) =	sbr.ind lr, $3  }
0x3a: {  	_ = 	snop  }
0x3b: {  	_ = 	snop  }
0x3c: {  	p2 =	seq.s32 s10, $0x1;
	s10 =	sld [smem:$0x3F9B]  }
0x3d: {  	_ =	shalt  }
0x3e: {  	_ =	shalt  }
0x3f: {  	_ =	shalt  }
0x40: {  	_ =	shalt  }
0x41: {  	_ =	shalt  }
0x42: {  	_ =	shalt  }
0x43: {  	_ =	shalt  }
0x44: {  	_ =	shalt  }
0x45: {  	_ =	shalt  }
0x46: {  	_ =	shalt  }
0x47: {  	_ =	shalt  }
0x48: {  	_ =	shalt  }
0x49: {  	_ =	shalt  }
0x4a: {  	_ =	shalt  }
0x4b: {  	_ =	shalt  }
0x4c: {  	_ =	shalt  }
0x4d: {  	_ =	shalt  }
0x4e: {  	_ =	shalt  }
0x4f: {  	_ =	shalt  }
0x50: {  	_ =	shalt  }
0x51: {  	_ =	shalt  }
0x52: {  	_ =	shalt  }
0x53: {  	_ =	shalt  }
0x54: {  	_ =	shalt  }
0x55: {  	_ =	shalt  }
0x56: {  	_ =	shalt  }
0x57: {  	_ =	shalt  }
0x58: {  	_ =	shalt  }
0x59: {  	_ =	shalt  }
0x5a: {  	_ =	shalt  }
0x5b: {  	_ =	shalt  }
0x5c: {  	_ =	shalt  }
0x5d: {  	_ =	shalt  }
0x5e: {  	_ =	shalt  }
0x5f: {  	_ =	shalt  }
0x60: {  	_ =	shalt  }
0x61: {  	_ =	shalt  }
0x62: {  	_ =	shalt  }
0x63: {  	_ =	shalt  }
0x64: {  	_ =	shalt  }
0x65: {  	_ =	shalt  }
0x66: {  	_ =	shalt  }
0x67: {  	_ =	shalt  }
0x68: {  	_ =	shalt  }
0x69: {  	_ =	shalt  }
0x6a: {  	_ =	shalt  }
0x6b: {  	_ =	shalt  }
0x6c: {  	_ =	shalt  }
0x6d: {  	_ =	shalt  }
0x6e: {  	_ =	shalt  }
0x6f: {  	_ =	shalt  }
0x70: {  	_ =	shalt  }
0x71: {  	_ =	shalt  }
0x72: {  	_ =	shalt  }
0x73: {  	_ =	shalt  }
0x74: {  	_ =	shalt  }
0x75: {  	_ =	shalt  }
0x76: {  	_ =	shalt  }
0x77: {  	_ =	shalt  }
0x78: {  	_ =	shalt  }
0x79: {  	_ =	shalt  }
0x7a: {  	_ =	shalt  }
0x7b: {  	_ =	shalt  }
0x7c: {  	_ =	shalt  }
0x7d: {  	_ =	shalt  }
0x7e: {  	_ =	shalt  }
0x7f: {  	_ =	shalt  }
0x80: {  	_ =	shalt  }
0x81: {  	_ =	shalt  }
0x82: {  	_ =	shalt  }
0x83: {  	_ =	shalt  }
0x84: {  	_ =	shalt  }
0x85: {  	_ =	shalt  }
0x86: {  	_ =	shalt  }
0x87: {  	_ =	shalt  }
.Lfunc_end0:
.L_simem_size_0:
called_computation_lowered:
.L_overlay_start_0:
0x88: {  	s2 =	sld [smem:$0x3FD9]  }
0x89: {  	s3 =	sld [smem:$0x3FFE];
	_ =	sdelay $0x1  }
0x8a: {  	s1 =	srdreg.scid  }
0x8b: {  	s0 =	sand.u32 $0x1, s1  }
0x8c: {  	s16 =	sshll.u32 s0, $0xA;
	s2 =	sadd.s32 s3, s2  }
0x8d: {  	s2 =	sadd.s32 s2, s16  }
0x8e: {  	[smem:$0x3FA7] =	sst s2  }
0x8f: {  	_ = 	snop  }
0x90: {  	(tm) =	ssettm $0x1  }
0x91: {  	s17 =	sld [smem:$0x3FFB];
	_ =	sdelay $0x3  }
0x92: {  	_ =	strace s17  }
0x93: {  	s2 =	sld [smem:$0x3FFC];
	_ =	sdelay $0x3  }
0x94: {  	_ =	strace s2  }
0x95: {  	s2 =	sld [smem:$0x3FFD];
	_ =	sdelay $0x3  }
0x96: {  	_ =	strace s2  }
0x97: {  	_ =	strace $0x8FFFFFFF  }
0x98: {  	s18 =	sld [smem:$0x3FDB];
	_ =	sdelay $0x1  }
0x99: {  	s19 =	simm.s32 $_scs_section_size  }
0x9a: {  	s4 =	simm.s32 $_size__tile_overlayer_lowered;
	s5 =	simm.s32 $_tile_overlayer_lowered  }
0x9b: {  	s22 =	simm.s32 $0x1BFF;
	s21 =	sshll.u32 s5, $0x1;
	s2 =	sadd.s32 s19, s18  }
0x9c: {  	s6 =	simm.s32 $0x0;
	s20 =	sshll.u32 s4, $0x1;
	s4 =	sadd.s32 s21, s2  }
0x9d: {  	[timem:s6], [sflag:s22] =	dma.local [hbm:s4], s20  }
0x9e: {  	_ =	swait.ge [sflag:s22], s20  }
0x9f: {  	s3 =	ssub.s32 $0x0, s20;
	[sflag:s22] =	ssyncset.done $0x0  }
0xa0: {  	[sflag:s22] =	ssyncadd.s32 s3;
	_ =	sdelay $0x1  }
0xa1: {  	s23 =	simm.s32 $0x1B8B  }
0xa2: {  	_ =	swait.ge [sflag:s23], $0x1  }
0xa3: {  	[sflag:s23] =	ssyncset.done $0x0  }
0xa4: {  	s25 =	simm.s32 $0x1B8E;
	s24 =	sld [smem:$0x3FFE];
	[sflag:s23] =	ssyncadd.s32 $0xFFFFFFFF  }
0xa5: {  	s26 =	simm.s32 $execute0_lowered;
	[smem:$0x3FD2] =	sst s25  }
0xa6: {  	s4 =	sshll.u32 s26, $0x1;
	_ =	strace $0x80000046;
	[dreg:$0x1] =	wrdreg $0xFFFFFFFF  }
0xa7: {  	s28 =	simm.s32 $_size_execute0_lowered;
	s2 =	sadd.s32 s2, s4;
	[dreg:$0x0] =	wrdreg $0x0  }
0xa8: {  	s4 =	sshll.u32 s28, $0x1;
	[dreg:$0x2] =	wrdreg s2  }
0xa9: {  	[dreg:$0x3] =	wrdreg s4  }
0xaa: {  	[dreg:$0x4] =	wrdreg $0xC0  }
0xab: {  	_ =	task [dreg:s6], $0x5FFFF  }
0xac: {  	[dreg:$0x1] =	wrdreg $0xFFFFFFFF  }
0xad: {  	[dreg:$0x0] =	wrdreg $0x60  }
0xae: {  	[dreg:$0x2] =	wrdreg s24  }
0xaf: {  	[dreg:$0x3] =	wrdreg $0x9  }
0xb0: {  	_ =	task.clear_ibuf [dreg:s6], $0x4FFFF;
	_ =	strace $0x90000046  }
0xb1: {  	s29 =	simm.s32 $0x9;
	_ =	strace $0x80000048  }
0xb2: {  	_ =	swait.ge [sflag:s29], $0x1  }
0xb3: {  	[sflag:s29] =	ssyncadd.s32 $0xFFFFFFFF  }
0xb4: {  	_ =	strace $0x90000048  }
0xb5: {  	_ =	sfence  }
0xb6: {  	s30 =	sld [smem:$0x0];
	_ =	sdelay $0x2  }
0xb7: {  	s31 =	sshll.u32 s1, $0xD;
	s1 =	sshrl.u32 s1, $0x2  }
0xb8: {  	s3 =	sand.u32 $0x4000, s31;
	s1 =	sadd.s32 s1, s30  }
0xb9: {  	s0 =	sor.u32 s3, s0;
	s1 =	sshll.u32 s1, $0x11  }
0xba: {  	s0 =	sor.u32 s1, s0  }
0xbb: {  	s0 =	sadd.s32 $0x8F2B, s0  }
0xbc: {  	[sflag:s0] =	ssyncadd.remote.s32 $0x1  }
0xbd: {  	_ =	sfence.sel $0xFFFF  }
0xbe: {  	[dreg:$0x0] =	wrdreg $0xFFFFFFFF;
	(pc) =	sbr.abs _section_cstart, $3  }
0xbf: {  	[dreg:$0x1] =	wrdreg $0xFFFFFFFF  }
0xc0: {  	_ =	task.clear_ibuf [dreg:s6], $0x2FFFF;
	_ =	strace $0x9FFFFFFF  }
0xc1: {  	(tm) =	ssettm $0x7FFFFFFF  }
tec
execute0_lowered:
.L_overlay_start_1:
0x0: {  	(tag) =	ssettag $0x1  }
0x1: {  	s0 =	rddreg [dreg:$0x0]  }
0x2: {  	s1 =	srdreg.scid;
	s12 =	stileid.u32;
	s2 =	simm.s32 $0x0  }
0x3: {  	s13 =	simm.s32 $0x200;
	s18 =	simm.s32 $0xA00;
	s30 =	simm.s32 $0x2200  }
0x4: {  	s28 =	simm.s32 $0x5200;
	s29 =	simm.s32 $0xA200;
	s31 =	simm.s32 $0xAA00  }
0x5: {  	s14 =	simm.s32 $0x3;
	s15 =	simm.s32 $0x2;
	s16 =	simm.s32 $0x4  }
0x6: {  	s17 =	simm.s32 $0x0;
	s1 =	sand.u32 $0x1, s1;
	s10 =	smul.u32 $0x4E20, s12  }
0x7: {  	s3 =	sshll.u32 s12, $0x1;
	[smem:$0x7FF] =	sst s2;
	s23 =	smul.u32 $0x9C400, s12  }
0x8: {  	s4 =	sadd.s32 $0xF9800, s0;
	s12 =	simm.s32 $0x5;
	s11 =	smul.u32 $0x2710, s1  }
0x9: {  	s5 =	sor.u32 s1, s3;
	s7 =	ssub.s32 $0x2, s1;
	s1 =	smul.u32 $0x4E200, s1  }
0xa: {  	_ =	strace $0x80000047;
	s3 =	sadd.s32 $0xF200, s0;
	s6 =	smul.u32 $0x2710, s5  }
0xb: {  	s0 =	sadd.s32 $0x103600, s0;
	[dreg:$0xa] =	wrdreg s4;
	s8 =	smul.u32 $0x4E200, s5  }
0xc: {  	[dreg:$0xb] =	wrdreg s17;
	s9 =	sshrl.u32 s7, $0x1;
	s5 =	smul.u32 $0x271000, s5  }
0xd: {  	s7 =	ssub.s32 s7, s9;
	s22 =	sadd.s32 s11, s10;
	s11 =	simm.s32 $0x9A00  }
0xe: {  	s10 =	simm.s32 $0x1;
	s19 =	sadd.s32 $0xC8, s6;
	s6 =	sshrl.u32 s6, $0x3  }
0xf: {  	s21 =	sadd.s32 s0, s8;
	s5 =	sshrl.u32 s5, $0x3;
	s24 =	sadd.s32 $0x258, s22  }
0x10: {  	s7 =	smax.u32 s7, $0x1;
	s26 =	sadd.s32 $0x190, s22;
	s22 =	simm.s32 $0x2A00  }
0x11: {  	s8 =	simm.s32 $0x8200;
	s9 =	sshrl.u32 s19, $0x3;
	[dreg:$0x5] =	wrdreg s21  }
0x12: {  	s6 =	sadd.s32 s4, s6;
	s5 =	sadd.s32 s0, s5;
	[dreg:$0x7] =	wrdreg s7  }
0x13: {  	s25 =	sshrl.u32 s24, $0x3;
	s0 =	sadd.s32 s23, s0;
	[dreg:$0x9] =	wrdreg s26  }
0x14: {  	s19 =	simm.s32 $0x1200;
	s23 =	simm.s32 $0x3200;
	s24 =	simm.s32 $0x3A00  }
0x15: {  	s26 =	simm.s32 $0x4A00;
	s7 =	simm.s32 $0x7A00;
	s21 =	simm.s32 $0xCA00  }
0x16: {  	[dreg:$0x3] =	wrdreg s6;
	s20 =	sadd.s32 s4, s9;
	s5 =	sadd.s32 $0x4C900, s5  }
0x17: {  	s0 =	sadd.s32 s1, s0;
	s1 =	simm.s32 $0x6200;
	[dreg:$0x4] =	wrdreg s20  }
0x18: {  	s6 =	simm.s32 $0x7200;
	s9 =	simm.s32 $0x8A00;
	[dreg:$0x6] =	wrdreg s5  }
0x19: {  	v2 =	vlaneseq.u32;
	s5 =	sadd.s32 s25, s4;
	s0 =	sadd.s32 $0x1900, s0;
	s20 =	simm.s32 $0x1A00  }
0x1a: {  	vm0 =	vmmov $0xffff;
	v1 =	vshrl.u32 v2, $0x3;
	s25 =	simm.s32 $0x4200;
	s4 =	simm.s32 $0x9200;
	[dreg:$0x2] =	wrdreg s5  }
0x1b: {  	v0 =	vand.u32 $0x7, v2;
	v2 =	vor.u32 $0x8, v2;
	v1 =	vmul.u32 $0x8, v1;
	[dreg:$0x8] =	wrdreg s0;
	s0 =	simm.s32 $0x5A00;
	s5 =	simm.s32 $0x6A00  }
.LBB2_1:
0x1c: {  	s17 =	rddreg [dreg:$0x3]  }
0x1d: {  	[tilespmem:s2], [sflag:$0x5] =	stream.linear.gather [hbm4b:s17+s2], $0xC8, $0x38;
	[tilespmem:$0x19200] =	vst v63  }
0x1e: {  	_ =	swait.ge [sflag:s12], $0xC8  }
0x1f: {  	[sflag:s12] =	ssyncset.done $0x0  }
0x20: {  	[sflag:s12] =	ssyncadd.s32 $0xFFFFFF38  }
0x21: {  	v3 =	vld [tilespmem:$0x0];
	_ =	sdelay $0x4  }
0x22: {  	v4 =	vshll.u32 v3, $0x1  }
0x23: {  	v3 =	vand.u32 $0x7, v3;
	v4 =	vand.u32 $0xFFFFFFF0, v4  }
0x24: {  	v3 =	vor.u32 v3, v4  }
0x25: {  	v4 =	vperm.xlane v3, v0;
	_ =	sdelay $0x1  }
0x26: {  	v3 =	vperm.xlane v3, v2;
	v4 =	vadd.s32 v1, v4;
	_ =	sdelay $0x1  }
0x27: {  	v3 =	vadd.s32 v1, v3;
	_ =	sdelay $0x2  }
0x28: {  	[tilespmem:s13], [sflag:$0x1] =	stream.indirect_vreg.gather [hbm4b:s3+s2], $0x80, v4, vm0, $0xb8;
	[tilespmem:$0x19200] =	vst v63  }
0x29: {  	_ = 	snop  }
0x2a: {  	[tilespmem:s18], [sflag:$0x1] =	stream.indirect_vreg.gather [hbm4b:s3+s2], $0x80, v3, vm0, $0xb8;
	[tilespmem:$0x19200] =	vst v63  }
0x2b: {  	v3 =	vld [tilespmem:$0x10];
	_ =	sdelay $0x4  }
0x2c: {  	v39 =	vshll.u32 v3, $0x1  }
0x2d: {  	v3 =	vand.u32 $0x7, v3;
	v4 =	vand.u32 $0xFFFFFFF0, v39  }
0x2e: {  	v3 =	vor.u32 v3, v4  }
0x2f: {  	v4 =	vperm.xlane v3, v0;
	_ =	sdelay $0x1  }
0x30: {  	v3 =	vperm.xlane v3, v2;
	v4 =	vadd.s32 v1, v4;
	_ =	sdelay $0x1  }
0x31: {  	v3 =	vadd.s32 v1, v3;
	_ =	sdelay $0x2  }
0x32: {  	[tilespmem:s19], [sflag:$0x1] =	stream.indirect_vreg.gather [hbm4b:s3+s2], $0x80, v4, vm0, $0xb8;
	[tilespmem:$0x19200] =	vst v63  }
0x33: {  	_ = 	snop  }
0x34: {  	[tilespmem:s20], [sflag:$0x1] =	stream.indirect_vreg.gather [hbm4b:s3+s2], $0x80, v3, vm0, $0xb8;
	[tilespmem:$0x19200] =	vst v63  }
0x35: {  	v3 =	vld [tilespmem:$0x20];
	_ =	sdelay $0x4  }
0x36: {  	v40 =	vshll.u32 v3, $0x1  }
0x37: {  	v3 =	vand.u32 $0x7, v3;
	v4 =	vand.u32 $0xFFFFFFF0, v40  }
0x38: {  	v3 =	vor.u32 v3, v4  }
0x39: {  	v4 =	vperm.xlane v3, v0;
	_ =	sdelay $0x1  }
0x3a: {  	v3 =	vperm.xlane v3, v2;
	v4 =	vadd.s32 v1, v4;
	_ =	sdelay $0x1  }
0x3b: {  	v3 =	vadd.s32 v1, v3;
	_ =	sdelay $0x2  }
0x3c: {  	[tilespmem:s30], [sflag:$0x1] =	stream.indirect_vreg.gather [hbm4b:s3+s2], $0x80, v4, vm0, $0xb8;
	[tilespmem:$0x19200] =	vst v63  }
0x3d: {  	_ = 	snop  }
0x3e: {  	[tilespmem:s22], [sflag:$0x1] =	stream.indirect_vreg.gather [hbm4b:s3+s2], $0x80, v3, vm0, $0xb8;
	[tilespmem:$0x19200] =	vst v63  }
0x3f: {  	v3 =	vld [tilespmem:$0x30];
	_ =	sdelay $0x4  }
0x40: {  	v41 =	vshll.u32 v3, $0x1  }
0x41: {  	v3 =	vand.u32 $0x7, v3;
	v4 =	vand.u32 $0xFFFFFFF0, v41  }
0x42: {  	v3 =	vor.u32 v3, v4  }
0x43: {  	v4 =	vperm.xlane v3, v0;
	_ =	sdelay $0x1  }
0x44: {  	v3 =	vperm.xlane v3, v2;
	v4 =	vadd.s32 v1, v4;
	_ =	sdelay $0x1  }
0x45: {  	v3 =	vadd.s32 v1, v3;
	_ =	sdelay $0x2  }
0x46: {  	[tilespmem:s23], [sflag:$0x1] =	stream.indirect_vreg.gather [hbm4b:s3+s2], $0x80, v4, vm0, $0xb8;
	[tilespmem:$0x19200] =	vst v63  }
0x47: {  	_ = 	snop  }
0x48: {  	[tilespmem:s24], [sflag:$0x1] =	stream.indirect_vreg.gather [hbm4b:s3+s2], $0x80, v3, vm0, $0xb8;
	[tilespmem:$0x19200] =	vst v63  }
0x49: {  	v3 =	vld [tilespmem:$0x40];
	_ =	sdelay $0x4  }
0x4a: {  	v42 =	vshll.u32 v3, $0x1  }
0x4b: {  	v3 =	vand.u32 $0x7, v3;
	v4 =	vand.u32 $0xFFFFFFF0, v42  }
0x4c: {  	v3 =	vor.u32 v3, v4  }
0x4d: {  	v4 =	vperm.xlane v3, v0;
	_ =	sdelay $0x1  }
0x4e: {  	v3 =	vperm.xlane v3, v2;
	v4 =	vadd.s32 v1, v4;
	_ =	sdelay $0x1  }
0x4f: {  	v3 =	vadd.s32 v1, v3;
	_ =	sdelay $0x2  }
0x50: {  	[tilespmem:s25], [sflag:$0x1] =	stream.indirect_vreg.gather [hbm4b:s3+s2], $0x80, v4, vm0, $0xb8;
	[tilespmem:$0x19200] =	vst v63  }
0x51: {  	_ = 	snop  }
0x52: {  	[tilespmem:s26], [sflag:$0x1] =	stream.indirect_vreg.gather [hbm4b:s3+s2], $0x80, v3, vm0, $0xb8;
	[tilespmem:$0x19200] =	vst v63  }
0x53: {  	v3 =	vld [tilespmem:$0x50];
	_ =	sdelay $0x4  }
0x54: {  	v43 =	vshll.u32 v3, $0x1  }
0x55: {  	v3 =	vand.u32 $0x7, v3;
	v4 =	vand.u32 $0xFFFFFFF0, v43  }
0x56: {  	v3 =	vor.u32 v3, v4  }
0x57: {  	v4 =	vperm.xlane v3, v0;
	_ =	sdelay $0x1  }
0x58: {  	v3 =	vperm.xlane v3, v2;
	v4 =	vadd.s32 v1, v4;
	_ =	sdelay $0x1  }
0x59: {  	v3 =	vadd.s32 v1, v3;
	_ =	sdelay $0x2  }
0x5a: {  	[tilespmem:s28], [sflag:$0x1] =	stream.indirect_vreg.gather [hbm4b:s3+s2], $0x80, v4, vm0, $0xb8;
	[tilespmem:$0x19200] =	vst v63  }
0x5b: {  	_ = 	snop  }
0x5c: {  	[tilespmem:s0], [sflag:$0x1] =	stream.indirect_vreg.gather [hbm4b:s3+s2], $0x80, v3, vm0, $0xb8;
	[tilespmem:$0x19200] =	vst v63  }
0x5d: {  	v3 =	vld [tilespmem:$0x60];
	_ =	sdelay $0x4  }
0x5e: {  	v44 =	vshll.u32 v3, $0x1  }
0x5f: {  	v3 =	vand.u32 $0x7, v3;
	v4 =	vand.u32 $0xFFFFFFF0, v44  }
0x60: {  	v3 =	vor.u32 v3, v4  }
0x61: {  	v4 =	vperm.xlane v3, v0;
	_ =	sdelay $0x1  }
0x62: {  	v3 =	vperm.xlane v3, v2;
	v4 =	vadd.s32 v1, v4;
	_ =	sdelay $0x1  }
0x63: {  	v3 =	vadd.s32 v1, v3;
	_ =	sdelay $0x2  }
0x64: {  	[tilespmem:s1], [sflag:$0x1] =	stream.indirect_vreg.gather [hbm4b:s3+s2], $0x80, v4, vm0, $0xb8;
	[tilespmem:$0x19200] =	vst v63  }
0x65: {  	_ = 	snop  }
0x66: {  	[tilespmem:s5], [sflag:$0x1] =	stream.indirect_vreg.gather [hbm4b:s3+s2], $0x80, v3, vm0, $0xb8;
	[tilespmem:$0x19200] =	vst v63  }
0x67: {  	v3 =	vld [tilespmem:$0x70];
	_ =	sdelay $0x4  }
0x68: {  	v45 =	vshll.u32 v3, $0x1  }
0x69: {  	v3 =	vand.u32 $0x7, v3;
	v4 =	vand.u32 $0xFFFFFFF0, v45  }
0x6a: {  	v3 =	vor.u32 v3, v4  }
0x6b: {  	v4 =	vperm.xlane v3, v0;
	_ =	sdelay $0x1  }
0x6c: {  	v3 =	vperm.xlane v3, v2;
	v4 =	vadd.s32 v1, v4;
	_ =	sdelay $0x1  }
0x6d: {  	v3 =	vadd.s32 v1, v3;
	_ =	sdelay $0x2  }
0x6e: {  	[tilespmem:s6], [sflag:$0x1] =	stream.indirect_vreg.gather [hbm4b:s3+s2], $0x80, v4, vm0, $0xb8;
	[tilespmem:$0x19200] =	vst v63  }
0x6f: {  	_ = 	snop  }
0x70: {  	[tilespmem:s7], [sflag:$0x1] =	stream.indirect_vreg.gather [hbm4b:s3+s2], $0x80, v3, vm0, $0xb8;
	[tilespmem:$0x19200] =	vst v63  }
0x71: {  	v3 =	vld [tilespmem:$0x80];
	_ =	sdelay $0x4  }
0x72: {  	v46 =	vshll.u32 v3, $0x1  }
0x73: {  	v3 =	vand.u32 $0x7, v3;
	v4 =	vand.u32 $0xFFFFFFF0, v46  }
0x74: {  	v3 =	vor.u32 v3, v4  }
0x75: {  	v4 =	vperm.xlane v3, v0;
	_ =	sdelay $0x1  }
0x76: {  	v3 =	vperm.xlane v3, v2;
	v4 =	vadd.s32 v1, v4;
	_ =	sdelay $0x1  }
0x77: {  	v3 =	vadd.s32 v1, v3;
	_ =	sdelay $0x2  }
0x78: {  	[tilespmem:s8], [sflag:$0x1] =	stream.indirect_vreg.gather [hbm4b:s3+s2], $0x80, v4, vm0, $0xb8;
	[tilespmem:$0x19200] =	vst v63  }
0x79: {  	_ = 	snop  }
0x7a: {  	[tilespmem:s9], [sflag:$0x1] =	stream.indirect_vreg.gather [hbm4b:s3+s2], $0x80, v3, vm0, $0xb8;
	[tilespmem:$0x19200] =	vst v63  }
0x7b: {  	v3 =	vld [tilespmem:$0x90];
	_ =	sdelay $0x4  }
0x7c: {  	v47 =	vshll.u32 v3, $0x1  }
0x7d: {  	v3 =	vand.u32 $0x7, v3;
	v4 =	vand.u32 $0xFFFFFFF0, v47  }
0x7e: {  	v3 =	vor.u32 v3, v4  }
0x7f: {  	v4 =	vperm.xlane v3, v0;
	_ =	sdelay $0x1  }
0x80: {  	v3 =	vperm.xlane v3, v2;
	v4 =	vadd.s32 v1, v4;
	_ =	sdelay $0x1  }
0x81: {  	v3 =	vadd.s32 v1, v3;
	_ =	sdelay $0x2  }
0x82: {  	[tilespmem:s4], [sflag:$0x1] =	stream.indirect_vreg.gather [hbm4b:s3+s2], $0x80, v4, vm0, $0xb8;
	[tilespmem:$0x19200] =	vst v63  }
0x83: {  	_ = 	snop  }
0x84: {  	[tilespmem:s11], [sflag:$0x1] =	stream.indirect_vreg.gather [hbm4b:s3+s2], $0x80, v3, vm0, $0xb8;
	[tilespmem:$0x19200] =	vst v63  }
0x85: {  	v3 =	vld [tilespmem:$0xA0];
	_ =	sdelay $0x4  }
0x86: {  	v48 =	vshll.u32 v3, $0x1  }
0x87: {  	v3 =	vand.u32 $0x7, v3;
	v4 =	vand.u32 $0xFFFFFFF0, v48  }
0x88: {  	v3 =	vor.u32 v3, v4  }
0x89: {  	v4 =	vperm.xlane v3, v0;
	_ =	sdelay $0x1  }
0x8a: {  	v3 =	vperm.xlane v3, v2;
	v4 =	vadd.s32 v1, v4;
	_ =	sdelay $0x1  }
0x8b: {  	v3 =	vadd.s32 v1, v3;
	_ =	sdelay $0x2  }
0x8c: {  	[tilespmem:s29], [sflag:$0x1] =	stream.indirect_vreg.gather [hbm4b:s3+s2], $0x80, v4, vm0, $0xb8;
	[tilespmem:$0x19200] =	vst v63  }
0x8d: {  	_ = 	snop  }
0x8e: {  	[tilespmem:s31], [sflag:$0x1] =	stream.indirect_vreg.gather [hbm4b:s3+s2], $0x80, v3, vm0, $0xb8;
	[tilespmem:$0x19200] =	vst v63  }
0x8f: {  	v3 =	vld [tilespmem:$0xB0];
	_ =	sdelay $0x4  }
0x90: {  	v49 =	vshll.u32 v3, $0x1  }
0x91: {  	v3 =	vand.u32 $0x7, v3;
	v4 =	vand.u32 $0xFFFFFFF0, v49  }
0x92: {  	v3 =	vor.u32 v3, v4  }
0x93: {  	v4 =	vperm.xlane v3, v0;
	_ =	sdelay $0x1  }
0x94: {  	v3 =	vperm.xlane v3, v2;
	v4 =	vadd.s32 v1, v4;
	_ =	sdelay $0x1  }
0x95: {  	v3 =	vadd.s32 v1, v3;
	_ =	sdelay $0x1  }
0x96: {  	s17 =	simm.s32 $0xB200  }
0x97: {  	[tilespmem:s17], [sflag:$0x1] =	stream.indirect_vreg.gather [hbm4b:s3+s2], $0x80, v4, vm0, $0xb8;
	[tilespmem:$0x19200] =	vst v63  }
0x98: {  	s18 =	simm.s32 $0xBA00  }
0x99: {  	[tilespmem:s18], [sflag:$0x1] =	stream.indirect_vreg.gather [hbm4b:s3+s2], $0x80, v3, vm0, $0xb8;
	[tilespmem:$0x19200] =	vst v63  }
0x9a: {  	v3 =	vld.msk [tilespmem:$0xC0], $0xff;
	_ =	sdelay $0x4  }
0x9b: {  	v50 =	vshll.u32 v3, $0x1  }
0x9c: {  	v3 =	vand.u32 $0x7, v3;
	v4 =	vand.u32 $0xFFFFFFF0, v50  }
0x9d: {  	v3 =	vor.u32 v3, v4  }
0x9e: {  	v3 =	vperm.xlane v3, v0;
	_ =	sdelay $0x1  }
0x9f: {  	v3 =	vadd.s32 v1, v3;
	_ =	sdelay $0x3  }
0xa0: {  	s19 =	simm.s32 $0xC200  }
0xa1: {  	[tilespmem:s19], [sflag:$0x1] =	stream.indirect_vreg.gather [hbm4b:s3+s2], $0x80, v3, vm0, $0xb8;
	[tilespmem:$0x19200] =	vst v63  }
0xa2: {  	s20 =	rddreg [dreg:$0x4];
	s22 =	simm.s32 $0x100  }
0xa3: {  	[tilespmem:s22], [sflag:$0x5] =	stream.linear.gather [hbm4b:s20+s2], $0xC8, $0x38;
	[tilespmem:$0x19200] =	vst v63  }
0xa4: {  	_ =	swait.ge [sflag:s12], $0xC8  }
0xa5: {  	[sflag:s12] =	ssyncset.done $0x0  }
0xa6: {  	[sflag:s12] =	ssyncadd.s32 $0xFFFFFF38  }
0xa7: {  	v3 =	vld [tilespmem:$0x100];
	_ =	sdelay $0x4  }
0xa8: {  	v51 =	vshll.u32 v3, $0x1  }
0xa9: {  	v3 =	vand.u32 $0x7, v3;
	v4 =	vand.u32 $0xFFFFFFF0, v51  }
0xaa: {  	v3 =	vor.u32 v3, v4  }
0xab: {  	v4 =	vperm.xlane v3, v0;
	_ =	sdelay $0x1  }
0xac: {  	v3 =	vperm.xlane v3, v2;
	v4 =	vadd.s32 v1, v4;
	_ =	sdelay $0x1  }
0xad: {  	v3 =	vadd.s32 v1, v3;
	_ =	sdelay $0x2  }
0xae: {  	[tilespmem:s21], [sflag:$0x2] =	stream.indirect_vreg.gather [hbm4b:s3+s2], $0x80, v4, vm0, $0xb8;
	[tilespmem:$0x19200] =	vst v63  }
0xaf: {  	s23 =	simm.s32 $0xD200  }
0xb0: {  	[tilespmem:s23], [sflag:$0x2] =	stream.indirect_vreg.gather [hbm4b:s3+s2], $0x80, v3, vm0, $0xb8;
	[tilespmem:$0x19200] =	vst v63  }
0xb1: {  	v3 =	vld [tilespmem:$0x110];
	_ =	sdelay $0x4  }
0xb2: {  	v52 =	vshll.u32 v3, $0x1  }
0xb3: {  	v3 =	vand.u32 $0x7, v3;
	v4 =	vand.u32 $0xFFFFFFF0, v52  }
0xb4: {  	v3 =	vor.u32 v3, v4  }
0xb5: {  	v4 =	vperm.xlane v3, v0;
	_ =	sdelay $0x1  }
0xb6: {  	v3 =	vperm.xlane v3, v2;
	v4 =	vadd.s32 v1, v4;
	_ =	sdelay $0x1  }
0xb7: {  	v3 =	vadd.s32 v1, v3;
	_ =	sdelay $0x1  }
0xb8: {  	s24 =	simm.s32 $0xDA00  }
0xb9: {  	[tilespmem:s24], [sflag:$0x2] =	stream.indirect_vreg.gather [hbm4b:s3+s2], $0x80, v4, vm0, $0xb8;
	[tilespmem:$0x19200] =	vst v63  }
0xba: {  	s25 =	simm.s32 $0xE200  }
0xbb: {  	[tilespmem:s25], [sflag:$0x2] =	stream.indirect_vreg.gather [hbm4b:s3+s2], $0x80, v3, vm0, $0xb8;
	[tilespmem:$0x19200] =	vst v63  }
0xbc: {  	v3 =	vld [tilespmem:$0x120];
	_ =	sdelay $0x4  }
0xbd: {  	v53 =	vshll.u32 v3, $0x1  }
0xbe: {  	v3 =	vand.u32 $0x7, v3;
	v4 =	vand.u32 $0xFFFFFFF0, v53  }
0xbf: {  	v3 =	vor.u32 v3, v4  }
0xc0: {  	v4 =	vperm.xlane v3, v0;
	_ =	sdelay $0x1  }
0xc1: {  	v3 =	vperm.xlane v3, v2;
	v4 =	vadd.s32 v1, v4;
	_ =	sdelay $0x1  }
0xc2: {  	v3 =	vadd.s32 v1, v3;
	_ =	sdelay $0x1  }
0xc3: {  	s26 =	simm.s32 $0xEA00  }
0xc4: {  	[tilespmem:s26], [sflag:$0x2] =	stream.indirect_vreg.gather [hbm4b:s3+s2], $0x80, v4, vm0, $0xb8;
	[tilespmem:$0x19200] =	vst v63  }
0xc5: {  	s28 =	simm.s32 $0xF200  }
0xc6: {  	[tilespmem:s28], [sflag:$0x2] =	stream.indirect_vreg.gather [hbm4b:s3+s2], $0x80, v3, vm0, $0xb8;
	[tilespmem:$0x19200] =	vst v63  }
0xc7: {  	v3 =	vld [tilespmem:$0x130];
	_ =	sdelay $0x4  }
0xc8: {  	v54 =	vshll.u32 v3, $0x1  }
0xc9: {  	v3 =	vand.u32 $0x7, v3;
	v4 =	vand.u32 $0xFFFFFFF0, v54  }
0xca: {  	v3 =	vor.u32 v3, v4  }
0xcb: {  	v4 =	vperm.xlane v3, v0;
	_ =	sdelay $0x1  }
0xcc: {  	v3 =	vperm.xlane v3, v2;
	v4 =	vadd.s32 v1, v4;
	_ =	sdelay $0x1  }
0xcd: {  	v3 =	vadd.s32 v1, v3;
	_ =	sdelay $0x1  }
0xce: {  	s1 =	simm.s32 $0xFA00  }
0xcf: {  	[tilespmem:s1], [sflag:$0x2] =	stream.indirect_vreg.gather [hbm4b:s3+s2], $0x80, v4, vm0, $0xb8;
	[tilespmem:$0x19200] =	vst v63  }
0xd0: {  	s4 =	simm.s32 $0x10200  }
0xd1: {  	[tilespmem:s4], [sflag:$0x2] =	stream.indirect_vreg.gather [hbm4b:s3+s2], $0x80, v3, vm0, $0xb8;
	[tilespmem:$0x19200] =	vst v63  }
0xd2: {  	v3 =	vld [tilespmem:$0x140];
	_ =	sdelay $0x4  }
0xd3: {  	v55 =	vshll.u32 v3, $0x1  }
0xd4: {  	v3 =	vand.u32 $0x7, v3;
	v4 =	vand.u32 $0xFFFFFFF0, v55  }
0xd5: {  	v3 =	vor.u32 v3, v4  }
0xd6: {  	v4 =	vperm.xlane v3, v0;
	_ =	sdelay $0x1  }
0xd7: {  	v3 =	vperm.xlane v3, v2;
	v4 =	vadd.s32 v1, v4;
	_ =	sdelay $0x1  }
0xd8: {  	v3 =	vadd.s32 v1, v3;
	_ =	sdelay $0x1  }
0xd9: {  	s5 =	simm.s32 $0x10A00  }
0xda: {  	[tilespmem:s5], [sflag:$0x2] =	stream.indirect_vreg.gather [hbm4b:s3+s2], $0x80, v4, vm0, $0xb8;
	[tilespmem:$0x19200] =	vst v63  }
0xdb: {  	s6 =	simm.s32 $0x11200  }
0xdc: {  	[tilespmem:s6], [sflag:$0x2] =	stream.indirect_vreg.gather [hbm4b:s3+s2], $0x80, v3, vm0, $0xb8;
	[tilespmem:$0x19200] =	vst v63  }
0xdd: {  	v3 =	vld [tilespmem:$0x150];
	_ =	sdelay $0x4  }
0xde: {  	v56 =	vshll.u32 v3, $0x1  }
0xdf: {  	v3 =	vand.u32 $0x7, v3;
	v4 =	vand.u32 $0xFFFFFFF0, v56  }
0xe0: {  	v3 =	vor.u32 v3, v4  }
0xe1: {  	v4 =	vperm.xlane v3, v0;
	_ =	sdelay $0x1  }
0xe2: {  	v3 =	vperm.xlane v3, v2;
	v4 =	vadd.s32 v1, v4;
	_ =	sdelay $0x1  }
0xe3: {  	v3 =	vadd.s32 v1, v3;
	_ =	sdelay $0x1  }
0xe4: {  	s7 =	simm.s32 $0x11A00  }
0xe5: {  	[tilespmem:s7], [sflag:$0x2] =	stream.indirect_vreg.gather [hbm4b:s3+s2], $0x80, v4, vm0, $0xb8;
	[tilespmem:$0x19200] =	vst v63  }
0xe6: {  	s8 =	simm.s32 $0x12200  }
0xe7: {  	[tilespmem:s8], [sflag:$0x2] =	stream.indirect_vreg.gather [hbm4b:s3+s2], $0x80, v3, vm0, $0xb8;
	[tilespmem:$0x19200] =	vst v63  }
0xe8: {  	v3 =	vld [tilespmem:$0x160];
	_ =	sdelay $0x4  }
0xe9: {  	v57 =	vshll.u32 v3, $0x1  }
0xea: {  	v3 =	vand.u32 $0x7, v3;
	v4 =	vand.u32 $0xFFFFFFF0, v57  }
0xeb: {  	v3 =	vor.u32 v3, v4  }
0xec: {  	v4 =	vperm.xlane v3, v0;
	_ =	sdelay $0x1  }
0xed: {  	v3 =	vperm.xlane v3, v2;
	v4 =	vadd.s32 v1, v4;
	_ =	sdelay $0x1  }
0xee: {  	v3 =	vadd.s32 v1, v3;
	_ =	sdelay $0x1  }
0xef: {  	s9 =	simm.s32 $0x12A00  }
0xf0: {  	[tilespmem:s9], [sflag:$0x2] =	stream.indirect_vreg.gather [hbm4b:s3+s2], $0x80, v4, vm0, $0xb8;
	[tilespmem:$0x19200] =	vst v63  }
0xf1: {  	s11 =	simm.s32 $0x13200  }
0xf2: {  	[tilespmem:s11], [sflag:$0x2] =	stream.indirect_vreg.gather [hbm4b:s3+s2], $0x80, v3, vm0, $0xb8;
	[tilespmem:$0x19200] =	vst v63  }
0xf3: {  	v3 =	vld [tilespmem:$0x170];
	_ =	sdelay $0x4  }
0xf4: {  	v58 =	vshll.u32 v3, $0x1  }
0xf5: {  	v3 =	vand.u32 $0x7, v3;
	v4 =	vand.u32 $0xFFFFFFF0, v58  }
0xf6: {  	v3 =	vor.u32 v3, v4  }
0xf7: {  	v4 =	vperm.xlane v3, v0;
	_ =	sdelay $0x1  }
0xf8: {  	v3 =	vperm.xlane v3, v2;
	v4 =	vadd.s32 v1, v4;
	_ =	sdelay $0x1  }
0xf9: {  	v3 =	vadd.s32 v1, v3;
	_ =	sdelay $0x1  }
0xfa: {  	s17 =	simm.s32 $0x13A00  }
0xfb: {  	[tilespmem:s17], [sflag:$0x2] =	stream.indirect_vreg.gather [hbm4b:s3+s2], $0x80, v4, vm0, $0xb8;
	[tilespmem:$0x19200] =	vst v63  }
0xfc: {  	s18 =	simm.s32 $0x14200  }
0xfd: {  	[tilespmem:s18], [sflag:$0x2] =	stream.indirect_vreg.gather [hbm4b:s3+s2], $0x80, v3, vm0, $0xb8;
	[tilespmem:$0x19200] =	vst v63  }
0xfe: {  	v3 =	vld [tilespmem:$0x180];
	_ =	sdelay $0x4  }
0xff: {  	v59 =	vshll.u32 v3, $0x1  }
0x100: {  	v3 =	vand.u32 $0x7, v3;
	v4 =	vand.u32 $0xFFFFFFF0, v59  }
0x101: {  	v3 =	vor.u32 v3, v4  }
0x102: {  	v4 =	vperm.xlane v3, v0;
	_ =	sdelay $0x1  }
0x103: {  	v3 =	vperm.xlane v3, v2;
	v4 =	vadd.s32 v1, v4;
	_ =	sdelay $0x1  }
0x104: {  	v3 =	vadd.s32 v1, v3;
	_ =	sdelay $0x1  }
0x105: {  	s19 =	simm.s32 $0x14A00  }
0x106: {  	[tilespmem:s19], [sflag:$0x2] =	stream.indirect_vreg.gather [hbm4b:s3+s2], $0x80, v4, vm0, $0xb8;
	[tilespmem:$0x19200] =	vst v63  }
0x107: {  	s20 =	simm.s32 $0x15200  }
0x108: {  	[tilespmem:s20], [sflag:$0x2] =	stream.indirect_vreg.gather [hbm4b:s3+s2], $0x80, v3, vm0, $0xb8;
	[tilespmem:$0x19200] =	vst v63  }
0x109: {  	v3 =	vld [tilespmem:$0x190];
	_ =	sdelay $0x4  }
0x10a: {  	v60 =	vshll.u32 v3, $0x1  }
0x10b: {  	v3 =	vand.u32 $0x7, v3;
	v4 =	vand.u32 $0xFFFFFFF0, v60  }
0x10c: {  	v3 =	vor.u32 v3, v4  }
0x10d: {  	v4 =	vperm.xlane v3, v0;
	_ =	sdelay $0x1  }
0x10e: {  	v3 =	vperm.xlane v3, v2;
	v4 =	vadd.s32 v1, v4;
	_ =	sdelay $0x1  }
0x10f: {  	v3 =	vadd.s32 v1, v3;
	_ =	sdelay $0x1  }
0x110: {  	s21 =	simm.s32 $0x15A00  }
0x111: {  	[tilespmem:s21], [sflag:$0x2] =	stream.indirect_vreg.gather [hbm4b:s3+s2], $0x80, v4, vm0, $0xb8;
	[tilespmem:$0x19200] =	vst v63  }
0x112: {  	s22 =	simm.s32 $0x16200  }
0x113: {  	[tilespmem:s22], [sflag:$0x2] =	stream.indirect_vreg.gather [hbm4b:s3+s2], $0x80, v3, vm0, $0xb8;
	[tilespmem:$0x19200] =	vst v63  }
0x114: {  	v3 =	vld [tilespmem:$0x1A0];
	_ =	sdelay $0x4  }
0x115: {  	v61 =	vshll.u32 v3, $0x1  }
0x116: {  	v3 =	vand.u32 $0x7, v3;
	v4 =	vand.u32 $0xFFFFFFF0, v61  }
0x117: {  	v3 =	vor.u32 v3, v4  }
0x118: {  	v4 =	vperm.xlane v3, v0;
	_ =	sdelay $0x1  }
0x119: {  	v3 =	vperm.xlane v3, v2;
	v4 =	vadd.s32 v1, v4;
	_ =	sdelay $0x1  }
0x11a: {  	v3 =	vadd.s32 v1, v3;
	_ =	sdelay $0x1  }
0x11b: {  	s23 =	simm.s32 $0x16A00  }
0x11c: {  	[tilespmem:s23], [sflag:$0x2] =	stream.indirect_vreg.gather [hbm4b:s3+s2], $0x80, v4, vm0, $0xb8;
	[tilespmem:$0x19200] =	vst v63  }
0x11d: {  	s24 =	simm.s32 $0x17200  }
0x11e: {  	[tilespmem:s24], [sflag:$0x2] =	stream.indirect_vreg.gather [hbm4b:s3+s2], $0x80, v3, vm0, $0xb8;
	[tilespmem:$0x19200] =	vst v63  }
0x11f: {  	v3 =	vld [tilespmem:$0x1B0];
	_ =	sdelay $0x4  }
0x120: {  	v62 =	vshll.u32 v3, $0x1  }
0x121: {  	v3 =	vand.u32 $0x7, v3;
	v4 =	vand.u32 $0xFFFFFFF0, v62  }
0x122: {  	v3 =	vor.u32 v3, v4  }
0x123: {  	v4 =	vperm.xlane v3, v0;
	_ =	sdelay $0x1  }
0x124: {  	v3 =	vperm.xlane v3, v2;
	v4 =	vadd.s32 v1, v4;
	_ =	sdelay $0x1  }
0x125: {  	v3 =	vadd.s32 v1, v3;
	_ =	sdelay $0x1  }
0x126: {  	s25 =	simm.s32 $0x17A00  }
0x127: {  	[tilespmem:s25], [sflag:$0x2] =	stream.indirect_vreg.gather [hbm4b:s3+s2], $0x80, v4, vm0, $0xb8;
	[tilespmem:$0x19200] =	vst v63  }
0x128: {  	s26 =	simm.s32 $0x18200  }
0x129: {  	[tilespmem:s26], [sflag:$0x2] =	stream.indirect_vreg.gather [hbm4b:s3+s2], $0x80, v3, vm0, $0xb8;
	[tilespmem:$0x19200] =	vst v63  }
0x12a: {  	v3 =	vld.msk [tilespmem:$0x1C0], $0xff;
	_ =	sdelay $0x4  }
0x12b: {  	v63 =	vshll.u32 v3, $0x1  }
0x12c: {  	v3 =	vand.u32 $0x7, v3;
	v4 =	vand.u32 $0xFFFFFFF0, v63  }
0x12d: {  	v3 =	vor.u32 v3, v4  }
0x12e: {  	v3 =	vperm.xlane v3, v0;
	_ =	sdelay $0x1  }
0x12f: {  	v3 =	vadd.s32 v1, v3  }
0x130: {  	s30 =	simm.s32 $0x4A00  }
0x131: {  	s0 =	simm.s32 $0x5A00;
	s29 =	simm.s32 $0x4200;
	s31 =	simm.s32 $0xA200  }
0x132: {  	s1 =	simm.s32 $0x6200;
	s4 =	simm.s32 $0x9200;
	s5 =	simm.s32 $0x6A00  }
0x133: {  	s6 =	simm.s32 $0x7200;
	s7 =	simm.s32 $0x7A00;
	s22 =	simm.s32 $0x18A00  }
0x134: {  	[tilespmem:s22], [sflag:$0x2] =	stream.indirect_vreg.gather [hbm4b:s3+s2], $0x80, v3, vm0, $0xb8;
	[tilespmem:$0x19200] =	vst v63  }
0x135: {  	s8 =	simm.s32 $0x8200;
	s9 =	simm.s32 $0x8A00;
	_ =	swait.ge [sflag:s10], $0xC800  }
0x136: {  	s11 =	simm.s32 $0x200;
	s19 =	simm.s32 $0x0;
	s28 =	rddreg [dreg:$0x5]  }
0x137: {  	s23 =	simm.s32 $0x1A00;
	[sflag:s10] =	ssyncset.done $0x0;
	s17 =	rddreg [dreg:$0x9]  }
0x138: {  	s24 =	simm.s32 $0x9A00;
	s18 =	rddreg [dreg:$0x8];
	[sflag:s10] =	ssyncadd.s32 $0xFFFF3800  }
0x139: {  	[hbm4b:s28+s2] =	stream.linear.scatter [tilespmem:s13], [sflag:$0x3], $0xC800, $0x38;
	[tilespmem:$0x19200] =	vst v63  }
0x13a: {  	s25 =	simm.s32 $0xAA00;
	s26 =	simm.s32 $0x3200;
	s13 =	rddreg [dreg:$0xa]  }
.LBB2_2:
0x13b: {  	s20 =	sshrl.u32 s17, $0x3  }
0x13c: {  	s20 =	sadd.s32 s13, s20  }
0x13d: {  	[tilespmem:s2], [sflag:$0x5] =	stream.linear.gather [hbm4b:s20+s2], $0xC8, $0x38;
	[tilespmem:$0x19200] =	vst v63  }
0x13e: {  	_ =	swait.ge [sflag:s12], $0xC8  }
0x13f: {  	[sflag:s12] =	ssyncset.done $0x0  }
0x140: {  	[sflag:s12] =	ssyncadd.s32 $0xFFFFFF38  }
0x141: {  	_ =	swait.ge [sflag:s14], $0xC800  }
0x142: {  	[sflag:s14] =	ssyncset.done $0x0  }
0x143: {  	[sflag:s14] =	ssyncadd.s32 $0xFFFF3800  }
0x144: {  	v3 =	vld [tilespmem:$0x0];
	_ =	sdelay $0x4  }
0x145: {  	v4 =	vshll.u32 v3, $0x1  }
0x146: {  	v3 =	vand.u32 $0x7, v3;
	v4 =	vand.u32 $0xFFFFFFF0, v4  }
0x147: {  	v3 =	vor.u32 v3, v4  }
0x148: {  	v4 =	vperm.xlane v3, v0;
	_ =	sdelay $0x1  }
0x149: {  	v3 =	vperm.xlane v3, v2;
	v4 =	vadd.s32 v1, v4;
	_ =	sdelay $0x1  }
0x14a: {  	v3 =	vadd.s32 v1, v3;
	_ =	sdelay $0x2  }
0x14b: {  	[tilespmem:s11], [sflag:$0x1] =	stream.indirect_vreg.gather [hbm4b:s3+s2], $0x80, v4, vm0, $0xb8;
	[tilespmem:$0x19200] =	vst v63  }
0x14c: {  	s28 =	simm.s32 $0xA00  }
0x14d: {  	[tilespmem:s28], [sflag:$0x1] =	stream.indirect_vreg.gather [hbm4b:s3+s2], $0x80, v3, vm0, $0xb8;
	[tilespmem:$0x19200] =	vst v63  }
0x14e: {  	v3 =	vld [tilespmem:$0x10];
	_ =	sdelay $0x4  }
0x14f: {  	v39 =	vshll.u32 v3, $0x1  }
0x150: {  	v3 =	vand.u32 $0x7, v3;
	v4 =	vand.u32 $0xFFFFFFF0, v39  }
0x151: {  	v3 =	vor.u32 v3, v4  }
0x152: {  	v4 =	vperm.xlane v3, v0;
	_ =	sdelay $0x1  }
0x153: {  	v3 =	vperm.xlane v3, v2;
	v4 =	vadd.s32 v1, v4;
	_ =	sdelay $0x1  }
0x154: {  	v3 =	vadd.s32 v1, v3;
	_ =	sdelay $0x1  }
0x155: {  	s21 =	simm.s32 $0x1200  }
0x156: {  	[tilespmem:s21], [sflag:$0x1] =	stream.indirect_vreg.gather [hbm4b:s3+s2], $0x80, v4, vm0, $0xb8;
	[tilespmem:$0x19200] =	vst v63  }
0x157: {  	_ = 	snop  }
0x158: {  	[tilespmem:s23], [sflag:$0x1] =	stream.indirect_vreg.gather [hbm4b:s3+s2], $0x80, v3, vm0, $0xb8;
	[tilespmem:$0x19200] =	vst v63  }
0x159: {  	v3 =	vld [tilespmem:$0x20];
	_ =	sdelay $0x4  }
0x15a: {  	v40 =	vshll.u32 v3, $0x1  }
0x15b: {  	v3 =	vand.u32 $0x7, v3;
	v4 =	vand.u32 $0xFFFFFFF0, v40  }
0x15c: {  	v3 =	vor.u32 v3, v4  }
0x15d: {  	v4 =	vperm.xlane v3, v0;
	_ =	sdelay $0x1  }
0x15e: {  	v3 =	vperm.xlane v3, v2;
	v4 =	vadd.s32 v1, v4;
	_ =	sdelay $0x1  }
0x15f: {  	v3 =	vadd.s32 v1, v3;
	_ =	sdelay $0x1  }
0x160: {  	s28 =	simm.s32 $0x2200  }
0x161: {  	[tilespmem:s28], [sflag:$0x1] =	stream.indirect_vreg.gather [hbm4b:s3+s2], $0x80, v4, vm0, $0xb8;
	[tilespmem:$0x19200] =	vst v63  }
0x162: {  	s21 =	simm.s32 $0x2A00  }
0x163: {  	[tilespmem:s21], [sflag:$0x1] =	stream.indirect_vreg.gather [hbm4b:s3+s2], $0x80, v3, vm0, $0xb8;
	[tilespmem:$0x19200] =	vst v63  }
0x164: {  	v3 =	vld [tilespmem:$0x30];
	_ =	sdelay $0x4  }
0x165: {  	v41 =	vshll.u32 v3, $0x1  }
0x166: {  	v3 =	vand.u32 $0x7, v3;
	v4 =	vand.u32 $0xFFFFFFF0, v41  }
0x167: {  	v3 =	vor.u32 v3, v4  }
0x168: {  	v4 =	vperm.xlane v3, v0;
	_ =	sdelay $0x1  }
0x169: {  	v3 =	vperm.xlane v3, v2;
	v4 =	vadd.s32 v1, v4;
	_ =	sdelay $0x1  }
0x16a: {  	v3 =	vadd.s32 v1, v3;
	_ =	sdelay $0x2  }
0x16b: {  	[tilespmem:s26], [sflag:$0x1] =	stream.indirect_vreg.gather [hbm4b:s3+s2], $0x80, v4, vm0, $0xb8;
	[tilespmem:$0x19200] =	vst v63  }
0x16c: {  	s28 =	simm.s32 $0x3A00  }
0x16d: {  	[tilespmem:s28], [sflag:$0x1] =	stream.indirect_vreg.gather [hbm4b:s3+s2], $0x80, v3, vm0, $0xb8;
	[tilespmem:$0x19200] =	vst v63  }
0x16e: {  	v3 =	vld [tilespmem:$0x40];
	_ =	sdelay $0x4  }
0x16f: {  	v42 =	vshll.u32 v3, $0x1  }
0x170: {  	v3 =	vand.u32 $0x7, v3;
	v4 =	vand.u32 $0xFFFFFFF0, v42  }
0x171: {  	v3 =	vor.u32 v3, v4  }
0x172: {  	v4 =	vperm.xlane v3, v0;
	_ =	sdelay $0x1  }
0x173: {  	v3 =	vperm.xlane v3, v2;
	v4 =	vadd.s32 v1, v4;
	_ =	sdelay $0x1  }
0x174: {  	v3 =	vadd.s32 v1, v3;
	_ =	sdelay $0x2  }
0x175: {  	[tilespmem:s29], [sflag:$0x1] =	stream.indirect_vreg.gather [hbm4b:s3+s2], $0x80, v4, vm0, $0xb8;
	[tilespmem:$0x19200] =	vst v63  }
0x176: {  	_ = 	snop  }
0x177: {  	[tilespmem:s30], [sflag:$0x1] =	stream.indirect_vreg.gather [hbm4b:s3+s2], $0x80, v3, vm0, $0xb8;
	[tilespmem:$0x19200] =	vst v63  }
0x178: {  	v3 =	vld [tilespmem:$0x50];
	_ =	sdelay $0x4  }
0x179: {  	v43 =	vshll.u32 v3, $0x1  }
0x17a: {  	v3 =	vand.u32 $0x7, v3;
	v4 =	vand.u32 $0xFFFFFFF0, v43  }
0x17b: {  	v3 =	vor.u32 v3, v4  }
0x17c: {  	v4 =	vperm.xlane v3, v0;
	_ =	sdelay $0x1  }
0x17d: {  	v3 =	vperm.xlane v3, v2;
	v4 =	vadd.s32 v1, v4;
	_ =	sdelay $0x1  }
0x17e: {  	v3 =	vadd.s32 v1, v3;
	_ =	sdelay $0x1  }
0x17f: {  	s21 =	simm.s32 $0x5200  }
0x180: {  	[tilespmem:s21], [sflag:$0x1] =	stream.indirect_vreg.gather [hbm4b:s3+s2], $0x80, v4, vm0, $0xb8;
	[tilespmem:$0x19200] =	vst v63  }
0x181: {  	_ = 	snop  }
0x182: {  	[tilespmem:s0], [sflag:$0x1] =	stream.indirect_vreg.gather [hbm4b:s3+s2], $0x80, v3, vm0, $0xb8;
	[tilespmem:$0x19200] =	vst v63  }
0x183: {  	v3 =	vld [tilespmem:$0x60];
	_ =	sdelay $0x4  }
0x184: {  	v44 =	vshll.u32 v3, $0x1  }
0x185: {  	v3 =	vand.u32 $0x7, v3;
	v4 =	vand.u32 $0xFFFFFFF0, v44  }
0x186: {  	v3 =	vor.u32 v3, v4  }
0x187: {  	v4 =	vperm.xlane v3, v0;
	_ =	sdelay $0x1  }
0x188: {  	v3 =	vperm.xlane v3, v2;
	v4 =	vadd.s32 v1, v4;
	_ =	sdelay $0x1  }
0x189: {  	v3 =	vadd.s32 v1, v3;
	_ =	sdelay $0x2  }
0x18a: {  	[tilespmem:s1], [sflag:$0x1] =	stream.indirect_vreg.gather [hbm4b:s3+s2], $0x80, v4, vm0, $0xb8;
	[tilespmem:$0x19200] =	vst v63  }
0x18b: {  	_ = 	snop  }
0x18c: {  	[tilespmem:s5], [sflag:$0x1] =	stream.indirect_vreg.gather [hbm4b:s3+s2], $0x80, v3, vm0, $0xb8;
	[tilespmem:$0x19200] =	vst v63  }
0x18d: {  	v3 =	vld [tilespmem:$0x70];
	_ =	sdelay $0x4  }
0x18e: {  	v45 =	vshll.u32 v3, $0x1  }
0x18f: {  	v3 =	vand.u32 $0x7, v3;
	v4 =	vand.u32 $0xFFFFFFF0, v45  }
0x190: {  	v3 =	vor.u32 v3, v4  }
0x191: {  	v4 =	vperm.xlane v3, v0;
	_ =	sdelay $0x1  }
0x192: {  	v3 =	vperm.xlane v3, v2;
	v4 =	vadd.s32 v1, v4;
	_ =	sdelay $0x1  }
0x193: {  	v3 =	vadd.s32 v1, v3;
	_ =	sdelay $0x2  }
0x194: {  	[tilespmem:s6], [sflag:$0x1] =	stream.indirect_vreg.gather [hbm4b:s3+s2], $0x80, v4, vm0, $0xb8;
	[tilespmem:$0x19200] =	vst v63  }
0x195: {  	_ = 	snop  }
0x196: {  	[tilespmem:s7], [sflag:$0x1] =	stream.indirect_vreg.gather [hbm4b:s3+s2], $0x80, v3, vm0, $0xb8;
	[tilespmem:$0x19200] =	vst v63  }
0x197: {  	v3 =	vld [tilespmem:$0x80];
	_ =	sdelay $0x4  }
0x198: {  	v46 =	vshll.u32 v3, $0x1  }
0x199: {  	v3 =	vand.u32 $0x7, v3;
	v4 =	vand.u32 $0xFFFFFFF0, v46  }
0x19a: {  	v3 =	vor.u32 v3, v4  }
0x19b: {  	v4 =	vperm.xlane v3, v0;
	_ =	sdelay $0x1  }
0x19c: {  	v3 =	vperm.xlane v3, v2;
	v4 =	vadd.s32 v1, v4;
	_ =	sdelay $0x1  }
0x19d: {  	v3 =	vadd.s32 v1, v3;
	_ =	sdelay $0x2  }
0x19e: {  	[tilespmem:s8], [sflag:$0x1] =	stream.indirect_vreg.gather [hbm4b:s3+s2], $0x80, v4, vm0, $0xb8;
	[tilespmem:$0x19200] =	vst v63  }
0x19f: {  	_ = 	snop  }
0x1a0: {  	[tilespmem:s9], [sflag:$0x1] =	stream.indirect_vreg.gather [hbm4b:s3+s2], $0x80, v3, vm0, $0xb8;
	[tilespmem:$0x19200] =	vst v63  }
0x1a1: {  	v3 =	vld [tilespmem:$0x90];
	_ =	sdelay $0x4  }
0x1a2: {  	v47 =	vshll.u32 v3, $0x1  }
0x1a3: {  	v3 =	vand.u32 $0x7, v3;
	v4 =	vand.u32 $0xFFFFFFF0, v47  }
0x1a4: {  	v3 =	vor.u32 v3, v4  }
0x1a5: {  	v4 =	vperm.xlane v3, v0;
	_ =	sdelay $0x1  }
0x1a6: {  	v3 =	vperm.xlane v3, v2;
	v4 =	vadd.s32 v1, v4;
	_ =	sdelay $0x1  }
0x1a7: {  	v3 =	vadd.s32 v1, v3;
	_ =	sdelay $0x2  }
0x1a8: {  	[tilespmem:s4], [sflag:$0x1] =	stream.indirect_vreg.gather [hbm4b:s3+s2], $0x80, v4, vm0, $0xb8;
	[tilespmem:$0x19200] =	vst v63  }
0x1a9: {  	_ = 	snop  }
0x1aa: {  	[tilespmem:s24], [sflag:$0x1] =	stream.indirect_vreg.gather [hbm4b:s3+s2], $0x80, v3, vm0, $0xb8;
	[tilespmem:$0x19200] =	vst v63  }
0x1ab: {  	v3 =	vld [tilespmem:$0xA0];
	_ =	sdelay $0x4  }
0x1ac: {  	v48 =	vshll.u32 v3, $0x1  }
0x1ad: {  	v3 =	vand.u32 $0x7, v3;
	v4 =	vand.u32 $0xFFFFFFF0, v48  }
0x1ae: {  	v3 =	vor.u32 v3, v4  }
0x1af: {  	v4 =	vperm.xlane v3, v0;
	_ =	sdelay $0x1  }
0x1b0: {  	v3 =	vperm.xlane v3, v2;
	v4 =	vadd.s32 v1, v4;
	_ =	sdelay $0x1  }
0x1b1: {  	v3 =	vadd.s32 v1, v3;
	_ =	sdelay $0x2  }
0x1b2: {  	[tilespmem:s31], [sflag:$0x1] =	stream.indirect_vreg.gather [hbm4b:s3+s2], $0x80, v4, vm0, $0xb8;
	[tilespmem:$0x19200] =	vst v63  }
0x1b3: {  	_ = 	snop  }
0x1b4: {  	[tilespmem:s25], [sflag:$0x1] =	stream.indirect_vreg.gather [hbm4b:s3+s2], $0x80, v3, vm0, $0xb8;
	[tilespmem:$0x19200] =	vst v63  }
0x1b5: {  	v3 =	vld [tilespmem:$0xB0];
	_ =	sdelay $0x4  }
0x1b6: {  	v49 =	vshll.u32 v3, $0x1  }
0x1b7: {  	v3 =	vand.u32 $0x7, v3;
	v4 =	vand.u32 $0xFFFFFFF0, v49  }
0x1b8: {  	v3 =	vor.u32 v3, v4  }
0x1b9: {  	v4 =	vperm.xlane v3, v0;
	_ =	sdelay $0x1  }
0x1ba: {  	v3 =	vperm.xlane v3, v2;
	v4 =	vadd.s32 v1, v4;
	_ =	sdelay $0x1  }
0x1bb: {  	v3 =	vadd.s32 v1, v3;
	_ =	sdelay $0x1  }
0x1bc: {  	s28 =	simm.s32 $0xB200  }
0x1bd: {  	[tilespmem:s28], [sflag:$0x1] =	stream.indirect_vreg.gather [hbm4b:s3+s2], $0x80, v4, vm0, $0xb8;
	[tilespmem:$0x19200] =	vst v63  }
0x1be: {  	s21 =	simm.s32 $0xBA00  }
0x1bf: {  	[tilespmem:s21], [sflag:$0x1] =	stream.indirect_vreg.gather [hbm4b:s3+s2], $0x80, v3, vm0, $0xb8;
	[tilespmem:$0x19200] =	vst v63  }
0x1c0: {  	v3 =	vld.msk [tilespmem:$0xC0], $0xff;
	_ =	sdelay $0x4  }
0x1c1: {  	v50 =	vshll.u32 v3, $0x1  }
0x1c2: {  	v3 =	vand.u32 $0x7, v3;
	v4 =	vand.u32 $0xFFFFFFF0, v50  }
0x1c3: {  	v3 =	vor.u32 v3, v4  }
0x1c4: {  	v3 =	vperm.xlane v3, v0;
	_ =	sdelay $0x1  }
0x1c5: {  	v3 =	vadd.s32 v1, v3;
	_ =	sdelay $0x3  }
0x1c6: {  	s28 =	simm.s32 $0xC200  }
0x1c7: {  	[tilespmem:s28], [sflag:$0x1] =	stream.indirect_vreg.gather [hbm4b:s3+s2], $0x80, v3, vm0, $0xb8;
	[tilespmem:$0x19200] =	vst v63  }
0x1c8: {  	_ =	swait.ge [sflag:s15], $0xC800  }
0x1c9: {  	[sflag:s15] =	ssyncset.done $0x0  }
0x1ca: {  	s28 =	simm.s32 $0xCA00;
	s21 =	rddreg [dreg:$0x2];
	[sflag:s15] =	ssyncadd.s32 $0xFFFF3800  }
0x1cb: {  	[hbm4b:s18+s2] =	stream.linear.scatter [tilespmem:s28], [sflag:$0x4], $0xC800, $0x38;
	[tilespmem:$0x19200] =	vst v63  }
0x1cc: {  	s20 =	sadd.s32 s19, s21;
	s21 =	simm.s32 $0x100  }
0x1cd: {  	[tilespmem:s21], [sflag:$0x5] =	stream.linear.gather [hbm4b:s20+s2], $0xC8, $0x38;
	[tilespmem:$0x19200] =	vst v63  }
0x1ce: {  	_ =	swait.ge [sflag:s12], $0xC8  }
0x1cf: {  	[sflag:s12] =	ssyncset.done $0x0  }
0x1d0: {  	[sflag:s12] =	ssyncadd.s32 $0xFFFFFF38  }
0x1d1: {  	_ =	swait.ge [sflag:s16], $0xC800  }
0x1d2: {  	[sflag:s16] =	ssyncset.done $0x0  }
0x1d3: {  	[sflag:s16] =	ssyncadd.s32 $0xFFFF3800  }
0x1d4: {  	v3 =	vld [tilespmem:$0x100];
	_ =	sdelay $0x4  }
0x1d5: {  	v51 =	vshll.u32 v3, $0x1  }
0x1d6: {  	v3 =	vand.u32 $0x7, v3;
	v4 =	vand.u32 $0xFFFFFFF0, v51  }
0x1d7: {  	v3 =	vor.u32 v3, v4  }
0x1d8: {  	v4 =	vperm.xlane v3, v0;
	_ =	sdelay $0x1  }
0x1d9: {  	v3 =	vperm.xlane v3, v2;
	v4 =	vadd.s32 v1, v4;
	_ =	sdelay $0x1  }
0x1da: {  	v3 =	vadd.s32 v1, v3;
	_ =	sdelay $0x2  }
0x1db: {  	[tilespmem:s28], [sflag:$0x2] =	stream.indirect_vreg.gather [hbm4b:s3+s2], $0x80, v4, vm0, $0xb8;
	[tilespmem:$0x19200] =	vst v63  }
0x1dc: {  	s28 =	simm.s32 $0xD200  }
0x1dd: {  	[tilespmem:s28], [sflag:$0x2] =	stream.indirect_vreg.gather [hbm4b:s3+s2], $0x80, v3, vm0, $0xb8;
	[tilespmem:$0x19200] =	vst v63  }
0x1de: {  	v3 =	vld [tilespmem:$0x110];
	_ =	sdelay $0x4  }
0x1df: {  	v52 =	vshll.u32 v3, $0x1  }
0x1e0: {  	v3 =	vand.u32 $0x7, v3;
	v4 =	vand.u32 $0xFFFFFFF0, v52  }
0x1e1: {  	v3 =	vor.u32 v3, v4  }
0x1e2: {  	v4 =	vperm.xlane v3, v0;
	_ =	sdelay $0x1  }
0x1e3: {  	v3 =	vperm.xlane v3, v2;
	v4 =	vadd.s32 v1, v4;
	_ =	sdelay $0x1  }
0x1e4: {  	v3 =	vadd.s32 v1, v3;
	_ =	sdelay $0x1  }
0x1e5: {  	s28 =	simm.s32 $0xDA00  }
0x1e6: {  	[tilespmem:s28], [sflag:$0x2] =	stream.indirect_vreg.gather [hbm4b:s3+s2], $0x80, v4, vm0, $0xb8;
	[tilespmem:$0x19200] =	vst v63  }
0x1e7: {  	s28 =	simm.s32 $0xE200  }
0x1e8: {  	[tilespmem:s28], [sflag:$0x2] =	stream.indirect_vreg.gather [hbm4b:s3+s2], $0x80, v3, vm0, $0xb8;
	[tilespmem:$0x19200] =	vst v63  }
0x1e9: {  	v3 =	vld [tilespmem:$0x120];
	_ =	sdelay $0x4  }
0x1ea: {  	v53 =	vshll.u32 v3, $0x1  }
0x1eb: {  	v3 =	vand.u32 $0x7, v3;
	v4 =	vand.u32 $0xFFFFFFF0, v53  }
0x1ec: {  	v3 =	vor.u32 v3, v4  }
0x1ed: {  	v4 =	vperm.xlane v3, v0;
	_ =	sdelay $0x1  }
0x1ee: {  	v3 =	vperm.xlane v3, v2;
	v4 =	vadd.s32 v1, v4;
	_ =	sdelay $0x1  }
0x1ef: {  	v3 =	vadd.s32 v1, v3;
	_ =	sdelay $0x1  }
0x1f0: {  	s28 =	simm.s32 $0xEA00  }
0x1f1: {  	[tilespmem:s28], [sflag:$0x2] =	stream.indirect_vreg.gather [hbm4b:s3+s2], $0x80, v4, vm0, $0xb8;
	[tilespmem:$0x19200] =	vst v63  }
0x1f2: {  	s28 =	simm.s32 $0xF200  }
0x1f3: {  	[tilespmem:s28], [sflag:$0x2] =	stream.indirect_vreg.gather [hbm4b:s3+s2], $0x80, v3, vm0, $0xb8;
	[tilespmem:$0x19200] =	vst v63  }
0x1f4: {  	v3 =	vld [tilespmem:$0x130];
	_ =	sdelay $0x4  }
0x1f5: {  	v54 =	vshll.u32 v3, $0x1  }
0x1f6: {  	v3 =	vand.u32 $0x7, v3;
	v4 =	vand.u32 $0xFFFFFFF0, v54  }
0x1f7: {  	v3 =	vor.u32 v3, v4  }
0x1f8: {  	v4 =	vperm.xlane v3, v0;
	_ =	sdelay $0x1  }
0x1f9: {  	v3 =	vperm.xlane v3, v2;
	v4 =	vadd.s32 v1, v4;
	_ =	sdelay $0x1  }
0x1fa: {  	v3 =	vadd.s32 v1, v3;
	_ =	sdelay $0x1  }
0x1fb: {  	s28 =	simm.s32 $0xFA00  }
0x1fc: {  	[tilespmem:s28], [sflag:$0x2] =	stream.indirect_vreg.gather [hbm4b:s3+s2], $0x80, v4, vm0, $0xb8;
	[tilespmem:$0x19200] =	vst v63  }
0x1fd: {  	s28 =	simm.s32 $0x10200  }
0x1fe: {  	[tilespmem:s28], [sflag:$0x2] =	stream.indirect_vreg.gather [hbm4b:s3+s2], $0x80, v3, vm0, $0xb8;
	[tilespmem:$0x19200] =	vst v63  }
0x1ff: {  	v3 =	vld [tilespmem:$0x140];
	_ =	sdelay $0x4  }
0x200: {  	v55 =	vshll.u32 v3, $0x1  }
0x201: {  	v3 =	vand.u32 $0x7, v3;
	v4 =	vand.u32 $0xFFFFFFF0, v55  }
0x202: {  	v3 =	vor.u32 v3, v4  }
0x203: {  	v4 =	vperm.xlane v3, v0;
	_ =	sdelay $0x1  }
0x204: {  	v3 =	vperm.xlane v3, v2;
	v4 =	vadd.s32 v1, v4;
	_ =	sdelay $0x1  }
0x205: {  	v3 =	vadd.s32 v1, v3;
	_ =	sdelay $0x1  }
0x206: {  	s28 =	simm.s32 $0x10A00  }
0x207: {  	[tilespmem:s28], [sflag:$0x2] =	stream.indirect_vreg.gather [hbm4b:s3+s2], $0x80, v4, vm0, $0xb8;
	[tilespmem:$0x19200] =	vst v63  }
0x208: {  	s28 =	simm.s32 $0x11200  }
0x209: {  	[tilespmem:s28], [sflag:$0x2] =	stream.indirect_vreg.gather [hbm4b:s3+s2], $0x80, v3, vm0, $0xb8;
	[tilespmem:$0x19200] =	vst v63  }
0x20a: {  	v3 =	vld [tilespmem:$0x150];
	_ =	sdelay $0x4  }
0x20b: {  	v56 =	vshll.u32 v3, $0x1  }
0x20c: {  	v3 =	vand.u32 $0x7, v3;
	v4 =	vand.u32 $0xFFFFFFF0, v56  }
0x20d: {  	v3 =	vor.u32 v3, v4  }
0x20e: {  	v4 =	vperm.xlane v3, v0;
	_ =	sdelay $0x1  }
0x20f: {  	v3 =	vperm.xlane v3, v2;
	v4 =	vadd.s32 v1, v4;
	_ =	sdelay $0x1  }
0x210: {  	v3 =	vadd.s32 v1, v3;
	_ =	sdelay $0x1  }
0x211: {  	s28 =	simm.s32 $0x11A00  }
0x212: {  	[tilespmem:s28], [sflag:$0x2] =	stream.indirect_vreg.gather [hbm4b:s3+s2], $0x80, v4, vm0, $0xb8;
	[tilespmem:$0x19200] =	vst v63  }
0x213: {  	s28 =	simm.s32 $0x12200  }
0x214: {  	[tilespmem:s28], [sflag:$0x2] =	stream.indirect_vreg.gather [hbm4b:s3+s2], $0x80, v3, vm0, $0xb8;
	[tilespmem:$0x19200] =	vst v63  }
0x215: {  	v3 =	vld [tilespmem:$0x160];
	_ =	sdelay $0x4  }
0x216: {  	v57 =	vshll.u32 v3, $0x1  }
0x217: {  	v3 =	vand.u32 $0x7, v3;
	v4 =	vand.u32 $0xFFFFFFF0, v57  }
0x218: {  	v3 =	vor.u32 v3, v4  }
0x219: {  	v4 =	vperm.xlane v3, v0;
	_ =	sdelay $0x1  }
0x21a: {  	v3 =	vperm.xlane v3, v2;
	v4 =	vadd.s32 v1, v4;
	_ =	sdelay $0x1  }
0x21b: {  	v3 =	vadd.s32 v1, v3;
	_ =	sdelay $0x1  }
0x21c: {  	s28 =	simm.s32 $0x12A00  }
0x21d: {  	[tilespmem:s28], [sflag:$0x2] =	stream.indirect_vreg.gather [hbm4b:s3+s2], $0x80, v4, vm0, $0xb8;
	[tilespmem:$0x19200] =	vst v63  }
0x21e: {  	s28 =	simm.s32 $0x13200  }
0x21f: {  	[tilespmem:s28], [sflag:$0x2] =	stream.indirect_vreg.gather [hbm4b:s3+s2], $0x80, v3, vm0, $0xb8;
	[tilespmem:$0x19200] =	vst v63  }
0x220: {  	v3 =	vld [tilespmem:$0x170];
	_ =	sdelay $0x4  }
0x221: {  	v58 =	vshll.u32 v3, $0x1  }
0x222: {  	v3 =	vand.u32 $0x7, v3;
	v4 =	vand.u32 $0xFFFFFFF0, v58  }
0x223: {  	v3 =	vor.u32 v3, v4  }
0x224: {  	v4 =	vperm.xlane v3, v0;
	_ =	sdelay $0x1  }
0x225: {  	v3 =	vperm.xlane v3, v2;
	v4 =	vadd.s32 v1, v4;
	_ =	sdelay $0x1  }
0x226: {  	v3 =	vadd.s32 v1, v3;
	_ =	sdelay $0x1  }
0x227: {  	s28 =	simm.s32 $0x13A00  }
0x228: {  	[tilespmem:s28], [sflag:$0x2] =	stream.indirect_vreg.gather [hbm4b:s3+s2], $0x80, v4, vm0, $0xb8;
	[tilespmem:$0x19200] =	vst v63  }
0x229: {  	s28 =	simm.s32 $0x14200  }
0x22a: {  	[tilespmem:s28], [sflag:$0x2] =	stream.indirect_vreg.gather [hbm4b:s3+s2], $0x80, v3, vm0, $0xb8;
	[tilespmem:$0x19200] =	vst v63  }
0x22b: {  	v3 =	vld [tilespmem:$0x180];
	_ =	sdelay $0x4  }
0x22c: {  	v59 =	vshll.u32 v3, $0x1  }
0x22d: {  	v3 =	vand.u32 $0x7, v3;
	v4 =	vand.u32 $0xFFFFFFF0, v59  }
0x22e: {  	v3 =	vor.u32 v3, v4  }
0x22f: {  	v4 =	vperm.xlane v3, v0;
	_ =	sdelay $0x1  }
0x230: {  	v3 =	vperm.xlane v3, v2;
	v4 =	vadd.s32 v1, v4;
	_ =	sdelay $0x1  }
0x231: {  	v3 =	vadd.s32 v1, v3;
	_ =	sdelay $0x1  }
0x232: {  	s28 =	simm.s32 $0x14A00  }
0x233: {  	[tilespmem:s28], [sflag:$0x2] =	stream.indirect_vreg.gather [hbm4b:s3+s2], $0x80, v4, vm0, $0xb8;
	[tilespmem:$0x19200] =	vst v63  }
0x234: {  	s28 =	simm.s32 $0x15200  }
0x235: {  	[tilespmem:s28], [sflag:$0x2] =	stream.indirect_vreg.gather [hbm4b:s3+s2], $0x80, v3, vm0, $0xb8;
	[tilespmem:$0x19200] =	vst v63  }
0x236: {  	v3 =	vld [tilespmem:$0x190];
	_ =	sdelay $0x4  }
0x237: {  	v60 =	vshll.u32 v3, $0x1  }
0x238: {  	v3 =	vand.u32 $0x7, v3;
	v4 =	vand.u32 $0xFFFFFFF0, v60  }
0x239: {  	v3 =	vor.u32 v3, v4  }
0x23a: {  	v4 =	vperm.xlane v3, v0;
	_ =	sdelay $0x1  }
0x23b: {  	v3 =	vperm.xlane v3, v2;
	v4 =	vadd.s32 v1, v4;
	_ =	sdelay $0x1  }
0x23c: {  	v3 =	vadd.s32 v1, v3;
	_ =	sdelay $0x1  }
0x23d: {  	s28 =	simm.s32 $0x15A00  }
0x23e: {  	[tilespmem:s28], [sflag:$0x2] =	stream.indirect_vreg.gather [hbm4b:s3+s2], $0x80, v4, vm0, $0xb8;
	[tilespmem:$0x19200] =	vst v63  }
0x23f: {  	s28 =	simm.s32 $0x16200  }
0x240: {  	[tilespmem:s28], [sflag:$0x2] =	stream.indirect_vreg.gather [hbm4b:s3+s2], $0x80, v3, vm0, $0xb8;
	[tilespmem:$0x19200] =	vst v63  }
0x241: {  	v3 =	vld [tilespmem:$0x1A0];
	_ =	sdelay $0x4  }
0x242: {  	v61 =	vshll.u32 v3, $0x1  }
0x243: {  	v3 =	vand.u32 $0x7, v3;
	v4 =	vand.u32 $0xFFFFFFF0, v61  }
0x244: {  	v3 =	vor.u32 v3, v4  }
0x245: {  	v4 =	vperm.xlane v3, v0;
	_ =	sdelay $0x1  }
0x246: {  	v3 =	vperm.xlane v3, v2;
	v4 =	vadd.s32 v1, v4;
	_ =	sdelay $0x1  }
0x247: {  	v3 =	vadd.s32 v1, v3;
	_ =	sdelay $0x1  }
0x248: {  	s28 =	simm.s32 $0x16A00  }
0x249: {  	[tilespmem:s28], [sflag:$0x2] =	stream.indirect_vreg.gather [hbm4b:s3+s2], $0x80, v4, vm0, $0xb8;
	[tilespmem:$0x19200] =	vst v63  }
0x24a: {  	s28 =	simm.s32 $0x17200  }
0x24b: {  	[tilespmem:s28], [sflag:$0x2] =	stream.indirect_vreg.gather [hbm4b:s3+s2], $0x80, v3, vm0, $0xb8;
	[tilespmem:$0x19200] =	vst v63  }
0x24c: {  	v3 =	vld [tilespmem:$0x1B0];
	_ =	sdelay $0x4  }
0x24d: {  	v62 =	vshll.u32 v3, $0x1  }
0x24e: {  	v3 =	vand.u32 $0x7, v3;
	v4 =	vand.u32 $0xFFFFFFF0, v62  }
0x24f: {  	v3 =	vor.u32 v3, v4  }
0x250: {  	v4 =	vperm.xlane v3, v0;
	_ =	sdelay $0x1  }
0x251: {  	v3 =	vperm.xlane v3, v2;
	v4 =	vadd.s32 v1, v4;
	_ =	sdelay $0x1  }
0x252: {  	v3 =	vadd.s32 v1, v3;
	_ =	sdelay $0x1  }
0x253: {  	s28 =	simm.s32 $0x17A00  }
0x254: {  	[tilespmem:s28], [sflag:$0x2] =	stream.indirect_vreg.gather [hbm4b:s3+s2], $0x80, v4, vm0, $0xb8;
	[tilespmem:$0x19200] =	vst v63  }
0x255: {  	s28 =	simm.s32 $0x18200  }
0x256: {  	[tilespmem:s28], [sflag:$0x2] =	stream.indirect_vreg.gather [hbm4b:s3+s2], $0x80, v3, vm0, $0xb8;
	[tilespmem:$0x19200] =	vst v63  }
0x257: {  	v3 =	vld.msk [tilespmem:$0x1C0], $0xff;
	_ =	sdelay $0x4  }
0x258: {  	v63 =	vshll.u32 v3, $0x1  }
0x259: {  	v3 =	vand.u32 $0x7, v3;
	v4 =	vand.u32 $0xFFFFFFF0, v63  }
0x25a: {  	v3 =	vor.u32 v3, v4  }
0x25b: {  	v3 =	vperm.xlane v3, v0;
	_ =	sdelay $0x1  }
0x25c: {  	v3 =	vadd.s32 v1, v3;
	_ =	sdelay $0x3  }
0x25d: {  	p0 =	sne.s32 s19, $0x47E  }
0x25e: {  	[tilespmem:s22], [sflag:$0x2] =	stream.indirect_vreg.gather [hbm4b:s3+s2], $0x80, v3, vm0, $0xb8;
	[tilespmem:$0x19200] =	vst v63  }
.Ltmp0:
0x25f: {  	_ = 	snop;
	(pc) =	sbr.rel @p0 .LBB2_2-.Ltmp0, $4  }
0x260: {  	s17 =	sadd.s32 $0x190, s17;
	_ =	swait.ge [sflag:s10], $0xC800  }
0x261: {  	s19 =	sadd.s32 $0x32, s19;
	s21 =	simm.s32 $0xCA00;
	[sflag:s10] =	ssyncset.done $0x0  }
0x262: {  	s28 =	sadd.s32 $0x1900, s18;
	s18 =	sadd.s32 $0x3200, s18;
	[sflag:s10] =	ssyncadd.s32 $0xFFFF3800  }
0x263: {  	[hbm4b:s28+s2] =	stream.linear.scatter [tilespmem:s11], [sflag:$0x3], $0xC800, $0x38;
	[tilespmem:$0x19200] =	vst v63  }
0x264: {  	_ =	swait.ge [sflag:s15], $0xC800  }
0x265: {  	[sflag:s15] =	ssyncset.done $0x0  }
0x266: {  	s17 =	rddreg [dreg:$0x6];
	[sflag:s15] =	ssyncadd.s32 $0xFFFF3800  }
0x267: {  	[hbm4b:s17+s2] =	stream.linear.scatter [tilespmem:s21], [sflag:$0x4], $0xC800, $0x38;
	[tilespmem:$0x19200] =	vst v63  }
0x268: {  	_ =	swait.ge [sflag:s14], $0xC800  }
0x269: {  	s18 =	simm.s32 $0xA00;
	s19 =	simm.s32 $0x1200;
	[sflag:s14] =	ssyncset.done $0x0  }
0x26a: {  	s20 =	simm.s32 $0x1A00;
	s30 =	simm.s32 $0x2200;
	[sflag:s14] =	ssyncadd.s32 $0xFFFF3800  }
0x26b: {  	s22 =	simm.s32 $0x2A00;
	s23 =	simm.s32 $0x3200;
	_ =	swait.ge [sflag:s16], $0xC800  }
0x26c: {  	s24 =	simm.s32 $0x3A00;
	s25 =	simm.s32 $0x4200;
	s0 =	rddreg [dreg:$0xb]  }
0x26d: {  	s28 =	simm.s32 $0x5200;
	s26 =	rddreg [dreg:$0x7];
	s0 =	sadd.s32 $0x1, s0  }
0x26e: {  	s1 =	simm.s32 $0x6200;
	s5 =	simm.s32 $0x6A00;
	p0 =	sne.s32 s0, s26  }
.Ltmp1:
0x26f: {  	s6 =	simm.s32 $0x7200;
	s7 =	simm.s32 $0x7A00;
	(pc) =	sbr.rel @p0 .LBB2_1-.Ltmp1, $4  }
0x270: {  	s8 =	simm.s32 $0x8200;
	s9 =	simm.s32 $0x8A00;
	s4 =	simm.s32 $0x9200  }
0x271: {  	s13 =	simm.s32 $0x200;
	s11 =	simm.s32 $0x9A00;
	[sflag:s16] =	ssyncset.done $0x0  }
0x272: {  	s29 =	simm.s32 $0xA200;
	s31 =	simm.s32 $0xAA00;
	[sflag:s16] =	ssyncadd.s32 $0xFFFF3800  }
0x273: {  	[dreg:$0xb] =	wrdreg s0;
	s26 =	simm.s32 $0x4A00;
	s0 =	simm.s32 $0x5A00  }
0x274: {  	_ =	sfence.sel $0x180000  }
0x275: {  	[bflag:$0x0] =	sbarrier.arrive $0xFFFF  }
0x276: {  	_ =	strace $0x90000047  }
0x277: {  	s0 =	stileid.u32;
	[bflag:$0x2] =	sbarrier.arrive $0xFFFF  }
0x278: {  	p0 =	sne.s32 s0, $0x0;
	s0 =	rddreg [dreg:$0x1]  }
0x279: {  	s0 =	sadd.s32 @!p0 $0x100000, s0  }
0x27a: {  	[sflag:s0] =	ssyncadd.tile.s32 @!p0 $0x1;
	_ =	shalt  }
.Lfunc_end2:
_tile_overlayer_lowered:
.L_overlay_start_2:
0x27b: {  	(tag) =	ssettag $0x2  }
0x27c: {  	s0 =	rddreg [dreg:$0x0];
	s2 =	stileid.u32  }
0x27d: {  	s1 =	rddreg [dreg:$0x1];
	p0 =	sne.s32 s2, $0x0  }
0x27e: {  	s3 =	rddreg [dreg:$0x2];
	[bflag:$0x3] =	sbarrier.arrive $0xFFFF;
	s2 =	simm.s32 @!p0 $0x1C05  }
0x27f: {  	[timem:s3], [sflag:s2] =	dma.local @!p0 [hbm:s0], s1  }
0x280: {  	s0 =	simm.s32 @!p0 $0x5  }
0x281: {  	_ =	swait.ge @!p0 [sflag:s0], s1  }
0x282: {  	s1 =	ssub.s32 @!p0 $0x0, s1;
	[sflag:s0] =	ssyncset.done @!p0 $0x0  }
0x283: {  	[sflag:s0] =	ssyncadd.s32 @!p0 s1  }
0x284: {  	[bflag:$0x3] =	sbarrier.arrive $0xFFFF  }
0x285: {  	_ =	shalt  }

// kernel: kernel.21.cloned.1.call-start
scs
__scs_entry_jumppad:
0x0: {  	(pc) =	sbr.rel $0x88, $3  }
0x1: {  	(tag) =	ssettag $0x0;
	lr =	simm.s32 $0x1  }
0x2: {  	[smem:$0x3F80] =	sst lr;
	_ =	strace $0xD0000000  }
0x3: {  	_ = 	snop  }
0x4: {  	_ = 	snop  }
0x5: {  	_ = 	snop  }
0x6: {  	_ = 	snop  }
0x7: {  	_ = 	snop  }
__scs_overlays_trampoline_lowered:
0x8: {  	[smem:$0x3F8F] =	sst s0  }
0x9: {  	[smem:$0x3F90] =	sst s1  }
0xa: {  	[smem:$0x3F91] =	sst s2  }
0xb: {  	[smem:$0x3F92] =	sst s3  }
0xc: {  	[smem:$0x3F93] =	sst s4  }
0xd: {  	[smem:$0x3F94] =	sst s5  }
0xe: {  	[smem:$0x3F95] =	sst s6  }
0xf: {  	[smem:$0x3F96] =	sst s7  }
0x10: {  	[smem:$0x3F97] =	sst s8  }
0x11: {  	[smem:$0x3F98] =	sst s9;
	s0 =	simm.s32 @!p0 $0x0  }
0x12: {  	s1 =	sld [smem:$0x3F7E];
	s0 =	simm.s32 @p0 $0x1  }
0x13: {  	[smem:$0x3F99] =	sst s0;
	s0 =	simm.s32 @!p1 $0x0  }
0x14: {  	s2 =	sld [smem:$0x3F7D];
	s0 =	simm.s32 @p1 $0x1  }
0x15: {  	[smem:$0x3F9A] =	sst s0;
	s0 =	simm.s32 @!p2 $0x0  }
0x16: {  	s3 =	sld [smem:$0x3FDB];
	s0 =	simm.s32 @p2 $0x1  }
0x17: {  	s4 =	simm.s32 $0x1BF5;
	[smem:$0x3F9C] =	sst s0  }
0x18: {  	s0 =	sld [smem:$0x3F7F];
	_ =	swait.ge [sflag:s4], $0x0  }
0x19: {  	s7 =	sld [smem:$0x3F80]  }
0x1a: {  	s8 =	sadd.s32 $0xFFFFE003, lr  }
0x1b: {  	s9 =	sadd.s32 $0xFFFFFEF7, lr;
	s5 =	simm.s32 $0xFFFFFFFF;
	p2 =	slt.u32 s8, $0xFFFFF086  }
0x1c: {  	p1 =	slt.u32 s9, $0xF7A;
	s5 =	simm.s32 @!p2 $0x0  }
0x1d: {  	s5 =	simm.s32 @p1 $0x1;
	p0 =	seq.s32 s7, s2  }
0x1e: {  	s7 =	smul.u32 @!p0 $0xF7A, s2;
	p2 =	seq.s32 @!p0 s5, $0x0  }
0x1f: {  	s9 =	smul.u32 $0xF7A, s1;
	s8 =	simm.s32 @!p0 $0x1BF5;
	p2 =	por !p2, p0  }
0x20: {  	[sflag:s8] =	ssyncset.s32 @!p0 $0xFFFFF086;
	s6 =	sadd.s32 @!p0 s3, s7;
	s7 =	simm.s32 @!p0 $0x108  }
0x21: {  	s3 =	sadd.s32 s3, s9;
	s6 =	sadd.s32 @!p0 $0x88, s6;
	s7 =	simm.s32 @p2 $0x1082  }
0x22: {  	[simem:s7], [sflag:s8] =	dma.local @!p0 [hbm:s6], $0xF7A  }
0x23: {  	s9 =	sor.u32 $0xD0000000, s2;
	s6 =	simm.s32 $0x108;
	_ =	swait.ge @!p0 [sflag:s8], $0x0  }
0x24: {  	s3 =	sadd.s32 $0x88, s3;
	s6 =	simm.s32 @!p1 $0x1082;
	[sflag:s4] =	ssyncset.s32 $0xFFFFF086  }
0x25: {  	[simem:s6], [sflag:s4] =	dma.local [hbm:s3], $0xF7A  }
0x26: {  	[smem:$0x3F80] =	sst s1;
	(tag) =	ssettag s2;
	_ =	strace s9  }
0x27: {  	s1 =	sld [smem:$0x3F90]  }
0x28: {  	s2 =	sld [smem:$0x3F91]  }
0x29: {  	s4 =	sld [smem:$0x3F93]  }
0x2a: {  	p0 =	seq.s32 s5, $0x0;
	s5 =	sld [smem:$0x3F94]  }
0x2b: {  	s6 =	sld [smem:$0x3F95]  }
0x2c: {  	s7 =	sld [smem:$0x3F96]  }
0x2d: {  	s3 =	simm.s32 $0x108;
	s8 =	sld [smem:$0x3F97]  }
0x2e: {  	s3 =	simm.s32 @!p0 $0x1082;
	s9 =	sld [smem:$0x3F98]  }
0x2f: {  	lr =	sadd.s32 s0, s3;
	s0 =	sld [smem:$0x3F8F]  }
0x30: {  	s3 =	sld [smem:$0x3F92]  }
0x31: {  	[smem:$0x3F9B] =	sst s10  }
0x32: {  	s10 =	sld [smem:$0x3F99];
	_ =	sdelay $0x3  }
0x33: {  	p0 =	seq.s32 s10, $0x1;
	s10 =	sld [smem:$0x3F9B];
	_ =	sdelay $0x3  }
0x34: {  	[smem:$0x3F9B] =	sst s10  }
0x35: {  	s10 =	sld [smem:$0x3F9A];
	_ =	sdelay $0x3  }
0x36: {  	p1 =	seq.s32 s10, $0x1;
	s10 =	sld [smem:$0x3F9B];
	_ =	sdelay $0x3  }
0x37: {  	[smem:$0x3F9B] =	sst s10  }
0x38: {  	s10 =	sld [smem:$0x3F9C]  }
0x39: {  	_ = 	snop;
	(pc) =	sbr.ind lr, $3  }
0x3a: {  	_ = 	snop  }
0x3b: {  	_ = 	snop  }
0x3c: {  	p2 =	seq.s32 s10, $0x1;
	s10 =	sld [smem:$0x3F9B]  }
0x3d: {  	_ =	shalt  }
0x3e: {  	_ =	shalt  }
0x3f: {  	_ =	shalt  }
0x40: {  	_ =	shalt  }
0x41: {  	_ =	shalt  }
0x42: {  	_ =	shalt  }
0x43: {  	_ =	shalt  }
0x44: {  	_ =	shalt  }
0x45: {  	_ =	shalt  }
0x46: {  	_ =	shalt  }
0x47: {  	_ =	shalt  }
0x48: {  	_ =	shalt  }
0x49: {  	_ =	shalt  }
0x4a: {  	_ =	shalt  }
0x4b: {  	_ =	shalt  }
0x4c: {  	_ =	shalt  }
0x4d: {  	_ =	shalt  }
0x4e: {  	_ =	shalt  }
0x4f: {  	_ =	shalt  }
0x50: {  	_ =	shalt  }
0x51: {  	_ =	shalt  }
0x52: {  	_ =	shalt  }
0x53: {  	_ =	shalt  }
0x54: {  	_ =	shalt  }
0x55: {  	_ =	shalt  }
0x56: {  	_ =	shalt  }
0x57: {  	_ =	shalt  }
0x58: {  	_ =	shalt  }
0x59: {  	_ =	shalt  }
0x5a: {  	_ =	shalt  }
0x5b: {  	_ =	shalt  }
0x5c: {  	_ =	shalt  }
0x5d: {  	_ =	shalt  }
0x5e: {  	_ =	shalt  }
0x5f: {  	_ =	shalt  }
0x60: {  	_ =	shalt  }
0x61: {  	_ =	shalt  }
0x62: {  	_ =	shalt  }
0x63: {  	_ =	shalt  }
0x64: {  	_ =	shalt  }
0x65: {  	_ =	shalt  }
0x66: {  	_ =	shalt  }
0x67: {  	_ =	shalt  }
0x68: {  	_ =	shalt  }
0x69: {  	_ =	shalt  }
0x6a: {  	_ =	shalt  }
0x6b: {  	_ =	shalt  }
0x6c: {  	_ =	shalt  }
0x6d: {  	_ =	shalt  }
0x6e: {  	_ =	shalt  }
0x6f: {  	_ =	shalt  }
0x70: {  	_ =	shalt  }
0x71: {  	_ =	shalt  }
0x72: {  	_ =	shalt  }
0x73: {  	_ =	shalt  }
0x74: {  	_ =	shalt  }
0x75: {  	_ =	shalt  }
0x76: {  	_ =	shalt  }
0x77: {  	_ =	shalt  }
0x78: {  	_ =	shalt  }
0x79: {  	_ =	shalt  }
0x7a: {  	_ =	shalt  }
0x7b: {  	_ =	shalt  }
0x7c: {  	_ =	shalt  }
0x7d: {  	_ =	shalt  }
0x7e: {  	_ =	shalt  }
0x7f: {  	_ =	shalt  }
0x80: {  	_ =	shalt  }
0x81: {  	_ =	shalt  }
0x82: {  	_ =	shalt  }
0x83: {  	_ =	shalt  }
0x84: {  	_ =	shalt  }
0x85: {  	_ =	shalt  }
0x86: {  	_ =	shalt  }
0x87: {  	_ =	shalt  }
.Lfunc_end0:
.L_simem_size_0:
called_computation.1_lowered:
.L_overlay_start_0:
0x88: {  	s2 =	sld [smem:$0x3FD9]  }
0x89: {  	s3 =	sld [smem:$0x3FFE];
	_ =	sdelay $0x1  }
0x8a: {  	s1 =	srdreg.scid  }
0x8b: {  	s0 =	sand.u32 $0x1, s1  }
0x8c: {  	s16 =	sshll.u32 s0, $0xA;
	s2 =	sadd.s32 s3, s2  }
0x8d: {  	s2 =	sadd.s32 s2, s16  }
0x8e: {  	[smem:$0x3FA7] =	sst s2  }
0x8f: {  	_ = 	snop  }
0x90: {  	(tm) =	ssettm $0x1  }
0x91: {  	s17 =	sld [smem:$0x3FFB];
	_ =	sdelay $0x3  }
0x92: {  	_ =	strace s17  }
0x93: {  	s2 =	sld [smem:$0x3FFC];
	_ =	sdelay $0x3  }
0x94: {  	_ =	strace s2  }
0x95: {  	s2 =	sld [smem:$0x3FFD];
	_ =	sdelay $0x3  }
0x96: {  	_ =	strace s2  }
0x97: {  	_ =	strace $0x8FFFFFFF  }
0x98: {  	s18 =	sld [smem:$0x3FDB];
	_ =	sdelay $0x1  }
0x99: {  	s19 =	simm.s32 $_scs_section_size  }
0x9a: {  	s4 =	simm.s32 $_size__tile_overlayer_lowered;
	s5 =	simm.s32 $_tile_overlayer_lowered  }
0x9b: {  	s22 =	simm.s32 $0x1BFF;
	s21 =	sshll.u32 s5, $0x1;
	s2 =	sadd.s32 s19, s18  }
0x9c: {  	s6 =	simm.s32 $0x0;
	s20 =	sshll.u32 s4, $0x1;
	s4 =	sadd.s32 s21, s2  }
0x9d: {  	[timem:s6], [sflag:s22] =	dma.local [hbm:s4], s20  }
0x9e: {  	_ =	swait.ge [sflag:s22], s20  }
0x9f: {  	s3 =	ssub.s32 $0x0, s20;
	[sflag:s22] =	ssyncset.done $0x0  }
0xa0: {  	[sflag:s22] =	ssyncadd.s32 s3;
	_ =	sdelay $0x1  }
0xa1: {  	s23 =	simm.s32 $0x1B8B  }
0xa2: {  	_ =	swait.ge [sflag:s23], $0x1  }
0xa3: {  	[sflag:s23] =	ssyncset.done $0x0  }
0xa4: {  	s25 =	simm.s32 $0x1B8E;
	s24 =	sld [smem:$0x3FFE];
	[sflag:s23] =	ssyncadd.s32 $0xFFFFFFFF  }
0xa5: {  	s26 =	simm.s32 $execute0_lowered;
	[smem:$0x3FD2] =	sst s25  }
0xa6: {  	s4 =	sshll.u32 s26, $0x1;
	_ =	strace $0x80000049;
	[dreg:$0x1] =	wrdreg $0xFFFFFFFF  }
0xa7: {  	s28 =	simm.s32 $_size_execute0_lowered;
	s2 =	sadd.s32 s2, s4;
	[dreg:$0x0] =	wrdreg $0x0  }
0xa8: {  	s4 =	sshll.u32 s28, $0x1;
	[dreg:$0x2] =	wrdreg s2  }
0xa9: {  	[dreg:$0x3] =	wrdreg s4  }
0xaa: {  	[dreg:$0x4] =	wrdreg $0xC0  }
0xab: {  	_ =	task [dreg:s6], $0x5FFFF  }
0xac: {  	[dreg:$0x1] =	wrdreg $0xFFFFFFFF  }
0xad: {  	[dreg:$0x0] =	wrdreg $0x60  }
0xae: {  	[dreg:$0x2] =	wrdreg s24  }
0xaf: {  	[dreg:$0x3] =	wrdreg $0x51000  }
0xb0: {  	[dreg:$0x4] =	wrdreg $0x9  }
0xb1: {  	_ =	task.clear_ibuf [dreg:s6], $0x5FFFF;
	_ =	strace $0x90000049  }
0xb2: {  	s29 =	simm.s32 $0x9;
	_ =	strace $0x8000004B  }
0xb3: {  	_ =	swait.ge [sflag:s29], $0x1  }
0xb4: {  	[sflag:s29] =	ssyncadd.s32 $0xFFFFFFFF  }
0xb5: {  	_ =	strace $0x9000004B  }
0xb6: {  	_ =	sfence  }
0xb7: {  	s30 =	sld [smem:$0x0];
	_ =	sdelay $0x2  }
0xb8: {  	s31 =	sshll.u32 s1, $0xD;
	s1 =	sshrl.u32 s1, $0x2  }
0xb9: {  	s3 =	sand.u32 $0x4000, s31;
	s1 =	sadd.s32 s1, s30  }
0xba: {  	s0 =	sor.u32 s3, s0;
	s1 =	sshll.u32 s1, $0x11  }
0xbb: {  	s0 =	sor.u32 s1, s0  }
0xbc: {  	s0 =	sadd.s32 $0x8F2B, s0  }
0xbd: {  	[sflag:s0] =	ssyncadd.remote.s32 $0x1  }
0xbe: {  	_ =	sfence.sel $0xFFFF  }
0xbf: {  	[dreg:$0x0] =	wrdreg $0xFFFFFFFF;
	(pc) =	sbr.abs _section_cstart, $3  }
0xc0: {  	[dreg:$0x1] =	wrdreg $0xFFFFFFFF  }
0xc1: {  	_ =	task.clear_ibuf [dreg:s6], $0x2FFFF;
	_ =	strace $0x9FFFFFFF  }
0xc2: {  	(tm) =	ssettm $0x7FFFFFFF  }
0xc3: {  	_ =	shalt  }
tec
execute0_lowered:
.L_overlay_start_1:
0x0: {  	(tag) =	ssettag $0x1  }
0x1: {  	s0 =	rddreg [dreg:$0x0]  }
0x2: {  	s1 =	rddreg [dreg:$0x1];
	s3 =	simm.s32 $0x0;
	s15 =	stileid.u32  }
0x3: {  	s2 =	srdreg.scid;
	s28 =	simm.s32 $0x3;
	s5 =	smul.u32 $0x28000, s15  }
0x4: {  	s29 =	simm.s32 $0x2;
	s30 =	simm.s32 $0x4;
	s16 =	smul.u32 $0x50000, s15  }
0x5: {  	[smem:$0x7FF] =	sst s3;
	s2 =	sand.u32 $0x1, s2;
	s9 =	smul.u32 $0x2710, s15  }
0x6: {  	s4 =	sadd.s32 $0xAC7600, s0;
	s14 =	sadd.s32 $0x6200, s0;
	s8 =	smul.u32 $0x271000, s15  }
0x7: {  	s6 =	sadd.s32 $0x103600, s0;
	s7 =	sshll.u32 s15, $0x6;
	s15 =	smul.u32 $0x4E2, s15  }
0x8: {  	_ =	strace $0x8000004A;
	s11 =	sshll.u32 s2, $0xA;
	s2 =	ssub.s32 $0x2, s2  }
0x9: {  	[dreg:$0x3] =	wrdreg s6;
	s5 =	sor.u32 s11, s5;
	s17 =	sshrl.u32 s2, $0x1  }
0xa: {  	s6 =	sshrl.u32 s16, $0x2;
	s19 =	sshrl.u32 s9, $0x3;
	s10 =	sadd.s32 $0x50, s9  }
0xb: {  	s13 =	sadd.s32 $0x26C0, s9;
	s31 =	sadd.s32 s15, s14;
	s5 =	sshrl.u32 s5, $0x3  }
0xc: {  	s2 =	ssub.s32 s2, s17;
	s18 =	sadd.s32 s6, s1;
	s6 =	sor.u32 $0x1C05, s7  }
0xd: {  	s17 =	sor.u32 s11, s8;
	s7 =	sadd.s32 s14, s19;
	s12 =	sshll.u32 s10, $0x8  }
0xe: {  	s21 =	sshrl.u32 s10, $0x3;
	s23 =	sshll.u32 s13, $0x8;
	s24 =	sshrl.u32 s13, $0x3  }
0xf: {  	s19 =	simm.s32 $0x5;
	s0 =	sadd.s32 s5, s0;
	[dreg:$0x4] =	wrdreg s7  }
0x10: {  	s8 =	sshrl.u32 s17, $0x3;
	s12 =	sor.u32 s11, s12;
	s9 =	sadd.s32 s14, s21  }
0x11: {  	s11 =	sor.u32 s11, s23;
	s16 =	sadd.s32 $0xF000, s17;
	s17 =	sadd.s32 $0xA000, s17  }
0x12: {  	s18 =	sshrl.u32 s18, $0x3;
	s21 =	simm.s32 $0x800;
	s23 =	simm.s32 $0x80  }
0x13: {  	s20 =	sadd.s32 s4, s8;
	s22 =	sshrl.u32 s12, $0x3;
	s25 =	sshrl.u32 s11, $0x3  }
0x14: {  	s11 =	sadd.s32 s14, s24;
	s13 =	sadd.s32 $0x105E00, s0;
	s26 =	sshrl.u32 s16, $0x3  }
0x15: {  	s14 =	smax.u32 s2, $0x1;
	s16 =	sadd.s32 $0x1E, s31;
	s24 =	simm.s32 $0x2900  }
0x16: {  	s0 =	simm.s32 $0x0;
	[dreg:$0x5] =	wrdreg s20;
	s10 =	sadd.s32 s4, s22  }
0x17: {  	s12 =	sadd.s32 s4, s25;
	s15 =	sadd.s32 s26, s4;
	s20 =	simm.s32 $0x400  }
0x18: {  	s22 =	simm.s32 $0x100;
	s25 =	simm.s32 $0x1;
	s26 =	simm.s32 $0x50  }
.LBB2_1:
0x19: {  	s2 =	rddreg [dreg:$0x3]  }
0x1a: {  	[spmem:s18], [sflag:s6] =	dma.local [hbm:s2], $0x2800  }
0x1b: {  	_ =	swait.ge [sflag:s19], $0x2800  }
0x1c: {  	[sflag:s19] =	ssyncset.done $0x0  }
0x1d: {  	[sflag:s19] =	ssyncadd.s32 $0xFFFFD800  }
0x1e: {  	[bflag:$0x0] =	sbarrier.arrive $0xFFFF  }
0x1f: {  	s7 =	rddreg [dreg:$0x4]  }
0x20: {  	[tilespmem:s3], [sflag:$0x5] =	stream.linear.gather [hbm4b:s7+s3], $0x50, $0x38;
	[tilespmem:$0x19100] =	vst v63  }
0x21: {  	_ =	swait.ge [sflag:s19], $0x50  }
0x22: {  	[sflag:s19] =	ssyncset.done $0x0  }
0x23: {  	s8 =	rddreg [dreg:$0x5];
	[sflag:s19] =	ssyncadd.s32 $0xFFFFFFB0  }
0x24: {  	[tilespmem:s22], [sflag:$0x1] =	stream.strided.gather [hbm4b:s8+s20], $0x2800, s21, s20, $0x38;
	[tilespmem:$0x19100] =	vst v63  }
0x25: {  	_ = 	snop  }
0x26: {  	[tilespmem:s23], [sflag:$0x5] =	stream.linear.gather [hbm4b:s9+s3], $0x50, $0x38;
	[tilespmem:$0x19100] =	vst v63  }
0x27: {  	_ =	swait.ge [sflag:s19], $0x50  }
0x28: {  	[sflag:s19] =	ssyncset.done $0x0  }
0x29: {  	[sflag:s19] =	ssyncadd.s32 $0xFFFFFFB0  }
0x2a: {  	[tilespmem:s24], [sflag:$0x2] =	stream.strided.gather [hbm4b:s10+s20], $0x2800, s21, s20, $0x38;
	[tilespmem:$0x19100] =	vst v63  }
0x2b: {  	_ =	swait.ge [sflag:s25], $0x2800  }
0x2c: {  	[sflag:s25] =	ssyncset.done $0x0  }
0x2d: {  	[sflag:s25] =	ssyncadd.s32 $0xFFFFD800  }
0x2e: {  	[spmem:s1] =	stream.indirect.scatter.add.f32 [tilespmem:s22], [sflag:$0x3], $0x80, s3, s26, $0xb8;
	[tilespmem:$0x19100] =	vst v63  }
0x2f: {  	_ =	swait.ge [sflag:s28], $0x2800  }
0x30: {  	[sflag:s28] =	ssyncset.done $0x0  }
0x31: {  	s5 =	sadd.s32 $0xFFFFFFF6, s16;
	[sflag:s28] =	ssyncadd.s32 $0xFFFFD800  }
0x32: {  	[tilespmem:s3], [sflag:$0x5] =	stream.linear.gather [hbm4b:s5+s3], $0x50, $0x38;
	[tilespmem:$0x19100] =	vst v63  }
0x33: {  	_ =	swait.ge [sflag:s19], $0x50  }
0x34: {  	s7 =	sshrl.u32 s17, $0x3;
	[sflag:s19] =	ssyncset.done $0x0  }
0x35: {  	s2 =	sadd.s32 s4, s7;
	[sflag:s19] =	ssyncadd.s32 $0xFFFFFFB0  }
0x36: {  	[tilespmem:s22], [sflag:$0x1] =	stream.strided.gather [hbm4b:s2+s20], $0x2800, s21, s20, $0x38;
	[tilespmem:$0x19100] =	vst v63  }
0x37: {  	_ =	swait.ge [sflag:s29], $0x2800  }
0x38: {  	[sflag:s29] =	ssyncset.done $0x0  }
0x39: {  	[sflag:s29] =	ssyncadd.s32 $0xFFFFD800  }
0x3a: {  	[spmem:s1] =	stream.indirect.scatter.add.f32 [tilespmem:s24], [sflag:$0x4], $0x80, s23, s26, $0xb8;
	[tilespmem:$0x19100] =	vst v63  }
0x3b: {  	_ =	swait.ge [sflag:s30], $0x2800  }
0x3c: {  	[sflag:s30] =	ssyncset.done $0x0  }
0x3d: {  	[sflag:s30] =	ssyncadd.s32 $0xFFFFD800  }
0x3e: {  	[tilespmem:s23], [sflag:$0x5] =	stream.linear.gather [hbm4b:s16+s3], $0x50, $0x38;
	[tilespmem:$0x19100] =	vst v63  }
0x3f: {  	_ =	swait.ge [sflag:s19], $0x50  }
0x40: {  	[sflag:s19] =	ssyncset.done $0x0  }
0x41: {  	s8 =	sadd.s32 $0x0, s15;
	[sflag:s19] =	ssyncadd.s32 $0xFFFFFFB0  }
0x42: {  	[tilespmem:s24], [sflag:$0x2] =	stream.strided.gather [hbm4b:s8+s20], $0x2800, s21, s20, $0x38;
	[tilespmem:$0x19100] =	vst v63  }
0x43: {  	_ =	swait.ge [sflag:s25], $0x2800  }
0x44: {  	s31 =	sadd.s32 $0x14, s16;
	[sflag:s25] =	ssyncset.done $0x0  }
0x45: {  	s5 =	sadd.s32 $0xA000, s17;
	s2 =	simm.s32 $0x1400;
	[sflag:s25] =	ssyncadd.s32 $0xFFFFD800  }
.LBB2_2:
0x46: {  	[spmem:s1] =	stream.indirect.scatter.add.f32 [tilespmem:s22], [sflag:$0x3], $0x80, s3, s26, $0xb8;
	[tilespmem:$0x19100] =	vst v63  }
0x47: {  	s7 =	smov.u32 s2  }
0x48: {  	p0 =	sne.s32 s2, $0x4B000;
	s2 =	sadd.s32 $0x1400, s2;
	_ =	swait.ge [sflag:s28], $0x2800  }
0x49: {  	[sflag:s28] =	ssyncset.done $0x0  }
0x4a: {  	s8 =	sadd.s32 $0xFFFFFFF6, s31;
	[sflag:s28] =	ssyncadd.s32 $0xFFFFD800  }
0x4b: {  	[tilespmem:s3], [sflag:$0x5] =	stream.linear.gather [hbm4b:s8+s3], $0x50, $0x38;
	[tilespmem:$0x19100] =	vst v63  }
0x4c: {  	_ =	swait.ge [sflag:s19], $0x50  }
0x4d: {  	s8 =	sshrl.u32 s5, $0x3;
	[sflag:s19] =	ssyncset.done $0x0  }
0x4e: {  	s8 =	sadd.s32 s4, s8;
	[sflag:s19] =	ssyncadd.s32 $0xFFFFFFB0  }
0x4f: {  	[tilespmem:s22], [sflag:$0x1] =	stream.strided.gather [hbm4b:s8+s20], $0x2800, s21, s20, $0x38;
	[tilespmem:$0x19100] =	vst v63  }
0x50: {  	_ =	swait.ge [sflag:s29], $0x2800  }
0x51: {  	[sflag:s29] =	ssyncset.done $0x0  }
0x52: {  	[sflag:s29] =	ssyncadd.s32 $0xFFFFD800  }
0x53: {  	[spmem:s1] =	stream.indirect.scatter.add.f32 [tilespmem:s24], [sflag:$0x4], $0x80, s23, s26, $0xb8;
	[tilespmem:$0x19100] =	vst v63  }
0x54: {  	_ =	swait.ge [sflag:s30], $0x2800  }
0x55: {  	[sflag:s30] =	ssyncset.done $0x0  }
0x56: {  	[sflag:s30] =	ssyncadd.s32 $0xFFFFD800  }
0x57: {  	[tilespmem:s23], [sflag:$0x5] =	stream.linear.gather [hbm4b:s31+s3], $0x50, $0x38;
	[tilespmem:$0x19100] =	vst v63  }
0x58: {  	_ =	swait.ge [sflag:s19], $0x50  }
0x59: {  	[sflag:s19] =	ssyncset.done $0x0  }
.Ltmp0:
0x5a: {  	s7 =	sadd.s32 s7, s15;
	[sflag:s19] =	ssyncadd.s32 $0xFFFFFFB0;
	(pc) =	sbr.rel @p0 .LBB2_2-.Ltmp0, $4  }
0x5b: {  	[tilespmem:s24], [sflag:$0x2] =	stream.strided.gather [hbm4b:s7+s20], $0x2800, s21, s20, $0x38;
	[tilespmem:$0x19100] =	vst v63  }
0x5c: {  	_ =	swait.ge [sflag:s25], $0x2800  }
0x5d: {  	[sflag:s25] =	ssyncset.done $0x0  }
0x5e: {  	s5 =	sadd.s32 $0xA000, s5;
	s31 =	sadd.s32 $0x14, s31;
	[sflag:s25] =	ssyncadd.s32 $0xFFFFD800  }
0x5f: {  	[spmem:s1] =	stream.indirect.scatter.add.f32 [tilespmem:s22], [sflag:$0x3], $0x80, s3, s26, $0xb8;
	[tilespmem:$0x19100] =	vst v63  }
0x60: {  	_ =	swait.ge [sflag:s28], $0x2800  }
0x61: {  	[sflag:s28] =	ssyncset.done $0x0  }
0x62: {  	[sflag:s28] =	ssyncadd.s32 $0xFFFFD800  }
0x63: {  	[tilespmem:s3], [sflag:$0x5] =	stream.linear.gather [hbm4b:s11+s3], $0x50, $0x38;
	[tilespmem:$0x19100] =	vst v63  }
0x64: {  	_ =	swait.ge [sflag:s19], $0x50  }
0x65: {  	[sflag:s19] =	ssyncset.done $0x0  }
0x66: {  	[sflag:s19] =	ssyncadd.s32 $0xFFFFFFB0  }
0x67: {  	[tilespmem:s22], [sflag:$0x1] =	stream.strided.gather [hbm4b:s12+s20], $0x2800, s21, s20, $0x38;
	[tilespmem:$0x19100] =	vst v63  }
0x68: {  	_ =	swait.ge [sflag:s29], $0x2800  }
0x69: {  	[sflag:s29] =	ssyncset.done $0x0  }
0x6a: {  	[sflag:s29] =	ssyncadd.s32 $0xFFFFD800  }
0x6b: {  	[spmem:s1] =	stream.indirect.scatter.add.f32 [tilespmem:s24], [sflag:$0x4], $0x80, s23, s26, $0xb8;
	[tilespmem:$0x19100] =	vst v63  }
0x6c: {  	_ =	swait.ge [sflag:s25], $0x2800  }
0x6d: {  	[sflag:s25] =	ssyncset.done $0x0  }
0x6e: {  	[sflag:s25] =	ssyncadd.s32 $0xFFFFD800  }
0x6f: {  	[spmem:s1] =	stream.indirect.scatter.add.f32 [tilespmem:s22], [sflag:$0x3], $0x80, s3, s26, $0xb8;
	[tilespmem:$0x19100] =	vst v63  }
0x70: {  	_ =	swait.ge [sflag:s30], $0x2800  }
0x71: {  	[sflag:s30] =	ssyncset.done $0x0  }
0x72: {  	[sflag:s30] =	ssyncadd.s32 $0xFFFFD800  }
0x73: {  	_ =	swait.ge [sflag:s28], $0x2800  }
0x74: {  	s0 =	sadd.s32 $0x1, s0;
	[sflag:s28] =	ssyncset.done $0x0  }
0x75: {  	p0 =	sne.s32 s0, s14;
	[sflag:s28] =	ssyncadd.s32 $0xFFFFD800  }
.Ltmp1:
0x76: {  	s2 =	simm.s32 $0x8;
	[bflag:$0x0] =	sbarrier.arrive $0xFFFF;
	(pc) =	sbr.rel @p0 .LBB2_1-.Ltmp1, $4  }
0x77: {  	[hbm:s13@s22], [sflag:s6] =	dma.strided [spmem:s18@s23], $0x2800, s2, $0x10   }
0x78: {  	_ =	swait.ge [sflag:s19], $0x2800  }
0x79: {  	[sflag:s19] =	ssyncset.done $0x0  }
0x7a: {  	[sflag:s19] =	ssyncadd.s32 $0xFFFFD800  }
0x7b: {  	_ =	sfence.sel $0x180000  }
0x7c: {  	[bflag:$0x0] =	sbarrier.arrive $0xFFFF  }
0x7d: {  	_ =	strace $0x9000004A  }
0x7e: {  	s0 =	stileid.u32;
	[bflag:$0x2] =	sbarrier.arrive $0xFFFF  }
0x7f: {  	p0 =	sne.s32 s0, $0x0;
	s0 =	rddreg [dreg:$0x2]  }
0x80: {  	s0 =	sadd.s32 @!p0 $0x100000, s0  }
0x81: {  	[sflag:s0] =	ssyncadd.tile.s32 @!p0 $0x1;
	_ =	shalt  }
.Lfunc_end2:
_tile_overlayer_lowered:
.L_overlay_start_2:
0x82: {  	(tag) =	ssettag $0x2  }
0x83: {  	s0 =	rddreg [dreg:$0x0];
	s2 =	stileid.u32  }
0x84: {  	s1 =	rddreg [dreg:$0x1];
	p0 =	sne.s32 s2, $0x0  }
0x85: {  	s3 =	rddreg [dreg:$0x2];
	[bflag:$0x3] =	sbarrier.arrive $0xFFFF;
	s2 =	simm.s32 @!p0 $0x1C05  }
0x86: {  	[timem:s3], [sflag:s2] =	dma.local @!p0 [hbm:s0], s1  }
0x87: {  	s0 =	simm.s32 @!p0 $0x5  }
0x88: {  	_ =	swait.ge @!p0 [sflag:s0], s1  }
0x89: {  	s1 =	ssub.s32 @!p0 $0x0, s1;
	[sflag:s0] =	ssyncset.done @!p0 $0x0  }
0x8a: {  	[sflag:s0] =	ssyncadd.s32 @!p0 s1  }
0x8b: {  	[bflag:$0x3] =	sbarrier.arrive $0xFFFF  }
0x8c: {  	_ =	shalt  }

// kernel: kernel.24.cloned.1.call-start
scs
__scs_entry_jumppad:
0x0: {  	(pc) =	sbr.rel $0x88, $3  }
0x1: {  	(tag) =	ssettag $0x0;
	lr =	simm.s32 $0x1  }
0x2: {  	[smem:$0x3F80] =	sst lr;
	_ =	strace $0xD0000000  }
0x3: {  	_ = 	snop  }
0x4: {  	_ = 	snop  }
0x5: {  	_ = 	snop  }
0x6: {  	_ = 	snop  }
0x7: {  	_ = 	snop  }
__scs_overlays_trampoline_lowered:
0x8: {  	[smem:$0x3F8F] =	sst s0  }
0x9: {  	[smem:$0x3F90] =	sst s1  }
0xa: {  	[smem:$0x3F91] =	sst s2  }
0xb: {  	[smem:$0x3F92] =	sst s3  }
0xc: {  	[smem:$0x3F93] =	sst s4  }
0xd: {  	[smem:$0x3F94] =	sst s5  }
0xe: {  	[smem:$0x3F95] =	sst s6  }
0xf: {  	[smem:$0x3F96] =	sst s7  }
0x10: {  	[smem:$0x3F97] =	sst s8  }
0x11: {  	[smem:$0x3F98] =	sst s9;
	s0 =	simm.s32 @!p0 $0x0  }
0x12: {  	s1 =	sld [smem:$0x3F7E];
	s0 =	simm.s32 @p0 $0x1  }
0x13: {  	[smem:$0x3F99] =	sst s0;
	s0 =	simm.s32 @!p1 $0x0  }
0x14: {  	s2 =	sld [smem:$0x3F7D];
	s0 =	simm.s32 @p1 $0x1  }
0x15: {  	[smem:$0x3F9A] =	sst s0;
	s0 =	simm.s32 @!p2 $0x0  }
0x16: {  	s3 =	sld [smem:$0x3FDB];
	s0 =	simm.s32 @p2 $0x1  }
0x17: {  	s4 =	simm.s32 $0x1BF5;
	[smem:$0x3F9C] =	sst s0  }
0x18: {  	s0 =	sld [smem:$0x3F7F];
	_ =	swait.ge [sflag:s4], $0x0  }
0x19: {  	s7 =	sld [smem:$0x3F80]  }
0x1a: {  	s8 =	sadd.s32 $0xFFFFE003, lr  }
0x1b: {  	s9 =	sadd.s32 $0xFFFFFEF7, lr;
	s5 =	simm.s32 $0xFFFFFFFF;
	p2 =	slt.u32 s8, $0xFFFFF086  }
0x1c: {  	p1 =	slt.u32 s9, $0xF7A;
	s5 =	simm.s32 @!p2 $0x0  }
0x1d: {  	s5 =	simm.s32 @p1 $0x1;
	p0 =	seq.s32 s7, s2  }
0x1e: {  	s7 =	smul.u32 @!p0 $0xF7A, s2;
	p2 =	seq.s32 @!p0 s5, $0x0  }
0x1f: {  	s9 =	smul.u32 $0xF7A, s1;
	s8 =	simm.s32 @!p0 $0x1BF5;
	p2 =	por !p2, p0  }
0x20: {  	[sflag:s8] =	ssyncset.s32 @!p0 $0xFFFFF086;
	s6 =	sadd.s32 @!p0 s3, s7;
	s7 =	simm.s32 @!p0 $0x108  }
0x21: {  	s3 =	sadd.s32 s3, s9;
	s6 =	sadd.s32 @!p0 $0x88, s6;
	s7 =	simm.s32 @p2 $0x1082  }
0x22: {  	[simem:s7], [sflag:s8] =	dma.local @!p0 [hbm:s6], $0xF7A  }
0x23: {  	s9 =	sor.u32 $0xD0000000, s2;
	s6 =	simm.s32 $0x108;
	_ =	swait.ge @!p0 [sflag:s8], $0x0  }
0x24: {  	s3 =	sadd.s32 $0x88, s3;
	s6 =	simm.s32 @!p1 $0x1082;
	[sflag:s4] =	ssyncset.s32 $0xFFFFF086  }
0x25: {  	[simem:s6], [sflag:s4] =	dma.local [hbm:s3], $0xF7A  }
0x26: {  	[smem:$0x3F80] =	sst s1;
	(tag) =	ssettag s2;
	_ =	strace s9  }
0x27: {  	s1 =	sld [smem:$0x3F90]  }
0x28: {  	s2 =	sld [smem:$0x3F91]  }
0x29: {  	s4 =	sld [smem:$0x3F93]  }
0x2a: {  	p0 =	seq.s32 s5, $0x0;
	s5 =	sld [smem:$0x3F94]  }
0x2b: {  	s6 =	sld [smem:$0x3F95]  }
0x2c: {  	s7 =	sld [smem:$0x3F96]  }
0x2d: {  	s3 =	simm.s32 $0x108;
	s8 =	sld [smem:$0x3F97]  }
0x2e: {  	s3 =	simm.s32 @!p0 $0x1082;
	s9 =	sld [smem:$0x3F98]  }
0x2f: {  	lr =	sadd.s32 s0, s3;
	s0 =	sld [smem:$0x3F8F]  }
0x30: {  	s3 =	sld [smem:$0x3F92]  }
0x31: {  	[smem:$0x3F9B] =	sst s10  }
0x32: {  	s10 =	sld [smem:$0x3F99];
	_ =	sdelay $0x3  }
0x33: {  	p0 =	seq.s32 s10, $0x1;
	s10 =	sld [smem:$0x3F9B];
	_ =	sdelay $0x3  }
0x34: {  	[smem:$0x3F9B] =	sst s10  }
0x35: {  	s10 =	sld [smem:$0x3F9A];
	_ =	sdelay $0x3  }
0x36: {  	p1 =	seq.s32 s10, $0x1;
	s10 =	sld [smem:$0x3F9B];
	_ =	sdelay $0x3  }
0x37: {  	[smem:$0x3F9B] =	sst s10  }
0x38: {  	s10 =	sld [smem:$0x3F9C]  }
0x39: {  	_ = 	snop;
	(pc) =	sbr.ind lr, $3  }
0x3a: {  	_ = 	snop  }
0x3b: {  	_ = 	snop  }
0x3c: {  	p2 =	seq.s32 s10, $0x1;
	s10 =	sld [smem:$0x3F9B]  }
0x3d: {  	_ =	shalt  }
0x3e: {  	_ =	shalt  }
0x3f: {  	_ =	shalt  }
0x40: {  	_ =	shalt  }
0x41: {  	_ =	shalt  }
0x42: {  	_ =	shalt  }
0x43: {  	_ =	shalt  }
0x44: {  	_ =	shalt  }
0x45: {  	_ =	shalt  }
0x46: {  	_ =	shalt  }
0x47: {  	_ =	shalt  }
0x48: {  	_ =	shalt  }
0x49: {  	_ =	shalt  }
0x4a: {  	_ =	shalt  }
0x4b: {  	_ =	shalt  }
0x4c: {  	_ =	shalt  }
0x4d: {  	_ =	shalt  }
0x4e: {  	_ =	shalt  }
0x4f: {  	_ =	shalt  }
0x50: {  	_ =	shalt  }
0x51: {  	_ =	shalt  }
0x52: {  	_ =	shalt  }
0x53: {  	_ =	shalt  }
0x54: {  	_ =	shalt  }
0x55: {  	_ =	shalt  }
0x56: {  	_ =	shalt  }
0x57: {  	_ =	shalt  }
0x58: {  	_ =	shalt  }
0x59: {  	_ =	shalt  }
0x5a: {  	_ =	shalt  }
0x5b: {  	_ =	shalt  }
0x5c: {  	_ =	shalt  }
0x5d: {  	_ =	shalt  }
0x5e: {  	_ =	shalt  }
0x5f: {  	_ =	shalt  }
0x60: {  	_ =	shalt  }
0x61: {  	_ =	shalt  }
0x62: {  	_ =	shalt  }
0x63: {  	_ =	shalt  }
0x64: {  	_ =	shalt  }
0x65: {  	_ =	shalt  }
0x66: {  	_ =	shalt  }
0x67: {  	_ =	shalt  }
0x68: {  	_ =	shalt  }
0x69: {  	_ =	shalt  }
0x6a: {  	_ =	shalt  }
0x6b: {  	_ =	shalt  }
0x6c: {  	_ =	shalt  }
0x6d: {  	_ =	shalt  }
0x6e: {  	_ =	shalt  }
0x6f: {  	_ =	shalt  }
0x70: {  	_ =	shalt  }
0x71: {  	_ =	shalt  }
0x72: {  	_ =	shalt  }
0x73: {  	_ =	shalt  }
0x74: {  	_ =	shalt  }
0x75: {  	_ =	shalt  }
0x76: {  	_ =	shalt  }
0x77: {  	_ =	shalt  }
0x78: {  	_ =	shalt  }
0x79: {  	_ =	shalt  }
0x7a: {  	_ =	shalt  }
0x7b: {  	_ =	shalt  }
0x7c: {  	_ =	shalt  }
0x7d: {  	_ =	shalt  }
0x7e: {  	_ =	shalt  }
0x7f: {  	_ =	shalt  }
0x80: {  	_ =	shalt  }
0x81: {  	_ =	shalt  }
0x82: {  	_ =	shalt  }
0x83: {  	_ =	shalt  }
0x84: {  	_ =	shalt  }
0x85: {  	_ =	shalt  }
0x86: {  	_ =	shalt  }
0x87: {  	_ =	shalt  }
.Lfunc_end0:
.L_simem_size_0:
called_computation.2_lowered:
.L_overlay_start_0:
0x88: {  	s2 =	sld [smem:$0x3FD9]  }
0x89: {  	s3 =	sld [smem:$0x3FFE];
	_ =	sdelay $0x1  }
0x8a: {  	s1 =	srdreg.scid  }
0x8b: {  	s0 =	sand.u32 $0x1, s1  }
0x8c: {  	s16 =	sshll.u32 s0, $0xA;
	s2 =	sadd.s32 s3, s2  }
0x8d: {  	s2 =	sadd.s32 s2, s16  }
0x8e: {  	[smem:$0x3FA7] =	sst s2  }
0x8f: {  	_ = 	snop  }
0x90: {  	(tm) =	ssettm $0x1  }
0x91: {  	s17 =	sld [smem:$0x3FFB];
	_ =	sdelay $0x3  }
0x92: {  	_ =	strace s17  }
0x93: {  	s2 =	sld [smem:$0x3FFC];
	_ =	sdelay $0x3  }
0x94: {  	_ =	strace s2  }
0x95: {  	s2 =	sld [smem:$0x3FFD];
	_ =	sdelay $0x3  }
0x96: {  	_ =	strace s2  }
0x97: {  	_ =	strace $0x8FFFFFFF  }
0x98: {  	s18 =	sld [smem:$0x3FDB];
	_ =	sdelay $0x1  }
0x99: {  	s19 =	simm.s32 $_scs_section_size  }
0x9a: {  	s4 =	simm.s32 $_size__tile_overlayer_lowered;
	s5 =	simm.s32 $_tile_overlayer_lowered  }
0x9b: {  	s22 =	simm.s32 $0x1BFF;
	s21 =	sshll.u32 s5, $0x1;
	s2 =	sadd.s32 s19, s18  }
0x9c: {  	s6 =	simm.s32 $0x0;
	s20 =	sshll.u32 s4, $0x1;
	s4 =	sadd.s32 s21, s2  }
0x9d: {  	[timem:s6], [sflag:s22] =	dma.local [hbm:s4], s20  }
0x9e: {  	_ =	swait.ge [sflag:s22], s20  }
0x9f: {  	s3 =	ssub.s32 $0x0, s20;
	[sflag:s22] =	ssyncset.done $0x0  }
0xa0: {  	[sflag:s22] =	ssyncadd.s32 s3;
	_ =	sdelay $0x1  }
0xa1: {  	s23 =	simm.s32 $0x1B8B  }
0xa2: {  	_ =	swait.ge [sflag:s23], $0x1  }
0xa3: {  	[sflag:s23] =	ssyncset.done $0x0  }
0xa4: {  	s25 =	simm.s32 $0x1B8E;
	s24 =	sld [smem:$0x3FFE];
	[sflag:s23] =	ssyncadd.s32 $0xFFFFFFFF  }
0xa5: {  	s26 =	simm.s32 $execute0_lowered;
	[smem:$0x3FD2] =	sst s25  }
0xa6: {  	s4 =	sshll.u32 s26, $0x1;
	_ =	strace $0x8000004C;
	[dreg:$0x1] =	wrdreg $0xFFFFFFFF  }
0xa7: {  	s28 =	simm.s32 $_size_execute0_lowered;
	s2 =	sadd.s32 s2, s4;
	[dreg:$0x0] =	wrdreg $0x0  }
0xa8: {  	s4 =	sshll.u32 s28, $0x1;
	[dreg:$0x2] =	wrdreg s2  }
0xa9: {  	[dreg:$0x3] =	wrdreg s4  }
0xaa: {  	[dreg:$0x4] =	wrdreg $0xC0  }
0xab: {  	_ =	task [dreg:s6], $0x5FFFF  }
0xac: {  	[dreg:$0x1] =	wrdreg $0xFFFFFFFF  }
0xad: {  	[dreg:$0x0] =	wrdreg $0x60  }
0xae: {  	[dreg:$0x2] =	wrdreg s24  }
0xaf: {  	[dreg:$0x3] =	wrdreg $0x9  }
0xb0: {  	_ =	task.clear_ibuf [dreg:s6], $0x4FFFF;
	_ =	strace $0x9000004C  }
0xb1: {  	s29 =	simm.s32 $0x9;
	_ =	strace $0x8000004E  }
0xb2: {  	_ =	swait.ge [sflag:s29], $0x1  }
0xb3: {  	[sflag:s29] =	ssyncadd.s32 $0xFFFFFFFF  }
0xb4: {  	_ =	strace $0x9000004E  }
0xb5: {  	_ =	sfence  }
0xb6: {  	s30 =	sld [smem:$0x0];
	_ =	sdelay $0x2  }
0xb7: {  	s31 =	sshll.u32 s1, $0xD;
	s1 =	sshrl.u32 s1, $0x2  }
0xb8: {  	s3 =	sand.u32 $0x4000, s31;
	s1 =	sadd.s32 s1, s30  }
0xb9: {  	s0 =	sor.u32 s3, s0;
	s1 =	sshll.u32 s1, $0x11  }
0xba: {  	s0 =	sor.u32 s1, s0  }
0xbb: {  	s0 =	sadd.s32 $0x8F2B, s0  }
0xbc: {  	[sflag:s0] =	ssyncadd.remote.s32 $0x1  }
0xbd: {  	_ =	sfence.sel $0xFFFF  }
0xbe: {  	[dreg:$0x0] =	wrdreg $0xFFFFFFFF;
	(pc) =	sbr.abs _section_cstart, $3  }
0xbf: {  	[dreg:$0x1] =	wrdreg $0xFFFFFFFF  }
0xc0: {  	_ =	task.clear_ibuf [dreg:s6], $0x2FFFF;
	_ =	strace $0x9FFFFFFF  }
0xc1: {  	(tm) =	ssettm $0x7FFFFFFF  }
tec
execute0_lowered:
.L_overlay_start_1:
0x0: {  	(tag) =	ssettag $0x1  }
0x1: {  	s0 =	rddreg [dreg:$0x0]  }
0x2: {  	s1 =	srdreg.scid;
	s12 =	stileid.u32;
	s2 =	simm.s32 $0x0  }
0x3: {  	s13 =	simm.s32 $0x200;
	s18 =	simm.s32 $0xA00;
	s30 =	simm.s32 $0x2200  }
0x4: {  	s28 =	simm.s32 $0x5200;
	s29 =	simm.s32 $0xA200;
	s31 =	simm.s32 $0xAA00  }
0x5: {  	s14 =	simm.s32 $0x3;
	s15 =	simm.s32 $0x2;
	s16 =	simm.s32 $0x4  }
0x6: {  	s17 =	simm.s32 $0x0;
	s1 =	sand.u32 $0x1, s1;
	s10 =	smul.u32 $0x4E20, s12  }
0x7: {  	s3 =	sshll.u32 s12, $0x1;
	[smem:$0x7FF] =	sst s2;
	s23 =	smul.u32 $0x9C400, s12  }
0x8: {  	s4 =	sadd.s32 $0xF9800, s0;
	s12 =	simm.s32 $0x5;
	s11 =	smul.u32 $0x2710, s1  }
0x9: {  	s5 =	sor.u32 s1, s3;
	s7 =	ssub.s32 $0x2, s1;
	s1 =	smul.u32 $0x4E200, s1  }
0xa: {  	_ =	strace $0x8000004D;
	s3 =	sadd.s32 $0xD200, s0;
	s6 =	smul.u32 $0x2710, s5  }
0xb: {  	s0 =	sadd.s32 $0xFA9600, s0;
	[dreg:$0xa] =	wrdreg s4;
	s8 =	smul.u32 $0x4E200, s5  }
0xc: {  	[dreg:$0xb] =	wrdreg s17;
	s9 =	sshrl.u32 s7, $0x1;
	s5 =	smul.u32 $0x271000, s5  }
0xd: {  	s7 =	ssub.s32 s7, s9;
	s22 =	sadd.s32 s11, s10;
	s11 =	simm.s32 $0x9A00  }
0xe: {  	s10 =	simm.s32 $0x1;
	s19 =	sadd.s32 $0xC8, s6;
	s6 =	sshrl.u32 s6, $0x3  }
0xf: {  	s21 =	sadd.s32 s0, s8;
	s5 =	sshrl.u32 s5, $0x3;
	s24 =	sadd.s32 $0x258, s22  }
0x10: {  	s7 =	smax.u32 s7, $0x1;
	s26 =	sadd.s32 $0x190, s22;
	s22 =	simm.s32 $0x2A00  }
0x11: {  	s8 =	simm.s32 $0x8200;
	s9 =	sshrl.u32 s19, $0x3;
	[dreg:$0x5] =	wrdreg s21  }
0x12: {  	s6 =	sadd.s32 s4, s6;
	s5 =	sadd.s32 s0, s5;
	[dreg:$0x7] =	wrdreg s7  }
0x13: {  	s25 =	sshrl.u32 s24, $0x3;
	s0 =	sadd.s32 s23, s0;
	[dreg:$0x9] =	wrdreg s26  }
0x14: {  	s19 =	simm.s32 $0x1200;
	s23 =	simm.s32 $0x3200;
	s24 =	simm.s32 $0x3A00  }
0x15: {  	s26 =	simm.s32 $0x4A00;
	s7 =	simm.s32 $0x7A00;
	s21 =	simm.s32 $0xCA00  }
0x16: {  	[dreg:$0x3] =	wrdreg s6;
	s20 =	sadd.s32 s4, s9;
	s5 =	sadd.s32 $0x4C900, s5  }
0x17: {  	s0 =	sadd.s32 s1, s0;
	s1 =	simm.s32 $0x6200;
	[dreg:$0x4] =	wrdreg s20  }
0x18: {  	s6 =	simm.s32 $0x7200;
	s9 =	simm.s32 $0x8A00;
	[dreg:$0x6] =	wrdreg s5  }
0x19: {  	v2 =	vlaneseq.u32;
	s5 =	sadd.s32 s25, s4;
	s0 =	sadd.s32 $0x1900, s0;
	s20 =	simm.s32 $0x1A00  }
0x1a: {  	vm0 =	vmmov $0xffff;
	v1 =	vshrl.u32 v2, $0x3;
	s25 =	simm.s32 $0x4200;
	s4 =	simm.s32 $0x9200;
	[dreg:$0x2] =	wrdreg s5  }
0x1b: {  	v0 =	vand.u32 $0x7, v2;
	v2 =	vor.u32 $0x8, v2;
	v1 =	vmul.u32 $0x8, v1;
	[dreg:$0x8] =	wrdreg s0;
	s0 =	simm.s32 $0x5A00;
	s5 =	simm.s32 $0x6A00  }
.LBB2_1:
0x1c: {  	s17 =	rddreg [dreg:$0x3]  }
0x1d: {  	[tilespmem:s2], [sflag:$0x5] =	stream.linear.gather [hbm4b:s17+s2], $0xC8, $0x38;
	[tilespmem:$0x19200] =	vst v63  }
0x1e: {  	_ =	swait.ge [sflag:s12], $0xC8  }
0x1f: {  	[sflag:s12] =	ssyncset.done $0x0  }
0x20: {  	[sflag:s12] =	ssyncadd.s32 $0xFFFFFF38  }
0x21: {  	v3 =	vld [tilespmem:$0x0];
	_ =	sdelay $0x4  }
0x22: {  	v4 =	vshll.u32 v3, $0x1  }
0x23: {  	v3 =	vand.u32 $0x7, v3;
	v4 =	vand.u32 $0xFFFFFFF0, v4  }
0x24: {  	v3 =	vor.u32 v3, v4  }
0x25: {  	v4 =	vperm.xlane v3, v0;
	_ =	sdelay $0x1  }
0x26: {  	v3 =	vperm.xlane v3, v2;
	v4 =	vadd.s32 v1, v4;
	_ =	sdelay $0x1  }
0x27: {  	v3 =	vadd.s32 v1, v3;
	_ =	sdelay $0x2  }
0x28: {  	[tilespmem:s13], [sflag:$0x1] =	stream.indirect_vreg.gather [hbm4b:s3+s2], $0x80, v4, vm0, $0xb8;
	[tilespmem:$0x19200] =	vst v63  }
0x29: {  	_ = 	snop  }
0x2a: {  	[tilespmem:s18], [sflag:$0x1] =	stream.indirect_vreg.gather [hbm4b:s3+s2], $0x80, v3, vm0, $0xb8;
	[tilespmem:$0x19200] =	vst v63  }
0x2b: {  	v3 =	vld [tilespmem:$0x10];
	_ =	sdelay $0x4  }
0x2c: {  	v39 =	vshll.u32 v3, $0x1  }
0x2d: {  	v3 =	vand.u32 $0x7, v3;
	v4 =	vand.u32 $0xFFFFFFF0, v39  }
0x2e: {  	v3 =	vor.u32 v3, v4  }
0x2f: {  	v4 =	vperm.xlane v3, v0;
	_ =	sdelay $0x1  }
0x30: {  	v3 =	vperm.xlane v3, v2;
	v4 =	vadd.s32 v1, v4;
	_ =	sdelay $0x1  }
0x31: {  	v3 =	vadd.s32 v1, v3;
	_ =	sdelay $0x2  }
0x32: {  	[tilespmem:s19], [sflag:$0x1] =	stream.indirect_vreg.gather [hbm4b:s3+s2], $0x80, v4, vm0, $0xb8;
	[tilespmem:$0x19200] =	vst v63  }
0x33: {  	_ = 	snop  }
0x34: {  	[tilespmem:s20], [sflag:$0x1] =	stream.indirect_vreg.gather [hbm4b:s3+s2], $0x80, v3, vm0, $0xb8;
	[tilespmem:$0x19200] =	vst v63  }
0x35: {  	v3 =	vld [tilespmem:$0x20];
	_ =	sdelay $0x4  }
0x36: {  	v40 =	vshll.u32 v3, $0x1  }
0x37: {  	v3 =	vand.u32 $0x7, v3;
	v4 =	vand.u32 $0xFFFFFFF0, v40  }
0x38: {  	v3 =	vor.u32 v3, v4  }
0x39: {  	v4 =	vperm.xlane v3, v0;
	_ =	sdelay $0x1  }
0x3a: {  	v3 =	vperm.xlane v3, v2;
	v4 =	vadd.s32 v1, v4;
	_ =	sdelay $0x1  }
0x3b: {  	v3 =	vadd.s32 v1, v3;
	_ =	sdelay $0x2  }
0x3c: {  	[tilespmem:s30], [sflag:$0x1] =	stream.indirect_vreg.gather [hbm4b:s3+s2], $0x80, v4, vm0, $0xb8;
	[tilespmem:$0x19200] =	vst v63  }
0x3d: {  	_ = 	snop  }
0x3e: {  	[tilespmem:s22], [sflag:$0x1] =	stream.indirect_vreg.gather [hbm4b:s3+s2], $0x80, v3, vm0, $0xb8;
	[tilespmem:$0x19200] =	vst v63  }
0x3f: {  	v3 =	vld [tilespmem:$0x30];
	_ =	sdelay $0x4  }
0x40: {  	v41 =	vshll.u32 v3, $0x1  }
0x41: {  	v3 =	vand.u32 $0x7, v3;
	v4 =	vand.u32 $0xFFFFFFF0, v41  }
0x42: {  	v3 =	vor.u32 v3, v4  }
0x43: {  	v4 =	vperm.xlane v3, v0;
	_ =	sdelay $0x1  }
0x44: {  	v3 =	vperm.xlane v3, v2;
	v4 =	vadd.s32 v1, v4;
	_ =	sdelay $0x1  }
0x45: {  	v3 =	vadd.s32 v1, v3;
	_ =	sdelay $0x2  }
0x46: {  	[tilespmem:s23], [sflag:$0x1] =	stream.indirect_vreg.gather [hbm4b:s3+s2], $0x80, v4, vm0, $0xb8;
	[tilespmem:$0x19200] =	vst v63  }
0x47: {  	_ = 	snop  }
0x48: {  	[tilespmem:s24], [sflag:$0x1] =	stream.indirect_vreg.gather [hbm4b:s3+s2], $0x80, v3, vm0, $0xb8;
	[tilespmem:$0x19200] =	vst v63  }
0x49: {  	v3 =	vld [tilespmem:$0x40];
	_ =	sdelay $0x4  }
0x4a: {  	v42 =	vshll.u32 v3, $0x1  }
0x4b: {  	v3 =	vand.u32 $0x7, v3;
	v4 =	vand.u32 $0xFFFFFFF0, v42  }
0x4c: {  	v3 =	vor.u32 v3, v4  }
0x4d: {  	v4 =	vperm.xlane v3, v0;
	_ =	sdelay $0x1  }
0x4e: {  	v3 =	vperm.xlane v3, v2;
	v4 =	vadd.s32 v1, v4;
	_ =	sdelay $0x1  }
0x4f: {  	v3 =	vadd.s32 v1, v3;
	_ =	sdelay $0x2  }
0x50: {  	[tilespmem:s25], [sflag:$0x1] =	stream.indirect_vreg.gather [hbm4b:s3+s2], $0x80, v4, vm0, $0xb8;
	[tilespmem:$0x19200] =	vst v63  }
0x51: {  	_ = 	snop  }
0x52: {  	[tilespmem:s26], [sflag:$0x1] =	stream.indirect_vreg.gather [hbm4b:s3+s2], $0x80, v3, vm0, $0xb8;
	[tilespmem:$0x19200] =	vst v63  }
0x53: {  	v3 =	vld [tilespmem:$0x50];
	_ =	sdelay $0x4  }
0x54: {  	v43 =	vshll.u32 v3, $0x1  }
0x55: {  	v3 =	vand.u32 $0x7, v3;
	v4 =	vand.u32 $0xFFFFFFF0, v43  }
0x56: {  	v3 =	vor.u32 v3, v4  }
0x57: {  	v4 =	vperm.xlane v3, v0;
	_ =	sdelay $0x1  }
0x58: {  	v3 =	vperm.xlane v3, v2;
	v4 =	vadd.s32 v1, v4;
	_ =	sdelay $0x1  }
0x59: {  	v3 =	vadd.s32 v1, v3;
	_ =	sdelay $0x2  }
0x5a: {  	[tilespmem:s28], [sflag:$0x1] =	stream.indirect_vreg.gather [hbm4b:s3+s2], $0x80, v4, vm0, $0xb8;
	[tilespmem:$0x19200] =	vst v63  }
0x5b: {  	_ = 	snop  }
0x5c: {  	[tilespmem:s0], [sflag:$0x1] =	stream.indirect_vreg.gather [hbm4b:s3+s2], $0x80, v3, vm0, $0xb8;
	[tilespmem:$0x19200] =	vst v63  }
0x5d: {  	v3 =	vld [tilespmem:$0x60];
	_ =	sdelay $0x4  }
0x5e: {  	v44 =	vshll.u32 v3, $0x1  }
0x5f: {  	v3 =	vand.u32 $0x7, v3;
	v4 =	vand.u32 $0xFFFFFFF0, v44  }
0x60: {  	v3 =	vor.u32 v3, v4  }
0x61: {  	v4 =	vperm.xlane v3, v0;
	_ =	sdelay $0x1  }
0x62: {  	v3 =	vperm.xlane v3, v2;
	v4 =	vadd.s32 v1, v4;
	_ =	sdelay $0x1  }
0x63: {  	v3 =	vadd.s32 v1, v3;
	_ =	sdelay $0x2  }
0x64: {  	[tilespmem:s1], [sflag:$0x1] =	stream.indirect_vreg.gather [hbm4b:s3+s2], $0x80, v4, vm0, $0xb8;
	[tilespmem:$0x19200] =	vst v63  }
0x65: {  	_ = 	snop  }
0x66: {  	[tilespmem:s5], [sflag:$0x1] =	stream.indirect_vreg.gather [hbm4b:s3+s2], $0x80, v3, vm0, $0xb8;
	[tilespmem:$0x19200] =	vst v63  }
0x67: {  	v3 =	vld [tilespmem:$0x70];
	_ =	sdelay $0x4  }
0x68: {  	v45 =	vshll.u32 v3, $0x1  }
0x69: {  	v3 =	vand.u32 $0x7, v3;
	v4 =	vand.u32 $0xFFFFFFF0, v45  }
0x6a: {  	v3 =	vor.u32 v3, v4  }
0x6b: {  	v4 =	vperm.xlane v3, v0;
	_ =	sdelay $0x1  }
0x6c: {  	v3 =	vperm.xlane v3, v2;
	v4 =	vadd.s32 v1, v4;
	_ =	sdelay $0x1  }
0x6d: {  	v3 =	vadd.s32 v1, v3;
	_ =	sdelay $0x2  }
0x6e: {  	[tilespmem:s6], [sflag:$0x1] =	stream.indirect_vreg.gather [hbm4b:s3+s2], $0x80, v4, vm0, $0xb8;
	[tilespmem:$0x19200] =	vst v63  }
0x6f: {  	_ = 	snop  }
0x70: {  	[tilespmem:s7], [sflag:$0x1] =	stream.indirect_vreg.gather [hbm4b:s3+s2], $0x80, v3, vm0, $0xb8;
	[tilespmem:$0x19200] =	vst v63  }
0x71: {  	v3 =	vld [tilespmem:$0x80];
	_ =	sdelay $0x4  }
0x72: {  	v46 =	vshll.u32 v3, $0x1  }
0x73: {  	v3 =	vand.u32 $0x7, v3;
	v4 =	vand.u32 $0xFFFFFFF0, v46  }
0x74: {  	v3 =	vor.u32 v3, v4  }
0x75: {  	v4 =	vperm.xlane v3, v0;
	_ =	sdelay $0x1  }
0x76: {  	v3 =	vperm.xlane v3, v2;
	v4 =	vadd.s32 v1, v4;
	_ =	sdelay $0x1  }
0x77: {  	v3 =	vadd.s32 v1, v3;
	_ =	sdelay $0x2  }
0x78: {  	[tilespmem:s8], [sflag:$0x1] =	stream.indirect_vreg.gather [hbm4b:s3+s2], $0x80, v4, vm0, $0xb8;
	[tilespmem:$0x19200] =	vst v63  }
0x79: {  	_ = 	snop  }
0x7a: {  	[tilespmem:s9], [sflag:$0x1] =	stream.indirect_vreg.gather [hbm4b:s3+s2], $0x80, v3, vm0, $0xb8;
	[tilespmem:$0x19200] =	vst v63  }
0x7b: {  	v3 =	vld [tilespmem:$0x90];
	_ =	sdelay $0x4  }
0x7c: {  	v47 =	vshll.u32 v3, $0x1  }
0x7d: {  	v3 =	vand.u32 $0x7, v3;
	v4 =	vand.u32 $0xFFFFFFF0, v47  }
0x7e: {  	v3 =	vor.u32 v3, v4  }
0x7f: {  	v4 =	vperm.xlane v3, v0;
	_ =	sdelay $0x1  }
0x80: {  	v3 =	vperm.xlane v3, v2;
	v4 =	vadd.s32 v1, v4;
	_ =	sdelay $0x1  }
0x81: {  	v3 =	vadd.s32 v1, v3;
	_ =	sdelay $0x2  }
0x82: {  	[tilespmem:s4], [sflag:$0x1] =	stream.indirect_vreg.gather [hbm4b:s3+s2], $0x80, v4, vm0, $0xb8;
	[tilespmem:$0x19200] =	vst v63  }
0x83: {  	_ = 	snop  }
0x84: {  	[tilespmem:s11], [sflag:$0x1] =	stream.indirect_vreg.gather [hbm4b:s3+s2], $0x80, v3, vm0, $0xb8;
	[tilespmem:$0x19200] =	vst v63  }
0x85: {  	v3 =	vld [tilespmem:$0xA0];
	_ =	sdelay $0x4  }
0x86: {  	v48 =	vshll.u32 v3, $0x1  }
0x87: {  	v3 =	vand.u32 $0x7, v3;
	v4 =	vand.u32 $0xFFFFFFF0, v48  }
0x88: {  	v3 =	vor.u32 v3, v4  }
0x89: {  	v4 =	vperm.xlane v3, v0;
	_ =	sdelay $0x1  }
0x8a: {  	v3 =	vperm.xlane v3, v2;
	v4 =	vadd.s32 v1, v4;
	_ =	sdelay $0x1  }
0x8b: {  	v3 =	vadd.s32 v1, v3;
	_ =	sdelay $0x2  }
0x8c: {  	[tilespmem:s29], [sflag:$0x1] =	stream.indirect_vreg.gather [hbm4b:s3+s2], $0x80, v4, vm0, $0xb8;
	[tilespmem:$0x19200] =	vst v63  }
0x8d: {  	_ = 	snop  }
0x8e: {  	[tilespmem:s31], [sflag:$0x1] =	stream.indirect_vreg.gather [hbm4b:s3+s2], $0x80, v3, vm0, $0xb8;
	[tilespmem:$0x19200] =	vst v63  }
0x8f: {  	v3 =	vld [tilespmem:$0xB0];
	_ =	sdelay $0x4  }
0x90: {  	v49 =	vshll.u32 v3, $0x1  }
0x91: {  	v3 =	vand.u32 $0x7, v3;
	v4 =	vand.u32 $0xFFFFFFF0, v49  }
0x92: {  	v3 =	vor.u32 v3, v4  }
0x93: {  	v4 =	vperm.xlane v3, v0;
	_ =	sdelay $0x1  }
0x94: {  	v3 =	vperm.xlane v3, v2;
	v4 =	vadd.s32 v1, v4;
	_ =	sdelay $0x1  }
0x95: {  	v3 =	vadd.s32 v1, v3;
	_ =	sdelay $0x1  }
0x96: {  	s17 =	simm.s32 $0xB200  }
0x97: {  	[tilespmem:s17], [sflag:$0x1] =	stream.indirect_vreg.gather [hbm4b:s3+s2], $0x80, v4, vm0, $0xb8;
	[tilespmem:$0x19200] =	vst v63  }
0x98: {  	s18 =	simm.s32 $0xBA00  }
0x99: {  	[tilespmem:s18], [sflag:$0x1] =	stream.indirect_vreg.gather [hbm4b:s3+s2], $0x80, v3, vm0, $0xb8;
	[tilespmem:$0x19200] =	vst v63  }
0x9a: {  	v3 =	vld.msk [tilespmem:$0xC0], $0xff;
	_ =	sdelay $0x4  }
0x9b: {  	v50 =	vshll.u32 v3, $0x1  }
0x9c: {  	v3 =	vand.u32 $0x7, v3;
	v4 =	vand.u32 $0xFFFFFFF0, v50  }
0x9d: {  	v3 =	vor.u32 v3, v4  }
0x9e: {  	v3 =	vperm.xlane v3, v0;
	_ =	sdelay $0x1  }
0x9f: {  	v3 =	vadd.s32 v1, v3;
	_ =	sdelay $0x3  }
0xa0: {  	s19 =	simm.s32 $0xC200  }
0xa1: {  	[tilespmem:s19], [sflag:$0x1] =	stream.indirect_vreg.gather [hbm4b:s3+s2], $0x80, v3, vm0, $0xb8;
	[tilespmem:$0x19200] =	vst v63  }
0xa2: {  	s20 =	rddreg [dreg:$0x4];
	s22 =	simm.s32 $0x100  }
0xa3: {  	[tilespmem:s22], [sflag:$0x5] =	stream.linear.gather [hbm4b:s20+s2], $0xC8, $0x38;
	[tilespmem:$0x19200] =	vst v63  }
0xa4: {  	_ =	swait.ge [sflag:s12], $0xC8  }
0xa5: {  	[sflag:s12] =	ssyncset.done $0x0  }
0xa6: {  	[sflag:s12] =	ssyncadd.s32 $0xFFFFFF38  }
0xa7: {  	v3 =	vld [tilespmem:$0x100];
	_ =	sdelay $0x4  }
0xa8: {  	v51 =	vshll.u32 v3, $0x1  }
0xa9: {  	v3 =	vand.u32 $0x7, v3;
	v4 =	vand.u32 $0xFFFFFFF0, v51  }
0xaa: {  	v3 =	vor.u32 v3, v4  }
0xab: {  	v4 =	vperm.xlane v3, v0;
	_ =	sdelay $0x1  }
0xac: {  	v3 =	vperm.xlane v3, v2;
	v4 =	vadd.s32 v1, v4;
	_ =	sdelay $0x1  }
0xad: {  	v3 =	vadd.s32 v1, v3;
	_ =	sdelay $0x2  }
0xae: {  	[tilespmem:s21], [sflag:$0x2] =	stream.indirect_vreg.gather [hbm4b:s3+s2], $0x80, v4, vm0, $0xb8;
	[tilespmem:$0x19200] =	vst v63  }
0xaf: {  	s23 =	simm.s32 $0xD200  }
0xb0: {  	[tilespmem:s23], [sflag:$0x2] =	stream.indirect_vreg.gather [hbm4b:s3+s2], $0x80, v3, vm0, $0xb8;
	[tilespmem:$0x19200] =	vst v63  }
0xb1: {  	v3 =	vld [tilespmem:$0x110];
	_ =	sdelay $0x4  }
0xb2: {  	v52 =	vshll.u32 v3, $0x1  }
0xb3: {  	v3 =	vand.u32 $0x7, v3;
	v4 =	vand.u32 $0xFFFFFFF0, v52  }
0xb4: {  	v3 =	vor.u32 v3, v4  }
0xb5: {  	v4 =	vperm.xlane v3, v0;
	_ =	sdelay $0x1  }
0xb6: {  	v3 =	vperm.xlane v3, v2;
	v4 =	vadd.s32 v1, v4;
	_ =	sdelay $0x1  }
0xb7: {  	v3 =	vadd.s32 v1, v3;
	_ =	sdelay $0x1  }
0xb8: {  	s24 =	simm.s32 $0xDA00  }
0xb9: {  	[tilespmem:s24], [sflag:$0x2] =	stream.indirect_vreg.gather [hbm4b:s3+s2], $0x80, v4, vm0, $0xb8;
	[tilespmem:$0x19200] =	vst v63  }
0xba: {  	s25 =	simm.s32 $0xE200  }
0xbb: {  	[tilespmem:s25], [sflag:$0x2] =	stream.indirect_vreg.gather [hbm4b:s3+s2], $0x80, v3, vm0, $0xb8;
	[tilespmem:$0x19200] =	vst v63  }
0xbc: {  	v3 =	vld [tilespmem:$0x120];
	_ =	sdelay $0x4  }
0xbd: {  	v53 =	vshll.u32 v3, $0x1  }
0xbe: {  	v3 =	vand.u32 $0x7, v3;
	v4 =	vand.u32 $0xFFFFFFF0, v53  }
0xbf: {  	v3 =	vor.u32 v3, v4  }
0xc0: {  	v4 =	vperm.xlane v3, v0;
	_ =	sdelay $0x1  }
0xc1: {  	v3 =	vperm.xlane v3, v2;
	v4 =	vadd.s32 v1, v4;
	_ =	sdelay $0x1  }
0xc2: {  	v3 =	vadd.s32 v1, v3;
	_ =	sdelay $0x1  }
0xc3: {  	s26 =	simm.s32 $0xEA00  }
0xc4: {  	[tilespmem:s26], [sflag:$0x2] =	stream.indirect_vreg.gather [hbm4b:s3+s2], $0x80, v4, vm0, $0xb8;
	[tilespmem:$0x19200] =	vst v63  }
0xc5: {  	s28 =	simm.s32 $0xF200  }
0xc6: {  	[tilespmem:s28], [sflag:$0x2] =	stream.indirect_vreg.gather [hbm4b:s3+s2], $0x80, v3, vm0, $0xb8;
	[tilespmem:$0x19200] =	vst v63  }
0xc7: {  	v3 =	vld [tilespmem:$0x130];
	_ =	sdelay $0x4  }
0xc8: {  	v54 =	vshll.u32 v3, $0x1  }
0xc9: {  	v3 =	vand.u32 $0x7, v3;
	v4 =	vand.u32 $0xFFFFFFF0, v54  }
0xca: {  	v3 =	vor.u32 v3, v4  }
0xcb: {  	v4 =	vperm.xlane v3, v0;
	_ =	sdelay $0x1  }
0xcc: {  	v3 =	vperm.xlane v3, v2;
	v4 =	vadd.s32 v1, v4;
	_ =	sdelay $0x1  }
0xcd: {  	v3 =	vadd.s32 v1, v3;
	_ =	sdelay $0x1  }
0xce: {  	s1 =	simm.s32 $0xFA00  }
0xcf: {  	[tilespmem:s1], [sflag:$0x2] =	stream.indirect_vreg.gather [hbm4b:s3+s2], $0x80, v4, vm0, $0xb8;
	[tilespmem:$0x19200] =	vst v63  }
0xd0: {  	s4 =	simm.s32 $0x10200  }
0xd1: {  	[tilespmem:s4], [sflag:$0x2] =	stream.indirect_vreg.gather [hbm4b:s3+s2], $0x80, v3, vm0, $0xb8;
	[tilespmem:$0x19200] =	vst v63  }
0xd2: {  	v3 =	vld [tilespmem:$0x140];
	_ =	sdelay $0x4  }
0xd3: {  	v55 =	vshll.u32 v3, $0x1  }
0xd4: {  	v3 =	vand.u32 $0x7, v3;
	v4 =	vand.u32 $0xFFFFFFF0, v55  }
0xd5: {  	v3 =	vor.u32 v3, v4  }
0xd6: {  	v4 =	vperm.xlane v3, v0;
	_ =	sdelay $0x1  }
0xd7: {  	v3 =	vperm.xlane v3, v2;
	v4 =	vadd.s32 v1, v4;
	_ =	sdelay $0x1  }
0xd8: {  	v3 =	vadd.s32 v1, v3;
	_ =	sdelay $0x1  }
0xd9: {  	s5 =	simm.s32 $0x10A00  }
0xda: {  	[tilespmem:s5], [sflag:$0x2] =	stream.indirect_vreg.gather [hbm4b:s3+s2], $0x80, v4, vm0, $0xb8;
	[tilespmem:$0x19200] =	vst v63  }
0xdb: {  	s6 =	simm.s32 $0x11200  }
0xdc: {  	[tilespmem:s6], [sflag:$0x2] =	stream.indirect_vreg.gather [hbm4b:s3+s2], $0x80, v3, vm0, $0xb8;
	[tilespmem:$0x19200] =	vst v63  }
0xdd: {  	v3 =	vld [tilespmem:$0x150];
	_ =	sdelay $0x4  }
0xde: {  	v56 =	vshll.u32 v3, $0x1  }
0xdf: {  	v3 =	vand.u32 $0x7, v3;
	v4 =	vand.u32 $0xFFFFFFF0, v56  }
0xe0: {  	v3 =	vor.u32 v3, v4  }
0xe1: {  	v4 =	vperm.xlane v3, v0;
	_ =	sdelay $0x1  }
0xe2: {  	v3 =	vperm.xlane v3, v2;
	v4 =	vadd.s32 v1, v4;
	_ =	sdelay $0x1  }
0xe3: {  	v3 =	vadd.s32 v1, v3;
	_ =	sdelay $0x1  }
0xe4: {  	s7 =	simm.s32 $0x11A00  }
0xe5: {  	[tilespmem:s7], [sflag:$0x2] =	stream.indirect_vreg.gather [hbm4b:s3+s2], $0x80, v4, vm0, $0xb8;
	[tilespmem:$0x19200] =	vst v63  }
0xe6: {  	s8 =	simm.s32 $0x12200  }
0xe7: {  	[tilespmem:s8], [sflag:$0x2] =	stream.indirect_vreg.gather [hbm4b:s3+s2], $0x80, v3, vm0, $0xb8;
	[tilespmem:$0x19200] =	vst v63  }
0xe8: {  	v3 =	vld [tilespmem:$0x160];
	_ =	sdelay $0x4  }
0xe9: {  	v57 =	vshll.u32 v3, $0x1  }
0xea: {  	v3 =	vand.u32 $0x7, v3;
	v4 =	vand.u32 $0xFFFFFFF0, v57  }
0xeb: {  	v3 =	vor.u32 v3, v4  }
0xec: {  	v4 =	vperm.xlane v3, v0;
	_ =	sdelay $0x1  }
0xed: {  	v3 =	vperm.xlane v3, v2;
	v4 =	vadd.s32 v1, v4;
	_ =	sdelay $0x1  }
0xee: {  	v3 =	vadd.s32 v1, v3;
	_ =	sdelay $0x1  }
0xef: {  	s9 =	simm.s32 $0x12A00  }
0xf0: {  	[tilespmem:s9], [sflag:$0x2] =	stream.indirect_vreg.gather [hbm4b:s3+s2], $0x80, v4, vm0, $0xb8;
	[tilespmem:$0x19200] =	vst v63  }
0xf1: {  	s11 =	simm.s32 $0x13200  }
0xf2: {  	[tilespmem:s11], [sflag:$0x2] =	stream.indirect_vreg.gather [hbm4b:s3+s2], $0x80, v3, vm0, $0xb8;
	[tilespmem:$0x19200] =	vst v63  }
0xf3: {  	v3 =	vld [tilespmem:$0x170];
	_ =	sdelay $0x4  }
0xf4: {  	v58 =	vshll.u32 v3, $0x1  }
0xf5: {  	v3 =	vand.u32 $0x7, v3;
	v4 =	vand.u32 $0xFFFFFFF0, v58  }
0xf6: {  	v3 =	vor.u32 v3, v4  }
0xf7: {  	v4 =	vperm.xlane v3, v0;
	_ =	sdelay $0x1  }
0xf8: {  	v3 =	vperm.xlane v3, v2;
	v4 =	vadd.s32 v1, v4;
	_ =	sdelay $0x1  }
0xf9: {  	v3 =	vadd.s32 v1, v3;
	_ =	sdelay $0x1  }
0xfa: {  	s17 =	simm.s32 $0x13A00  }
0xfb: {  	[tilespmem:s17], [sflag:$0x2] =	stream.indirect_vreg.gather [hbm4b:s3+s2], $0x80, v4, vm0, $0xb8;
	[tilespmem:$0x19200] =	vst v63  }
0xfc: {  	s18 =	simm.s32 $0x14200  }
0xfd: {  	[tilespmem:s18], [sflag:$0x2] =	stream.indirect_vreg.gather [hbm4b:s3+s2], $0x80, v3, vm0, $0xb8;
	[tilespmem:$0x19200] =	vst v63  }
0xfe: {  	v3 =	vld [tilespmem:$0x180];
	_ =	sdelay $0x4  }
0xff: {  	v59 =	vshll.u32 v3, $0x1  }
0x100: {  	v3 =	vand.u32 $0x7, v3;
	v4 =	vand.u32 $0xFFFFFFF0, v59  }
0x101: {  	v3 =	vor.u32 v3, v4  }
0x102: {  	v4 =	vperm.xlane v3, v0;
	_ =	sdelay $0x1  }
0x103: {  	v3 =	vperm.xlane v3, v2;
	v4 =	vadd.s32 v1, v4;
	_ =	sdelay $0x1  }
0x104: {  	v3 =	vadd.s32 v1, v3;
	_ =	sdelay $0x1  }
0x105: {  	s19 =	simm.s32 $0x14A00  }
0x106: {  	[tilespmem:s19], [sflag:$0x2] =	stream.indirect_vreg.gather [hbm4b:s3+s2], $0x80, v4, vm0, $0xb8;
	[tilespmem:$0x19200] =	vst v63  }
0x107: {  	s20 =	simm.s32 $0x15200  }
0x108: {  	[tilespmem:s20], [sflag:$0x2] =	stream.indirect_vreg.gather [hbm4b:s3+s2], $0x80, v3, vm0, $0xb8;
	[tilespmem:$0x19200] =	vst v63  }
0x109: {  	v3 =	vld [tilespmem:$0x190];
	_ =	sdelay $0x4  }
0x10a: {  	v60 =	vshll.u32 v3, $0x1  }
0x10b: {  	v3 =	vand.u32 $0x7, v3;
	v4 =	vand.u32 $0xFFFFFFF0, v60  }
0x10c: {  	v3 =	vor.u32 v3, v4  }
0x10d: {  	v4 =	vperm.xlane v3, v0;
	_ =	sdelay $0x1  }
0x10e: {  	v3 =	vperm.xlane v3, v2;
	v4 =	vadd.s32 v1, v4;
	_ =	sdelay $0x1  }
0x10f: {  	v3 =	vadd.s32 v1, v3;
	_ =	sdelay $0x1  }
0x110: {  	s21 =	simm.s32 $0x15A00  }
0x111: {  	[tilespmem:s21], [sflag:$0x2] =	stream.indirect_vreg.gather [hbm4b:s3+s2], $0x80, v4, vm0, $0xb8;
	[tilespmem:$0x19200] =	vst v63  }
0x112: {  	s22 =	simm.s32 $0x16200  }
0x113: {  	[tilespmem:s22], [sflag:$0x2] =	stream.indirect_vreg.gather [hbm4b:s3+s2], $0x80, v3, vm0, $0xb8;
	[tilespmem:$0x19200] =	vst v63  }
0x114: {  	v3 =	vld [tilespmem:$0x1A0];
	_ =	sdelay $0x4  }
0x115: {  	v61 =	vshll.u32 v3, $0x1  }
0x116: {  	v3 =	vand.u32 $0x7, v3;
	v4 =	vand.u32 $0xFFFFFFF0, v61  }
0x117: {  	v3 =	vor.u32 v3, v4  }
0x118: {  	v4 =	vperm.xlane v3, v0;
	_ =	sdelay $0x1  }
0x119: {  	v3 =	vperm.xlane v3, v2;
	v4 =	vadd.s32 v1, v4;
	_ =	sdelay $0x1  }
0x11a: {  	v3 =	vadd.s32 v1, v3;
	_ =	sdelay $0x1  }
0x11b: {  	s23 =	simm.s32 $0x16A00  }
0x11c: {  	[tilespmem:s23], [sflag:$0x2] =	stream.indirect_vreg.gather [hbm4b:s3+s2], $0x80, v4, vm0, $0xb8;
	[tilespmem:$0x19200] =	vst v63  }
0x11d: {  	s24 =	simm.s32 $0x17200  }
0x11e: {  	[tilespmem:s24], [sflag:$0x2] =	stream.indirect_vreg.gather [hbm4b:s3+s2], $0x80, v3, vm0, $0xb8;
	[tilespmem:$0x19200] =	vst v63  }
0x11f: {  	v3 =	vld [tilespmem:$0x1B0];
	_ =	sdelay $0x4  }
0x120: {  	v62 =	vshll.u32 v3, $0x1  }
0x121: {  	v3 =	vand.u32 $0x7, v3;
	v4 =	vand.u32 $0xFFFFFFF0, v62  }
0x122: {  	v3 =	vor.u32 v3, v4  }
0x123: {  	v4 =	vperm.xlane v3, v0;
	_ =	sdelay $0x1  }
0x124: {  	v3 =	vperm.xlane v3, v2;
	v4 =	vadd.s32 v1, v4;
	_ =	sdelay $0x1  }
0x125: {  	v3 =	vadd.s32 v1, v3;
	_ =	sdelay $0x1  }
0x126: {  	s25 =	simm.s32 $0x17A00  }
0x127: {  	[tilespmem:s25], [sflag:$0x2] =	stream.indirect_vreg.gather [hbm4b:s3+s2], $0x80, v4, vm0, $0xb8;
	[tilespmem:$0x19200] =	vst v63  }
0x128: {  	s26 =	simm.s32 $0x18200  }
0x129: {  	[tilespmem:s26], [sflag:$0x2] =	stream.indirect_vreg.gather [hbm4b:s3+s2], $0x80, v3, vm0, $0xb8;
	[tilespmem:$0x19200] =	vst v63  }
0x12a: {  	v3 =	vld.msk [tilespmem:$0x1C0], $0xff;
	_ =	sdelay $0x4  }
0x12b: {  	v63 =	vshll.u32 v3, $0x1  }
0x12c: {  	v3 =	vand.u32 $0x7, v3;
	v4 =	vand.u32 $0xFFFFFFF0, v63  }
0x12d: {  	v3 =	vor.u32 v3, v4  }
0x12e: {  	v3 =	vperm.xlane v3, v0;
	_ =	sdelay $0x1  }
0x12f: {  	v3 =	vadd.s32 v1, v3  }
0x130: {  	s30 =	simm.s32 $0x4A00  }
0x131: {  	s0 =	simm.s32 $0x5A00;
	s29 =	simm.s32 $0x4200;
	s31 =	simm.s32 $0xA200  }
0x132: {  	s1 =	simm.s32 $0x6200;
	s4 =	simm.s32 $0x9200;
	s5 =	simm.s32 $0x6A00  }
0x133: {  	s6 =	simm.s32 $0x7200;
	s7 =	simm.s32 $0x7A00;
	s22 =	simm.s32 $0x18A00  }
0x134: {  	[tilespmem:s22], [sflag:$0x2] =	stream.indirect_vreg.gather [hbm4b:s3+s2], $0x80, v3, vm0, $0xb8;
	[tilespmem:$0x19200] =	vst v63  }
0x135: {  	s8 =	simm.s32 $0x8200;
	s9 =	simm.s32 $0x8A00;
	_ =	swait.ge [sflag:s10], $0xC800  }
0x136: {  	s11 =	simm.s32 $0x200;
	s19 =	simm.s32 $0x0;
	s28 =	rddreg [dreg:$0x5]  }
0x137: {  	s23 =	simm.s32 $0x1A00;
	[sflag:s10] =	ssyncset.done $0x0;
	s17 =	rddreg [dreg:$0x9]  }
0x138: {  	s24 =	simm.s32 $0x9A00;
	s18 =	rddreg [dreg:$0x8];
	[sflag:s10] =	ssyncadd.s32 $0xFFFF3800  }
0x139: {  	[hbm4b:s28+s2] =	stream.linear.scatter [tilespmem:s13], [sflag:$0x3], $0xC800, $0x38;
	[tilespmem:$0x19200] =	vst v63  }
0x13a: {  	s25 =	simm.s32 $0xAA00;
	s26 =	simm.s32 $0x3200;
	s13 =	rddreg [dreg:$0xa]  }
.LBB2_2:
0x13b: {  	s20 =	sshrl.u32 s17, $0x3  }
0x13c: {  	s20 =	sadd.s32 s13, s20  }
0x13d: {  	[tilespmem:s2], [sflag:$0x5] =	stream.linear.gather [hbm4b:s20+s2], $0xC8, $0x38;
	[tilespmem:$0x19200] =	vst v63  }
0x13e: {  	_ =	swait.ge [sflag:s12], $0xC8  }
0x13f: {  	[sflag:s12] =	ssyncset.done $0x0  }
0x140: {  	[sflag:s12] =	ssyncadd.s32 $0xFFFFFF38  }
0x141: {  	_ =	swait.ge [sflag:s14], $0xC800  }
0x142: {  	[sflag:s14] =	ssyncset.done $0x0  }
0x143: {  	[sflag:s14] =	ssyncadd.s32 $0xFFFF3800  }
0x144: {  	v3 =	vld [tilespmem:$0x0];
	_ =	sdelay $0x4  }
0x145: {  	v4 =	vshll.u32 v3, $0x1  }
0x146: {  	v3 =	vand.u32 $0x7, v3;
	v4 =	vand.u32 $0xFFFFFFF0, v4  }
0x147: {  	v3 =	vor.u32 v3, v4  }
0x148: {  	v4 =	vperm.xlane v3, v0;
	_ =	sdelay $0x1  }
0x149: {  	v3 =	vperm.xlane v3, v2;
	v4 =	vadd.s32 v1, v4;
	_ =	sdelay $0x1  }
0x14a: {  	v3 =	vadd.s32 v1, v3;
	_ =	sdelay $0x2  }
0x14b: {  	[tilespmem:s11], [sflag:$0x1] =	stream.indirect_vreg.gather [hbm4b:s3+s2], $0x80, v4, vm0, $0xb8;
	[tilespmem:$0x19200] =	vst v63  }
0x14c: {  	s28 =	simm.s32 $0xA00  }
0x14d: {  	[tilespmem:s28], [sflag:$0x1] =	stream.indirect_vreg.gather [hbm4b:s3+s2], $0x80, v3, vm0, $0xb8;
	[tilespmem:$0x19200] =	vst v63  }
0x14e: {  	v3 =	vld [tilespmem:$0x10];
	_ =	sdelay $0x4  }
0x14f: {  	v39 =	vshll.u32 v3, $0x1  }
0x150: {  	v3 =	vand.u32 $0x7, v3;
	v4 =	vand.u32 $0xFFFFFFF0, v39  }
0x151: {  	v3 =	vor.u32 v3, v4  }
0x152: {  	v4 =	vperm.xlane v3, v0;
	_ =	sdelay $0x1  }
0x153: {  	v3 =	vperm.xlane v3, v2;
	v4 =	vadd.s32 v1, v4;
	_ =	sdelay $0x1  }
0x154: {  	v3 =	vadd.s32 v1, v3;
	_ =	sdelay $0x1  }
0x155: {  	s21 =	simm.s32 $0x1200  }
0x156: {  	[tilespmem:s21], [sflag:$0x1] =	stream.indirect_vreg.gather [hbm4b:s3+s2], $0x80, v4, vm0, $0xb8;
	[tilespmem:$0x19200] =	vst v63  }
0x157: {  	_ = 	snop  }
0x158: {  	[tilespmem:s23], [sflag:$0x1] =	stream.indirect_vreg.gather [hbm4b:s3+s2], $0x80, v3, vm0, $0xb8;
	[tilespmem:$0x19200] =	vst v63  }
0x159: {  	v3 =	vld [tilespmem:$0x20];
	_ =	sdelay $0x4  }
0x15a: {  	v40 =	vshll.u32 v3, $0x1  }
0x15b: {  	v3 =	vand.u32 $0x7, v3;
	v4 =	vand.u32 $0xFFFFFFF0, v40  }
0x15c: {  	v3 =	vor.u32 v3, v4  }
0x15d: {  	v4 =	vperm.xlane v3, v0;
	_ =	sdelay $0x1  }
0x15e: {  	v3 =	vperm.xlane v3, v2;
	v4 =	vadd.s32 v1, v4;
	_ =	sdelay $0x1  }
0x15f: {  	v3 =	vadd.s32 v1, v3;
	_ =	sdelay $0x1  }
0x160: {  	s28 =	simm.s32 $0x2200  }
0x161: {  	[tilespmem:s28], [sflag:$0x1] =	stream.indirect_vreg.gather [hbm4b:s3+s2], $0x80, v4, vm0, $0xb8;
	[tilespmem:$0x19200] =	vst v63  }
0x162: {  	s21 =	simm.s32 $0x2A00  }
0x163: {  	[tilespmem:s21], [sflag:$0x1] =	stream.indirect_vreg.gather [hbm4b:s3+s2], $0x80, v3, vm0, $0xb8;
	[tilespmem:$0x19200] =	vst v63  }
0x164: {  	v3 =	vld [tilespmem:$0x30];
	_ =	sdelay $0x4  }
0x165: {  	v41 =	vshll.u32 v3, $0x1  }
0x166: {  	v3 =	vand.u32 $0x7, v3;
	v4 =	vand.u32 $0xFFFFFFF0, v41  }
0x167: {  	v3 =	vor.u32 v3, v4  }
0x168: {  	v4 =	vperm.xlane v3, v0;
	_ =	sdelay $0x1  }
0x169: {  	v3 =	vperm.xlane v3, v2;
	v4 =	vadd.s32 v1, v4;
	_ =	sdelay $0x1  }
0x16a: {  	v3 =	vadd.s32 v1, v3;
	_ =	sdelay $0x2  }
0x16b: {  	[tilespmem:s26], [sflag:$0x1] =	stream.indirect_vreg.gather [hbm4b:s3+s2], $0x80, v4, vm0, $0xb8;
	[tilespmem:$0x19200] =	vst v63  }
0x16c: {  	s28 =	simm.s32 $0x3A00  }
0x16d: {  	[tilespmem:s28], [sflag:$0x1] =	stream.indirect_vreg.gather [hbm4b:s3+s2], $0x80, v3, vm0, $0xb8;
	[tilespmem:$0x19200] =	vst v63  }
0x16e: {  	v3 =	vld [tilespmem:$0x40];
	_ =	sdelay $0x4  }
0x16f: {  	v42 =	vshll.u32 v3, $0x1  }
0x170: {  	v3 =	vand.u32 $0x7, v3;
	v4 =	vand.u32 $0xFFFFFFF0, v42  }
0x171: {  	v3 =	vor.u32 v3, v4  }
0x172: {  	v4 =	vperm.xlane v3, v0;
	_ =	sdelay $0x1  }
0x173: {  	v3 =	vperm.xlane v3, v2;
	v4 =	vadd.s32 v1, v4;
	_ =	sdelay $0x1  }
0x174: {  	v3 =	vadd.s32 v1, v3;
	_ =	sdelay $0x2  }
0x175: {  	[tilespmem:s29], [sflag:$0x1] =	stream.indirect_vreg.gather [hbm4b:s3+s2], $0x80, v4, vm0, $0xb8;
	[tilespmem:$0x19200] =	vst v63  }
0x176: {  	_ = 	snop  }
0x177: {  	[tilespmem:s30], [sflag:$0x1] =	stream.indirect_vreg.gather [hbm4b:s3+s2], $0x80, v3, vm0, $0xb8;
	[tilespmem:$0x19200] =	vst v63  }
0x178: {  	v3 =	vld [tilespmem:$0x50];
	_ =	sdelay $0x4  }
0x179: {  	v43 =	vshll.u32 v3, $0x1  }
0x17a: {  	v3 =	vand.u32 $0x7, v3;
	v4 =	vand.u32 $0xFFFFFFF0, v43  }
0x17b: {  	v3 =	vor.u32 v3, v4  }
0x17c: {  	v4 =	vperm.xlane v3, v0;
	_ =	sdelay $0x1  }
0x17d: {  	v3 =	vperm.xlane v3, v2;
	v4 =	vadd.s32 v1, v4;
	_ =	sdelay $0x1  }
0x17e: {  	v3 =	vadd.s32 v1, v3;
	_ =	sdelay $0x1  }
0x17f: {  	s21 =	simm.s32 $0x5200  }
0x180: {  	[tilespmem:s21], [sflag:$0x1] =	stream.indirect_vreg.gather [hbm4b:s3+s2], $0x80, v4, vm0, $0xb8;
	[tilespmem:$0x19200] =	vst v63  }
0x181: {  	_ = 	snop  }
0x182: {  	[tilespmem:s0], [sflag:$0x1] =	stream.indirect_vreg.gather [hbm4b:s3+s2], $0x80, v3, vm0, $0xb8;
	[tilespmem:$0x19200] =	vst v63  }
0x183: {  	v3 =	vld [tilespmem:$0x60];
	_ =	sdelay $0x4  }
0x184: {  	v44 =	vshll.u32 v3, $0x1  }
0x185: {  	v3 =	vand.u32 $0x7, v3;
	v4 =	vand.u32 $0xFFFFFFF0, v44  }
0x186: {  	v3 =	vor.u32 v3, v4  }
0x187: {  	v4 =	vperm.xlane v3, v0;
	_ =	sdelay $0x1  }
0x188: {  	v3 =	vperm.xlane v3, v2;
	v4 =	vadd.s32 v1, v4;
	_ =	sdelay $0x1  }
0x189: {  	v3 =	vadd.s32 v1, v3;
	_ =	sdelay $0x2  }
0x18a: {  	[tilespmem:s1], [sflag:$0x1] =	stream.indirect_vreg.gather [hbm4b:s3+s2], $0x80, v4, vm0, $0xb8;
	[tilespmem:$0x19200] =	vst v63  }
0x18b: {  	_ = 	snop  }
0x18c: {  	[tilespmem:s5], [sflag:$0x1] =	stream.indirect_vreg.gather [hbm4b:s3+s2], $0x80, v3, vm0, $0xb8;
	[tilespmem:$0x19200] =	vst v63  }
0x18d: {  	v3 =	vld [tilespmem:$0x70];
	_ =	sdelay $0x4  }
0x18e: {  	v45 =	vshll.u32 v3, $0x1  }
0x18f: {  	v3 =	vand.u32 $0x7, v3;
	v4 =	vand.u32 $0xFFFFFFF0, v45  }
0x190: {  	v3 =	vor.u32 v3, v4  }
0x191: {  	v4 =	vperm.xlane v3, v0;
	_ =	sdelay $0x1  }
0x192: {  	v3 =	vperm.xlane v3, v2;
	v4 =	vadd.s32 v1, v4;
	_ =	sdelay $0x1  }
0x193: {  	v3 =	vadd.s32 v1, v3;
	_ =	sdelay $0x2  }
0x194: {  	[tilespmem:s6], [sflag:$0x1] =	stream.indirect_vreg.gather [hbm4b:s3+s2], $0x80, v4, vm0, $0xb8;
	[tilespmem:$0x19200] =	vst v63  }
0x195: {  	_ = 	snop  }
0x196: {  	[tilespmem:s7], [sflag:$0x1] =	stream.indirect_vreg.gather [hbm4b:s3+s2], $0x80, v3, vm0, $0xb8;
	[tilespmem:$0x19200] =	vst v63  }
0x197: {  	v3 =	vld [tilespmem:$0x80];
	_ =	sdelay $0x4  }
0x198: {  	v46 =	vshll.u32 v3, $0x1  }
0x199: {  	v3 =	vand.u32 $0x7, v3;
	v4 =	vand.u32 $0xFFFFFFF0, v46  }
0x19a: {  	v3 =	vor.u32 v3, v4  }
0x19b: {  	v4 =	vperm.xlane v3, v0;
	_ =	sdelay $0x1  }
0x19c: {  	v3 =	vperm.xlane v3, v2;
	v4 =	vadd.s32 v1, v4;
	_ =	sdelay $0x1  }
0x19d: {  	v3 =	vadd.s32 v1, v3;
	_ =	sdelay $0x2  }
0x19e: {  	[tilespmem:s8], [sflag:$0x1] =	stream.indirect_vreg.gather [hbm4b:s3+s2], $0x80, v4, vm0, $0xb8;
	[tilespmem:$0x19200] =	vst v63  }
0x19f: {  	_ = 	snop  }
0x1a0: {  	[tilespmem:s9], [sflag:$0x1] =	stream.indirect_vreg.gather [hbm4b:s3+s2], $0x80, v3, vm0, $0xb8;
	[tilespmem:$0x19200] =	vst v63  }
0x1a1: {  	v3 =	vld [tilespmem:$0x90];
	_ =	sdelay $0x4  }
0x1a2: {  	v47 =	vshll.u32 v3, $0x1  }
0x1a3: {  	v3 =	vand.u32 $0x7, v3;
	v4 =	vand.u32 $0xFFFFFFF0, v47  }
0x1a4: {  	v3 =	vor.u32 v3, v4  }
0x1a5: {  	v4 =	vperm.xlane v3, v0;
	_ =	sdelay $0x1  }
0x1a6: {  	v3 =	vperm.xlane v3, v2;
	v4 =	vadd.s32 v1, v4;
	_ =	sdelay $0x1  }
0x1a7: {  	v3 =	vadd.s32 v1, v3;
	_ =	sdelay $0x2  }
0x1a8: {  	[tilespmem:s4], [sflag:$0x1] =	stream.indirect_vreg.gather [hbm4b:s3+s2], $0x80, v4, vm0, $0xb8;
	[tilespmem:$0x19200] =	vst v63  }
0x1a9: {  	_ = 	snop  }
0x1aa: {  	[tilespmem:s24], [sflag:$0x1] =	stream.indirect_vreg.gather [hbm4b:s3+s2], $0x80, v3, vm0, $0xb8;
	[tilespmem:$0x19200] =	vst v63  }
0x1ab: {  	v3 =	vld [tilespmem:$0xA0];
	_ =	sdelay $0x4  }
0x1ac: {  	v48 =	vshll.u32 v3, $0x1  }
0x1ad: {  	v3 =	vand.u32 $0x7, v3;
	v4 =	vand.u32 $0xFFFFFFF0, v48  }
0x1ae: {  	v3 =	vor.u32 v3, v4  }
0x1af: {  	v4 =	vperm.xlane v3, v0;
	_ =	sdelay $0x1  }
0x1b0: {  	v3 =	vperm.xlane v3, v2;
	v4 =	vadd.s32 v1, v4;
	_ =	sdelay $0x1  }
0x1b1: {  	v3 =	vadd.s32 v1, v3;
	_ =	sdelay $0x2  }
0x1b2: {  	[tilespmem:s31], [sflag:$0x1] =	stream.indirect_vreg.gather [hbm4b:s3+s2], $0x80, v4, vm0, $0xb8;
	[tilespmem:$0x19200] =	vst v63  }
0x1b3: {  	_ = 	snop  }
0x1b4: {  	[tilespmem:s25], [sflag:$0x1] =	stream.indirect_vreg.gather [hbm4b:s3+s2], $0x80, v3, vm0, $0xb8;
	[tilespmem:$0x19200] =	vst v63  }
0x1b5: {  	v3 =	vld [tilespmem:$0xB0];
	_ =	sdelay $0x4  }
0x1b6: {  	v49 =	vshll.u32 v3, $0x1  }
0x1b7: {  	v3 =	vand.u32 $0x7, v3;
	v4 =	vand.u32 $0xFFFFFFF0, v49  }
0x1b8: {  	v3 =	vor.u32 v3, v4  }
0x1b9: {  	v4 =	vperm.xlane v3, v0;
	_ =	sdelay $0x1  }
0x1ba: {  	v3 =	vperm.xlane v3, v2;
	v4 =	vadd.s32 v1, v4;
	_ =	sdelay $0x1  }
0x1bb: {  	v3 =	vadd.s32 v1, v3;
	_ =	sdelay $0x1  }
0x1bc: {  	s28 =	simm.s32 $0xB200  }
0x1bd: {  	[tilespmem:s28], [sflag:$0x1] =	stream.indirect_vreg.gather [hbm4b:s3+s2], $0x80, v4, vm0, $0xb8;
	[tilespmem:$0x19200] =	vst v63  }
0x1be: {  	s21 =	simm.s32 $0xBA00  }
0x1bf: {  	[tilespmem:s21], [sflag:$0x1] =	stream.indirect_vreg.gather [hbm4b:s3+s2], $0x80, v3, vm0, $0xb8;
	[tilespmem:$0x19200] =	vst v63  }
0x1c0: {  	v3 =	vld.msk [tilespmem:$0xC0], $0xff;
	_ =	sdelay $0x4  }
0x1c1: {  	v50 =	vshll.u32 v3, $0x1  }
0x1c2: {  	v3 =	vand.u32 $0x7, v3;
	v4 =	vand.u32 $0xFFFFFFF0, v50  }
0x1c3: {  	v3 =	vor.u32 v3, v4  }
0x1c4: {  	v3 =	vperm.xlane v3, v0;
	_ =	sdelay $0x1  }
0x1c5: {  	v3 =	vadd.s32 v1, v3;
	_ =	sdelay $0x3  }
0x1c6: {  	s28 =	simm.s32 $0xC200  }
0x1c7: {  	[tilespmem:s28], [sflag:$0x1] =	stream.indirect_vreg.gather [hbm4b:s3+s2], $0x80, v3, vm0, $0xb8;
	[tilespmem:$0x19200] =	vst v63  }
0x1c8: {  	_ =	swait.ge [sflag:s15], $0xC800  }
0x1c9: {  	[sflag:s15] =	ssyncset.done $0x0  }
0x1ca: {  	s28 =	simm.s32 $0xCA00;
	s21 =	rddreg [dreg:$0x2];
	[sflag:s15] =	ssyncadd.s32 $0xFFFF3800  }
0x1cb: {  	[hbm4b:s18+s2] =	stream.linear.scatter [tilespmem:s28], [sflag:$0x4], $0xC800, $0x38;
	[tilespmem:$0x19200] =	vst v63  }
0x1cc: {  	s20 =	sadd.s32 s19, s21;
	s21 =	simm.s32 $0x100  }
0x1cd: {  	[tilespmem:s21], [sflag:$0x5] =	stream.linear.gather [hbm4b:s20+s2], $0xC8, $0x38;
	[tilespmem:$0x19200] =	vst v63  }
0x1ce: {  	_ =	swait.ge [sflag:s12], $0xC8  }
0x1cf: {  	[sflag:s12] =	ssyncset.done $0x0  }
0x1d0: {  	[sflag:s12] =	ssyncadd.s32 $0xFFFFFF38  }
0x1d1: {  	_ =	swait.ge [sflag:s16], $0xC800  }
0x1d2: {  	[sflag:s16] =	ssyncset.done $0x0  }
0x1d3: {  	[sflag:s16] =	ssyncadd.s32 $0xFFFF3800  }
0x1d4: {  	v3 =	vld [tilespmem:$0x100];
	_ =	sdelay $0x4  }
0x1d5: {  	v51 =	vshll.u32 v3, $0x1  }
0x1d6: {  	v3 =	vand.u32 $0x7, v3;
	v4 =	vand.u32 $0xFFFFFFF0, v51  }
0x1d7: {  	v3 =	vor.u32 v3, v4  }
0x1d8: {  	v4 =	vperm.xlane v3, v0;
	_ =	sdelay $0x1  }
0x1d9: {  	v3 =	vperm.xlane v3, v2;
	v4 =	vadd.s32 v1, v4;
	_ =	sdelay $0x1  }
0x1da: {  	v3 =	vadd.s32 v1, v3;
	_ =	sdelay $0x2  }
0x1db: {  	[tilespmem:s28], [sflag:$0x2] =	stream.indirect_vreg.gather [hbm4b:s3+s2], $0x80, v4, vm0, $0xb8;
	[tilespmem:$0x19200] =	vst v63  }
0x1dc: {  	s28 =	simm.s32 $0xD200  }
0x1dd: {  	[tilespmem:s28], [sflag:$0x2] =	stream.indirect_vreg.gather [hbm4b:s3+s2], $0x80, v3, vm0, $0xb8;
	[tilespmem:$0x19200] =	vst v63  }
0x1de: {  	v3 =	vld [tilespmem:$0x110];
	_ =	sdelay $0x4  }
0x1df: {  	v52 =	vshll.u32 v3, $0x1  }
0x1e0: {  	v3 =	vand.u32 $0x7, v3;
	v4 =	vand.u32 $0xFFFFFFF0, v52  }
0x1e1: {  	v3 =	vor.u32 v3, v4  }
0x1e2: {  	v4 =	vperm.xlane v3, v0;
	_ =	sdelay $0x1  }
0x1e3: {  	v3 =	vperm.xlane v3, v2;
	v4 =	vadd.s32 v1, v4;
	_ =	sdelay $0x1  }
0x1e4: {  	v3 =	vadd.s32 v1, v3;
	_ =	sdelay $0x1  }
0x1e5: {  	s28 =	simm.s32 $0xDA00  }
0x1e6: {  	[tilespmem:s28], [sflag:$0x2] =	stream.indirect_vreg.gather [hbm4b:s3+s2], $0x80, v4, vm0, $0xb8;
	[tilespmem:$0x19200] =	vst v63  }
0x1e7: {  	s28 =	simm.s32 $0xE200  }
0x1e8: {  	[tilespmem:s28], [sflag:$0x2] =	stream.indirect_vreg.gather [hbm4b:s3+s2], $0x80, v3, vm0, $0xb8;
	[tilespmem:$0x19200] =	vst v63  }
0x1e9: {  	v3 =	vld [tilespmem:$0x120];
	_ =	sdelay $0x4  }
0x1ea: {  	v53 =	vshll.u32 v3, $0x1  }
0x1eb: {  	v3 =	vand.u32 $0x7, v3;
	v4 =	vand.u32 $0xFFFFFFF0, v53  }
0x1ec: {  	v3 =	vor.u32 v3, v4  }
0x1ed: {  	v4 =	vperm.xlane v3, v0;
	_ =	sdelay $0x1  }
0x1ee: {  	v3 =	vperm.xlane v3, v2;
	v4 =	vadd.s32 v1, v4;
	_ =	sdelay $0x1  }
0x1ef: {  	v3 =	vadd.s32 v1, v3;
	_ =	sdelay $0x1  }
0x1f0: {  	s28 =	simm.s32 $0xEA00  }
0x1f1: {  	[tilespmem:s28], [sflag:$0x2] =	stream.indirect_vreg.gather [hbm4b:s3+s2], $0x80, v4, vm0, $0xb8;
	[tilespmem:$0x19200] =	vst v63  }
0x1f2: {  	s28 =	simm.s32 $0xF200  }
0x1f3: {  	[tilespmem:s28], [sflag:$0x2] =	stream.indirect_vreg.gather [hbm4b:s3+s2], $0x80, v3, vm0, $0xb8;
	[tilespmem:$0x19200] =	vst v63  }
0x1f4: {  	v3 =	vld [tilespmem:$0x130];
	_ =	sdelay $0x4  }
0x1f5: {  	v54 =	vshll.u32 v3, $0x1  }
0x1f6: {  	v3 =	vand.u32 $0x7, v3;
	v4 =	vand.u32 $0xFFFFFFF0, v54  }
0x1f7: {  	v3 =	vor.u32 v3, v4  }
0x1f8: {  	v4 =	vperm.xlane v3, v0;
	_ =	sdelay $0x1  }
0x1f9: {  	v3 =	vperm.xlane v3, v2;
	v4 =	vadd.s32 v1, v4;
	_ =	sdelay $0x1  }
0x1fa: {  	v3 =	vadd.s32 v1, v3;
	_ =	sdelay $0x1  }
0x1fb: {  	s28 =	simm.s32 $0xFA00  }
0x1fc: {  	[tilespmem:s28], [sflag:$0x2] =	stream.indirect_vreg.gather [hbm4b:s3+s2], $0x80, v4, vm0, $0xb8;
	[tilespmem:$0x19200] =	vst v63  }
0x1fd: {  	s28 =	simm.s32 $0x10200  }
0x1fe: {  	[tilespmem:s28], [sflag:$0x2] =	stream.indirect_vreg.gather [hbm4b:s3+s2], $0x80, v3, vm0, $0xb8;
	[tilespmem:$0x19200] =	vst v63  }
0x1ff: {  	v3 =	vld [tilespmem:$0x140];
	_ =	sdelay $0x4  }
0x200: {  	v55 =	vshll.u32 v3, $0x1  }
0x201: {  	v3 =	vand.u32 $0x7, v3;
	v4 =	vand.u32 $0xFFFFFFF0, v55  }
0x202: {  	v3 =	vor.u32 v3, v4  }
0x203: {  	v4 =	vperm.xlane v3, v0;
	_ =	sdelay $0x1  }
0x204: {  	v3 =	vperm.xlane v3, v2;
	v4 =	vadd.s32 v1, v4;
	_ =	sdelay $0x1  }
0x205: {  	v3 =	vadd.s32 v1, v3;
	_ =	sdelay $0x1  }
0x206: {  	s28 =	simm.s32 $0x10A00  }
0x207: {  	[tilespmem:s28], [sflag:$0x2] =	stream.indirect_vreg.gather [hbm4b:s3+s2], $0x80, v4, vm0, $0xb8;
	[tilespmem:$0x19200] =	vst v63  }
0x208: {  	s28 =	simm.s32 $0x11200  }
0x209: {  	[tilespmem:s28], [sflag:$0x2] =	stream.indirect_vreg.gather [hbm4b:s3+s2], $0x80, v3, vm0, $0xb8;
	[tilespmem:$0x19200] =	vst v63  }
0x20a: {  	v3 =	vld [tilespmem:$0x150];
	_ =	sdelay $0x4  }
0x20b: {  	v56 =	vshll.u32 v3, $0x1  }
0x20c: {  	v3 =	vand.u32 $0x7, v3;
	v4 =	vand.u32 $0xFFFFFFF0, v56  }
0x20d: {  	v3 =	vor.u32 v3, v4  }
0x20e: {  	v4 =	vperm.xlane v3, v0;
	_ =	sdelay $0x1  }
0x20f: {  	v3 =	vperm.xlane v3, v2;
	v4 =	vadd.s32 v1, v4;
	_ =	sdelay $0x1  }
0x210: {  	v3 =	vadd.s32 v1, v3;
	_ =	sdelay $0x1  }
0x211: {  	s28 =	simm.s32 $0x11A00  }
0x212: {  	[tilespmem:s28], [sflag:$0x2] =	stream.indirect_vreg.gather [hbm4b:s3+s2], $0x80, v4, vm0, $0xb8;
	[tilespmem:$0x19200] =	vst v63  }
0x213: {  	s28 =	simm.s32 $0x12200  }
0x214: {  	[tilespmem:s28], [sflag:$0x2] =	stream.indirect_vreg.gather [hbm4b:s3+s2], $0x80, v3, vm0, $0xb8;
	[tilespmem:$0x19200] =	vst v63  }
0x215: {  	v3 =	vld [tilespmem:$0x160];
	_ =	sdelay $0x4  }
0x216: {  	v57 =	vshll.u32 v3, $0x1  }
0x217: {  	v3 =	vand.u32 $0x7, v3;
	v4 =	vand.u32 $0xFFFFFFF0, v57  }
0x218: {  	v3 =	vor.u32 v3, v4  }
0x219: {  	v4 =	vperm.xlane v3, v0;
	_ =	sdelay $0x1  }
0x21a: {  	v3 =	vperm.xlane v3, v2;
	v4 =	vadd.s32 v1, v4;
	_ =	sdelay $0x1  }
0x21b: {  	v3 =	vadd.s32 v1, v3;
	_ =	sdelay $0x1  }
0x21c: {  	s28 =	simm.s32 $0x12A00  }
0x21d: {  	[tilespmem:s28], [sflag:$0x2] =	stream.indirect_vreg.gather [hbm4b:s3+s2], $0x80, v4, vm0, $0xb8;
	[tilespmem:$0x19200] =	vst v63  }
0x21e: {  	s28 =	simm.s32 $0x13200  }
0x21f: {  	[tilespmem:s28], [sflag:$0x2] =	stream.indirect_vreg.gather [hbm4b:s3+s2], $0x80, v3, vm0, $0xb8;
	[tilespmem:$0x19200] =	vst v63  }
0x220: {  	v3 =	vld [tilespmem:$0x170];
	_ =	sdelay $0x4  }
0x221: {  	v58 =	vshll.u32 v3, $0x1  }
0x222: {  	v3 =	vand.u32 $0x7, v3;
	v4 =	vand.u32 $0xFFFFFFF0, v58  }
0x223: {  	v3 =	vor.u32 v3, v4  }
0x224: {  	v4 =	vperm.xlane v3, v0;
	_ =	sdelay $0x1  }
0x225: {  	v3 =	vperm.xlane v3, v2;
	v4 =	vadd.s32 v1, v4;
	_ =	sdelay $0x1  }
0x226: {  	v3 =	vadd.s32 v1, v3;
	_ =	sdelay $0x1  }
0x227: {  	s28 =	simm.s32 $0x13A00  }
0x228: {  	[tilespmem:s28], [sflag:$0x2] =	stream.indirect_vreg.gather [hbm4b:s3+s2], $0x80, v4, vm0, $0xb8;
	[tilespmem:$0x19200] =	vst v63  }
0x229: {  	s28 =	simm.s32 $0x14200  }
0x22a: {  	[tilespmem:s28], [sflag:$0x2] =	stream.indirect_vreg.gather [hbm4b:s3+s2], $0x80, v3, vm0, $0xb8;
	[tilespmem:$0x19200] =	vst v63  }
0x22b: {  	v3 =	vld [tilespmem:$0x180];
	_ =	sdelay $0x4  }
0x22c: {  	v59 =	vshll.u32 v3, $0x1  }
0x22d: {  	v3 =	vand.u32 $0x7, v3;
	v4 =	vand.u32 $0xFFFFFFF0, v59  }
0x22e: {  	v3 =	vor.u32 v3, v4  }
0x22f: {  	v4 =	vperm.xlane v3, v0;
	_ =	sdelay $0x1  }
0x230: {  	v3 =	vperm.xlane v3, v2;
	v4 =	vadd.s32 v1, v4;
	_ =	sdelay $0x1  }
0x231: {  	v3 =	vadd.s32 v1, v3;
	_ =	sdelay $0x1  }
0x232: {  	s28 =	simm.s32 $0x14A00  }
0x233: {  	[tilespmem:s28], [sflag:$0x2] =	stream.indirect_vreg.gather [hbm4b:s3+s2], $0x80, v4, vm0, $0xb8;
	[tilespmem:$0x19200] =	vst v63  }
0x234: {  	s28 =	simm.s32 $0x15200  }
0x235: {  	[tilespmem:s28], [sflag:$0x2] =	stream.indirect_vreg.gather [hbm4b:s3+s2], $0x80, v3, vm0, $0xb8;
	[tilespmem:$0x19200] =	vst v63  }
0x236: {  	v3 =	vld [tilespmem:$0x190];
	_ =	sdelay $0x4  }
0x237: {  	v60 =	vshll.u32 v3, $0x1  }
0x238: {  	v3 =	vand.u32 $0x7, v3;
	v4 =	vand.u32 $0xFFFFFFF0, v60  }
0x239: {  	v3 =	vor.u32 v3, v4  }
0x23a: {  	v4 =	vperm.xlane v3, v0;
	_ =	sdelay $0x1  }
0x23b: {  	v3 =	vperm.xlane v3, v2;
	v4 =	vadd.s32 v1, v4;
	_ =	sdelay $0x1  }
0x23c: {  	v3 =	vadd.s32 v1, v3;
	_ =	sdelay $0x1  }
0x23d: {  	s28 =	simm.s32 $0x15A00  }
0x23e: {  	[tilespmem:s28], [sflag:$0x2] =	stream.indirect_vreg.gather [hbm4b:s3+s2], $0x80, v4, vm0, $0xb8;
	[tilespmem:$0x19200] =	vst v63  }
0x23f: {  	s28 =	simm.s32 $0x16200  }
0x240: {  	[tilespmem:s28], [sflag:$0x2] =	stream.indirect_vreg.gather [hbm4b:s3+s2], $0x80, v3, vm0, $0xb8;
	[tilespmem:$0x19200] =	vst v63  }
0x241: {  	v3 =	vld [tilespmem:$0x1A0];
	_ =	sdelay $0x4  }
0x242: {  	v61 =	vshll.u32 v3, $0x1  }
0x243: {  	v3 =	vand.u32 $0x7, v3;
	v4 =	vand.u32 $0xFFFFFFF0, v61  }
0x244: {  	v3 =	vor.u32 v3, v4  }
0x245: {  	v4 =	vperm.xlane v3, v0;
	_ =	sdelay $0x1  }
0x246: {  	v3 =	vperm.xlane v3, v2;
	v4 =	vadd.s32 v1, v4;
	_ =	sdelay $0x1  }
0x247: {  	v3 =	vadd.s32 v1, v3;
	_ =	sdelay $0x1  }
0x248: {  	s28 =	simm.s32 $0x16A00  }
0x249: {  	[tilespmem:s28], [sflag:$0x2] =	stream.indirect_vreg.gather [hbm4b:s3+s2], $0x80, v4, vm0, $0xb8;
	[tilespmem:$0x19200] =	vst v63  }
0x24a: {  	s28 =	simm.s32 $0x17200  }
0x24b: {  	[tilespmem:s28], [sflag:$0x2] =	stream.indirect_vreg.gather [hbm4b:s3+s2], $0x80, v3, vm0, $0xb8;
	[tilespmem:$0x19200] =	vst v63  }
0x24c: {  	v3 =	vld [tilespmem:$0x1B0];
	_ =	sdelay $0x4  }
0x24d: {  	v62 =	vshll.u32 v3, $0x1  }
0x24e: {  	v3 =	vand.u32 $0x7, v3;
	v4 =	vand.u32 $0xFFFFFFF0, v62  }
0x24f: {  	v3 =	vor.u32 v3, v4  }
0x250: {  	v4 =	vperm.xlane v3, v0;
	_ =	sdelay $0x1  }
0x251: {  	v3 =	vperm.xlane v3, v2;
	v4 =	vadd.s32 v1, v4;
	_ =	sdelay $0x1  }
0x252: {  	v3 =	vadd.s32 v1, v3;
	_ =	sdelay $0x1  }
0x253: {  	s28 =	simm.s32 $0x17A00  }
0x254: {  	[tilespmem:s28], [sflag:$0x2] =	stream.indirect_vreg.gather [hbm4b:s3+s2], $0x80, v4, vm0, $0xb8;
	[tilespmem:$0x19200] =	vst v63  }
0x255: {  	s28 =	simm.s32 $0x18200  }
0x256: {  	[tilespmem:s28], [sflag:$0x2] =	stream.indirect_vreg.gather [hbm4b:s3+s2], $0x80, v3, vm0, $0xb8;
	[tilespmem:$0x19200] =	vst v63  }
0x257: {  	v3 =	vld.msk [tilespmem:$0x1C0], $0xff;
	_ =	sdelay $0x4  }
0x258: {  	v63 =	vshll.u32 v3, $0x1  }
0x259: {  	v3 =	vand.u32 $0x7, v3;
	v4 =	vand.u32 $0xFFFFFFF0, v63  }
0x25a: {  	v3 =	vor.u32 v3, v4  }
0x25b: {  	v3 =	vperm.xlane v3, v0;
	_ =	sdelay $0x1  }
0x25c: {  	v3 =	vadd.s32 v1, v3;
	_ =	sdelay $0x3  }
0x25d: {  	p0 =	sne.s32 s19, $0x47E  }
0x25e: {  	[tilespmem:s22], [sflag:$0x2] =	stream.indirect_vreg.gather [hbm4b:s3+s2], $0x80, v3, vm0, $0xb8;
	[tilespmem:$0x19200] =	vst v63  }
.Ltmp0:
0x25f: {  	_ = 	snop;
	(pc) =	sbr.rel @p0 .LBB2_2-.Ltmp0, $4  }
0x260: {  	s17 =	sadd.s32 $0x190, s17;
	_ =	swait.ge [sflag:s10], $0xC800  }
0x261: {  	s19 =	sadd.s32 $0x32, s19;
	s21 =	simm.s32 $0xCA00;
	[sflag:s10] =	ssyncset.done $0x0  }
0x262: {  	s28 =	sadd.s32 $0x1900, s18;
	s18 =	sadd.s32 $0x3200, s18;
	[sflag:s10] =	ssyncadd.s32 $0xFFFF3800  }
0x263: {  	[hbm4b:s28+s2] =	stream.linear.scatter [tilespmem:s11], [sflag:$0x3], $0xC800, $0x38;
	[tilespmem:$0x19200] =	vst v63  }
0x264: {  	_ =	swait.ge [sflag:s15], $0xC800  }
0x265: {  	[sflag:s15] =	ssyncset.done $0x0  }
0x266: {  	s17 =	rddreg [dreg:$0x6];
	[sflag:s15] =	ssyncadd.s32 $0xFFFF3800  }
0x267: {  	[hbm4b:s17+s2] =	stream.linear.scatter [tilespmem:s21], [sflag:$0x4], $0xC800, $0x38;
	[tilespmem:$0x19200] =	vst v63  }
0x268: {  	_ =	swait.ge [sflag:s14], $0xC800  }
0x269: {  	s18 =	simm.s32 $0xA00;
	s19 =	simm.s32 $0x1200;
	[sflag:s14] =	ssyncset.done $0x0  }
0x26a: {  	s20 =	simm.s32 $0x1A00;
	s30 =	simm.s32 $0x2200;
	[sflag:s14] =	ssyncadd.s32 $0xFFFF3800  }
0x26b: {  	s22 =	simm.s32 $0x2A00;
	s23 =	simm.s32 $0x3200;
	_ =	swait.ge [sflag:s16], $0xC800  }
0x26c: {  	s24 =	simm.s32 $0x3A00;
	s25 =	simm.s32 $0x4200;
	s0 =	rddreg [dreg:$0xb]  }
0x26d: {  	s28 =	simm.s32 $0x5200;
	s26 =	rddreg [dreg:$0x7];
	s0 =	sadd.s32 $0x1, s0  }
0x26e: {  	s1 =	simm.s32 $0x6200;
	s5 =	simm.s32 $0x6A00;
	p0 =	sne.s32 s0, s26  }
.Ltmp1:
0x26f: {  	s6 =	simm.s32 $0x7200;
	s7 =	simm.s32 $0x7A00;
	(pc) =	sbr.rel @p0 .LBB2_1-.Ltmp1, $4  }
0x270: {  	s8 =	simm.s32 $0x8200;
	s9 =	simm.s32 $0x8A00;
	s4 =	simm.s32 $0x9200  }
0x271: {  	s13 =	simm.s32 $0x200;
	s11 =	simm.s32 $0x9A00;
	[sflag:s16] =	ssyncset.done $0x0  }
0x272: {  	s29 =	simm.s32 $0xA200;
	s31 =	simm.s32 $0xAA00;
	[sflag:s16] =	ssyncadd.s32 $0xFFFF3800  }
0x273: {  	[dreg:$0xb] =	wrdreg s0;
	s26 =	simm.s32 $0x4A00;
	s0 =	simm.s32 $0x5A00  }
0x274: {  	_ =	sfence.sel $0x180000  }
0x275: {  	[bflag:$0x0] =	sbarrier.arrive $0xFFFF  }
0x276: {  	_ =	strace $0x9000004D  }
0x277: {  	s0 =	stileid.u32;
	[bflag:$0x2] =	sbarrier.arrive $0xFFFF  }
0x278: {  	p0 =	sne.s32 s0, $0x0;
	s0 =	rddreg [dreg:$0x1]  }
0x279: {  	s0 =	sadd.s32 @!p0 $0x100000, s0  }
0x27a: {  	[sflag:s0] =	ssyncadd.tile.s32 @!p0 $0x1;
	_ =	shalt  }
.Lfunc_end2:
_tile_overlayer_lowered:
.L_overlay_start_2:
0x27b: {  	(tag) =	ssettag $0x2  }
0x27c: {  	s0 =	rddreg [dreg:$0x0];
	s2 =	stileid.u32  }
0x27d: {  	s1 =	rddreg [dreg:$0x1];
	p0 =	sne.s32 s2, $0x0  }
0x27e: {  	s3 =	rddreg [dreg:$0x2];
	[bflag:$0x3] =	sbarrier.arrive $0xFFFF;
	s2 =	simm.s32 @!p0 $0x1C05  }
0x27f: {  	[timem:s3], [sflag:s2] =	dma.local @!p0 [hbm:s0], s1  }
0x280: {  	s0 =	simm.s32 @!p0 $0x5  }
0x281: {  	_ =	swait.ge @!p0 [sflag:s0], s1  }
0x282: {  	s1 =	ssub.s32 @!p0 $0x0, s1;
	[sflag:s0] =	ssyncset.done @!p0 $0x0  }
0x283: {  	[sflag:s0] =	ssyncadd.s32 @!p0 s1  }
0x284: {  	[bflag:$0x3] =	sbarrier.arrive $0xFFFF  }
0x285: {  	_ =	shalt  }

// kernel: kernel.27.cloned.1.call-start
scs
__scs_entry_jumppad:
0x0: {  	(pc) =	sbr.rel $0x88, $3  }
0x1: {  	(tag) =	ssettag $0x0;
	lr =	simm.s32 $0x1  }
0x2: {  	[smem:$0x3F80] =	sst lr;
	_ =	strace $0xD0000000  }
0x3: {  	_ = 	snop  }
0x4: {  	_ = 	snop  }
0x5: {  	_ = 	snop  }
0x6: {  	_ = 	snop  }
0x7: {  	_ = 	snop  }
__scs_overlays_trampoline_lowered:
0x8: {  	[smem:$0x3F8F] =	sst s0  }
0x9: {  	[smem:$0x3F90] =	sst s1  }
0xa: {  	[smem:$0x3F91] =	sst s2  }
0xb: {  	[smem:$0x3F92] =	sst s3  }
0xc: {  	[smem:$0x3F93] =	sst s4  }
0xd: {  	[smem:$0x3F94] =	sst s5  }
0xe: {  	[smem:$0x3F95] =	sst s6  }
0xf: {  	[smem:$0x3F96] =	sst s7  }
0x10: {  	[smem:$0x3F97] =	sst s8  }
0x11: {  	[smem:$0x3F98] =	sst s9;
	s0 =	simm.s32 @!p0 $0x0  }
0x12: {  	s1 =	sld [smem:$0x3F7E];
	s0 =	simm.s32 @p0 $0x1  }
0x13: {  	[smem:$0x3F99] =	sst s0;
	s0 =	simm.s32 @!p1 $0x0  }
0x14: {  	s2 =	sld [smem:$0x3F7D];
	s0 =	simm.s32 @p1 $0x1  }
0x15: {  	[smem:$0x3F9A] =	sst s0;
	s0 =	simm.s32 @!p2 $0x0  }
0x16: {  	s3 =	sld [smem:$0x3FDB];
	s0 =	simm.s32 @p2 $0x1  }
0x17: {  	s4 =	simm.s32 $0x1BF5;
	[smem:$0x3F9C] =	sst s0  }
0x18: {  	s0 =	sld [smem:$0x3F7F];
	_ =	swait.ge [sflag:s4], $0x0  }
0x19: {  	s7 =	sld [smem:$0x3F80]  }
0x1a: {  	s8 =	sadd.s32 $0xFFFFE003, lr  }
0x1b: {  	s9 =	sadd.s32 $0xFFFFFEF7, lr;
	s5 =	simm.s32 $0xFFFFFFFF;
	p2 =	slt.u32 s8, $0xFFFFF086  }
0x1c: {  	p1 =	slt.u32 s9, $0xF7A;
	s5 =	simm.s32 @!p2 $0x0  }
0x1d: {  	s5 =	simm.s32 @p1 $0x1;
	p0 =	seq.s32 s7, s2  }
0x1e: {  	s7 =	smul.u32 @!p0 $0xF7A, s2;
	p2 =	seq.s32 @!p0 s5, $0x0  }
0x1f: {  	s9 =	smul.u32 $0xF7A, s1;
	s8 =	simm.s32 @!p0 $0x1BF5;
	p2 =	por !p2, p0  }
0x20: {  	[sflag:s8] =	ssyncset.s32 @!p0 $0xFFFFF086;
	s6 =	sadd.s32 @!p0 s3, s7;
	s7 =	simm.s32 @!p0 $0x108  }
0x21: {  	s3 =	sadd.s32 s3, s9;
	s6 =	sadd.s32 @!p0 $0x88, s6;
	s7 =	simm.s32 @p2 $0x1082  }
0x22: {  	[simem:s7], [sflag:s8] =	dma.local @!p0 [hbm:s6], $0xF7A  }
0x23: {  	s9 =	sor.u32 $0xD0000000, s2;
	s6 =	simm.s32 $0x108;
	_ =	swait.ge @!p0 [sflag:s8], $0x0  }
0x24: {  	s3 =	sadd.s32 $0x88, s3;
	s6 =	simm.s32 @!p1 $0x1082;
	[sflag:s4] =	ssyncset.s32 $0xFFFFF086  }
0x25: {  	[simem:s6], [sflag:s4] =	dma.local [hbm:s3], $0xF7A  }
0x26: {  	[smem:$0x3F80] =	sst s1;
	(tag) =	ssettag s2;
	_ =	strace s9  }
0x27: {  	s1 =	sld [smem:$0x3F90]  }
0x28: {  	s2 =	sld [smem:$0x3F91]  }
0x29: {  	s4 =	sld [smem:$0x3F93]  }
0x2a: {  	p0 =	seq.s32 s5, $0x0;
	s5 =	sld [smem:$0x3F94]  }
0x2b: {  	s6 =	sld [smem:$0x3F95]  }
0x2c: {  	s7 =	sld [smem:$0x3F96]  }
0x2d: {  	s3 =	simm.s32 $0x108;
	s8 =	sld [smem:$0x3F97]  }
0x2e: {  	s3 =	simm.s32 @!p0 $0x1082;
	s9 =	sld [smem:$0x3F98]  }
0x2f: {  	lr =	sadd.s32 s0, s3;
	s0 =	sld [smem:$0x3F8F]  }
0x30: {  	s3 =	sld [smem:$0x3F92]  }
0x31: {  	[smem:$0x3F9B] =	sst s10  }
0x32: {  	s10 =	sld [smem:$0x3F99];
	_ =	sdelay $0x3  }
0x33: {  	p0 =	seq.s32 s10, $0x1;
	s10 =	sld [smem:$0x3F9B];
	_ =	sdelay $0x3  }
0x34: {  	[smem:$0x3F9B] =	sst s10  }
0x35: {  	s10 =	sld [smem:$0x3F9A];
	_ =	sdelay $0x3  }
0x36: {  	p1 =	seq.s32 s10, $0x1;
	s10 =	sld [smem:$0x3F9B];
	_ =	sdelay $0x3  }
0x37: {  	[smem:$0x3F9B] =	sst s10  }
0x38: {  	s10 =	sld [smem:$0x3F9C]  }
0x39: {  	_ = 	snop;
	(pc) =	sbr.ind lr, $3  }
0x3a: {  	_ = 	snop  }
0x3b: {  	_ = 	snop  }
0x3c: {  	p2 =	seq.s32 s10, $0x1;
	s10 =	sld [smem:$0x3F9B]  }
0x3d: {  	_ =	shalt  }
0x3e: {  	_ =	shalt  }
0x3f: {  	_ =	shalt  }
0x40: {  	_ =	shalt  }
0x41: {  	_ =	shalt  }
0x42: {  	_ =	shalt  }
0x43: {  	_ =	shalt  }
0x44: {  	_ =	shalt  }
0x45: {  	_ =	shalt  }
0x46: {  	_ =	shalt  }
0x47: {  	_ =	shalt  }
0x48: {  	_ =	shalt  }
0x49: {  	_ =	shalt  }
0x4a: {  	_ =	shalt  }
0x4b: {  	_ =	shalt  }
0x4c: {  	_ =	shalt  }
0x4d: {  	_ =	shalt  }
0x4e: {  	_ =	shalt  }
0x4f: {  	_ =	shalt  }
0x50: {  	_ =	shalt  }
0x51: {  	_ =	shalt  }
0x52: {  	_ =	shalt  }
0x53: {  	_ =	shalt  }
0x54: {  	_ =	shalt  }
0x55: {  	_ =	shalt  }
0x56: {  	_ =	shalt  }
0x57: {  	_ =	shalt  }
0x58: {  	_ =	shalt  }
0x59: {  	_ =	shalt  }
0x5a: {  	_ =	shalt  }
0x5b: {  	_ =	shalt  }
0x5c: {  	_ =	shalt  }
0x5d: {  	_ =	shalt  }
0x5e: {  	_ =	shalt  }
0x5f: {  	_ =	shalt  }
0x60: {  	_ =	shalt  }
0x61: {  	_ =	shalt  }
0x62: {  	_ =	shalt  }
0x63: {  	_ =	shalt  }
0x64: {  	_ =	shalt  }
0x65: {  	_ =	shalt  }
0x66: {  	_ =	shalt  }
0x67: {  	_ =	shalt  }
0x68: {  	_ =	shalt  }
0x69: {  	_ =	shalt  }
0x6a: {  	_ =	shalt  }
0x6b: {  	_ =	shalt  }
0x6c: {  	_ =	shalt  }
0x6d: {  	_ =	shalt  }
0x6e: {  	_ =	shalt  }
0x6f: {  	_ =	shalt  }
0x70: {  	_ =	shalt  }
0x71: {  	_ =	shalt  }
0x72: {  	_ =	shalt  }
0x73: {  	_ =	shalt  }
0x74: {  	_ =	shalt  }
0x75: {  	_ =	shalt  }
0x76: {  	_ =	shalt  }
0x77: {  	_ =	shalt  }
0x78: {  	_ =	shalt  }
0x79: {  	_ =	shalt  }
0x7a: {  	_ =	shalt  }
0x7b: {  	_ =	shalt  }
0x7c: {  	_ =	shalt  }
0x7d: {  	_ =	shalt  }
0x7e: {  	_ =	shalt  }
0x7f: {  	_ =	shalt  }
0x80: {  	_ =	shalt  }
0x81: {  	_ =	shalt  }
0x82: {  	_ =	shalt  }
0x83: {  	_ =	shalt  }
0x84: {  	_ =	shalt  }
0x85: {  	_ =	shalt  }
0x86: {  	_ =	shalt  }
0x87: {  	_ =	shalt  }
.Lfunc_end0:
.L_simem_size_0:
called_computation.3_lowered:
.L_overlay_start_0:
0x88: {  	s2 =	sld [smem:$0x3FD9]  }
0x89: {  	s3 =	sld [smem:$0x3FFE];
	_ =	sdelay $0x1  }
0x8a: {  	s1 =	srdreg.scid  }
0x8b: {  	s0 =	sand.u32 $0x1, s1  }
0x8c: {  	s16 =	sshll.u32 s0, $0xA;
	s2 =	sadd.s32 s3, s2  }
0x8d: {  	s2 =	sadd.s32 s2, s16  }
0x8e: {  	[smem:$0x3FA7] =	sst s2  }
0x8f: {  	_ = 	snop  }
0x90: {  	(tm) =	ssettm $0x1  }
0x91: {  	s17 =	sld [smem:$0x3FFB];
	_ =	sdelay $0x3  }
0x92: {  	_ =	strace s17  }
0x93: {  	s2 =	sld [smem:$0x3FFC];
	_ =	sdelay $0x3  }
0x94: {  	_ =	strace s2  }
0x95: {  	s2 =	sld [smem:$0x3FFD];
	_ =	sdelay $0x3  }
0x96: {  	_ =	strace s2  }
0x97: {  	_ =	strace $0x8FFFFFFF  }
0x98: {  	s18 =	sld [smem:$0x3FDB];
	_ =	sdelay $0x1  }
0x99: {  	s19 =	simm.s32 $_scs_section_size  }
0x9a: {  	s4 =	simm.s32 $_size__tile_overlayer_lowered;
	s5 =	simm.s32 $_tile_overlayer_lowered  }
0x9b: {  	s22 =	simm.s32 $0x1BFF;
	s21 =	sshll.u32 s5, $0x1;
	s2 =	sadd.s32 s19, s18  }
0x9c: {  	s6 =	simm.s32 $0x0;
	s20 =	sshll.u32 s4, $0x1;
	s4 =	sadd.s32 s21, s2  }
0x9d: {  	[timem:s6], [sflag:s22] =	dma.local [hbm:s4], s20  }
0x9e: {  	_ =	swait.ge [sflag:s22], s20  }
0x9f: {  	s3 =	ssub.s32 $0x0, s20;
	[sflag:s22] =	ssyncset.done $0x0  }
0xa0: {  	[sflag:s22] =	ssyncadd.s32 s3;
	_ =	sdelay $0x1  }
0xa1: {  	s23 =	simm.s32 $0x1B8B  }
0xa2: {  	_ =	swait.ge [sflag:s23], $0x1  }
0xa3: {  	[sflag:s23] =	ssyncset.done $0x0  }
0xa4: {  	s25 =	simm.s32 $0x1B8E;
	s24 =	sld [smem:$0x3FFE];
	[sflag:s23] =	ssyncadd.s32 $0xFFFFFFFF  }
0xa5: {  	s26 =	simm.s32 $execute0_lowered;
	[smem:$0x3FD2] =	sst s25  }
0xa6: {  	s4 =	sshll.u32 s26, $0x1;
	_ =	strace $0x8000004F;
	[dreg:$0x1] =	wrdreg $0xFFFFFFFF  }
0xa7: {  	s28 =	simm.s32 $_size_execute0_lowered;
	s2 =	sadd.s32 s2, s4;
	[dreg:$0x0] =	wrdreg $0x0  }
0xa8: {  	s4 =	sshll.u32 s28, $0x1;
	[dreg:$0x2] =	wrdreg s2  }
0xa9: {  	[dreg:$0x3] =	wrdreg s4  }
0xaa: {  	[dreg:$0x4] =	wrdreg $0xC0  }
0xab: {  	_ =	task [dreg:s6], $0x5FFFF  }
0xac: {  	[dreg:$0x1] =	wrdreg $0xFFFFFFFF  }
0xad: {  	[dreg:$0x0] =	wrdreg $0x60  }
0xae: {  	[dreg:$0x2] =	wrdreg s24  }
0xaf: {  	[dreg:$0x3] =	wrdreg $0x51000  }
0xb0: {  	[dreg:$0x4] =	wrdreg $0x9  }
0xb1: {  	_ =	task.clear_ibuf [dreg:s6], $0x5FFFF;
	_ =	strace $0x9000004F  }
0xb2: {  	s29 =	simm.s32 $0x9;
	_ =	strace $0x80000051  }
0xb3: {  	_ =	swait.ge [sflag:s29], $0x1  }
0xb4: {  	[sflag:s29] =	ssyncadd.s32 $0xFFFFFFFF  }
0xb5: {  	_ =	strace $0x90000051  }
0xb6: {  	_ =	sfence  }
0xb7: {  	s30 =	sld [smem:$0x0];
	_ =	sdelay $0x2  }
0xb8: {  	s31 =	sshll.u32 s1, $0xD;
	s1 =	sshrl.u32 s1, $0x2  }
0xb9: {  	s3 =	sand.u32 $0x4000, s31;
	s1 =	sadd.s32 s1, s30  }
0xba: {  	s0 =	sor.u32 s3, s0;
	s1 =	sshll.u32 s1, $0x11  }
0xbb: {  	s0 =	sor.u32 s1, s0  }
0xbc: {  	s0 =	sadd.s32 $0x8F2B, s0  }
0xbd: {  	[sflag:s0] =	ssyncadd.remote.s32 $0x1  }
0xbe: {  	_ =	sfence.sel $0xFFFF  }
0xbf: {  	[dreg:$0x0] =	wrdreg $0xFFFFFFFF;
	(pc) =	sbr.abs _section_cstart, $3  }
0xc0: {  	[dreg:$0x1] =	wrdreg $0xFFFFFFFF  }
0xc1: {  	_ =	task.clear_ibuf [dreg:s6], $0x2FFFF;
	_ =	strace $0x9FFFFFFF  }
0xc2: {  	(tm) =	ssettm $0x7FFFFFFF  }
0xc3: {  	_ =	shalt  }
tec
execute0_lowered:
.L_overlay_start_1:
0x0: {  	(tag) =	ssettag $0x1  }
0x1: {  	s0 =	rddreg [dreg:$0x0]  }
0x2: {  	s1 =	rddreg [dreg:$0x1];
	s3 =	simm.s32 $0x0;
	s15 =	stileid.u32  }
0x3: {  	s2 =	srdreg.scid;
	s28 =	simm.s32 $0x3;
	s5 =	smul.u32 $0x28000, s15  }
0x4: {  	s29 =	simm.s32 $0x2;
	s30 =	simm.s32 $0x4;
	s16 =	smul.u32 $0x50000, s15  }
0x5: {  	[smem:$0x7FF] =	sst s3;
	s2 =	sand.u32 $0x1, s2;
	s9 =	smul.u32 $0x2710, s15  }
0x6: {  	s4 =	sadd.s32 $0x157E00, s0;
	s14 =	sadd.s32 $0x6200, s0;
	s8 =	smul.u32 $0x271000, s15  }
0x7: {  	s6 =	sadd.s32 $0x103600, s0;
	s7 =	sshll.u32 s15, $0x6;
	s15 =	smul.u32 $0x4E2, s15  }
0x8: {  	_ =	strace $0x80000050;
	s11 =	sshll.u32 s2, $0xA;
	s2 =	ssub.s32 $0x2, s2  }
0x9: {  	[dreg:$0x3] =	wrdreg s6;
	s5 =	sor.u32 s11, s5;
	s17 =	sshrl.u32 s2, $0x1  }
0xa: {  	s6 =	sshrl.u32 s16, $0x2;
	s19 =	sshrl.u32 s9, $0x3;
	s10 =	sadd.s32 $0x50, s9  }
0xb: {  	s13 =	sadd.s32 $0x26C0, s9;
	s31 =	sadd.s32 s15, s14;
	s5 =	sshrl.u32 s5, $0x3  }
0xc: {  	s2 =	ssub.s32 s2, s17;
	s18 =	sadd.s32 s6, s1;
	s6 =	sor.u32 $0x1C05, s7  }
0xd: {  	s17 =	sor.u32 s11, s8;
	s7 =	sadd.s32 s14, s19;
	s12 =	sshll.u32 s10, $0x8  }
0xe: {  	s21 =	sshrl.u32 s10, $0x3;
	s23 =	sshll.u32 s13, $0x8;
	s24 =	sshrl.u32 s13, $0x3  }
0xf: {  	s19 =	simm.s32 $0x5;
	s0 =	sadd.s32 s5, s0;
	[dreg:$0x4] =	wrdreg s7  }
0x10: {  	s8 =	sshrl.u32 s17, $0x3;
	s12 =	sor.u32 s11, s12;
	s9 =	sadd.s32 s14, s21  }
0x11: {  	s11 =	sor.u32 s11, s23;
	s16 =	sadd.s32 $0xF000, s17;
	s17 =	sadd.s32 $0xA000, s17  }
0x12: {  	s18 =	sshrl.u32 s18, $0x3;
	s21 =	simm.s32 $0x800;
	s23 =	simm.s32 $0x80  }
0x13: {  	s20 =	sadd.s32 s4, s8;
	s22 =	sshrl.u32 s12, $0x3;
	s25 =	sshrl.u32 s11, $0x3  }
0x14: {  	s11 =	sadd.s32 s14, s24;
	s13 =	sadd.s32 $0x639E00, s0;
	s26 =	sshrl.u32 s16, $0x3  }
0x15: {  	s14 =	smax.u32 s2, $0x1;
	s16 =	sadd.s32 $0x1E, s31;
	s24 =	simm.s32 $0x2900  }
0x16: {  	s0 =	simm.s32 $0x0;
	[dreg:$0x5] =	wrdreg s20;
	s10 =	sadd.s32 s4, s22  }
0x17: {  	s12 =	sadd.s32 s4, s25;
	s15 =	sadd.s32 s26, s4;
	s20 =	simm.s32 $0x400  }
0x18: {  	s22 =	simm.s32 $0x100;
	s25 =	simm.s32 $0x1;
	s26 =	simm.s32 $0x50  }
.LBB2_1:
0x19: {  	s2 =	rddreg [dreg:$0x3]  }
0x1a: {  	[spmem:s18], [sflag:s6] =	dma.local [hbm:s2], $0x2800  }
0x1b: {  	_ =	swait.ge [sflag:s19], $0x2800  }
0x1c: {  	[sflag:s19] =	ssyncset.done $0x0  }
0x1d: {  	[sflag:s19] =	ssyncadd.s32 $0xFFFFD800  }
0x1e: {  	[bflag:$0x0] =	sbarrier.arrive $0xFFFF  }
0x1f: {  	s7 =	rddreg [dreg:$0x4]  }
0x20: {  	[tilespmem:s3], [sflag:$0x5] =	stream.linear.gather [hbm4b:s7+s3], $0x50, $0x38;
	[tilespmem:$0x19100] =	vst v63  }
0x21: {  	_ =	swait.ge [sflag:s19], $0x50  }
0x22: {  	[sflag:s19] =	ssyncset.done $0x0  }
0x23: {  	s8 =	rddreg [dreg:$0x5];
	[sflag:s19] =	ssyncadd.s32 $0xFFFFFFB0  }
0x24: {  	[tilespmem:s22], [sflag:$0x1] =	stream.strided.gather [hbm4b:s8+s20], $0x2800, s21, s20, $0x38;
	[tilespmem:$0x19100] =	vst v63  }
0x25: {  	_ = 	snop  }
0x26: {  	[tilespmem:s23], [sflag:$0x5] =	stream.linear.gather [hbm4b:s9+s3], $0x50, $0x38;
	[tilespmem:$0x19100] =	vst v63  }
0x27: {  	_ =	swait.ge [sflag:s19], $0x50  }
0x28: {  	[sflag:s19] =	ssyncset.done $0x0  }
0x29: {  	[sflag:s19] =	ssyncadd.s32 $0xFFFFFFB0  }
0x2a: {  	[tilespmem:s24], [sflag:$0x2] =	stream.strided.gather [hbm4b:s10+s20], $0x2800, s21, s20, $0x38;
	[tilespmem:$0x19100] =	vst v63  }
0x2b: {  	_ =	swait.ge [sflag:s25], $0x2800  }
0x2c: {  	[sflag:s25] =	ssyncset.done $0x0  }
0x2d: {  	[sflag:s25] =	ssyncadd.s32 $0xFFFFD800  }
0x2e: {  	[spmem:s1] =	stream.indirect.scatter.add.f32 [tilespmem:s22], [sflag:$0x3], $0x80, s3, s26, $0xb8;
	[tilespmem:$0x19100] =	vst v63  }
0x2f: {  	_ =	swait.ge [sflag:s28], $0x2800  }
0x30: {  	[sflag:s28] =	ssyncset.done $0x0  }
0x31: {  	s5 =	sadd.s32 $0xFFFFFFF6, s16;
	[sflag:s28] =	ssyncadd.s32 $0xFFFFD800  }
0x32: {  	[tilespmem:s3], [sflag:$0x5] =	stream.linear.gather [hbm4b:s5+s3], $0x50, $0x38;
	[tilespmem:$0x19100] =	vst v63  }
0x33: {  	_ =	swait.ge [sflag:s19], $0x50  }
0x34: {  	s7 =	sshrl.u32 s17, $0x3;
	[sflag:s19] =	ssyncset.done $0x0  }
0x35: {  	s2 =	sadd.s32 s4, s7;
	[sflag:s19] =	ssyncadd.s32 $0xFFFFFFB0  }
0x36: {  	[tilespmem:s22], [sflag:$0x1] =	stream.strided.gather [hbm4b:s2+s20], $0x2800, s21, s20, $0x38;
	[tilespmem:$0x19100] =	vst v63  }
0x37: {  	_ =	swait.ge [sflag:s29], $0x2800  }
0x38: {  	[sflag:s29] =	ssyncset.done $0x0  }
0x39: {  	[sflag:s29] =	ssyncadd.s32 $0xFFFFD800  }
0x3a: {  	[spmem:s1] =	stream.indirect.scatter.add.f32 [tilespmem:s24], [sflag:$0x4], $0x80, s23, s26, $0xb8;
	[tilespmem:$0x19100] =	vst v63  }
0x3b: {  	_ =	swait.ge [sflag:s30], $0x2800  }
0x3c: {  	[sflag:s30] =	ssyncset.done $0x0  }
0x3d: {  	[sflag:s30] =	ssyncadd.s32 $0xFFFFD800  }
0x3e: {  	[tilespmem:s23], [sflag:$0x5] =	stream.linear.gather [hbm4b:s16+s3], $0x50, $0x38;
	[tilespmem:$0x19100] =	vst v63  }
0x3f: {  	_ =	swait.ge [sflag:s19], $0x50  }
0x40: {  	[sflag:s19] =	ssyncset.done $0x0  }
0x41: {  	s8 =	sadd.s32 $0x0, s15;
	[sflag:s19] =	ssyncadd.s32 $0xFFFFFFB0  }
0x42: {  	[tilespmem:s24], [sflag:$0x2] =	stream.strided.gather [hbm4b:s8+s20], $0x2800, s21, s20, $0x38;
	[tilespmem:$0x19100] =	vst v63  }
0x43: {  	_ =	swait.ge [sflag:s25], $0x2800  }
0x44: {  	s31 =	sadd.s32 $0x14, s16;
	[sflag:s25] =	ssyncset.done $0x0  }
0x45: {  	s5 =	sadd.s32 $0xA000, s17;
	s2 =	simm.s32 $0x1400;
	[sflag:s25] =	ssyncadd.s32 $0xFFFFD800  }
.LBB2_2:
0x46: {  	[spmem:s1] =	stream.indirect.scatter.add.f32 [tilespmem:s22], [sflag:$0x3], $0x80, s3, s26, $0xb8;
	[tilespmem:$0x19100] =	vst v63  }
0x47: {  	s7 =	smov.u32 s2  }
0x48: {  	p0 =	sne.s32 s2, $0x4B000;
	s2 =	sadd.s32 $0x1400, s2;
	_ =	swait.ge [sflag:s28], $0x2800  }
0x49: {  	[sflag:s28] =	ssyncset.done $0x0  }
0x4a: {  	s8 =	sadd.s32 $0xFFFFFFF6, s31;
	[sflag:s28] =	ssyncadd.s32 $0xFFFFD800  }
0x4b: {  	[tilespmem:s3], [sflag:$0x5] =	stream.linear.gather [hbm4b:s8+s3], $0x50, $0x38;
	[tilespmem:$0x19100] =	vst v63  }
0x4c: {  	_ =	swait.ge [sflag:s19], $0x50  }
0x4d: {  	s8 =	sshrl.u32 s5, $0x3;
	[sflag:s19] =	ssyncset.done $0x0  }
0x4e: {  	s8 =	sadd.s32 s4, s8;
	[sflag:s19] =	ssyncadd.s32 $0xFFFFFFB0  }
0x4f: {  	[tilespmem:s22], [sflag:$0x1] =	stream.strided.gather [hbm4b:s8+s20], $0x2800, s21, s20, $0x38;
	[tilespmem:$0x19100] =	vst v63  }
0x50: {  	_ =	swait.ge [sflag:s29], $0x2800  }
0x51: {  	[sflag:s29] =	ssyncset.done $0x0  }
0x52: {  	[sflag:s29] =	ssyncadd.s32 $0xFFFFD800  }
0x53: {  	[spmem:s1] =	stream.indirect.scatter.add.f32 [tilespmem:s24], [sflag:$0x4], $0x80, s23, s26, $0xb8;
	[tilespmem:$0x19100] =	vst v63  }
0x54: {  	_ =	swait.ge [sflag:s30], $0x2800  }
0x55: {  	[sflag:s30] =	ssyncset.done $0x0  }
0x56: {  	[sflag:s30] =	ssyncadd.s32 $0xFFFFD800  }
0x57: {  	[tilespmem:s23], [sflag:$0x5] =	stream.linear.gather [hbm4b:s31+s3], $0x50, $0x38;
	[tilespmem:$0x19100] =	vst v63  }
0x58: {  	_ =	swait.ge [sflag:s19], $0x50  }
0x59: {  	[sflag:s19] =	ssyncset.done $0x0  }
.Ltmp0:
0x5a: {  	s7 =	sadd.s32 s7, s15;
	[sflag:s19] =	ssyncadd.s32 $0xFFFFFFB0;
	(pc) =	sbr.rel @p0 .LBB2_2-.Ltmp0, $4  }
0x5b: {  	[tilespmem:s24], [sflag:$0x2] =	stream.strided.gather [hbm4b:s7+s20], $0x2800, s21, s20, $0x38;
	[tilespmem:$0x19100] =	vst v63  }
0x5c: {  	_ =	swait.ge [sflag:s25], $0x2800  }
0x5d: {  	[sflag:s25] =	ssyncset.done $0x0  }
0x5e: {  	s5 =	sadd.s32 $0xA000, s5;
	s31 =	sadd.s32 $0x14, s31;
	[sflag:s25] =	ssyncadd.s32 $0xFFFFD800  }
0x5f: {  	[spmem:s1] =	stream.indirect.scatter.add.f32 [tilespmem:s22], [sflag:$0x3], $0x80, s3, s26, $0xb8;
	[tilespmem:$0x19100] =	vst v63  }
0x60: {  	_ =	swait.ge [sflag:s28], $0x2800  }
0x61: {  	[sflag:s28] =	ssyncset.done $0x0  }
0x62: {  	[sflag:s28] =	ssyncadd.s32 $0xFFFFD800  }
0x63: {  	[tilespmem:s3], [sflag:$0x5] =	stream.linear.gather [hbm4b:s11+s3], $0x50, $0x38;
	[tilespmem:$0x19100] =	vst v63  }
0x64: {  	_ =	swait.ge [sflag:s19], $0x50  }
0x65: {  	[sflag:s19] =	ssyncset.done $0x0  }
0x66: {  	[sflag:s19] =	ssyncadd.s32 $0xFFFFFFB0  }
0x67: {  	[tilespmem:s22], [sflag:$0x1] =	stream.strided.gather [hbm4b:s12+s20], $0x2800, s21, s20, $0x38;
	[tilespmem:$0x19100] =	vst v63  }
0x68: {  	_ =	swait.ge [sflag:s29], $0x2800  }
0x69: {  	[sflag:s29] =	ssyncset.done $0x0  }
0x6a: {  	[sflag:s29] =	ssyncadd.s32 $0xFFFFD800  }
0x6b: {  	[spmem:s1] =	stream.indirect.scatter.add.f32 [tilespmem:s24], [sflag:$0x4], $0x80, s23, s26, $0xb8;
	[tilespmem:$0x19100] =	vst v63  }
0x6c: {  	_ =	swait.ge [sflag:s25], $0x2800  }
0x6d: {  	[sflag:s25] =	ssyncset.done $0x0  }
0x6e: {  	[sflag:s25] =	ssyncadd.s32 $0xFFFFD800  }
0x6f: {  	[spmem:s1] =	stream.indirect.scatter.add.f32 [tilespmem:s22], [sflag:$0x3], $0x80, s3, s26, $0xb8;
	[tilespmem:$0x19100] =	vst v63  }
0x70: {  	_ =	swait.ge [sflag:s30], $0x2800  }
0x71: {  	[sflag:s30] =	ssyncset.done $0x0  }
0x72: {  	[sflag:s30] =	ssyncadd.s32 $0xFFFFD800  }
0x73: {  	_ =	swait.ge [sflag:s28], $0x2800  }
0x74: {  	s0 =	sadd.s32 $0x1, s0;
	[sflag:s28] =	ssyncset.done $0x0  }
0x75: {  	p0 =	sne.s32 s0, s14;
	[sflag:s28] =	ssyncadd.s32 $0xFFFFD800  }
.Ltmp1:
0x76: {  	s2 =	simm.s32 $0x8;
	[bflag:$0x0] =	sbarrier.arrive $0xFFFF;
	(pc) =	sbr.rel @p0 .LBB2_1-.Ltmp1, $4  }
0x77: {  	[hbm:s13@s22], [sflag:s6] =	dma.strided [spmem:s18@s23], $0x2800, s2, $0x10   }
0x78: {  	_ =	swait.ge [sflag:s19], $0x2800  }
0x79: {  	[sflag:s19] =	ssyncset.done $0x0  }
0x7a: {  	[sflag:s19] =	ssyncadd.s32 $0xFFFFD800  }
0x7b: {  	_ =	sfence.sel $0x180000  }
0x7c: {  	[bflag:$0x0] =	sbarrier.arrive $0xFFFF  }
0x7d: {  	_ =	strace $0x90000050  }
0x7e: {  	s0 =	stileid.u32;
	[bflag:$0x2] =	sbarrier.arrive $0xFFFF  }
0x7f: {  	p0 =	sne.s32 s0, $0x0;
	s0 =	rddreg [dreg:$0x2]  }
0x80: {  	s0 =	sadd.s32 @!p0 $0x100000, s0  }
0x81: {  	[sflag:s0] =	ssyncadd.tile.s32 @!p0 $0x1;
	_ =	shalt  }
.Lfunc_end2:
_tile_overlayer_lowered:
.L_overlay_start_2:
0x82: {  	(tag) =	ssettag $0x2  }
0x83: {  	s0 =	rddreg [dreg:$0x0];
	s2 =	stileid.u32  }
0x84: {  	s1 =	rddreg [dreg:$0x1];
	p0 =	sne.s32 s2, $0x0  }
0x85: {  	s3 =	rddreg [dreg:$0x2];
	[bflag:$0x3] =	sbarrier.arrive $0xFFFF;
	s2 =	simm.s32 @!p0 $0x1C05  }
0x86: {  	[timem:s3], [sflag:s2] =	dma.local @!p0 [hbm:s0], s1  }
0x87: {  	s0 =	simm.s32 @!p0 $0x5  }
0x88: {  	_ =	swait.ge @!p0 [sflag:s0], s1  }
0x89: {  	s1 =	ssub.s32 @!p0 $0x0, s1;
	[sflag:s0] =	ssyncset.done @!p0 $0x0  }
0x8a: {  	[sflag:s0] =	ssyncadd.s32 @!p0 s1  }
0x8b: {  	[bflag:$0x3] =	sbarrier.arrive $0xFFFF  }
0x8c: {  	_ =	shalt  }

// kernel: kernel.30.cloned.1.call-start
scs
__scs_entry_jumppad:
0x0: {  	(pc) =	sbr.rel $0x88, $3  }
0x1: {  	(tag) =	ssettag $0x0;
	lr =	simm.s32 $0x1  }
0x2: {  	[smem:$0x3F80] =	sst lr;
	_ =	strace $0xD0000000  }
0x3: {  	_ = 	snop  }
0x4: {  	_ = 	snop  }
0x5: {  	_ = 	snop  }
0x6: {  	_ = 	snop  }
0x7: {  	_ = 	snop  }
__scs_overlays_trampoline_lowered:
0x8: {  	[smem:$0x3F8F] =	sst s0  }
0x9: {  	[smem:$0x3F90] =	sst s1  }
0xa: {  	[smem:$0x3F91] =	sst s2  }
0xb: {  	[smem:$0x3F92] =	sst s3  }
0xc: {  	[smem:$0x3F93] =	sst s4  }
0xd: {  	[smem:$0x3F94] =	sst s5  }
0xe: {  	[smem:$0x3F95] =	sst s6  }
0xf: {  	[smem:$0x3F96] =	sst s7  }
0x10: {  	[smem:$0x3F97] =	sst s8  }
0x11: {  	[smem:$0x3F98] =	sst s9;
	s0 =	simm.s32 @!p0 $0x0  }
0x12: {  	s1 =	sld [smem:$0x3F7E];
	s0 =	simm.s32 @p0 $0x1  }
0x13: {  	[smem:$0x3F99] =	sst s0;
	s0 =	simm.s32 @!p1 $0x0  }
0x14: {  	s2 =	sld [smem:$0x3F7D];
	s0 =	simm.s32 @p1 $0x1  }
0x15: {  	[smem:$0x3F9A] =	sst s0;
	s0 =	simm.s32 @!p2 $0x0  }
0x16: {  	s3 =	sld [smem:$0x3FDB];
	s0 =	simm.s32 @p2 $0x1  }
0x17: {  	s4 =	simm.s32 $0x1BF5;
	[smem:$0x3F9C] =	sst s0  }
0x18: {  	s0 =	sld [smem:$0x3F7F];
	_ =	swait.ge [sflag:s4], $0x0  }
0x19: {  	s7 =	sld [smem:$0x3F80]  }
0x1a: {  	s8 =	sadd.s32 $0xFFFFE003, lr  }
0x1b: {  	s9 =	sadd.s32 $0xFFFFFEF7, lr;
	s5 =	simm.s32 $0xFFFFFFFF;
	p2 =	slt.u32 s8, $0xFFFFF086  }
0x1c: {  	p1 =	slt.u32 s9, $0xF7A;
	s5 =	simm.s32 @!p2 $0x0  }
0x1d: {  	s5 =	simm.s32 @p1 $0x1;
	p0 =	seq.s32 s7, s2  }
0x1e: {  	s7 =	smul.u32 @!p0 $0xF7A, s2;
	p2 =	seq.s32 @!p0 s5, $0x0  }
0x1f: {  	s9 =	smul.u32 $0xF7A, s1;
	s8 =	simm.s32 @!p0 $0x1BF5;
	p2 =	por !p2, p0  }
0x20: {  	[sflag:s8] =	ssyncset.s32 @!p0 $0xFFFFF086;
	s6 =	sadd.s32 @!p0 s3, s7;
	s7 =	simm.s32 @!p0 $0x108  }
0x21: {  	s3 =	sadd.s32 s3, s9;
	s6 =	sadd.s32 @!p0 $0x88, s6;
	s7 =	simm.s32 @p2 $0x1082  }
0x22: {  	[simem:s7], [sflag:s8] =	dma.local @!p0 [hbm:s6], $0xF7A  }
0x23: {  	s9 =	sor.u32 $0xD0000000, s2;
	s6 =	simm.s32 $0x108;
	_ =	swait.ge @!p0 [sflag:s8], $0x0  }
0x24: {  	s3 =	sadd.s32 $0x88, s3;
	s6 =	simm.s32 @!p1 $0x1082;
	[sflag:s4] =	ssyncset.s32 $0xFFFFF086  }
0x25: {  	[simem:s6], [sflag:s4] =	dma.local [hbm:s3], $0xF7A  }
0x26: {  	[smem:$0x3F80] =	sst s1;
	(tag) =	ssettag s2;
	_ =	strace s9  }
0x27: {  	s1 =	sld [smem:$0x3F90]  }
0x28: {  	s2 =	sld [smem:$0x3F91]  }
0x29: {  	s4 =	sld [smem:$0x3F93]  }
0x2a: {  	p0 =	seq.s32 s5, $0x0;
	s5 =	sld [smem:$0x3F94]  }
0x2b: {  	s6 =	sld [smem:$0x3F95]  }
0x2c: {  	s7 =	sld [smem:$0x3F96]  }
0x2d: {  	s3 =	simm.s32 $0x108;
	s8 =	sld [smem:$0x3F97]  }
0x2e: {  	s3 =	simm.s32 @!p0 $0x1082;
	s9 =	sld [smem:$0x3F98]  }
0x2f: {  	lr =	sadd.s32 s0, s3;
	s0 =	sld [smem:$0x3F8F]  }
0x30: {  	s3 =	sld [smem:$0x3F92]  }
0x31: {  	[smem:$0x3F9B] =	sst s10  }
0x32: {  	s10 =	sld [smem:$0x3F99];
	_ =	sdelay $0x3  }
0x33: {  	p0 =	seq.s32 s10, $0x1;
	s10 =	sld [smem:$0x3F9B];
	_ =	sdelay $0x3  }
0x34: {  	[smem:$0x3F9B] =	sst s10  }
0x35: {  	s10 =	sld [smem:$0x3F9A];
	_ =	sdelay $0x3  }
0x36: {  	p1 =	seq.s32 s10, $0x1;
	s10 =	sld [smem:$0x3F9B];
	_ =	sdelay $0x3  }
0x37: {  	[smem:$0x3F9B] =	sst s10  }
0x38: {  	s10 =	sld [smem:$0x3F9C]  }
0x39: {  	_ = 	snop;
	(pc) =	sbr.ind lr, $3  }
0x3a: {  	_ = 	snop  }
0x3b: {  	_ = 	snop  }
0x3c: {  	p2 =	seq.s32 s10, $0x1;
	s10 =	sld [smem:$0x3F9B]  }
0x3d: {  	_ =	shalt  }
0x3e: {  	_ =	shalt  }
0x3f: {  	_ =	shalt  }
0x40: {  	_ =	shalt  }
0x41: {  	_ =	shalt  }
0x42: {  	_ =	shalt  }
0x43: {  	_ =	shalt  }
0x44: {  	_ =	shalt  }
0x45: {  	_ =	shalt  }
0x46: {  	_ =	shalt  }
0x47: {  	_ =	shalt  }
0x48: {  	_ =	shalt  }
0x49: {  	_ =	shalt  }
0x4a: {  	_ =	shalt  }
0x4b: {  	_ =	shalt  }
0x4c: {  	_ =	shalt  }
0x4d: {  	_ =	shalt  }
0x4e: {  	_ =	shalt  }
0x4f: {  	_ =	shalt  }
0x50: {  	_ =	shalt  }
0x51: {  	_ =	shalt  }
0x52: {  	_ =	shalt  }
0x53: {  	_ =	shalt  }
0x54: {  	_ =	shalt  }
0x55: {  	_ =	shalt  }
0x56: {  	_ =	shalt  }
0x57: {  	_ =	shalt  }
0x58: {  	_ =	shalt  }
0x59: {  	_ =	shalt  }
0x5a: {  	_ =	shalt  }
0x5b: {  	_ =	shalt  }
0x5c: {  	_ =	shalt  }
0x5d: {  	_ =	shalt  }
0x5e: {  	_ =	shalt  }
0x5f: {  	_ =	shalt  }
0x60: {  	_ =	shalt  }
0x61: {  	_ =	shalt  }
0x62: {  	_ =	shalt  }
0x63: {  	_ =	shalt  }
0x64: {  	_ =	shalt  }
0x65: {  	_ =	shalt  }
0x66: {  	_ =	shalt  }
0x67: {  	_ =	shalt  }
0x68: {  	_ =	shalt  }
0x69: {  	_ =	shalt  }
0x6a: {  	_ =	shalt  }
0x6b: {  	_ =	shalt  }
0x6c: {  	_ =	shalt  }
0x6d: {  	_ =	shalt  }
0x6e: {  	_ =	shalt  }
0x6f: {  	_ =	shalt  }
0x70: {  	_ =	shalt  }
0x71: {  	_ =	shalt  }
0x72: {  	_ =	shalt  }
0x73: {  	_ =	shalt  }
0x74: {  	_ =	shalt  }
0x75: {  	_ =	shalt  }
0x76: {  	_ =	shalt  }
0x77: {  	_ =	shalt  }
0x78: {  	_ =	shalt  }
0x79: {  	_ =	shalt  }
0x7a: {  	_ =	shalt  }
0x7b: {  	_ =	shalt  }
0x7c: {  	_ =	shalt  }
0x7d: {  	_ =	shalt  }
0x7e: {  	_ =	shalt  }
0x7f: {  	_ =	shalt  }
0x80: {  	_ =	shalt  }
0x81: {  	_ =	shalt  }
0x82: {  	_ =	shalt  }
0x83: {  	_ =	shalt  }
0x84: {  	_ =	shalt  }
0x85: {  	_ =	shalt  }
0x86: {  	_ =	shalt  }
0x87: {  	_ =	shalt  }
.Lfunc_end0:
.L_simem_size_0:
called_computation.4_lowered:
.L_overlay_start_0:
0x88: {  	s2 =	sld [smem:$0x3FD9]  }
0x89: {  	s3 =	sld [smem:$0x3FFE];
	_ =	sdelay $0x1  }
0x8a: {  	s1 =	srdreg.scid  }
0x8b: {  	s0 =	sand.u32 $0x1, s1  }
0x8c: {  	s16 =	sshll.u32 s0, $0xA;
	s2 =	sadd.s32 s3, s2  }
0x8d: {  	s2 =	sadd.s32 s2, s16  }
0x8e: {  	[smem:$0x3FA7] =	sst s2  }
0x8f: {  	_ = 	snop  }
0x90: {  	(tm) =	ssettm $0x1  }
0x91: {  	s17 =	sld [smem:$0x3FFB];
	_ =	sdelay $0x3  }
0x92: {  	_ =	strace s17  }
0x93: {  	s2 =	sld [smem:$0x3FFC];
	_ =	sdelay $0x3  }
0x94: {  	_ =	strace s2  }
0x95: {  	s2 =	sld [smem:$0x3FFD];
	_ =	sdelay $0x3  }
0x96: {  	_ =	strace s2  }
0x97: {  	_ =	strace $0x8FFFFFFF  }
0x98: {  	s18 =	sld [smem:$0x3FDB];
	_ =	sdelay $0x1  }
0x99: {  	s19 =	simm.s32 $_scs_section_size  }
0x9a: {  	s4 =	simm.s32 $_size__tile_overlayer_lowered;
	s5 =	simm.s32 $_tile_overlayer_lowered  }
0x9b: {  	s22 =	simm.s32 $0x1BFF;
	s21 =	sshll.u32 s5, $0x1;
	s2 =	sadd.s32 s19, s18  }
0x9c: {  	s6 =	simm.s32 $0x0;
	s20 =	sshll.u32 s4, $0x1;
	s4 =	sadd.s32 s21, s2  }
0x9d: {  	[timem:s6], [sflag:s22] =	dma.local [hbm:s4], s20  }
0x9e: {  	_ =	swait.ge [sflag:s22], s20  }
0x9f: {  	s3 =	ssub.s32 $0x0, s20;
	[sflag:s22] =	ssyncset.done $0x0  }
0xa0: {  	[sflag:s22] =	ssyncadd.s32 s3;
	_ =	sdelay $0x1  }
0xa1: {  	s23 =	simm.s32 $0x1B8B  }
0xa2: {  	_ =	swait.ge [sflag:s23], $0x1  }
0xa3: {  	[sflag:s23] =	ssyncset.done $0x0  }
0xa4: {  	s25 =	simm.s32 $0x1B8E;
	s24 =	sld [smem:$0x3FFE];
	[sflag:s23] =	ssyncadd.s32 $0xFFFFFFFF  }
0xa5: {  	s26 =	simm.s32 $execute0_lowered;
	[smem:$0x3FD2] =	sst s25  }
0xa6: {  	s4 =	sshll.u32 s26, $0x1;
	_ =	strace $0x80000052;
	[dreg:$0x1] =	wrdreg $0xFFFFFFFF  }
0xa7: {  	s28 =	simm.s32 $_size_execute0_lowered;
	s2 =	sadd.s32 s2, s4;
	[dreg:$0x0] =	wrdreg $0x0  }
0xa8: {  	s4 =	sshll.u32 s28, $0x1;
	[dreg:$0x2] =	wrdreg s2  }
0xa9: {  	[dreg:$0x3] =	wrdreg s4  }
0xaa: {  	[dreg:$0x4] =	wrdreg $0xC0  }
0xab: {  	_ =	task [dreg:s6], $0x5FFFF  }
0xac: {  	[dreg:$0x1] =	wrdreg $0xFFFFFFFF  }
0xad: {  	[dreg:$0x0] =	wrdreg $0x60  }
0xae: {  	[dreg:$0x2] =	wrdreg s24  }
0xaf: {  	[dreg:$0x3] =	wrdreg $0x9  }
0xb0: {  	_ =	task.clear_ibuf [dreg:s6], $0x4FFFF;
	_ =	strace $0x90000052  }
0xb1: {  	s29 =	simm.s32 $0x9;
	_ =	strace $0x80000054  }
0xb2: {  	_ =	swait.ge [sflag:s29], $0x1  }
0xb3: {  	[sflag:s29] =	ssyncadd.s32 $0xFFFFFFFF  }
0xb4: {  	_ =	strace $0x90000054  }
0xb5: {  	_ =	sfence  }
0xb6: {  	s30 =	sld [smem:$0x0];
	_ =	sdelay $0x2  }
0xb7: {  	s31 =	sshll.u32 s1, $0xD;
	s1 =	sshrl.u32 s1, $0x2  }
0xb8: {  	s3 =	sand.u32 $0x4000, s31;
	s1 =	sadd.s32 s1, s30  }
0xb9: {  	s0 =	sor.u32 s3, s0;
	s1 =	sshll.u32 s1, $0x11  }
0xba: {  	s0 =	sor.u32 s1, s0  }
0xbb: {  	s0 =	sadd.s32 $0x8F2B, s0  }
0xbc: {  	[sflag:s0] =	ssyncadd.remote.s32 $0x1  }
0xbd: {  	_ =	sfence.sel $0xFFFF  }
0xbe: {  	[dreg:$0x0] =	wrdreg $0xFFFFFFFF;
	(pc) =	sbr.abs _section_cstart, $3  }
0xbf: {  	[dreg:$0x1] =	wrdreg $0xFFFFFFFF  }
0xc0: {  	_ =	task.clear_ibuf [dreg:s6], $0x2FFFF;
	_ =	strace $0x9FFFFFFF  }
0xc1: {  	(tm) =	ssettm $0x7FFFFFFF  }
tec
execute0_lowered:
.L_overlay_start_1:
0x0: {  	(tag) =	ssettag $0x1  }
0x1: {  	s0 =	rddreg [dreg:$0x0]  }
0x2: {  	s1 =	srdreg.scid;
	s12 =	stileid.u32;
	s2 =	simm.s32 $0x0  }
0x3: {  	s13 =	simm.s32 $0x200;
	s18 =	simm.s32 $0xA00;
	s30 =	simm.s32 $0x2200  }
0x4: {  	s28 =	simm.s32 $0x5200;
	s29 =	simm.s32 $0xA200;
	s31 =	simm.s32 $0xAA00  }
0x5: {  	s14 =	simm.s32 $0x3;
	s15 =	simm.s32 $0x2;
	s16 =	simm.s32 $0x4  }
0x6: {  	s17 =	simm.s32 $0x0;
	s1 =	sand.u32 $0x1, s1;
	s10 =	smul.u32 $0x4E20, s12  }
0x7: {  	s3 =	sshll.u32 s12, $0x1;
	[smem:$0x7FF] =	sst s2;
	s23 =	smul.u32 $0x9C400, s12  }
0x8: {  	s4 =	sadd.s32 $0xF9800, s0;
	s12 =	simm.s32 $0x5;
	s11 =	smul.u32 $0x2710, s1  }
0x9: {  	s5 =	sor.u32 s1, s3;
	s7 =	ssub.s32 $0x2, s1;
	s1 =	smul.u32 $0x4E200, s1  }
0xa: {  	_ =	strace $0x80000053;
	s3 =	sadd.s32 $0xD200, s0;
	s6 =	smul.u32 $0x2710, s5  }
0xb: {  	s0 =	sadd.s32 $0x639E00, s0;
	[dreg:$0xa] =	wrdreg s4;
	s8 =	smul.u32 $0x4E200, s5  }
0xc: {  	[dreg:$0xb] =	wrdreg s17;
	s9 =	sshrl.u32 s7, $0x1;
	s5 =	smul.u32 $0x271000, s5  }
0xd: {  	s7 =	ssub.s32 s7, s9;
	s22 =	sadd.s32 s11, s10;
	s11 =	simm.s32 $0x9A00  }
0xe: {  	s10 =	simm.s32 $0x1;
	s19 =	sadd.s32 $0xC8, s6;
	s6 =	sshrl.u32 s6, $0x3  }
0xf: {  	s21 =	sadd.s32 s0, s8;
	s5 =	sshrl.u32 s5, $0x3;
	s24 =	sadd.s32 $0x258, s22  }
0x10: {  	s7 =	smax.u32 s7, $0x1;
	s26 =	sadd.s32 $0x190, s22;
	s22 =	simm.s32 $0x2A00  }
0x11: {  	s8 =	simm.s32 $0x8200;
	s9 =	sshrl.u32 s19, $0x3;
	[dreg:$0x5] =	wrdreg s21  }
0x12: {  	s6 =	sadd.s32 s4, s6;
	s5 =	sadd.s32 s0, s5;
	[dreg:$0x7] =	wrdreg s7  }
0x13: {  	s25 =	sshrl.u32 s24, $0x3;
	s0 =	sadd.s32 s23, s0;
	[dreg:$0x9] =	wrdreg s26  }
0x14: {  	s19 =	simm.s32 $0x1200;
	s23 =	simm.s32 $0x3200;
	s24 =	simm.s32 $0x3A00  }
0x15: {  	s26 =	simm.s32 $0x4A00;
	s7 =	simm.s32 $0x7A00;
	s21 =	simm.s32 $0xCA00  }
0x16: {  	[dreg:$0x3] =	wrdreg s6;
	s20 =	sadd.s32 s4, s9;
	s5 =	sadd.s32 $0x4C900, s5  }
0x17: {  	s0 =	sadd.s32 s1, s0;
	s1 =	simm.s32 $0x6200;
	[dreg:$0x4] =	wrdreg s20  }
0x18: {  	s6 =	simm.s32 $0x7200;
	s9 =	simm.s32 $0x8A00;
	[dreg:$0x6] =	wrdreg s5  }
0x19: {  	v2 =	vlaneseq.u32;
	s5 =	sadd.s32 s25, s4;
	s0 =	sadd.s32 $0x1900, s0;
	s20 =	simm.s32 $0x1A00  }
0x1a: {  	vm0 =	vmmov $0xffff;
	v1 =	vshrl.u32 v2, $0x3;
	s25 =	simm.s32 $0x4200;
	s4 =	simm.s32 $0x9200;
	[dreg:$0x2] =	wrdreg s5  }
0x1b: {  	v0 =	vand.u32 $0x7, v2;
	v2 =	vor.u32 $0x8, v2;
	v1 =	vmul.u32 $0x8, v1;
	[dreg:$0x8] =	wrdreg s0;
	s0 =	simm.s32 $0x5A00;
	s5 =	simm.s32 $0x6A00  }
.LBB2_1:
0x1c: {  	s17 =	rddreg [dreg:$0x3]  }
0x1d: {  	[tilespmem:s2], [sflag:$0x5] =	stream.linear.gather [hbm4b:s17+s2], $0xC8, $0x38;
	[tilespmem:$0x19200] =	vst v63  }
0x1e: {  	_ =	swait.ge [sflag:s12], $0xC8  }
0x1f: {  	[sflag:s12] =	ssyncset.done $0x0  }
0x20: {  	[sflag:s12] =	ssyncadd.s32 $0xFFFFFF38  }
0x21: {  	v3 =	vld [tilespmem:$0x0];
	_ =	sdelay $0x4  }
0x22: {  	v4 =	vshll.u32 v3, $0x1  }
0x23: {  	v3 =	vand.u32 $0x7, v3;
	v4 =	vand.u32 $0xFFFFFFF0, v4  }
0x24: {  	v3 =	vor.u32 v3, v4  }
0x25: {  	v4 =	vperm.xlane v3, v0;
	_ =	sdelay $0x1  }
0x26: {  	v3 =	vperm.xlane v3, v2;
	v4 =	vadd.s32 v1, v4;
	_ =	sdelay $0x1  }
0x27: {  	v3 =	vadd.s32 v1, v3;
	_ =	sdelay $0x2  }
0x28: {  	[tilespmem:s13], [sflag:$0x1] =	stream.indirect_vreg.gather [hbm4b:s3+s2], $0x80, v4, vm0, $0xb8;
	[tilespmem:$0x19200] =	vst v63  }
0x29: {  	_ = 	snop  }
0x2a: {  	[tilespmem:s18], [sflag:$0x1] =	stream.indirect_vreg.gather [hbm4b:s3+s2], $0x80, v3, vm0, $0xb8;
	[tilespmem:$0x19200] =	vst v63  }
0x2b: {  	v3 =	vld [tilespmem:$0x10];
	_ =	sdelay $0x4  }
0x2c: {  	v39 =	vshll.u32 v3, $0x1  }
0x2d: {  	v3 =	vand.u32 $0x7, v3;
	v4 =	vand.u32 $0xFFFFFFF0, v39  }
0x2e: {  	v3 =	vor.u32 v3, v4  }
0x2f: {  	v4 =	vperm.xlane v3, v0;
	_ =	sdelay $0x1  }
0x30: {  	v3 =	vperm.xlane v3, v2;
	v4 =	vadd.s32 v1, v4;
	_ =	sdelay $0x1  }
0x31: {  	v3 =	vadd.s32 v1, v3;
	_ =	sdelay $0x2  }
0x32: {  	[tilespmem:s19], [sflag:$0x1] =	stream.indirect_vreg.gather [hbm4b:s3+s2], $0x80, v4, vm0, $0xb8;
	[tilespmem:$0x19200] =	vst v63  }
0x33: {  	_ = 	snop  }
0x34: {  	[tilespmem:s20], [sflag:$0x1] =	stream.indirect_vreg.gather [hbm4b:s3+s2], $0x80, v3, vm0, $0xb8;
	[tilespmem:$0x19200] =	vst v63  }
0x35: {  	v3 =	vld [tilespmem:$0x20];
	_ =	sdelay $0x4  }
0x36: {  	v40 =	vshll.u32 v3, $0x1  }
0x37: {  	v3 =	vand.u32 $0x7, v3;
	v4 =	vand.u32 $0xFFFFFFF0, v40  }
0x38: {  	v3 =	vor.u32 v3, v4  }
0x39: {  	v4 =	vperm.xlane v3, v0;
	_ =	sdelay $0x1  }
0x3a: {  	v3 =	vperm.xlane v3, v2;
	v4 =	vadd.s32 v1, v4;
	_ =	sdelay $0x1  }
0x3b: {  	v3 =	vadd.s32 v1, v3;
	_ =	sdelay $0x2  }
0x3c: {  	[tilespmem:s30], [sflag:$0x1] =	stream.indirect_vreg.gather [hbm4b:s3+s2], $0x80, v4, vm0, $0xb8;
	[tilespmem:$0x19200] =	vst v63  }
0x3d: {  	_ = 	snop  }
0x3e: {  	[tilespmem:s22], [sflag:$0x1] =	stream.indirect_vreg.gather [hbm4b:s3+s2], $0x80, v3, vm0, $0xb8;
	[tilespmem:$0x19200] =	vst v63  }
0x3f: {  	v3 =	vld [tilespmem:$0x30];
	_ =	sdelay $0x4  }
0x40: {  	v41 =	vshll.u32 v3, $0x1  }
0x41: {  	v3 =	vand.u32 $0x7, v3;
	v4 =	vand.u32 $0xFFFFFFF0, v41  }
0x42: {  	v3 =	vor.u32 v3, v4  }
0x43: {  	v4 =	vperm.xlane v3, v0;
	_ =	sdelay $0x1  }
0x44: {  	v3 =	vperm.xlane v3, v2;
	v4 =	vadd.s32 v1, v4;
	_ =	sdelay $0x1  }
0x45: {  	v3 =	vadd.s32 v1, v3;
	_ =	sdelay $0x2  }
0x46: {  	[tilespmem:s23], [sflag:$0x1] =	stream.indirect_vreg.gather [hbm4b:s3+s2], $0x80, v4, vm0, $0xb8;
	[tilespmem:$0x19200] =	vst v63  }
0x47: {  	_ = 	snop  }
0x48: {  	[tilespmem:s24], [sflag:$0x1] =	stream.indirect_vreg.gather [hbm4b:s3+s2], $0x80, v3, vm0, $0xb8;
	[tilespmem:$0x19200] =	vst v63  }
0x49: {  	v3 =	vld [tilespmem:$0x40];
	_ =	sdelay $0x4  }
0x4a: {  	v42 =	vshll.u32 v3, $0x1  }
0x4b: {  	v3 =	vand.u32 $0x7, v3;
	v4 =	vand.u32 $0xFFFFFFF0, v42  }
0x4c: {  	v3 =	vor.u32 v3, v4  }
0x4d: {  	v4 =	vperm.xlane v3, v0;
	_ =	sdelay $0x1  }
0x4e: {  	v3 =	vperm.xlane v3, v2;
	v4 =	vadd.s32 v1, v4;
	_ =	sdelay $0x1  }
0x4f: {  	v3 =	vadd.s32 v1, v3;
	_ =	sdelay $0x2  }
0x50: {  	[tilespmem:s25], [sflag:$0x1] =	stream.indirect_vreg.gather [hbm4b:s3+s2], $0x80, v4, vm0, $0xb8;
	[tilespmem:$0x19200] =	vst v63  }
0x51: {  	_ = 	snop  }
0x52: {  	[tilespmem:s26], [sflag:$0x1] =	stream.indirect_vreg.gather [hbm4b:s3+s2], $0x80, v3, vm0, $0xb8;
	[tilespmem:$0x19200] =	vst v63  }
0x53: {  	v3 =	vld [tilespmem:$0x50];
	_ =	sdelay $0x4  }
0x54: {  	v43 =	vshll.u32 v3, $0x1  }
0x55: {  	v3 =	vand.u32 $0x7, v3;
	v4 =	vand.u32 $0xFFFFFFF0, v43  }
0x56: {  	v3 =	vor.u32 v3, v4  }
0x57: {  	v4 =	vperm.xlane v3, v0;
	_ =	sdelay $0x1  }
0x58: {  	v3 =	vperm.xlane v3, v2;
	v4 =	vadd.s32 v1, v4;
	_ =	sdelay $0x1  }
0x59: {  	v3 =	vadd.s32 v1, v3;
	_ =	sdelay $0x2  }
0x5a: {  	[tilespmem:s28], [sflag:$0x1] =	stream.indirect_vreg.gather [hbm4b:s3+s2], $0x80, v4, vm0, $0xb8;
	[tilespmem:$0x19200] =	vst v63  }
0x5b: {  	_ = 	snop  }
0x5c: {  	[tilespmem:s0], [sflag:$0x1] =	stream.indirect_vreg.gather [hbm4b:s3+s2], $0x80, v3, vm0, $0xb8;
	[tilespmem:$0x19200] =	vst v63  }
0x5d: {  	v3 =	vld [tilespmem:$0x60];
	_ =	sdelay $0x4  }
0x5e: {  	v44 =	vshll.u32 v3, $0x1  }
0x5f: {  	v3 =	vand.u32 $0x7, v3;
	v4 =	vand.u32 $0xFFFFFFF0, v44  }
0x60: {  	v3 =	vor.u32 v3, v4  }
0x61: {  	v4 =	vperm.xlane v3, v0;
	_ =	sdelay $0x1  }
0x62: {  	v3 =	vperm.xlane v3, v2;
	v4 =	vadd.s32 v1, v4;
	_ =	sdelay $0x1  }
0x63: {  	v3 =	vadd.s32 v1, v3;
	_ =	sdelay $0x2  }
0x64: {  	[tilespmem:s1], [sflag:$0x1] =	stream.indirect_vreg.gather [hbm4b:s3+s2], $0x80, v4, vm0, $0xb8;
	[tilespmem:$0x19200] =	vst v63  }
0x65: {  	_ = 	snop  }
0x66: {  	[tilespmem:s5], [sflag:$0x1] =	stream.indirect_vreg.gather [hbm4b:s3+s2], $0x80, v3, vm0, $0xb8;
	[tilespmem:$0x19200] =	vst v63  }
0x67: {  	v3 =	vld [tilespmem:$0x70];
	_ =	sdelay $0x4  }
0x68: {  	v45 =	vshll.u32 v3, $0x1  }
0x69: {  	v3 =	vand.u32 $0x7, v3;
	v4 =	vand.u32 $0xFFFFFFF0, v45  }
0x6a: {  	v3 =	vor.u32 v3, v4  }
0x6b: {  	v4 =	vperm.xlane v3, v0;
	_ =	sdelay $0x1  }
0x6c: {  	v3 =	vperm.xlane v3, v2;
	v4 =	vadd.s32 v1, v4;
	_ =	sdelay $0x1  }
0x6d: {  	v3 =	vadd.s32 v1, v3;
	_ =	sdelay $0x2  }
0x6e: {  	[tilespmem:s6], [sflag:$0x1] =	stream.indirect_vreg.gather [hbm4b:s3+s2], $0x80, v4, vm0, $0xb8;
	[tilespmem:$0x19200] =	vst v63  }
0x6f: {  	_ = 	snop  }
0x70: {  	[tilespmem:s7], [sflag:$0x1] =	stream.indirect_vreg.gather [hbm4b:s3+s2], $0x80, v3, vm0, $0xb8;
	[tilespmem:$0x19200] =	vst v63  }
0x71: {  	v3 =	vld [tilespmem:$0x80];
	_ =	sdelay $0x4  }
0x72: {  	v46 =	vshll.u32 v3, $0x1  }
0x73: {  	v3 =	vand.u32 $0x7, v3;
	v4 =	vand.u32 $0xFFFFFFF0, v46  }
0x74: {  	v3 =	vor.u32 v3, v4  }
0x75: {  	v4 =	vperm.xlane v3, v0;
	_ =	sdelay $0x1  }
0x76: {  	v3 =	vperm.xlane v3, v2;
	v4 =	vadd.s32 v1, v4;
	_ =	sdelay $0x1  }
0x77: {  	v3 =	vadd.s32 v1, v3;
	_ =	sdelay $0x2  }
0x78: {  	[tilespmem:s8], [sflag:$0x1] =	stream.indirect_vreg.gather [hbm4b:s3+s2], $0x80, v4, vm0, $0xb8;
	[tilespmem:$0x19200] =	vst v63  }
0x79: {  	_ = 	snop  }
0x7a: {  	[tilespmem:s9], [sflag:$0x1] =	stream.indirect_vreg.gather [hbm4b:s3+s2], $0x80, v3, vm0, $0xb8;
	[tilespmem:$0x19200] =	vst v63  }
0x7b: {  	v3 =	vld [tilespmem:$0x90];
	_ =	sdelay $0x4  }
0x7c: {  	v47 =	vshll.u32 v3, $0x1  }
0x7d: {  	v3 =	vand.u32 $0x7, v3;
	v4 =	vand.u32 $0xFFFFFFF0, v47  }
0x7e: {  	v3 =	vor.u32 v3, v4  }
0x7f: {  	v4 =	vperm.xlane v3, v0;
	_ =	sdelay $0x1  }
0x80: {  	v3 =	vperm.xlane v3, v2;
	v4 =	vadd.s32 v1, v4;
	_ =	sdelay $0x1  }
0x81: {  	v3 =	vadd.s32 v1, v3;
	_ =	sdelay $0x2  }
0x82: {  	[tilespmem:s4], [sflag:$0x1] =	stream.indirect_vreg.gather [hbm4b:s3+s2], $0x80, v4, vm0, $0xb8;
	[tilespmem:$0x19200] =	vst v63  }
0x83: {  	_ = 	snop  }
0x84: {  	[tilespmem:s11], [sflag:$0x1] =	stream.indirect_vreg.gather [hbm4b:s3+s2], $0x80, v3, vm0, $0xb8;
	[tilespmem:$0x19200] =	vst v63  }
0x85: {  	v3 =	vld [tilespmem:$0xA0];
	_ =	sdelay $0x4  }
0x86: {  	v48 =	vshll.u32 v3, $0x1  }
0x87: {  	v3 =	vand.u32 $0x7, v3;
	v4 =	vand.u32 $0xFFFFFFF0, v48  }
0x88: {  	v3 =	vor.u32 v3, v4  }
0x89: {  	v4 =	vperm.xlane v3, v0;
	_ =	sdelay $0x1  }
0x8a: {  	v3 =	vperm.xlane v3, v2;
	v4 =	vadd.s32 v1, v4;
	_ =	sdelay $0x1  }
0x8b: {  	v3 =	vadd.s32 v1, v3;
	_ =	sdelay $0x2  }
0x8c: {  	[tilespmem:s29], [sflag:$0x1] =	stream.indirect_vreg.gather [hbm4b:s3+s2], $0x80, v4, vm0, $0xb8;
	[tilespmem:$0x19200] =	vst v63  }
0x8d: {  	_ = 	snop  }
0x8e: {  	[tilespmem:s31], [sflag:$0x1] =	stream.indirect_vreg.gather [hbm4b:s3+s2], $0x80, v3, vm0, $0xb8;
	[tilespmem:$0x19200] =	vst v63  }
0x8f: {  	v3 =	vld [tilespmem:$0xB0];
	_ =	sdelay $0x4  }
0x90: {  	v49 =	vshll.u32 v3, $0x1  }
0x91: {  	v3 =	vand.u32 $0x7, v3;
	v4 =	vand.u32 $0xFFFFFFF0, v49  }
0x92: {  	v3 =	vor.u32 v3, v4  }
0x93: {  	v4 =	vperm.xlane v3, v0;
	_ =	sdelay $0x1  }
0x94: {  	v3 =	vperm.xlane v3, v2;
	v4 =	vadd.s32 v1, v4;
	_ =	sdelay $0x1  }
0x95: {  	v3 =	vadd.s32 v1, v3;
	_ =	sdelay $0x1  }
0x96: {  	s17 =	simm.s32 $0xB200  }
0x97: {  	[tilespmem:s17], [sflag:$0x1] =	stream.indirect_vreg.gather [hbm4b:s3+s2], $0x80, v4, vm0, $0xb8;
	[tilespmem:$0x19200] =	vst v63  }
0x98: {  	s18 =	simm.s32 $0xBA00  }
0x99: {  	[tilespmem:s18], [sflag:$0x1] =	stream.indirect_vreg.gather [hbm4b:s3+s2], $0x80, v3, vm0, $0xb8;
	[tilespmem:$0x19200] =	vst v63  }
0x9a: {  	v3 =	vld.msk [tilespmem:$0xC0], $0xff;
	_ =	sdelay $0x4  }
0x9b: {  	v50 =	vshll.u32 v3, $0x1  }
0x9c: {  	v3 =	vand.u32 $0x7, v3;
	v4 =	vand.u32 $0xFFFFFFF0, v50  }
0x9d: {  	v3 =	vor.u32 v3, v4  }
0x9e: {  	v3 =	vperm.xlane v3, v0;
	_ =	sdelay $0x1  }
0x9f: {  	v3 =	vadd.s32 v1, v3;
	_ =	sdelay $0x3  }
0xa0: {  	s19 =	simm.s32 $0xC200  }
0xa1: {  	[tilespmem:s19], [sflag:$0x1] =	stream.indirect_vreg.gather [hbm4b:s3+s2], $0x80, v3, vm0, $0xb8;
	[tilespmem:$0x19200] =	vst v63  }
0xa2: {  	s20 =	rddreg [dreg:$0x4];
	s22 =	simm.s32 $0x100  }
0xa3: {  	[tilespmem:s22], [sflag:$0x5] =	stream.linear.gather [hbm4b:s20+s2], $0xC8, $0x38;
	[tilespmem:$0x19200] =	vst v63  }
0xa4: {  	_ =	swait.ge [sflag:s12], $0xC8  }
0xa5: {  	[sflag:s12] =	ssyncset.done $0x0  }
0xa6: {  	[sflag:s12] =	ssyncadd.s32 $0xFFFFFF38  }
0xa7: {  	v3 =	vld [tilespmem:$0x100];
	_ =	sdelay $0x4  }
0xa8: {  	v51 =	vshll.u32 v3, $0x1  }
0xa9: {  	v3 =	vand.u32 $0x7, v3;
	v4 =	vand.u32 $0xFFFFFFF0, v51  }
0xaa: {  	v3 =	vor.u32 v3, v4  }
0xab: {  	v4 =	vperm.xlane v3, v0;
	_ =	sdelay $0x1  }
0xac: {  	v3 =	vperm.xlane v3, v2;
	v4 =	vadd.s32 v1, v4;
	_ =	sdelay $0x1  }
0xad: {  	v3 =	vadd.s32 v1, v3;
	_ =	sdelay $0x2  }
0xae: {  	[tilespmem:s21], [sflag:$0x2] =	stream.indirect_vreg.gather [hbm4b:s3+s2], $0x80, v4, vm0, $0xb8;
	[tilespmem:$0x19200] =	vst v63  }
0xaf: {  	s23 =	simm.s32 $0xD200  }
0xb0: {  	[tilespmem:s23], [sflag:$0x2] =	stream.indirect_vreg.gather [hbm4b:s3+s2], $0x80, v3, vm0, $0xb8;
	[tilespmem:$0x19200] =	vst v63  }
0xb1: {  	v3 =	vld [tilespmem:$0x110];
	_ =	sdelay $0x4  }
0xb2: {  	v52 =	vshll.u32 v3, $0x1  }
0xb3: {  	v3 =	vand.u32 $0x7, v3;
	v4 =	vand.u32 $0xFFFFFFF0, v52  }
0xb4: {  	v3 =	vor.u32 v3, v4  }
0xb5: {  	v4 =	vperm.xlane v3, v0;
	_ =	sdelay $0x1  }
0xb6: {  	v3 =	vperm.xlane v3, v2;
	v4 =	vadd.s32 v1, v4;
	_ =	sdelay $0x1  }
0xb7: {  	v3 =	vadd.s32 v1, v3;
	_ =	sdelay $0x1  }
0xb8: {  	s24 =	simm.s32 $0xDA00  }
0xb9: {  	[tilespmem:s24], [sflag:$0x2] =	stream.indirect_vreg.gather [hbm4b:s3+s2], $0x80, v4, vm0, $0xb8;
	[tilespmem:$0x19200] =	vst v63  }
0xba: {  	s25 =	simm.s32 $0xE200  }
0xbb: {  	[tilespmem:s25], [sflag:$0x2] =	stream.indirect_vreg.gather [hbm4b:s3+s2], $0x80, v3, vm0, $0xb8;
	[tilespmem:$0x19200] =	vst v63  }
0xbc: {  	v3 =	vld [tilespmem:$0x120];
	_ =	sdelay $0x4  }
0xbd: {  	v53 =	vshll.u32 v3, $0x1  }
0xbe: {  	v3 =	vand.u32 $0x7, v3;
	v4 =	vand.u32 $0xFFFFFFF0, v53  }
0xbf: {  	v3 =	vor.u32 v3, v4  }
0xc0: {  	v4 =	vperm.xlane v3, v0;
	_ =	sdelay $0x1  }
0xc1: {  	v3 =	vperm.xlane v3, v2;
	v4 =	vadd.s32 v1, v4;
	_ =	sdelay $0x1  }
0xc2: {  	v3 =	vadd.s32 v1, v3;
	_ =	sdelay $0x1  }
0xc3: {  	s26 =	simm.s32 $0xEA00  }
0xc4: {  	[tilespmem:s26], [sflag:$0x2] =	stream.indirect_vreg.gather [hbm4b:s3+s2], $0x80, v4, vm0, $0xb8;
	[tilespmem:$0x19200] =	vst v63  }
0xc5: {  	s28 =	simm.s32 $0xF200  }
0xc6: {  	[tilespmem:s28], [sflag:$0x2] =	stream.indirect_vreg.gather [hbm4b:s3+s2], $0x80, v3, vm0, $0xb8;
	[tilespmem:$0x19200] =	vst v63  }
0xc7: {  	v3 =	vld [tilespmem:$0x130];
	_ =	sdelay $0x4  }
0xc8: {  	v54 =	vshll.u32 v3, $0x1  }
0xc9: {  	v3 =	vand.u32 $0x7, v3;
	v4 =	vand.u32 $0xFFFFFFF0, v54  }
0xca: {  	v3 =	vor.u32 v3, v4  }
0xcb: {  	v4 =	vperm.xlane v3, v0;
	_ =	sdelay $0x1  }
0xcc: {  	v3 =	vperm.xlane v3, v2;
	v4 =	vadd.s32 v1, v4;
	_ =	sdelay $0x1  }
0xcd: {  	v3 =	vadd.s32 v1, v3;
	_ =	sdelay $0x1  }
0xce: {  	s1 =	simm.s32 $0xFA00  }
0xcf: {  	[tilespmem:s1], [sflag:$0x2] =	stream.indirect_vreg.gather [hbm4b:s3+s2], $0x80, v4, vm0, $0xb8;
	[tilespmem:$0x19200] =	vst v63  }
0xd0: {  	s4 =	simm.s32 $0x10200  }
0xd1: {  	[tilespmem:s4], [sflag:$0x2] =	stream.indirect_vreg.gather [hbm4b:s3+s2], $0x80, v3, vm0, $0xb8;
	[tilespmem:$0x19200] =	vst v63  }
0xd2: {  	v3 =	vld [tilespmem:$0x140];
	_ =	sdelay $0x4  }
0xd3: {  	v55 =	vshll.u32 v3, $0x1  }
0xd4: {  	v3 =	vand.u32 $0x7, v3;
	v4 =	vand.u32 $0xFFFFFFF0, v55  }
0xd5: {  	v3 =	vor.u32 v3, v4  }
0xd6: {  	v4 =	vperm.xlane v3, v0;
	_ =	sdelay $0x1  }
0xd7: {  	v3 =	vperm.xlane v3, v2;
	v4 =	vadd.s32 v1, v4;
	_ =	sdelay $0x1  }
0xd8: {  	v3 =	vadd.s32 v1, v3;
	_ =	sdelay $0x1  }
0xd9: {  	s5 =	simm.s32 $0x10A00  }
0xda: {  	[tilespmem:s5], [sflag:$0x2] =	stream.indirect_vreg.gather [hbm4b:s3+s2], $0x80, v4, vm0, $0xb8;
	[tilespmem:$0x19200] =	vst v63  }
0xdb: {  	s6 =	simm.s32 $0x11200  }
0xdc: {  	[tilespmem:s6], [sflag:$0x2] =	stream.indirect_vreg.gather [hbm4b:s3+s2], $0x80, v3, vm0, $0xb8;
	[tilespmem:$0x19200] =	vst v63  }
0xdd: {  	v3 =	vld [tilespmem:$0x150];
	_ =	sdelay $0x4  }
0xde: {  	v56 =	vshll.u32 v3, $0x1  }
0xdf: {  	v3 =	vand.u32 $0x7, v3;
	v4 =	vand.u32 $0xFFFFFFF0, v56  }
0xe0: {  	v3 =	vor.u32 v3, v4  }
0xe1: {  	v4 =	vperm.xlane v3, v0;
	_ =	sdelay $0x1  }
0xe2: {  	v3 =	vperm.xlane v3, v2;
	v4 =	vadd.s32 v1, v4;
	_ =	sdelay $0x1  }
0xe3: {  	v3 =	vadd.s32 v1, v3;
	_ =	sdelay $0x1  }
0xe4: {  	s7 =	simm.s32 $0x11A00  }
0xe5: {  	[tilespmem:s7], [sflag:$0x2] =	stream.indirect_vreg.gather [hbm4b:s3+s2], $0x80, v4, vm0, $0xb8;
	[tilespmem:$0x19200] =	vst v63  }
0xe6: {  	s8 =	simm.s32 $0x12200  }
0xe7: {  	[tilespmem:s8], [sflag:$0x2] =	stream.indirect_vreg.gather [hbm4b:s3+s2], $0x80, v3, vm0, $0xb8;
	[tilespmem:$0x19200] =	vst v63  }
0xe8: {  	v3 =	vld [tilespmem:$0x160];
	_ =	sdelay $0x4  }
0xe9: {  	v57 =	vshll.u32 v3, $0x1  }
0xea: {  	v3 =	vand.u32 $0x7, v3;
	v4 =	vand.u32 $0xFFFFFFF0, v57  }
0xeb: {  	v3 =	vor.u32 v3, v4  }
0xec: {  	v4 =	vperm.xlane v3, v0;
	_ =	sdelay $0x1  }
0xed: {  	v3 =	vperm.xlane v3, v2;
	v4 =	vadd.s32 v1, v4;
	_ =	sdelay $0x1  }
0xee: {  	v3 =	vadd.s32 v1, v3;
	_ =	sdelay $0x1  }
0xef: {  	s9 =	simm.s32 $0x12A00  }
0xf0: {  	[tilespmem:s9], [sflag:$0x2] =	stream.indirect_vreg.gather [hbm4b:s3+s2], $0x80, v4, vm0, $0xb8;
	[tilespmem:$0x19200] =	vst v63  }
0xf1: {  	s11 =	simm.s32 $0x13200  }
0xf2: {  	[tilespmem:s11], [sflag:$0x2] =	stream.indirect_vreg.gather [hbm4b:s3+s2], $0x80, v3, vm0, $0xb8;
	[tilespmem:$0x19200] =	vst v63  }
0xf3: {  	v3 =	vld [tilespmem:$0x170];
	_ =	sdelay $0x4  }
0xf4: {  	v58 =	vshll.u32 v3, $0x1  }
0xf5: {  	v3 =	vand.u32 $0x7, v3;
	v4 =	vand.u32 $0xFFFFFFF0, v58  }
0xf6: {  	v3 =	vor.u32 v3, v4  }
0xf7: {  	v4 =	vperm.xlane v3, v0;
	_ =	sdelay $0x1  }
0xf8: {  	v3 =	vperm.xlane v3, v2;
	v4 =	vadd.s32 v1, v4;
	_ =	sdelay $0x1  }
0xf9: {  	v3 =	vadd.s32 v1, v3;
	_ =	sdelay $0x1  }
0xfa: {  	s17 =	simm.s32 $0x13A00  }
0xfb: {  	[tilespmem:s17], [sflag:$0x2] =	stream.indirect_vreg.gather [hbm4b:s3+s2], $0x80, v4, vm0, $0xb8;
	[tilespmem:$0x19200] =	vst v63  }
0xfc: {  	s18 =	simm.s32 $0x14200  }
0xfd: {  	[tilespmem:s18], [sflag:$0x2] =	stream.indirect_vreg.gather [hbm4b:s3+s2], $0x80, v3, vm0, $0xb8;
	[tilespmem:$0x19200] =	vst v63  }
0xfe: {  	v3 =	vld [tilespmem:$0x180];
	_ =	sdelay $0x4  }
0xff: {  	v59 =	vshll.u32 v3, $0x1  }
0x100: {  	v3 =	vand.u32 $0x7, v3;
	v4 =	vand.u32 $0xFFFFFFF0, v59  }
0x101: {  	v3 =	vor.u32 v3, v4  }
0x102: {  	v4 =	vperm.xlane v3, v0;
	_ =	sdelay $0x1  }
0x103: {  	v3 =	vperm.xlane v3, v2;
	v4 =	vadd.s32 v1, v4;
	_ =	sdelay $0x1  }
0x104: {  	v3 =	vadd.s32 v1, v3;
	_ =	sdelay $0x1  }
0x105: {  	s19 =	simm.s32 $0x14A00  }
0x106: {  	[tilespmem:s19], [sflag:$0x2] =	stream.indirect_vreg.gather [hbm4b:s3+s2], $0x80, v4, vm0, $0xb8;
	[tilespmem:$0x19200] =	vst v63  }
0x107: {  	s20 =	simm.s32 $0x15200  }
0x108: {  	[tilespmem:s20], [sflag:$0x2] =	stream.indirect_vreg.gather [hbm4b:s3+s2], $0x80, v3, vm0, $0xb8;
	[tilespmem:$0x19200] =	vst v63  }
0x109: {  	v3 =	vld [tilespmem:$0x190];
	_ =	sdelay $0x4  }
0x10a: {  	v60 =	vshll.u32 v3, $0x1  }
0x10b: {  	v3 =	vand.u32 $0x7, v3;
	v4 =	vand.u32 $0xFFFFFFF0, v60  }
0x10c: {  	v3 =	vor.u32 v3, v4  }
0x10d: {  	v4 =	vperm.xlane v3, v0;
	_ =	sdelay $0x1  }
0x10e: {  	v3 =	vperm.xlane v3, v2;
	v4 =	vadd.s32 v1, v4;
	_ =	sdelay $0x1  }
0x10f: {  	v3 =	vadd.s32 v1, v3;
	_ =	sdelay $0x1  }
0x110: {  	s21 =	simm.s32 $0x15A00  }
0x111: {  	[tilespmem:s21], [sflag:$0x2] =	stream.indirect_vreg.gather [hbm4b:s3+s2], $0x80, v4, vm0, $0xb8;
	[tilespmem:$0x19200] =	vst v63  }
0x112: {  	s22 =	simm.s32 $0x16200  }
0x113: {  	[tilespmem:s22], [sflag:$0x2] =	stream.indirect_vreg.gather [hbm4b:s3+s2], $0x80, v3, vm0, $0xb8;
	[tilespmem:$0x19200] =	vst v63  }
0x114: {  	v3 =	vld [tilespmem:$0x1A0];
	_ =	sdelay $0x4  }
0x115: {  	v61 =	vshll.u32 v3, $0x1  }
0x116: {  	v3 =	vand.u32 $0x7, v3;
	v4 =	vand.u32 $0xFFFFFFF0, v61  }
0x117: {  	v3 =	vor.u32 v3, v4  }
0x118: {  	v4 =	vperm.xlane v3, v0;
	_ =	sdelay $0x1  }
0x119: {  	v3 =	vperm.xlane v3, v2;
	v4 =	vadd.s32 v1, v4;
	_ =	sdelay $0x1  }
0x11a: {  	v3 =	vadd.s32 v1, v3;
	_ =	sdelay $0x1  }
0x11b: {  	s23 =	simm.s32 $0x16A00  }
0x11c: {  	[tilespmem:s23], [sflag:$0x2] =	stream.indirect_vreg.gather [hbm4b:s3+s2], $0x80, v4, vm0, $0xb8;
	[tilespmem:$0x19200] =	vst v63  }
0x11d: {  	s24 =	simm.s32 $0x17200  }
0x11e: {  	[tilespmem:s24], [sflag:$0x2] =	stream.indirect_vreg.gather [hbm4b:s3+s2], $0x80, v3, vm0, $0xb8;
	[tilespmem:$0x19200] =	vst v63  }
0x11f: {  	v3 =	vld [tilespmem:$0x1B0];
	_ =	sdelay $0x4  }
0x120: {  	v62 =	vshll.u32 v3, $0x1  }
0x121: {  	v3 =	vand.u32 $0x7, v3;
	v4 =	vand.u32 $0xFFFFFFF0, v62  }
0x122: {  	v3 =	vor.u32 v3, v4  }
0x123: {  	v4 =	vperm.xlane v3, v0;
	_ =	sdelay $0x1  }
0x124: {  	v3 =	vperm.xlane v3, v2;
	v4 =	vadd.s32 v1, v4;
	_ =	sdelay $0x1  }
0x125: {  	v3 =	vadd.s32 v1, v3;
	_ =	sdelay $0x1  }
0x126: {  	s25 =	simm.s32 $0x17A00  }
0x127: {  	[tilespmem:s25], [sflag:$0x2] =	stream.indirect_vreg.gather [hbm4b:s3+s2], $0x80, v4, vm0, $0xb8;
	[tilespmem:$0x19200] =	vst v63  }
0x128: {  	s26 =	simm.s32 $0x18200  }
0x129: {  	[tilespmem:s26], [sflag:$0x2] =	stream.indirect_vreg.gather [hbm4b:s3+s2], $0x80, v3, vm0, $0xb8;
	[tilespmem:$0x19200] =	vst v63  }
0x12a: {  	v3 =	vld.msk [tilespmem:$0x1C0], $0xff;
	_ =	sdelay $0x4  }
0x12b: {  	v63 =	vshll.u32 v3, $0x1  }
0x12c: {  	v3 =	vand.u32 $0x7, v3;
	v4 =	vand.u32 $0xFFFFFFF0, v63  }
0x12d: {  	v3 =	vor.u32 v3, v4  }
0x12e: {  	v3 =	vperm.xlane v3, v0;
	_ =	sdelay $0x1  }
0x12f: {  	v3 =	vadd.s32 v1, v3  }
0x130: {  	s30 =	simm.s32 $0x4A00  }
0x131: {  	s0 =	simm.s32 $0x5A00;
	s29 =	simm.s32 $0x4200;
	s31 =	simm.s32 $0xA200  }
0x132: {  	s1 =	simm.s32 $0x6200;
	s4 =	simm.s32 $0x9200;
	s5 =	simm.s32 $0x6A00  }
0x133: {  	s6 =	simm.s32 $0x7200;
	s7 =	simm.s32 $0x7A00;
	s22 =	simm.s32 $0x18A00  }
0x134: {  	[tilespmem:s22], [sflag:$0x2] =	stream.indirect_vreg.gather [hbm4b:s3+s2], $0x80, v3, vm0, $0xb8;
	[tilespmem:$0x19200] =	vst v63  }
0x135: {  	s8 =	simm.s32 $0x8200;
	s9 =	simm.s32 $0x8A00;
	_ =	swait.ge [sflag:s10], $0xC800  }
0x136: {  	s11 =	simm.s32 $0x200;
	s19 =	simm.s32 $0x0;
	s28 =	rddreg [dreg:$0x5]  }
0x137: {  	s23 =	simm.s32 $0x1A00;
	[sflag:s10] =	ssyncset.done $0x0;
	s17 =	rddreg [dreg:$0x9]  }
0x138: {  	s24 =	simm.s32 $0x9A00;
	s18 =	rddreg [dreg:$0x8];
	[sflag:s10] =	ssyncadd.s32 $0xFFFF3800  }
0x139: {  	[hbm4b:s28+s2] =	stream.linear.scatter [tilespmem:s13], [sflag:$0x3], $0xC800, $0x38;
	[tilespmem:$0x19200] =	vst v63  }
0x13a: {  	s25 =	simm.s32 $0xAA00;
	s26 =	simm.s32 $0x3200;
	s13 =	rddreg [dreg:$0xa]  }
.LBB2_2:
0x13b: {  	s20 =	sshrl.u32 s17, $0x3  }
0x13c: {  	s20 =	sadd.s32 s13, s20  }
0x13d: {  	[tilespmem:s2], [sflag:$0x5] =	stream.linear.gather [hbm4b:s20+s2], $0xC8, $0x38;
	[tilespmem:$0x19200] =	vst v63  }
0x13e: {  	_ =	swait.ge [sflag:s12], $0xC8  }
0x13f: {  	[sflag:s12] =	ssyncset.done $0x0  }
0x140: {  	[sflag:s12] =	ssyncadd.s32 $0xFFFFFF38  }
0x141: {  	_ =	swait.ge [sflag:s14], $0xC800  }
0x142: {  	[sflag:s14] =	ssyncset.done $0x0  }
0x143: {  	[sflag:s14] =	ssyncadd.s32 $0xFFFF3800  }
0x144: {  	v3 =	vld [tilespmem:$0x0];
	_ =	sdelay $0x4  }
0x145: {  	v4 =	vshll.u32 v3, $0x1  }
0x146: {  	v3 =	vand.u32 $0x7, v3;
	v4 =	vand.u32 $0xFFFFFFF0, v4  }
0x147: {  	v3 =	vor.u32 v3, v4  }
0x148: {  	v4 =	vperm.xlane v3, v0;
	_ =	sdelay $0x1  }
0x149: {  	v3 =	vperm.xlane v3, v2;
	v4 =	vadd.s32 v1, v4;
	_ =	sdelay $0x1  }
0x14a: {  	v3 =	vadd.s32 v1, v3;
	_ =	sdelay $0x2  }
0x14b: {  	[tilespmem:s11], [sflag:$0x1] =	stream.indirect_vreg.gather [hbm4b:s3+s2], $0x80, v4, vm0, $0xb8;
	[tilespmem:$0x19200] =	vst v63  }
0x14c: {  	s28 =	simm.s32 $0xA00  }
0x14d: {  	[tilespmem:s28], [sflag:$0x1] =	stream.indirect_vreg.gather [hbm4b:s3+s2], $0x80, v3, vm0, $0xb8;
	[tilespmem:$0x19200] =	vst v63  }
0x14e: {  	v3 =	vld [tilespmem:$0x10];
	_ =	sdelay $0x4  }
0x14f: {  	v39 =	vshll.u32 v3, $0x1  }
0x150: {  	v3 =	vand.u32 $0x7, v3;
	v4 =	vand.u32 $0xFFFFFFF0, v39  }
0x151: {  	v3 =	vor.u32 v3, v4  }
0x152: {  	v4 =	vperm.xlane v3, v0;
	_ =	sdelay $0x1  }
0x153: {  	v3 =	vperm.xlane v3, v2;
	v4 =	vadd.s32 v1, v4;
	_ =	sdelay $0x1  }
0x154: {  	v3 =	vadd.s32 v1, v3;
	_ =	sdelay $0x1  }
0x155: {  	s21 =	simm.s32 $0x1200  }
0x156: {  	[tilespmem:s21], [sflag:$0x1] =	stream.indirect_vreg.gather [hbm4b:s3+s2], $0x80, v4, vm0, $0xb8;
	[tilespmem:$0x19200] =	vst v63  }
0x157: {  	_ = 	snop  }
0x158: {  	[tilespmem:s23], [sflag:$0x1] =	stream.indirect_vreg.gather [hbm4b:s3+s2], $0x80, v3, vm0, $0xb8;
	[tilespmem:$0x19200] =	vst v63  }
0x159: {  	v3 =	vld [tilespmem:$0x20];
	_ =	sdelay $0x4  }
0x15a: {  	v40 =	vshll.u32 v3, $0x1  }
0x15b: {  	v3 =	vand.u32 $0x7, v3;
	v4 =	vand.u32 $0xFFFFFFF0, v40  }
0x15c: {  	v3 =	vor.u32 v3, v4  }
0x15d: {  	v4 =	vperm.xlane v3, v0;
	_ =	sdelay $0x1  }
0x15e: {  	v3 =	vperm.xlane v3, v2;
	v4 =	vadd.s32 v1, v4;
	_ =	sdelay $0x1  }
0x15f: {  	v3 =	vadd.s32 v1, v3;
	_ =	sdelay $0x1  }
0x160: {  	s28 =	simm.s32 $0x2200  }
0x161: {  	[tilespmem:s28], [sflag:$0x1] =	stream.indirect_vreg.gather [hbm4b:s3+s2], $0x80, v4, vm0, $0xb8;
	[tilespmem:$0x19200] =	vst v63  }
0x162: {  	s21 =	simm.s32 $0x2A00  }
0x163: {  	[tilespmem:s21], [sflag:$0x1] =	stream.indirect_vreg.gather [hbm4b:s3+s2], $0x80, v3, vm0, $0xb8;
	[tilespmem:$0x19200] =	vst v63  }
0x164: {  	v3 =	vld [tilespmem:$0x30];
	_ =	sdelay $0x4  }
0x165: {  	v41 =	vshll.u32 v3, $0x1  }
0x166: {  	v3 =	vand.u32 $0x7, v3;
	v4 =	vand.u32 $0xFFFFFFF0, v41  }
0x167: {  	v3 =	vor.u32 v3, v4  }
0x168: {  	v4 =	vperm.xlane v3, v0;
	_ =	sdelay $0x1  }
0x169: {  	v3 =	vperm.xlane v3, v2;
	v4 =	vadd.s32 v1, v4;
	_ =	sdelay $0x1  }
0x16a: {  	v3 =	vadd.s32 v1, v3;
	_ =	sdelay $0x2  }
0x16b: {  	[tilespmem:s26], [sflag:$0x1] =	stream.indirect_vreg.gather [hbm4b:s3+s2], $0x80, v4, vm0, $0xb8;
	[tilespmem:$0x19200] =	vst v63  }
0x16c: {  	s28 =	simm.s32 $0x3A00  }
0x16d: {  	[tilespmem:s28], [sflag:$0x1] =	stream.indirect_vreg.gather [hbm4b:s3+s2], $0x80, v3, vm0, $0xb8;
	[tilespmem:$0x19200] =	vst v63  }
0x16e: {  	v3 =	vld [tilespmem:$0x40];
	_ =	sdelay $0x4  }
0x16f: {  	v42 =	vshll.u32 v3, $0x1  }
0x170: {  	v3 =	vand.u32 $0x7, v3;
	v4 =	vand.u32 $0xFFFFFFF0, v42  }
0x171: {  	v3 =	vor.u32 v3, v4  }
0x172: {  	v4 =	vperm.xlane v3, v0;
	_ =	sdelay $0x1  }
0x173: {  	v3 =	vperm.xlane v3, v2;
	v4 =	vadd.s32 v1, v4;
	_ =	sdelay $0x1  }
0x174: {  	v3 =	vadd.s32 v1, v3;
	_ =	sdelay $0x2  }
0x175: {  	[tilespmem:s29], [sflag:$0x1] =	stream.indirect_vreg.gather [hbm4b:s3+s2], $0x80, v4, vm0, $0xb8;
	[tilespmem:$0x19200] =	vst v63  }
0x176: {  	_ = 	snop  }
0x177: {  	[tilespmem:s30], [sflag:$0x1] =	stream.indirect_vreg.gather [hbm4b:s3+s2], $0x80, v3, vm0, $0xb8;
	[tilespmem:$0x19200] =	vst v63  }
0x178: {  	v3 =	vld [tilespmem:$0x50];
	_ =	sdelay $0x4  }
0x179: {  	v43 =	vshll.u32 v3, $0x1  }
0x17a: {  	v3 =	vand.u32 $0x7, v3;
	v4 =	vand.u32 $0xFFFFFFF0, v43  }
0x17b: {  	v3 =	vor.u32 v3, v4  }
0x17c: {  	v4 =	vperm.xlane v3, v0;
	_ =	sdelay $0x1  }
0x17d: {  	v3 =	vperm.xlane v3, v2;
	v4 =	vadd.s32 v1, v4;
	_ =	sdelay $0x1  }
0x17e: {  	v3 =	vadd.s32 v1, v3;
	_ =	sdelay $0x1  }
0x17f: {  	s21 =	simm.s32 $0x5200  }
0x180: {  	[tilespmem:s21], [sflag:$0x1] =	stream.indirect_vreg.gather [hbm4b:s3+s2], $0x80, v4, vm0, $0xb8;
	[tilespmem:$0x19200] =	vst v63  }
0x181: {  	_ = 	snop  }
0x182: {  	[tilespmem:s0], [sflag:$0x1] =	stream.indirect_vreg.gather [hbm4b:s3+s2], $0x80, v3, vm0, $0xb8;
	[tilespmem:$0x19200] =	vst v63  }
0x183: {  	v3 =	vld [tilespmem:$0x60];
	_ =	sdelay $0x4  }
0x184: {  	v44 =	vshll.u32 v3, $0x1  }
0x185: {  	v3 =	vand.u32 $0x7, v3;
	v4 =	vand.u32 $0xFFFFFFF0, v44  }
0x186: {  	v3 =	vor.u32 v3, v4  }
0x187: {  	v4 =	vperm.xlane v3, v0;
	_ =	sdelay $0x1  }
0x188: {  	v3 =	vperm.xlane v3, v2;
	v4 =	vadd.s32 v1, v4;
	_ =	sdelay $0x1  }
0x189: {  	v3 =	vadd.s32 v1, v3;
	_ =	sdelay $0x2  }
0x18a: {  	[tilespmem:s1], [sflag:$0x1] =	stream.indirect_vreg.gather [hbm4b:s3+s2], $0x80, v4, vm0, $0xb8;
	[tilespmem:$0x19200] =	vst v63  }
0x18b: {  	_ = 	snop  }
0x18c: {  	[tilespmem:s5], [sflag:$0x1] =	stream.indirect_vreg.gather [hbm4b:s3+s2], $0x80, v3, vm0, $0xb8;
	[tilespmem:$0x19200] =	vst v63  }
0x18d: {  	v3 =	vld [tilespmem:$0x70];
	_ =	sdelay $0x4  }
0x18e: {  	v45 =	vshll.u32 v3, $0x1  }
0x18f: {  	v3 =	vand.u32 $0x7, v3;
	v4 =	vand.u32 $0xFFFFFFF0, v45  }
0x190: {  	v3 =	vor.u32 v3, v4  }
0x191: {  	v4 =	vperm.xlane v3, v0;
	_ =	sdelay $0x1  }
0x192: {  	v3 =	vperm.xlane v3, v2;
	v4 =	vadd.s32 v1, v4;
	_ =	sdelay $0x1  }
0x193: {  	v3 =	vadd.s32 v1, v3;
	_ =	sdelay $0x2  }
0x194: {  	[tilespmem:s6], [sflag:$0x1] =	stream.indirect_vreg.gather [hbm4b:s3+s2], $0x80, v4, vm0, $0xb8;
	[tilespmem:$0x19200] =	vst v63  }
0x195: {  	_ = 	snop  }
0x196: {  	[tilespmem:s7], [sflag:$0x1] =	stream.indirect_vreg.gather [hbm4b:s3+s2], $0x80, v3, vm0, $0xb8;
	[tilespmem:$0x19200] =	vst v63  }
0x197: {  	v3 =	vld [tilespmem:$0x80];
	_ =	sdelay $0x4  }
0x198: {  	v46 =	vshll.u32 v3, $0x1  }
0x199: {  	v3 =	vand.u32 $0x7, v3;
	v4 =	vand.u32 $0xFFFFFFF0, v46  }
0x19a: {  	v3 =	vor.u32 v3, v4  }
0x19b: {  	v4 =	vperm.xlane v3, v0;
	_ =	sdelay $0x1  }
0x19c: {  	v3 =	vperm.xlane v3, v2;
	v4 =	vadd.s32 v1, v4;
	_ =	sdelay $0x1  }
0x19d: {  	v3 =	vadd.s32 v1, v3;
	_ =	sdelay $0x2  }
0x19e: {  	[tilespmem:s8], [sflag:$0x1] =	stream.indirect_vreg.gather [hbm4b:s3+s2], $0x80, v4, vm0, $0xb8;
	[tilespmem:$0x19200] =	vst v63  }
0x19f: {  	_ = 	snop  }
0x1a0: {  	[tilespmem:s9], [sflag:$0x1] =	stream.indirect_vreg.gather [hbm4b:s3+s2], $0x80, v3, vm0, $0xb8;
	[tilespmem:$0x19200] =	vst v63  }
0x1a1: {  	v3 =	vld [tilespmem:$0x90];
	_ =	sdelay $0x4  }
0x1a2: {  	v47 =	vshll.u32 v3, $0x1  }
0x1a3: {  	v3 =	vand.u32 $0x7, v3;
	v4 =	vand.u32 $0xFFFFFFF0, v47  }
0x1a4: {  	v3 =	vor.u32 v3, v4  }
0x1a5: {  	v4 =	vperm.xlane v3, v0;
	_ =	sdelay $0x1  }
0x1a6: {  	v3 =	vperm.xlane v3, v2;
	v4 =	vadd.s32 v1, v4;
	_ =	sdelay $0x1  }
0x1a7: {  	v3 =	vadd.s32 v1, v3;
	_ =	sdelay $0x2  }
0x1a8: {  	[tilespmem:s4], [sflag:$0x1] =	stream.indirect_vreg.gather [hbm4b:s3+s2], $0x80, v4, vm0, $0xb8;
	[tilespmem:$0x19200] =	vst v63  }
0x1a9: {  	_ = 	snop  }
0x1aa: {  	[tilespmem:s24], [sflag:$0x1] =	stream.indirect_vreg.gather [hbm4b:s3+s2], $0x80, v3, vm0, $0xb8;
	[tilespmem:$0x19200] =	vst v63  }
0x1ab: {  	v3 =	vld [tilespmem:$0xA0];
	_ =	sdelay $0x4  }
0x1ac: {  	v48 =	vshll.u32 v3, $0x1  }
0x1ad: {  	v3 =	vand.u32 $0x7, v3;
	v4 =	vand.u32 $0xFFFFFFF0, v48  }
0x1ae: {  	v3 =	vor.u32 v3, v4  }
0x1af: {  	v4 =	vperm.xlane v3, v0;
	_ =	sdelay $0x1  }
0x1b0: {  	v3 =	vperm.xlane v3, v2;
	v4 =	vadd.s32 v1, v4;
	_ =	sdelay $0x1  }
0x1b1: {  	v3 =	vadd.s32 v1, v3;
	_ =	sdelay $0x2  }
0x1b2: {  	[tilespmem:s31], [sflag:$0x1] =	stream.indirect_vreg.gather [hbm4b:s3+s2], $0x80, v4, vm0, $0xb8;
	[tilespmem:$0x19200] =	vst v63  }
0x1b3: {  	_ = 	snop  }
0x1b4: {  	[tilespmem:s25], [sflag:$0x1] =	stream.indirect_vreg.gather [hbm4b:s3+s2], $0x80, v3, vm0, $0xb8;
	[tilespmem:$0x19200] =	vst v63  }
0x1b5: {  	v3 =	vld [tilespmem:$0xB0];
	_ =	sdelay $0x4  }
0x1b6: {  	v49 =	vshll.u32 v3, $0x1  }
0x1b7: {  	v3 =	vand.u32 $0x7, v3;
	v4 =	vand.u32 $0xFFFFFFF0, v49  }
0x1b8: {  	v3 =	vor.u32 v3, v4  }
0x1b9: {  	v4 =	vperm.xlane v3, v0;
	_ =	sdelay $0x1  }
0x1ba: {  	v3 =	vperm.xlane v3, v2;
	v4 =	vadd.s32 v1, v4;
	_ =	sdelay $0x1  }
0x1bb: {  	v3 =	vadd.s32 v1, v3;
	_ =	sdelay $0x1  }
0x1bc: {  	s28 =	simm.s32 $0xB200  }
0x1bd: {  	[tilespmem:s28], [sflag:$0x1] =	stream.indirect_vreg.gather [hbm4b:s3+s2], $0x80, v4, vm0, $0xb8;
	[tilespmem:$0x19200] =	vst v63  }
0x1be: {  	s21 =	simm.s32 $0xBA00  }
0x1bf: {  	[tilespmem:s21], [sflag:$0x1] =	stream.indirect_vreg.gather [hbm4b:s3+s2], $0x80, v3, vm0, $0xb8;
	[tilespmem:$0x19200] =	vst v63  }
0x1c0: {  	v3 =	vld.msk [tilespmem:$0xC0], $0xff;
	_ =	sdelay $0x4  }
0x1c1: {  	v50 =	vshll.u32 v3, $0x1  }
0x1c2: {  	v3 =	vand.u32 $0x7, v3;
	v4 =	vand.u32 $0xFFFFFFF0, v50  }
0x1c3: {  	v3 =	vor.u32 v3, v4  }
0x1c4: {  	v3 =	vperm.xlane v3, v0;
	_ =	sdelay $0x1  }
0x1c5: {  	v3 =	vadd.s32 v1, v3;
	_ =	sdelay $0x3  }
0x1c6: {  	s28 =	simm.s32 $0xC200  }
0x1c7: {  	[tilespmem:s28], [sflag:$0x1] =	stream.indirect_vreg.gather [hbm4b:s3+s2], $0x80, v3, vm0, $0xb8;
	[tilespmem:$0x19200] =	vst v63  }
0x1c8: {  	_ =	swait.ge [sflag:s15], $0xC800  }
0x1c9: {  	[sflag:s15] =	ssyncset.done $0x0  }
0x1ca: {  	s28 =	simm.s32 $0xCA00;
	s21 =	rddreg [dreg:$0x2];
	[sflag:s15] =	ssyncadd.s32 $0xFFFF3800  }
0x1cb: {  	[hbm4b:s18+s2] =	stream.linear.scatter [tilespmem:s28], [sflag:$0x4], $0xC800, $0x38;
	[tilespmem:$0x19200] =	vst v63  }
0x1cc: {  	s20 =	sadd.s32 s19, s21;
	s21 =	simm.s32 $0x100  }
0x1cd: {  	[tilespmem:s21], [sflag:$0x5] =	stream.linear.gather [hbm4b:s20+s2], $0xC8, $0x38;
	[tilespmem:$0x19200] =	vst v63  }
0x1ce: {  	_ =	swait.ge [sflag:s12], $0xC8  }
0x1cf: {  	[sflag:s12] =	ssyncset.done $0x0  }
0x1d0: {  	[sflag:s12] =	ssyncadd.s32 $0xFFFFFF38  }
0x1d1: {  	_ =	swait.ge [sflag:s16], $0xC800  }
0x1d2: {  	[sflag:s16] =	ssyncset.done $0x0  }
0x1d3: {  	[sflag:s16] =	ssyncadd.s32 $0xFFFF3800  }
0x1d4: {  	v3 =	vld [tilespmem:$0x100];
	_ =	sdelay $0x4  }
0x1d5: {  	v51 =	vshll.u32 v3, $0x1  }
0x1d6: {  	v3 =	vand.u32 $0x7, v3;
	v4 =	vand.u32 $0xFFFFFFF0, v51  }
0x1d7: {  	v3 =	vor.u32 v3, v4  }
0x1d8: {  	v4 =	vperm.xlane v3, v0;
	_ =	sdelay $0x1  }
0x1d9: {  	v3 =	vperm.xlane v3, v2;
	v4 =	vadd.s32 v1, v4;
	_ =	sdelay $0x1  }
0x1da: {  	v3 =	vadd.s32 v1, v3;
	_ =	sdelay $0x2  }
0x1db: {  	[tilespmem:s28], [sflag:$0x2] =	stream.indirect_vreg.gather [hbm4b:s3+s2], $0x80, v4, vm0, $0xb8;
	[tilespmem:$0x19200] =	vst v63  }
0x1dc: {  	s28 =	simm.s32 $0xD200  }
0x1dd: {  	[tilespmem:s28], [sflag:$0x2] =	stream.indirect_vreg.gather [hbm4b:s3+s2], $0x80, v3, vm0, $0xb8;
	[tilespmem:$0x19200] =	vst v63  }
0x1de: {  	v3 =	vld [tilespmem:$0x110];
	_ =	sdelay $0x4  }
0x1df: {  	v52 =	vshll.u32 v3, $0x1  }
0x1e0: {  	v3 =	vand.u32 $0x7, v3;
	v4 =	vand.u32 $0xFFFFFFF0, v52  }
0x1e1: {  	v3 =	vor.u32 v3, v4  }
0x1e2: {  	v4 =	vperm.xlane v3, v0;
	_ =	sdelay $0x1  }
0x1e3: {  	v3 =	vperm.xlane v3, v2;
	v4 =	vadd.s32 v1, v4;
	_ =	sdelay $0x1  }
0x1e4: {  	v3 =	vadd.s32 v1, v3;
	_ =	sdelay $0x1  }
0x1e5: {  	s28 =	simm.s32 $0xDA00  }
0x1e6: {  	[tilespmem:s28], [sflag:$0x2] =	stream.indirect_vreg.gather [hbm4b:s3+s2], $0x80, v4, vm0, $0xb8;
	[tilespmem:$0x19200] =	vst v63  }
0x1e7: {  	s28 =	simm.s32 $0xE200  }
0x1e8: {  	[tilespmem:s28], [sflag:$0x2] =	stream.indirect_vreg.gather [hbm4b:s3+s2], $0x80, v3, vm0, $0xb8;
	[tilespmem:$0x19200] =	vst v63  }
0x1e9: {  	v3 =	vld [tilespmem:$0x120];
	_ =	sdelay $0x4  }
0x1ea: {  	v53 =	vshll.u32 v3, $0x1  }
0x1eb: {  	v3 =	vand.u32 $0x7, v3;
	v4 =	vand.u32 $0xFFFFFFF0, v53  }
0x1ec: {  	v3 =	vor.u32 v3, v4  }
0x1ed: {  	v4 =	vperm.xlane v3, v0;
	_ =	sdelay $0x1  }
0x1ee: {  	v3 =	vperm.xlane v3, v2;
	v4 =	vadd.s32 v1, v4;
	_ =	sdelay $0x1  }
0x1ef: {  	v3 =	vadd.s32 v1, v3;
	_ =	sdelay $0x1  }
0x1f0: {  	s28 =	simm.s32 $0xEA00  }
0x1f1: {  	[tilespmem:s28], [sflag:$0x2] =	stream.indirect_vreg.gather [hbm4b:s3+s2], $0x80, v4, vm0, $0xb8;
	[tilespmem:$0x19200] =	vst v63  }
0x1f2: {  	s28 =	simm.s32 $0xF200  }
0x1f3: {  	[tilespmem:s28], [sflag:$0x2] =	stream.indirect_vreg.gather [hbm4b:s3+s2], $0x80, v3, vm0, $0xb8;
	[tilespmem:$0x19200] =	vst v63  }
0x1f4: {  	v3 =	vld [tilespmem:$0x130];
	_ =	sdelay $0x4  }
0x1f5: {  	v54 =	vshll.u32 v3, $0x1  }
0x1f6: {  	v3 =	vand.u32 $0x7, v3;
	v4 =	vand.u32 $0xFFFFFFF0, v54  }
0x1f7: {  	v3 =	vor.u32 v3, v4  }
0x1f8: {  	v4 =	vperm.xlane v3, v0;
	_ =	sdelay $0x1  }
0x1f9: {  	v3 =	vperm.xlane v3, v2;
	v4 =	vadd.s32 v1, v4;
	_ =	sdelay $0x1  }
0x1fa: {  	v3 =	vadd.s32 v1, v3;
	_ =	sdelay $0x1  }
0x1fb: {  	s28 =	simm.s32 $0xFA00  }
0x1fc: {  	[tilespmem:s28], [sflag:$0x2] =	stream.indirect_vreg.gather [hbm4b:s3+s2], $0x80, v4, vm0, $0xb8;
	[tilespmem:$0x19200] =	vst v63  }
0x1fd: {  	s28 =	simm.s32 $0x10200  }
0x1fe: {  	[tilespmem:s28], [sflag:$0x2] =	stream.indirect_vreg.gather [hbm4b:s3+s2], $0x80, v3, vm0, $0xb8;
	[tilespmem:$0x19200] =	vst v63  }
0x1ff: {  	v3 =	vld [tilespmem:$0x140];
	_ =	sdelay $0x4  }
0x200: {  	v55 =	vshll.u32 v3, $0x1  }
0x201: {  	v3 =	vand.u32 $0x7, v3;
	v4 =	vand.u32 $0xFFFFFFF0, v55  }
0x202: {  	v3 =	vor.u32 v3, v4  }
0x203: {  	v4 =	vperm.xlane v3, v0;
	_ =	sdelay $0x1  }
0x204: {  	v3 =	vperm.xlane v3, v2;
	v4 =	vadd.s32 v1, v4;
	_ =	sdelay $0x1  }
0x205: {  	v3 =	vadd.s32 v1, v3;
	_ =	sdelay $0x1  }
0x206: {  	s28 =	simm.s32 $0x10A00  }
0x207: {  	[tilespmem:s28], [sflag:$0x2] =	stream.indirect_vreg.gather [hbm4b:s3+s2], $0x80, v4, vm0, $0xb8;
	[tilespmem:$0x19200] =	vst v63  }
0x208: {  	s28 =	simm.s32 $0x11200  }
0x209: {  	[tilespmem:s28], [sflag:$0x2] =	stream.indirect_vreg.gather [hbm4b:s3+s2], $0x80, v3, vm0, $0xb8;
	[tilespmem:$0x19200] =	vst v63  }
0x20a: {  	v3 =	vld [tilespmem:$0x150];
	_ =	sdelay $0x4  }
0x20b: {  	v56 =	vshll.u32 v3, $0x1  }
0x20c: {  	v3 =	vand.u32 $0x7, v3;
	v4 =	vand.u32 $0xFFFFFFF0, v56  }
0x20d: {  	v3 =	vor.u32 v3, v4  }
0x20e: {  	v4 =	vperm.xlane v3, v0;
	_ =	sdelay $0x1  }
0x20f: {  	v3 =	vperm.xlane v3, v2;
	v4 =	vadd.s32 v1, v4;
	_ =	sdelay $0x1  }
0x210: {  	v3 =	vadd.s32 v1, v3;
	_ =	sdelay $0x1  }
0x211: {  	s28 =	simm.s32 $0x11A00  }
0x212: {  	[tilespmem:s28], [sflag:$0x2] =	stream.indirect_vreg.gather [hbm4b:s3+s2], $0x80, v4, vm0, $0xb8;
	[tilespmem:$0x19200] =	vst v63  }
0x213: {  	s28 =	simm.s32 $0x12200  }
0x214: {  	[tilespmem:s28], [sflag:$0x2] =	stream.indirect_vreg.gather [hbm4b:s3+s2], $0x80, v3, vm0, $0xb8;
	[tilespmem:$0x19200] =	vst v63  }
0x215: {  	v3 =	vld [tilespmem:$0x160];
	_ =	sdelay $0x4  }
0x216: {  	v57 =	vshll.u32 v3, $0x1  }
0x217: {  	v3 =	vand.u32 $0x7, v3;
	v4 =	vand.u32 $0xFFFFFFF0, v57  }
0x218: {  	v3 =	vor.u32 v3, v4  }
0x219: {  	v4 =	vperm.xlane v3, v0;
	_ =	sdelay $0x1  }
0x21a: {  	v3 =	vperm.xlane v3, v2;
	v4 =	vadd.s32 v1, v4;
	_ =	sdelay $0x1  }
0x21b: {  	v3 =	vadd.s32 v1, v3;
	_ =	sdelay $0x1  }
0x21c: {  	s28 =	simm.s32 $0x12A00  }
0x21d: {  	[tilespmem:s28], [sflag:$0x2] =	stream.indirect_vreg.gather [hbm4b:s3+s2], $0x80, v4, vm0, $0xb8;
	[tilespmem:$0x19200] =	vst v63  }
0x21e: {  	s28 =	simm.s32 $0x13200  }
0x21f: {  	[tilespmem:s28], [sflag:$0x2] =	stream.indirect_vreg.gather [hbm4b:s3+s2], $0x80, v3, vm0, $0xb8;
	[tilespmem:$0x19200] =	vst v63  }
0x220: {  	v3 =	vld [tilespmem:$0x170];
	_ =	sdelay $0x4  }
0x221: {  	v58 =	vshll.u32 v3, $0x1  }
0x222: {  	v3 =	vand.u32 $0x7, v3;
	v4 =	vand.u32 $0xFFFFFFF0, v58  }
0x223: {  	v3 =	vor.u32 v3, v4  }
0x224: {  	v4 =	vperm.xlane v3, v0;
	_ =	sdelay $0x1  }
0x225: {  	v3 =	vperm.xlane v3, v2;
	v4 =	vadd.s32 v1, v4;
	_ =	sdelay $0x1  }
0x226: {  	v3 =	vadd.s32 v1, v3;
	_ =	sdelay $0x1  }
0x227: {  	s28 =	simm.s32 $0x13A00  }
0x228: {  	[tilespmem:s28], [sflag:$0x2] =	stream.indirect_vreg.gather [hbm4b:s3+s2], $0x80, v4, vm0, $0xb8;
	[tilespmem:$0x19200] =	vst v63  }
0x229: {  	s28 =	simm.s32 $0x14200  }
0x22a: {  	[tilespmem:s28], [sflag:$0x2] =	stream.indirect_vreg.gather [hbm4b:s3+s2], $0x80, v3, vm0, $0xb8;
	[tilespmem:$0x19200] =	vst v63  }
0x22b: {  	v3 =	vld [tilespmem:$0x180];
	_ =	sdelay $0x4  }
0x22c: {  	v59 =	vshll.u32 v3, $0x1  }
0x22d: {  	v3 =	vand.u32 $0x7, v3;
	v4 =	vand.u32 $0xFFFFFFF0, v59  }
0x22e: {  	v3 =	vor.u32 v3, v4  }
0x22f: {  	v4 =	vperm.xlane v3, v0;
	_ =	sdelay $0x1  }
0x230: {  	v3 =	vperm.xlane v3, v2;
	v4 =	vadd.s32 v1, v4;
	_ =	sdelay $0x1  }
0x231: {  	v3 =	vadd.s32 v1, v3;
	_ =	sdelay $0x1  }
0x232: {  	s28 =	simm.s32 $0x14A00  }
0x233: {  	[tilespmem:s28], [sflag:$0x2] =	stream.indirect_vreg.gather [hbm4b:s3+s2], $0x80, v4, vm0, $0xb8;
	[tilespmem:$0x19200] =	vst v63  }
0x234: {  	s28 =	simm.s32 $0x15200  }
0x235: {  	[tilespmem:s28], [sflag:$0x2] =	stream.indirect_vreg.gather [hbm4b:s3+s2], $0x80, v3, vm0, $0xb8;
	[tilespmem:$0x19200] =	vst v63  }
0x236: {  	v3 =	vld [tilespmem:$0x190];
	_ =	sdelay $0x4  }
0x237: {  	v60 =	vshll.u32 v3, $0x1  }
0x238: {  	v3 =	vand.u32 $0x7, v3;
	v4 =	vand.u32 $0xFFFFFFF0, v60  }
0x239: {  	v3 =	vor.u32 v3, v4  }
0x23a: {  	v4 =	vperm.xlane v3, v0;
	_ =	sdelay $0x1  }
0x23b: {  	v3 =	vperm.xlane v3, v2;
	v4 =	vadd.s32 v1, v4;
	_ =	sdelay $0x1  }
0x23c: {  	v3 =	vadd.s32 v1, v3;
	_ =	sdelay $0x1  }
0x23d: {  	s28 =	simm.s32 $0x15A00  }
0x23e: {  	[tilespmem:s28], [sflag:$0x2] =	stream.indirect_vreg.gather [hbm4b:s3+s2], $0x80, v4, vm0, $0xb8;
	[tilespmem:$0x19200] =	vst v63  }
0x23f: {  	s28 =	simm.s32 $0x16200  }
0x240: {  	[tilespmem:s28], [sflag:$0x2] =	stream.indirect_vreg.gather [hbm4b:s3+s2], $0x80, v3, vm0, $0xb8;
	[tilespmem:$0x19200] =	vst v63  }
0x241: {  	v3 =	vld [tilespmem:$0x1A0];
	_ =	sdelay $0x4  }
0x242: {  	v61 =	vshll.u32 v3, $0x1  }
0x243: {  	v3 =	vand.u32 $0x7, v3;
	v4 =	vand.u32 $0xFFFFFFF0, v61  }
0x244: {  	v3 =	vor.u32 v3, v4  }
0x245: {  	v4 =	vperm.xlane v3, v0;
	_ =	sdelay $0x1  }
0x246: {  	v3 =	vperm.xlane v3, v2;
	v4 =	vadd.s32 v1, v4;
	_ =	sdelay $0x1  }
0x247: {  	v3 =	vadd.s32 v1, v3;
	_ =	sdelay $0x1  }
0x248: {  	s28 =	simm.s32 $0x16A00  }
0x249: {  	[tilespmem:s28], [sflag:$0x2] =	stream.indirect_vreg.gather [hbm4b:s3+s2], $0x80, v4, vm0, $0xb8;
	[tilespmem:$0x19200] =	vst v63  }
0x24a: {  	s28 =	simm.s32 $0x17200  }
0x24b: {  	[tilespmem:s28], [sflag:$0x2] =	stream.indirect_vreg.gather [hbm4b:s3+s2], $0x80, v3, vm0, $0xb8;
	[tilespmem:$0x19200] =	vst v63  }
0x24c: {  	v3 =	vld [tilespmem:$0x1B0];
	_ =	sdelay $0x4  }
0x24d: {  	v62 =	vshll.u32 v3, $0x1  }
0x24e: {  	v3 =	vand.u32 $0x7, v3;
	v4 =	vand.u32 $0xFFFFFFF0, v62  }
0x24f: {  	v3 =	vor.u32 v3, v4  }
0x250: {  	v4 =	vperm.xlane v3, v0;
	_ =	sdelay $0x1  }
0x251: {  	v3 =	vperm.xlane v3, v2;
	v4 =	vadd.s32 v1, v4;
	_ =	sdelay $0x1  }
0x252: {  	v3 =	vadd.s32 v1, v3;
	_ =	sdelay $0x1  }
0x253: {  	s28 =	simm.s32 $0x17A00  }
0x254: {  	[tilespmem:s28], [sflag:$0x2] =	stream.indirect_vreg.gather [hbm4b:s3+s2], $0x80, v4, vm0, $0xb8;
	[tilespmem:$0x19200] =	vst v63  }
0x255: {  	s28 =	simm.s32 $0x18200  }
0x256: {  	[tilespmem:s28], [sflag:$0x2] =	stream.indirect_vreg.gather [hbm4b:s3+s2], $0x80, v3, vm0, $0xb8;
	[tilespmem:$0x19200] =	vst v63  }
0x257: {  	v3 =	vld.msk [tilespmem:$0x1C0], $0xff;
	_ =	sdelay $0x4  }
0x258: {  	v63 =	vshll.u32 v3, $0x1  }
0x259: {  	v3 =	vand.u32 $0x7, v3;
	v4 =	vand.u32 $0xFFFFFFF0, v63  }
0x25a: {  	v3 =	vor.u32 v3, v4  }
0x25b: {  	v3 =	vperm.xlane v3, v0;
	_ =	sdelay $0x1  }
0x25c: {  	v3 =	vadd.s32 v1, v3;
	_ =	sdelay $0x3  }
0x25d: {  	p0 =	sne.s32 s19, $0x47E  }
0x25e: {  	[tilespmem:s22], [sflag:$0x2] =	stream.indirect_vreg.gather [hbm4b:s3+s2], $0x80, v3, vm0, $0xb8;
	[tilespmem:$0x19200] =	vst v63  }
.Ltmp0:
0x25f: {  	_ = 	snop;
	(pc) =	sbr.rel @p0 .LBB2_2-.Ltmp0, $4  }
0x260: {  	s17 =	sadd.s32 $0x190, s17;
	_ =	swait.ge [sflag:s10], $0xC800  }
0x261: {  	s19 =	sadd.s32 $0x32, s19;
	s21 =	simm.s32 $0xCA00;
	[sflag:s10] =	ssyncset.done $0x0  }
0x262: {  	s28 =	sadd.s32 $0x1900, s18;
	s18 =	sadd.s32 $0x3200, s18;
	[sflag:s10] =	ssyncadd.s32 $0xFFFF3800  }
0x263: {  	[hbm4b:s28+s2] =	stream.linear.scatter [tilespmem:s11], [sflag:$0x3], $0xC800, $0x38;
	[tilespmem:$0x19200] =	vst v63  }
0x264: {  	_ =	swait.ge [sflag:s15], $0xC800  }
0x265: {  	[sflag:s15] =	ssyncset.done $0x0  }
0x266: {  	s17 =	rddreg [dreg:$0x6];
	[sflag:s15] =	ssyncadd.s32 $0xFFFF3800  }
0x267: {  	[hbm4b:s17+s2] =	stream.linear.scatter [tilespmem:s21], [sflag:$0x4], $0xC800, $0x38;
	[tilespmem:$0x19200] =	vst v63  }
0x268: {  	_ =	swait.ge [sflag:s14], $0xC800  }
0x269: {  	s18 =	simm.s32 $0xA00;
	s19 =	simm.s32 $0x1200;
	[sflag:s14] =	ssyncset.done $0x0  }
0x26a: {  	s20 =	simm.s32 $0x1A00;
	s30 =	simm.s32 $0x2200;
	[sflag:s14] =	ssyncadd.s32 $0xFFFF3800  }
0x26b: {  	s22 =	simm.s32 $0x2A00;
	s23 =	simm.s32 $0x3200;
	_ =	swait.ge [sflag:s16], $0xC800  }
0x26c: {  	s24 =	simm.s32 $0x3A00;
	s25 =	simm.s32 $0x4200;
	s0 =	rddreg [dreg:$0xb]  }
0x26d: {  	s28 =	simm.s32 $0x5200;
	s26 =	rddreg [dreg:$0x7];
	s0 =	sadd.s32 $0x1, s0  }
0x26e: {  	s1 =	simm.s32 $0x6200;
	s5 =	simm.s32 $0x6A00;
	p0 =	sne.s32 s0, s26  }
.Ltmp1:
0x26f: {  	s6 =	simm.s32 $0x7200;
	s7 =	simm.s32 $0x7A00;
	(pc) =	sbr.rel @p0 .LBB2_1-.Ltmp1, $4  }
0x270: {  	s8 =	simm.s32 $0x8200;
	s9 =	simm.s32 $0x8A00;
	s4 =	simm.s32 $0x9200  }
0x271: {  	s13 =	simm.s32 $0x200;
	s11 =	simm.s32 $0x9A00;
	[sflag:s16] =	ssyncset.done $0x0  }
0x272: {  	s29 =	simm.s32 $0xA200;
	s31 =	simm.s32 $0xAA00;
	[sflag:s16] =	ssyncadd.s32 $0xFFFF3800  }
0x273: {  	[dreg:$0xb] =	wrdreg s0;
	s26 =	simm.s32 $0x4A00;
	s0 =	simm.s32 $0x5A00  }
0x274: {  	_ =	sfence.sel $0x180000  }
0x275: {  	[bflag:$0x0] =	sbarrier.arrive $0xFFFF  }
0x276: {  	_ =	strace $0x90000053  }
0x277: {  	s0 =	stileid.u32;
	[bflag:$0x2] =	sbarrier.arrive $0xFFFF  }
0x278: {  	p0 =	sne.s32 s0, $0x0;
	s0 =	rddreg [dreg:$0x1]  }
0x279: {  	s0 =	sadd.s32 @!p0 $0x100000, s0  }
0x27a: {  	[sflag:s0] =	ssyncadd.tile.s32 @!p0 $0x1;
	_ =	shalt  }
.Lfunc_end2:
_tile_overlayer_lowered:
.L_overlay_start_2:
0x27b: {  	(tag) =	ssettag $0x2  }
0x27c: {  	s0 =	rddreg [dreg:$0x0];
	s2 =	stileid.u32  }
0x27d: {  	s1 =	rddreg [dreg:$0x1];
	p0 =	sne.s32 s2, $0x0  }
0x27e: {  	s3 =	rddreg [dreg:$0x2];
	[bflag:$0x3] =	sbarrier.arrive $0xFFFF;
	s2 =	simm.s32 @!p0 $0x1C05  }
0x27f: {  	[timem:s3], [sflag:s2] =	dma.local @!p0 [hbm:s0], s1  }
0x280: {  	s0 =	simm.s32 @!p0 $0x5  }
0x281: {  	_ =	swait.ge @!p0 [sflag:s0], s1  }
0x282: {  	s1 =	ssub.s32 @!p0 $0x0, s1;
	[sflag:s0] =	ssyncset.done @!p0 $0x0  }
0x283: {  	[sflag:s0] =	ssyncadd.s32 @!p0 s1  }
0x284: {  	[bflag:$0x3] =	sbarrier.arrive $0xFFFF  }
0x285: {  	_ =	shalt  }

// kernel: kernel.33.cloned.1.call-start
scs
__scs_entry_jumppad:
0x0: {  	(pc) =	sbr.rel $0x88, $3  }
0x1: {  	(tag) =	ssettag $0x0;
	lr =	simm.s32 $0x1  }
0x2: {  	[smem:$0x3F80] =	sst lr;
	_ =	strace $0xD0000000  }
0x3: {  	_ = 	snop  }
0x4: {  	_ = 	snop  }
0x5: {  	_ = 	snop  }
0x6: {  	_ = 	snop  }
0x7: {  	_ = 	snop  }
__scs_overlays_trampoline_lowered:
0x8: {  	[smem:$0x3F8F] =	sst s0  }
0x9: {  	[smem:$0x3F90] =	sst s1  }
0xa: {  	[smem:$0x3F91] =	sst s2  }
0xb: {  	[smem:$0x3F92] =	sst s3  }
0xc: {  	[smem:$0x3F93] =	sst s4  }
0xd: {  	[smem:$0x3F94] =	sst s5  }
0xe: {  	[smem:$0x3F95] =	sst s6  }
0xf: {  	[smem:$0x3F96] =	sst s7  }
0x10: {  	[smem:$0x3F97] =	sst s8  }
0x11: {  	[smem:$0x3F98] =	sst s9;
	s0 =	simm.s32 @!p0 $0x0  }
0x12: {  	s1 =	sld [smem:$0x3F7E];
	s0 =	simm.s32 @p0 $0x1  }
0x13: {  	[smem:$0x3F99] =	sst s0;
	s0 =	simm.s32 @!p1 $0x0  }
0x14: {  	s2 =	sld [smem:$0x3F7D];
	s0 =	simm.s32 @p1 $0x1  }
0x15: {  	[smem:$0x3F9A] =	sst s0;
	s0 =	simm.s32 @!p2 $0x0  }
0x16: {  	s3 =	sld [smem:$0x3FDB];
	s0 =	simm.s32 @p2 $0x1  }
0x17: {  	s4 =	simm.s32 $0x1BF5;
	[smem:$0x3F9C] =	sst s0  }
0x18: {  	s0 =	sld [smem:$0x3F7F];
	_ =	swait.ge [sflag:s4], $0x0  }
0x19: {  	s7 =	sld [smem:$0x3F80]  }
0x1a: {  	s8 =	sadd.s32 $0xFFFFE003, lr  }
0x1b: {  	s9 =	sadd.s32 $0xFFFFFEF7, lr;
	s5 =	simm.s32 $0xFFFFFFFF;
	p2 =	slt.u32 s8, $0xFFFFF086  }
0x1c: {  	p1 =	slt.u32 s9, $0xF7A;
	s5 =	simm.s32 @!p2 $0x0  }
0x1d: {  	s5 =	simm.s32 @p1 $0x1;
	p0 =	seq.s32 s7, s2  }
0x1e: {  	s7 =	smul.u32 @!p0 $0xF7A, s2;
	p2 =	seq.s32 @!p0 s5, $0x0  }
0x1f: {  	s9 =	smul.u32 $0xF7A, s1;
	s8 =	simm.s32 @!p0 $0x1BF5;
	p2 =	por !p2, p0  }
0x20: {  	[sflag:s8] =	ssyncset.s32 @!p0 $0xFFFFF086;
	s6 =	sadd.s32 @!p0 s3, s7;
	s7 =	simm.s32 @!p0 $0x108  }
0x21: {  	s3 =	sadd.s32 s3, s9;
	s6 =	sadd.s32 @!p0 $0x88, s6;
	s7 =	simm.s32 @p2 $0x1082  }
0x22: {  	[simem:s7], [sflag:s8] =	dma.local @!p0 [hbm:s6], $0xF7A  }
0x23: {  	s9 =	sor.u32 $0xD0000000, s2;
	s6 =	simm.s32 $0x108;
	_ =	swait.ge @!p0 [sflag:s8], $0x0  }
0x24: {  	s3 =	sadd.s32 $0x88, s3;
	s6 =	simm.s32 @!p1 $0x1082;
	[sflag:s4] =	ssyncset.s32 $0xFFFFF086  }
0x25: {  	[simem:s6], [sflag:s4] =	dma.local [hbm:s3], $0xF7A  }
0x26: {  	[smem:$0x3F80] =	sst s1;
	(tag) =	ssettag s2;
	_ =	strace s9  }
0x27: {  	s1 =	sld [smem:$0x3F90]  }
0x28: {  	s2 =	sld [smem:$0x3F91]  }
0x29: {  	s4 =	sld [smem:$0x3F93]  }
0x2a: {  	p0 =	seq.s32 s5, $0x0;
	s5 =	sld [smem:$0x3F94]  }
0x2b: {  	s6 =	sld [smem:$0x3F95]  }
0x2c: {  	s7 =	sld [smem:$0x3F96]  }
0x2d: {  	s3 =	simm.s32 $0x108;
	s8 =	sld [smem:$0x3F97]  }
0x2e: {  	s3 =	simm.s32 @!p0 $0x1082;
	s9 =	sld [smem:$0x3F98]  }
0x2f: {  	lr =	sadd.s32 s0, s3;
	s0 =	sld [smem:$0x3F8F]  }
0x30: {  	s3 =	sld [smem:$0x3F92]  }
0x31: {  	[smem:$0x3F9B] =	sst s10  }
0x32: {  	s10 =	sld [smem:$0x3F99];
	_ =	sdelay $0x3  }
0x33: {  	p0 =	seq.s32 s10, $0x1;
	s10 =	sld [smem:$0x3F9B];
	_ =	sdelay $0x3  }
0x34: {  	[smem:$0x3F9B] =	sst s10  }
0x35: {  	s10 =	sld [smem:$0x3F9A];
	_ =	sdelay $0x3  }
0x36: {  	p1 =	seq.s32 s10, $0x1;
	s10 =	sld [smem:$0x3F9B];
	_ =	sdelay $0x3  }
0x37: {  	[smem:$0x3F9B] =	sst s10  }
0x38: {  	s10 =	sld [smem:$0x3F9C]  }
0x39: {  	_ = 	snop;
	(pc) =	sbr.ind lr, $3  }
0x3a: {  	_ = 	snop  }
0x3b: {  	_ = 	snop  }
0x3c: {  	p2 =	seq.s32 s10, $0x1;
	s10 =	sld [smem:$0x3F9B]  }
0x3d: {  	_ =	shalt  }
0x3e: {  	_ =	shalt  }
0x3f: {  	_ =	shalt  }
0x40: {  	_ =	shalt  }
0x41: {  	_ =	shalt  }
0x42: {  	_ =	shalt  }
0x43: {  	_ =	shalt  }
0x44: {  	_ =	shalt  }
0x45: {  	_ =	shalt  }
0x46: {  	_ =	shalt  }
0x47: {  	_ =	shalt  }
0x48: {  	_ =	shalt  }
0x49: {  	_ =	shalt  }
0x4a: {  	_ =	shalt  }
0x4b: {  	_ =	shalt  }
0x4c: {  	_ =	shalt  }
0x4d: {  	_ =	shalt  }
0x4e: {  	_ =	shalt  }
0x4f: {  	_ =	shalt  }
0x50: {  	_ =	shalt  }
0x51: {  	_ =	shalt  }
0x52: {  	_ =	shalt  }
0x53: {  	_ =	shalt  }
0x54: {  	_ =	shalt  }
0x55: {  	_ =	shalt  }
0x56: {  	_ =	shalt  }
0x57: {  	_ =	shalt  }
0x58: {  	_ =	shalt  }
0x59: {  	_ =	shalt  }
0x5a: {  	_ =	shalt  }
0x5b: {  	_ =	shalt  }
0x5c: {  	_ =	shalt  }
0x5d: {  	_ =	shalt  }
0x5e: {  	_ =	shalt  }
0x5f: {  	_ =	shalt  }
0x60: {  	_ =	shalt  }
0x61: {  	_ =	shalt  }
0x62: {  	_ =	shalt  }
0x63: {  	_ =	shalt  }
0x64: {  	_ =	shalt  }
0x65: {  	_ =	shalt  }
0x66: {  	_ =	shalt  }
0x67: {  	_ =	shalt  }
0x68: {  	_ =	shalt  }
0x69: {  	_ =	shalt  }
0x6a: {  	_ =	shalt  }
0x6b: {  	_ =	shalt  }
0x6c: {  	_ =	shalt  }
0x6d: {  	_ =	shalt  }
0x6e: {  	_ =	shalt  }
0x6f: {  	_ =	shalt  }
0x70: {  	_ =	shalt  }
0x71: {  	_ =	shalt  }
0x72: {  	_ =	shalt  }
0x73: {  	_ =	shalt  }
0x74: {  	_ =	shalt  }
0x75: {  	_ =	shalt  }
0x76: {  	_ =	shalt  }
0x77: {  	_ =	shalt  }
0x78: {  	_ =	shalt  }
0x79: {  	_ =	shalt  }
0x7a: {  	_ =	shalt  }
0x7b: {  	_ =	shalt  }
0x7c: {  	_ =	shalt  }
0x7d: {  	_ =	shalt  }
0x7e: {  	_ =	shalt  }
0x7f: {  	_ =	shalt  }
0x80: {  	_ =	shalt  }
0x81: {  	_ =	shalt  }
0x82: {  	_ =	shalt  }
0x83: {  	_ =	shalt  }
0x84: {  	_ =	shalt  }
0x85: {  	_ =	shalt  }
0x86: {  	_ =	shalt  }
0x87: {  	_ =	shalt  }
.Lfunc_end0:
.L_simem_size_0:
called_computation.5_lowered:
.L_overlay_start_0:
0x88: {  	s2 =	sld [smem:$0x3FD9]  }
0x89: {  	s3 =	sld [smem:$0x3FFE];
	_ =	sdelay $0x1  }
0x8a: {  	s1 =	srdreg.scid  }
0x8b: {  	s0 =	sand.u32 $0x1, s1  }
0x8c: {  	s16 =	sshll.u32 s0, $0xA;
	s2 =	sadd.s32 s3, s2  }
0x8d: {  	s2 =	sadd.s32 s2, s16  }
0x8e: {  	[smem:$0x3FA7] =	sst s2  }
0x8f: {  	_ = 	snop  }
0x90: {  	(tm) =	ssettm $0x1  }
0x91: {  	s17 =	sld [smem:$0x3FFB];
	_ =	sdelay $0x3  }
0x92: {  	_ =	strace s17  }
0x93: {  	s2 =	sld [smem:$0x3FFC];
	_ =	sdelay $0x3  }
0x94: {  	_ =	strace s2  }
0x95: {  	s2 =	sld [smem:$0x3FFD];
	_ =	sdelay $0x3  }
0x96: {  	_ =	strace s2  }
0x97: {  	_ =	strace $0x8FFFFFFF  }
0x98: {  	s18 =	sld [smem:$0x3FDB];
	_ =	sdelay $0x1  }
0x99: {  	s19 =	simm.s32 $_scs_section_size  }
0x9a: {  	s4 =	simm.s32 $_size__tile_overlayer_lowered;
	s5 =	simm.s32 $_tile_overlayer_lowered  }
0x9b: {  	s22 =	simm.s32 $0x1BFF;
	s21 =	sshll.u32 s5, $0x1;
	s2 =	sadd.s32 s19, s18  }
0x9c: {  	s6 =	simm.s32 $0x0;
	s20 =	sshll.u32 s4, $0x1;
	s4 =	sadd.s32 s21, s2  }
0x9d: {  	[timem:s6], [sflag:s22] =	dma.local [hbm:s4], s20  }
0x9e: {  	_ =	swait.ge [sflag:s22], s20  }
0x9f: {  	s3 =	ssub.s32 $0x0, s20;
	[sflag:s22] =	ssyncset.done $0x0  }
0xa0: {  	[sflag:s22] =	ssyncadd.s32 s3;
	_ =	sdelay $0x1  }
0xa1: {  	s23 =	simm.s32 $0x1B8B  }
0xa2: {  	_ =	swait.ge [sflag:s23], $0x1  }
0xa3: {  	[sflag:s23] =	ssyncset.done $0x0  }
0xa4: {  	s25 =	simm.s32 $0x1B8E;
	s24 =	sld [smem:$0x3FFE];
	[sflag:s23] =	ssyncadd.s32 $0xFFFFFFFF  }
0xa5: {  	s26 =	simm.s32 $execute0_lowered;
	[smem:$0x3FD2] =	sst s25  }
0xa6: {  	s4 =	sshll.u32 s26, $0x1;
	_ =	strace $0x80000055;
	[dreg:$0x1] =	wrdreg $0xFFFFFFFF  }
0xa7: {  	s28 =	simm.s32 $_size_execute0_lowered;
	s2 =	sadd.s32 s2, s4;
	[dreg:$0x0] =	wrdreg $0x0  }
0xa8: {  	s4 =	sshll.u32 s28, $0x1;
	[dreg:$0x2] =	wrdreg s2  }
0xa9: {  	[dreg:$0x3] =	wrdreg s4  }
0xaa: {  	[dreg:$0x4] =	wrdreg $0xC0  }
0xab: {  	_ =	task [dreg:s6], $0x5FFFF  }
0xac: {  	[dreg:$0x1] =	wrdreg $0xFFFFFFFF  }
0xad: {  	[dreg:$0x0] =	wrdreg $0x60  }
0xae: {  	[dreg:$0x2] =	wrdreg s24  }
0xaf: {  	[dreg:$0x3] =	wrdreg $0x51000  }
0xb0: {  	[dreg:$0x4] =	wrdreg $0x9  }
0xb1: {  	_ =	task.clear_ibuf [dreg:s6], $0x5FFFF;
	_ =	strace $0x90000055  }
0xb2: {  	s29 =	simm.s32 $0x9;
	_ =	strace $0x80000057  }
0xb3: {  	_ =	swait.ge [sflag:s29], $0x1  }
0xb4: {  	[sflag:s29] =	ssyncadd.s32 $0xFFFFFFFF  }
0xb5: {  	_ =	strace $0x90000057  }
0xb6: {  	_ =	sfence  }
0xb7: {  	s30 =	sld [smem:$0x0];
	_ =	sdelay $0x2  }
0xb8: {  	s31 =	sshll.u32 s1, $0xD;
	s1 =	sshrl.u32 s1, $0x2  }
0xb9: {  	s3 =	sand.u32 $0x4000, s31;
	s1 =	sadd.s32 s1, s30  }
0xba: {  	s0 =	sor.u32 s3, s0;
	s1 =	sshll.u32 s1, $0x11  }
0xbb: {  	s0 =	sor.u32 s1, s0  }
0xbc: {  	s0 =	sadd.s32 $0x8F2B, s0  }
0xbd: {  	[sflag:s0] =	ssyncadd.remote.s32 $0x1  }
0xbe: {  	_ =	sfence.sel $0xFFFF  }
0xbf: {  	[dreg:$0x0] =	wrdreg $0xFFFFFFFF;
	(pc) =	sbr.abs _section_cstart, $3  }
0xc0: {  	[dreg:$0x1] =	wrdreg $0xFFFFFFFF  }
0xc1: {  	_ =	task.clear_ibuf [dreg:s6], $0x2FFFF;
	_ =	strace $0x9FFFFFFF  }
0xc2: {  	(tm) =	ssettm $0x7FFFFFFF  }
0xc3: {  	_ =	shalt  }
tec
execute0_lowered:
.L_overlay_start_1:
0x0: {  	(tag) =	ssettag $0x1  }
0x1: {  	s0 =	rddreg [dreg:$0x0]  }
0x2: {  	s1 =	rddreg [dreg:$0x1];
	s3 =	simm.s32 $0x0;
	s15 =	stileid.u32  }
0x3: {  	s2 =	srdreg.scid;
	s28 =	simm.s32 $0x3;
	s5 =	smul.u32 $0x28000, s15  }
0x4: {  	s29 =	simm.s32 $0x2;
	s30 =	simm.s32 $0x4;
	s16 =	smul.u32 $0x50000, s15  }
0x5: {  	[smem:$0x7FF] =	sst s3;
	s2 =	sand.u32 $0x1, s2;
	s9 =	smul.u32 $0x2710, s15  }
0x6: {  	s4 =	sadd.s32 $0xFFDE00, s0;
	s14 =	sadd.s32 $0x6200, s0;
	s8 =	smul.u32 $0x271000, s15  }
0x7: {  	s6 =	sadd.s32 $0x103600, s0;
	s7 =	sshll.u32 s15, $0x6;
	s15 =	smul.u32 $0x4E2, s15  }
0x8: {  	_ =	strace $0x80000056;
	s11 =	sshll.u32 s2, $0xA;
	s2 =	ssub.s32 $0x2, s2  }
0x9: {  	[dreg:$0x3] =	wrdreg s6;
	s5 =	sor.u32 s11, s5;
	s17 =	sshrl.u32 s2, $0x1  }
0xa: {  	s6 =	sshrl.u32 s16, $0x2;
	s19 =	sshrl.u32 s9, $0x3;
	s10 =	sadd.s32 $0x50, s9  }
0xb: {  	s13 =	sadd.s32 $0x26C0, s9;
	s31 =	sadd.s32 s15, s14;
	s5 =	sshrl.u32 s5, $0x3  }
0xc: {  	s2 =	ssub.s32 s2, s17;
	s18 =	sadd.s32 s6, s1;
	s6 =	sor.u32 $0x1C05, s7  }
0xd: {  	s17 =	sor.u32 s11, s8;
	s7 =	sadd.s32 s14, s19;
	s12 =	sshll.u32 s10, $0x8  }
0xe: {  	s21 =	sshrl.u32 s10, $0x3;
	s23 =	sshll.u32 s13, $0x8;
	s24 =	sshrl.u32 s13, $0x3  }
0xf: {  	s19 =	simm.s32 $0x5;
	s0 =	sadd.s32 s5, s0;
	[dreg:$0x4] =	wrdreg s7  }
0x10: {  	s8 =	sshrl.u32 s17, $0x3;
	s12 =	sor.u32 s11, s12;
	s9 =	sadd.s32 s14, s21  }
0x11: {  	s11 =	sor.u32 s11, s23;
	s16 =	sadd.s32 $0xF000, s17;
	s17 =	sadd.s32 $0xA000, s17  }
0x12: {  	s18 =	sshrl.u32 s18, $0x3;
	s21 =	simm.s32 $0x800;
	s23 =	simm.s32 $0x80  }
0x13: {  	s20 =	sadd.s32 s4, s8;
	s22 =	sshrl.u32 s12, $0x3;
	s25 =	sshrl.u32 s11, $0x3  }
0x14: {  	s11 =	sadd.s32 s14, s24;
	s13 =	sadd.s32 $0x154000, s0;
	s26 =	sshrl.u32 s16, $0x3  }
0x15: {  	s14 =	smax.u32 s2, $0x1;
	s16 =	sadd.s32 $0x1E, s31;
	s24 =	simm.s32 $0x2900  }
0x16: {  	s0 =	simm.s32 $0x0;
	[dreg:$0x5] =	wrdreg s20;
	s10 =	sadd.s32 s4, s22  }
0x17: {  	s12 =	sadd.s32 s4, s25;
	s15 =	sadd.s32 s26, s4;
	s20 =	simm.s32 $0x400  }
0x18: {  	s22 =	simm.s32 $0x100;
	s25 =	simm.s32 $0x1;
	s26 =	simm.s32 $0x50  }
.LBB2_1:
0x19: {  	s2 =	rddreg [dreg:$0x3]  }
0x1a: {  	[spmem:s18], [sflag:s6] =	dma.local [hbm:s2], $0x2800  }
0x1b: {  	_ =	swait.ge [sflag:s19], $0x2800  }
0x1c: {  	[sflag:s19] =	ssyncset.done $0x0  }
0x1d: {  	[sflag:s19] =	ssyncadd.s32 $0xFFFFD800  }
0x1e: {  	[bflag:$0x0] =	sbarrier.arrive $0xFFFF  }
0x1f: {  	s7 =	rddreg [dreg:$0x4]  }
0x20: {  	[tilespmem:s3], [sflag:$0x5] =	stream.linear.gather [hbm4b:s7+s3], $0x50, $0x38;
	[tilespmem:$0x19100] =	vst v63  }
0x21: {  	_ =	swait.ge [sflag:s19], $0x50  }
0x22: {  	[sflag:s19] =	ssyncset.done $0x0  }
0x23: {  	s8 =	rddreg [dreg:$0x5];
	[sflag:s19] =	ssyncadd.s32 $0xFFFFFFB0  }
0x24: {  	[tilespmem:s22], [sflag:$0x1] =	stream.strided.gather [hbm4b:s8+s20], $0x2800, s21, s20, $0x38;
	[tilespmem:$0x19100] =	vst v63  }
0x25: {  	_ = 	snop  }
0x26: {  	[tilespmem:s23], [sflag:$0x5] =	stream.linear.gather [hbm4b:s9+s3], $0x50, $0x38;
	[tilespmem:$0x19100] =	vst v63  }
0x27: {  	_ =	swait.ge [sflag:s19], $0x50  }
0x28: {  	[sflag:s19] =	ssyncset.done $0x0  }
0x29: {  	[sflag:s19] =	ssyncadd.s32 $0xFFFFFFB0  }
0x2a: {  	[tilespmem:s24], [sflag:$0x2] =	stream.strided.gather [hbm4b:s10+s20], $0x2800, s21, s20, $0x38;
	[tilespmem:$0x19100] =	vst v63  }
0x2b: {  	_ =	swait.ge [sflag:s25], $0x2800  }
0x2c: {  	[sflag:s25] =	ssyncset.done $0x0  }
0x2d: {  	[sflag:s25] =	ssyncadd.s32 $0xFFFFD800  }
0x2e: {  	[spmem:s1] =	stream.indirect.scatter.add.f32 [tilespmem:s22], [sflag:$0x3], $0x80, s3, s26, $0xb8;
	[tilespmem:$0x19100] =	vst v63  }
0x2f: {  	_ =	swait.ge [sflag:s28], $0x2800  }
0x30: {  	[sflag:s28] =	ssyncset.done $0x0  }
0x31: {  	s5 =	sadd.s32 $0xFFFFFFF6, s16;
	[sflag:s28] =	ssyncadd.s32 $0xFFFFD800  }
0x32: {  	[tilespmem:s3], [sflag:$0x5] =	stream.linear.gather [hbm4b:s5+s3], $0x50, $0x38;
	[tilespmem:$0x19100] =	vst v63  }
0x33: {  	_ =	swait.ge [sflag:s19], $0x50  }
0x34: {  	s7 =	sshrl.u32 s17, $0x3;
	[sflag:s19] =	ssyncset.done $0x0  }
0x35: {  	s2 =	sadd.s32 s4, s7;
	[sflag:s19] =	ssyncadd.s32 $0xFFFFFFB0  }
0x36: {  	[tilespmem:s22], [sflag:$0x1] =	stream.strided.gather [hbm4b:s2+s20], $0x2800, s21, s20, $0x38;
	[tilespmem:$0x19100] =	vst v63  }
0x37: {  	_ =	swait.ge [sflag:s29], $0x2800  }
0x38: {  	[sflag:s29] =	ssyncset.done $0x0  }
0x39: {  	[sflag:s29] =	ssyncadd.s32 $0xFFFFD800  }
0x3a: {  	[spmem:s1] =	stream.indirect.scatter.add.f32 [tilespmem:s24], [sflag:$0x4], $0x80, s23, s26, $0xb8;
	[tilespmem:$0x19100] =	vst v63  }
0x3b: {  	_ =	swait.ge [sflag:s30], $0x2800  }
0x3c: {  	[sflag:s30] =	ssyncset.done $0x0  }
0x3d: {  	[sflag:s30] =	ssyncadd.s32 $0xFFFFD800  }
0x3e: {  	[tilespmem:s23], [sflag:$0x5] =	stream.linear.gather [hbm4b:s16+s3], $0x50, $0x38;
	[tilespmem:$0x19100] =	vst v63  }
0x3f: {  	_ =	swait.ge [sflag:s19], $0x50  }
0x40: {  	[sflag:s19] =	ssyncset.done $0x0  }
0x41: {  	s8 =	sadd.s32 $0x0, s15;
	[sflag:s19] =	ssyncadd.s32 $0xFFFFFFB0  }
0x42: {  	[tilespmem:s24], [sflag:$0x2] =	stream.strided.gather [hbm4b:s8+s20], $0x2800, s21, s20, $0x38;
	[tilespmem:$0x19100] =	vst v63  }
0x43: {  	_ =	swait.ge [sflag:s25], $0x2800  }
0x44: {  	s31 =	sadd.s32 $0x14, s16;
	[sflag:s25] =	ssyncset.done $0x0  }
0x45: {  	s5 =	sadd.s32 $0xA000, s17;
	s2 =	simm.s32 $0x1400;
	[sflag:s25] =	ssyncadd.s32 $0xFFFFD800  }
.LBB2_2:
0x46: {  	[spmem:s1] =	stream.indirect.scatter.add.f32 [tilespmem:s22], [sflag:$0x3], $0x80, s3, s26, $0xb8;
	[tilespmem:$0x19100] =	vst v63  }
0x47: {  	s7 =	smov.u32 s2  }
0x48: {  	p0 =	sne.s32 s2, $0x4B000;
	s2 =	sadd.s32 $0x1400, s2;
	_ =	swait.ge [sflag:s28], $0x2800  }
0x49: {  	[sflag:s28] =	ssyncset.done $0x0  }
0x4a: {  	s8 =	sadd.s32 $0xFFFFFFF6, s31;
	[sflag:s28] =	ssyncadd.s32 $0xFFFFD800  }
0x4b: {  	[tilespmem:s3], [sflag:$0x5] =	stream.linear.gather [hbm4b:s8+s3], $0x50, $0x38;
	[tilespmem:$0x19100] =	vst v63  }
0x4c: {  	_ =	swait.ge [sflag:s19], $0x50  }
0x4d: {  	s8 =	sshrl.u32 s5, $0x3;
	[sflag:s19] =	ssyncset.done $0x0  }
0x4e: {  	s8 =	sadd.s32 s4, s8;
	[sflag:s19] =	ssyncadd.s32 $0xFFFFFFB0  }
0x4f: {  	[tilespmem:s22], [sflag:$0x1] =	stream.strided.gather [hbm4b:s8+s20], $0x2800, s21, s20, $0x38;
	[tilespmem:$0x19100] =	vst v63  }
0x50: {  	_ =	swait.ge [sflag:s29], $0x2800  }
0x51: {  	[sflag:s29] =	ssyncset.done $0x0  }
0x52: {  	[sflag:s29] =	ssyncadd.s32 $0xFFFFD800  }
0x53: {  	[spmem:s1] =	stream.indirect.scatter.add.f32 [tilespmem:s24], [sflag:$0x4], $0x80, s23, s26, $0xb8;
	[tilespmem:$0x19100] =	vst v63  }
0x54: {  	_ =	swait.ge [sflag:s30], $0x2800  }
0x55: {  	[sflag:s30] =	ssyncset.done $0x0  }
0x56: {  	[sflag:s30] =	ssyncadd.s32 $0xFFFFD800  }
0x57: {  	[tilespmem:s23], [sflag:$0x5] =	stream.linear.gather [hbm4b:s31+s3], $0x50, $0x38;
	[tilespmem:$0x19100] =	vst v63  }
0x58: {  	_ =	swait.ge [sflag:s19], $0x50  }
0x59: {  	[sflag:s19] =	ssyncset.done $0x0  }
.Ltmp0:
0x5a: {  	s7 =	sadd.s32 s7, s15;
	[sflag:s19] =	ssyncadd.s32 $0xFFFFFFB0;
	(pc) =	sbr.rel @p0 .LBB2_2-.Ltmp0, $4  }
0x5b: {  	[tilespmem:s24], [sflag:$0x2] =	stream.strided.gather [hbm4b:s7+s20], $0x2800, s21, s20, $0x38;
	[tilespmem:$0x19100] =	vst v63  }
0x5c: {  	_ =	swait.ge [sflag:s25], $0x2800  }
0x5d: {  	[sflag:s25] =	ssyncset.done $0x0  }
0x5e: {  	s5 =	sadd.s32 $0xA000, s5;
	s31 =	sadd.s32 $0x14, s31;
	[sflag:s25] =	ssyncadd.s32 $0xFFFFD800  }
0x5f: {  	[spmem:s1] =	stream.indirect.scatter.add.f32 [tilespmem:s22], [sflag:$0x3], $0x80, s3, s26, $0xb8;
	[tilespmem:$0x19100] =	vst v63  }
0x60: {  	_ =	swait.ge [sflag:s28], $0x2800  }
0x61: {  	[sflag:s28] =	ssyncset.done $0x0  }
0x62: {  	[sflag:s28] =	ssyncadd.s32 $0xFFFFD800  }
0x63: {  	[tilespmem:s3], [sflag:$0x5] =	stream.linear.gather [hbm4b:s11+s3], $0x50, $0x38;
	[tilespmem:$0x19100] =	vst v63  }
0x64: {  	_ =	swait.ge [sflag:s19], $0x50  }
0x65: {  	[sflag:s19] =	ssyncset.done $0x0  }
0x66: {  	[sflag:s19] =	ssyncadd.s32 $0xFFFFFFB0  }
0x67: {  	[tilespmem:s22], [sflag:$0x1] =	stream.strided.gather [hbm4b:s12+s20], $0x2800, s21, s20, $0x38;
	[tilespmem:$0x19100] =	vst v63  }
0x68: {  	_ =	swait.ge [sflag:s29], $0x2800  }
0x69: {  	[sflag:s29] =	ssyncset.done $0x0  }
0x6a: {  	[sflag:s29] =	ssyncadd.s32 $0xFFFFD800  }
0x6b: {  	[spmem:s1] =	stream.indirect.scatter.add.f32 [tilespmem:s24], [sflag:$0x4], $0x80, s23, s26, $0xb8;
	[tilespmem:$0x19100] =	vst v63  }
0x6c: {  	_ =	swait.ge [sflag:s25], $0x2800  }
0x6d: {  	[sflag:s25] =	ssyncset.done $0x0  }
0x6e: {  	[sflag:s25] =	ssyncadd.s32 $0xFFFFD800  }
0x6f: {  	[spmem:s1] =	stream.indirect.scatter.add.f32 [tilespmem:s22], [sflag:$0x3], $0x80, s3, s26, $0xb8;
	[tilespmem:$0x19100] =	vst v63  }
0x70: {  	_ =	swait.ge [sflag:s30], $0x2800  }
0x71: {  	[sflag:s30] =	ssyncset.done $0x0  }
0x72: {  	[sflag:s30] =	ssyncadd.s32 $0xFFFFD800  }
0x73: {  	_ =	swait.ge [sflag:s28], $0x2800  }
0x74: {  	s0 =	sadd.s32 $0x1, s0;
	[sflag:s28] =	ssyncset.done $0x0  }
0x75: {  	p0 =	sne.s32 s0, s14;
	[sflag:s28] =	ssyncadd.s32 $0xFFFFD800  }
.Ltmp1:
0x76: {  	s2 =	simm.s32 $0x8;
	[bflag:$0x0] =	sbarrier.arrive $0xFFFF;
	(pc) =	sbr.rel @p0 .LBB2_1-.Ltmp1, $4  }
0x77: {  	[hbm:s13@s22], [sflag:s6] =	dma.strided [spmem:s18@s23], $0x2800, s2, $0x10   }
0x78: {  	_ =	swait.ge [sflag:s19], $0x2800  }
0x79: {  	[sflag:s19] =	ssyncset.done $0x0  }
0x7a: {  	[sflag:s19] =	ssyncadd.s32 $0xFFFFD800  }
0x7b: {  	_ =	sfence.sel $0x180000  }
0x7c: {  	[bflag:$0x0] =	sbarrier.arrive $0xFFFF  }
0x7d: {  	_ =	strace $0x90000056  }
0x7e: {  	s0 =	stileid.u32;
	[bflag:$0x2] =	sbarrier.arrive $0xFFFF  }
0x7f: {  	p0 =	sne.s32 s0, $0x0;
	s0 =	rddreg [dreg:$0x2]  }
0x80: {  	s0 =	sadd.s32 @!p0 $0x100000, s0  }
0x81: {  	[sflag:s0] =	ssyncadd.tile.s32 @!p0 $0x1;
	_ =	shalt  }
.Lfunc_end2:
_tile_overlayer_lowered:
.L_overlay_start_2:
0x82: {  	(tag) =	ssettag $0x2  }
0x83: {  	s0 =	rddreg [dreg:$0x0];
	s2 =	stileid.u32  }
0x84: {  	s1 =	rddreg [dreg:$0x1];
	p0 =	sne.s32 s2, $0x0  }
0x85: {  	s3 =	rddreg [dreg:$0x2];
	[bflag:$0x3] =	sbarrier.arrive $0xFFFF;
	s2 =	simm.s32 @!p0 $0x1C05  }
0x86: {  	[timem:s3], [sflag:s2] =	dma.local @!p0 [hbm:s0], s1  }
0x87: {  	s0 =	simm.s32 @!p0 $0x5  }
0x88: {  	_ =	swait.ge @!p0 [sflag:s0], s1  }
0x89: {  	s1 =	ssub.s32 @!p0 $0x0, s1;
	[sflag:s0] =	ssyncset.done @!p0 $0x0  }
0x8a: {  	[sflag:s0] =	ssyncadd.s32 @!p0 s1  }
0x8b: {  	[bflag:$0x3] =	sbarrier.arrive $0xFFFF  }
0x8c: {  	_ =	shalt  }

</sc_bundles>
